<compile_context>
chip_gen: v7x
topology: tpu7x:2x2x1
jax: 0.10.2.dev20260603
libtpu: 0.0.44.dev20260713+nightly
codegen_flags: <defaults>
</compile_context>

<pallas_src>
import functools

import jax
import jax.numpy as jnp
from jax import lax
from jax.experimental import pallas as pl
from jax.experimental.pallas import tpu as pltpu
from jax.experimental.pallas import tpu_sc as plsc

N = 10000
D = 128
E = 320000
NC = 2
NS = 16
NW = NC * NS
C = 128
CP = 80
E_PAD = NW * CP * C
N_PAD = 10240
RPT = N_PAD // NS
RB = 128



def _tc1_body(x_ref, w1_ref, a2_ref, h1_ref, s_ref):
    h1 = jnp.dot(x_ref[...], w1_ref[...], preferred_element_type=jnp.float32)
    h1_ref[...] = h1
    s_ref[...] = jnp.dot(h1, a2_ref[...], preferred_element_type=jnp.float32)


def _tc1(x, W1, a2):
    blk = 1000
    return pl.pallas_call(
        _tc1_body,
        grid=(N // blk,),
        in_specs=[
            pl.BlockSpec((blk, D), lambda i: (i, 0)),
            pl.BlockSpec((D, D), lambda i: (0, 0)),
            pl.BlockSpec((D, 2), lambda i: (0, 0)),
        ],
        out_specs=[
            pl.BlockSpec((blk, D), lambda i: (i, 0)),
            pl.BlockSpec((blk, 2), lambda i: (i, 0)),
        ],
        out_shape=[
            jax.ShapeDtypeStruct((N, D), jnp.float32),
            jax.ShapeDtypeStruct((N, 2), jnp.float32),
        ],
    )(x, W1, a2)


def _tc2_body(p_ref, w2_ref, h2_ref):
    h = jnp.maximum(p_ref[0] + p_ref[1], 0.0)
    h2_ref[...] = jnp.dot(h, w2_ref[...], preferred_element_type=jnp.float32)


def _tc2(p, W2):
    blk = 1000
    return pl.pallas_call(
        _tc2_body,
        grid=(N // blk,),
        in_specs=[
            pl.BlockSpec((NC, blk, D), lambda i: (0, i, 0)),
            pl.BlockSpec((D, D), lambda i: (0, 0)),
        ],
        out_specs=pl.BlockSpec((blk, D), lambda i: (i, 0)),
        out_shape=jax.ShapeDtypeStruct((N, D), jnp.float32),
    )(p, W2)


def _tc3_body(p_ref, x_ref, g_ref, b_ref, o_ref):
    a = jnp.maximum(p_ref[0] + p_ref[1], 0.0) + x_ref[...]
    mu = jnp.mean(a, axis=-1, keepdims=True)
    d = a - mu
    var = jnp.mean(d * d, axis=-1, keepdims=True)
    o_ref[...] = d * lax.rsqrt(var + 1e-5) * g_ref[...] + b_ref[...]


def _tc3(p, x, g, b):
    blk = 1000
    return pl.pallas_call(
        _tc3_body,
        grid=(N // blk,),
        in_specs=[
            pl.BlockSpec((NC, blk, D), lambda i: (0, i, 0)),
            pl.BlockSpec((blk, D), lambda i: (i, 0)),
            pl.BlockSpec((1, D), lambda i: (0, 0)),
            pl.BlockSpec((1, D), lambda i: (0, 0)),
        ],
        out_specs=pl.BlockSpec((blk, D), lambda i: (i, 0)),
        out_shape=jax.ShapeDtypeStruct((N, D), jnp.float32),
    )(p, x, g, b)




def _zero_acc(gbuf, acc_sh, sid):
    def zb(i, _):
        gbuf[i // 8, pl.ds((i % 8) * 16, 16)] = jnp.zeros((16,), jnp.float32)
        return 0

    lax.fori_loop(0, C * (D // 16), zb, 0)

    def cp(k, _):
        pltpu.sync_copy(
            gbuf.at[pl.ds(0, RB)], acc_sh.at[pl.ds(sid * RPT + k * RB, RB)]
        )
        return 0

    lax.fori_loop(0, RPT // RB, cp, 0)


def _spmm_tile(h_hbm, row_v, col_v, vals_v, gbuf, acc_sh, sem):
    def chunk_body(c, _):
        pltpu.async_copy(h_hbm.at[col_v.at[c]], gbuf, sem).wait()

        def group_body(g, _):
            v16 = vals_v[c, pl.ds(g * 16, 16)]
            for lane in range(16):
                v = jnp.full((16,), v16[lane], jnp.float32)
                e = g * 16 + lane
                for j in range(D // 16):
                    sl = pl.ds(j * 16, 16)
                    gbuf[e, sl] = gbuf[e, sl] * v
            return 0

        lax.fori_loop(0, C // 16, group_body, 0)
        pltpu.sync_copy(gbuf, acc_sh.at[row_v.at[c]], add=True)
        return 0

    lax.fori_loop(0, CP, chunk_body, 0)


def _dump_acc(gbuf, acc_sh, part_hbm, cid, sid):
    def cp(k, _):
        base = sid * RPT + k * RB
        pltpu.sync_copy(acc_sh.at[pl.ds(base, RB)], gbuf.at[pl.ds(0, RB)])
        pltpu.sync_copy(gbuf.at[pl.ds(0, RB)], part_hbm.at[cid, pl.ds(base, RB)])
        return 0

    lax.fori_loop(0, RPT // RB, cp, 0)


def _scv_body(sr_hbm, sc_hbm, row_hbm, col_hbm, adj_hbm, vals_hbm,
              row_v, col_v, adj_v, vals_v, sr_v, sc_v):
    cid = lax.axis_index("c")
    sid = lax.axis_index("s")
    wid = cid * NS + sid
    pltpu.sync_copy(row_hbm.at[wid], row_v)
    pltpu.sync_copy(col_hbm.at[wid], col_v)
    pltpu.sync_copy(adj_hbm.at[wid], adj_v)
    pltpu.sync_copy(sr_hbm, sr_v)
    pltpu.sync_copy(sc_hbm, sc_v)

    def val_body(i, _):
        ci = i // (C // 16)
        ji = (i % (C // 16)) * 16
        r16 = row_v[ci, pl.ds(ji, 16)]
        c16 = col_v[ci, pl.ds(ji, 16)]
        sr = plsc.load_gather(sr_v, [r16])
        sc = plsc.load_gather(sc_v, [c16])
        sco = sr + sc
        sco = jnp.where(sco >= 0, sco, 0.2 * sco)
        att = 1.0 / (1.0 + jnp.exp(-sco))
        vals_v[ci, pl.ds(ji, 16)] = att * adj_v[ci, pl.ds(ji, 16)]
        return 0

    lax.fori_loop(0, CP * (C // 16), val_body, 0)
    pltpu.sync_copy(vals_v, vals_hbm.at[wid])


def _scm_body(h_hbm, row_hbm, col_hbm, vals_hbm, part_hbm,
              row_v, col_v, vals_v, gbuf, acc_sh, sem):
    cid = lax.axis_index("c")
    sid = lax.axis_index("s")
    wid = cid * NS + sid
    pltpu.sync_copy(row_hbm.at[wid], row_v)
    pltpu.sync_copy(col_hbm.at[wid], col_v)
    pltpu.sync_copy(vals_hbm.at[wid], vals_v)
    _zero_acc(gbuf, acc_sh, sid)
    plsc.subcore_barrier()
    _spmm_tile(h_hbm, row_v, col_v, vals_v, gbuf, acc_sh, sem)
    plsc.subcore_barrier()
    _dump_acc(gbuf, acc_sh, part_hbm, cid, sid)


_MESH = plsc.VectorSubcoreMesh(core_axis_name="c", subcore_axis_name="s")

_scv = pl.kernel(
    _scv_body,
    out_type=jax.ShapeDtypeStruct((NW, CP, C), jnp.float32),
    mesh=_MESH,
    compiler_params=pltpu.CompilerParams(needs_layout_passes=False),
    scratch_types=[
        pltpu.VMEM((CP, C), jnp.int32),
        pltpu.VMEM((CP, C), jnp.int32),
        pltpu.VMEM((CP, C), jnp.float32),
        pltpu.VMEM((CP, C), jnp.float32),
        pltpu.VMEM((N,), jnp.float32),
        pltpu.VMEM((N,), jnp.float32),
    ],
)

_scm = pl.kernel(
    _scm_body,
    out_type=jax.ShapeDtypeStruct((NC, N_PAD, D), jnp.float32),
    mesh=_MESH,
    compiler_params=pltpu.CompilerParams(needs_layout_passes=False),
    scratch_types=[
        pltpu.VMEM((CP, C), jnp.int32),
        pltpu.VMEM((CP, C), jnp.int32),
        pltpu.VMEM((CP, C), jnp.float32),
        pltpu.VMEM((C, D), jnp.float32),
        pltpu.VMEM_SHARED((N_PAD, D), jnp.float32),
        pltpu.SemaphoreType.DMA,
    ],
)




def kernel(x, edge_index, adj_values, W1, a1, W2, ln_gamma, ln_beta):
    a2 = jnp.concatenate([a1[:D], a1[D:]], axis=1)
    row = edge_index[0].astype(jnp.int32)
    col = edge_index[1].astype(jnp.int32)
    pad = E_PAD - E
    row_p = jnp.pad(row, (0, pad)).reshape(NW, CP, C)
    col_p = jnp.pad(col, (0, pad)).reshape(NW, CP, C)
    adj_p = jnp.pad(adj_values, (0, pad)).reshape(NW, CP, C)

    h1, s = _tc1(x, W1, a2)
    vals = _scv(s[:, 0], s[:, 1], row_p, col_p, adj_p)
    p1 = _scm(h1, row_p, col_p, vals)
    h2 = _tc2(p1, W2)
    p2 = _scm(h2, row_p, col_p, vals)
    return _tc3(p2, x, ln_gamma.reshape(1, D), ln_beta.reshape(1, D))

# --- scband reference (transcript-rebuilt; emitter-appended) ---
"""Pipeline reference for scband-magnn-dgcn-fusion-16698832847062 (READ-ONLY COPY).

The authoritative reference and input builder live on the scoring server;
editing this copy changes nothing except your own understanding.
"""

import jax, jax.numpy as jnp
import numpy as np

N_NODES = 10000
N_EDGES = 320000
D = 128


def setup_inputs(seed: int = 0) -> dict:
    key = jax.random.key(seed)
    ks = jax.random.split(key, 6)
    x = jax.random.normal(ks[0], (N_NODES, D), dtype=jnp.float32)
    edge_index = jax.random.randint(ks[1], (2, N_EDGES), 0, N_NODES, dtype=jnp.int64 if jax.config.jax_enable_x64 else jnp.int32)
    adj_values = jnp.ones((N_EDGES,), dtype=jnp.float32)
    stdv_w = 1.0 / np.sqrt(D)
    stdv_a = 1.0 / np.sqrt(2 * D)
    W1 = jax.random.uniform(ks[2], (D, D), minval=-stdv_w, maxval=stdv_w, dtype=jnp.float32)
    a1 = jax.random.uniform(ks[3], (2 * D, 1), minval=-stdv_a, maxval=stdv_a, dtype=jnp.float32)
    W2 = jax.random.uniform(ks[4], (D, D), minval=-stdv_w, maxval=stdv_w, dtype=jnp.float32)
    ln_gamma = jnp.ones((D,), dtype=jnp.float32)
    ln_beta = jnp.zeros((D,), dtype=jnp.float32)
    return {"x": x, "edge_index": edge_index, "adj_values": adj_values, "W1": W1, "a1": a1, "W2": W2, "ln_gamma": ln_gamma, "ln_beta": ln_beta}


def reference(x, edge_index, adj_values, W1, a1, W2, ln_gamma, ln_beta):
    # LightweightGAT sparse-path forward (eval mode: dropout = identity)
    N = x.shape[0]
    row = edge_index[0]
    col = edge_index[1]
    # h1 = x @ W1
    h1 = jnp.dot(x, W1)
    # edge attention scores
    h_row = jnp.take(h1, row, axis=0)
    h_col = jnp.take(h1, col, axis=0)
    edge_feat = jnp.concatenate([h_row, h_col], axis=1)
    att_scores = jnp.squeeze(jnp.dot(edge_feat, a1), axis=-1)
    att_scores = jnp.where(att_scores >= 0, att_scores, 0.2 * att_scores)  # leaky_relu(0.2)
    att_weights = jax.nn.sigmoid(att_scores)
    vals = att_weights * adj_values
    # h1_out = sparse.mm(weighted_adj, h1) -> scatter-add over row index
    msg1 = vals[:, None] * h_col
    h1_out = jax.ops.segment_sum(msg1, row, num_segments=N)
    h1_out = jax.nn.relu(h1_out)
    # second propagation
    h2 = jnp.dot(h1_out, W2)
    msg2 = vals[:, None] * jnp.take(h2, col, axis=0)
    h2_out = jax.ops.segment_sum(msg2, row, num_segments=N)
    h2_out = jax.nn.relu(h2_out)
    # residual (nfeat == nclass -> identity)
    h2_out = h2_out + x
    # LayerNorm
    mu = jnp.mean(h2_out, axis=-1, keepdims=True)
    var = jnp.var(h2_out, axis=-1, keepdims=True)
    out = (h2_out - mu) / jnp.sqrt(var + 1e-5)
    out = out * ln_gamma + ln_beta
    return out

if __name__ == "__main__":
    import jax
    _d = setup_inputs()
    print(jax.jit(kernel)(*tuple(_d.values())))

</pallas_src>

<mosaic_0001>
#map = affine_map<(d0, d1) -> (0, 0)>
#map1 = affine_map<(d0, d1) -> (0, 0, 0)>
module attributes {stable_mosaic.version = 14 : i64} {
  func.func @_scm_body(%arg0: i32, %arg1: i32, %arg2: memref<10000x128xf32, #tpu.memory_space<hbm>>, %arg3: memref<32x80x128xi32, #tpu.memory_space<hbm>>, %arg4: memref<32x80x128xi32, #tpu.memory_space<hbm>>, %arg5: memref<32x80x128xf32, #tpu.memory_space<hbm>>, %arg6: memref<2x10240x128xf32, #tpu.memory_space<hbm>>, %arg7: memref<80x128xi32, #tpu.memory_space<vmem>>, %arg8: memref<80x128xi32, #tpu.memory_space<vmem>>, %arg9: memref<80x128xf32, #tpu.memory_space<vmem>>, %arg10: memref<128x128xf32, #tpu.memory_space<vmem>>, %arg11: memref<10240x128xf32, #tpu.memory_space<vmem_shared>>, %arg12: memref<!tpu.dma_semaphore, #tpu.memory_space<semaphore_mem>>) attributes {dimension_semantics = [#tpu.dimension_semantics<core_parallel>, #tpu.dimension_semantics<subcore_parallel>], iteration_bounds = array<i64: 2, 16>, scalar_prefetch = 0 : i64, scratch_operands = 6 : i64, tpu.core_type = #tpu.core_type<sc_vector_subcore>, window_params = [{transform_indices = #map}, {transform_indices = #map1}, {transform_indices = #map1}, {transform_indices = #map1}, {transform_indices = #map1}]} {
    %mul3A = arith.constant 16 : i32
    %mul3A_0 = arith.muli %arg0, %mul3A : i32
    %add3A = arith.addi %mul3A_0, %arg1 : i32
    "tpu.region"() ({
      %run_scoped3A = tpu.sem_alloc : memref<!tpu.dma_semaphore, #tpu.memory_space<semaphore_mem>>
      %dma_start3A = arith.constant 0 : i32
      %dma_start3A_29 = arith.constant 0 : i32
      %dma_start3A_30 = tpu.memref_slice %arg3[%add3A, %dma_start3A, %dma_start3A_29] : memref<32x80x128xi32, #tpu.memory_space<hbm>> -> memref<1x80x128xi32, #tpu.memory_space<hbm>>
      %dma_start3A_31 = tpu.memref_squeeze %dma_start3A_30 : memref<1x80x128xi32, #tpu.memory_space<hbm>> -> memref<80x128xi32, #tpu.memory_space<hbm>>
      %dma_start3A_32 = arith.constant 0 : i32
      %dma_start3A_33 = arith.constant 0 : i32
      %dma_start3A_34 = tpu.memref_slice %arg3[%add3A, %dma_start3A_32, %dma_start3A_33] : memref<32x80x128xi32, #tpu.memory_space<hbm>> -> memref<1x80x128xi32, #tpu.memory_space<hbm>>
      %dma_start3A_35 = tpu.memref_squeeze %dma_start3A_34 : memref<1x80x128xi32, #tpu.memory_space<hbm>> -> memref<80x128xi32, #tpu.memory_space<hbm>>
      tpu.enqueue_dma source(%dma_start3A_35 : memref<80x128xi32, #tpu.memory_space<hbm>>) target(%arg7 : memref<80x128xi32, #tpu.memory_space<vmem>>) target_semaphore(%run_scoped3A : memref<!tpu.dma_semaphore, #tpu.memory_space<semaphore_mem>>)
      %dma_wait3A = arith.constant 0 : i32
      %dma_wait3A_36 = arith.constant 0 : i32
      %dma_wait3A_37 = tpu.memref_slice %arg3[%add3A, %dma_wait3A, %dma_wait3A_36] : memref<32x80x128xi32, #tpu.memory_space<hbm>> -> memref<1x80x128xi32, #tpu.memory_space<hbm>>
      %dma_wait3A_38 = tpu.memref_squeeze %dma_wait3A_37 : memref<1x80x128xi32, #tpu.memory_space<hbm>> -> memref<80x128xi32, #tpu.memory_space<hbm>>
      %dma_wait3A_39 = arith.constant 0 : i32
      %dma_wait3A_40 = arith.constant 0 : i32
      %dma_wait3A_41 = tpu.memref_slice %arg3[%add3A, %dma_wait3A_39, %dma_wait3A_40] : memref<32x80x128xi32, #tpu.memory_space<hbm>> -> memref<1x80x128xi32, #tpu.memory_space<hbm>>
      %dma_wait3A_42 = tpu.memref_squeeze %dma_wait3A_41 : memref<1x80x128xi32, #tpu.memory_space<hbm>> -> memref<80x128xi32, #tpu.memory_space<hbm>>
      tpu.wait_dma2 semaphore(%run_scoped3A : memref<!tpu.dma_semaphore, #tpu.memory_space<semaphore_mem>>) src(%dma_wait3A_42 : memref<80x128xi32, #tpu.memory_space<hbm>>) dst(%arg7 : memref<80x128xi32, #tpu.memory_space<vmem>>)
      tpu.yield
    }) : () -> ()
    "tpu.region"() ({
      %run_scoped3A = tpu.sem_alloc : memref<!tpu.dma_semaphore, #tpu.memory_space<semaphore_mem>>
      %dma_start3A = arith.constant 0 : i32
      %dma_start3A_29 = arith.constant 0 : i32
      %dma_start3A_30 = tpu.memref_slice %arg4[%add3A, %dma_start3A, %dma_start3A_29] : memref<32x80x128xi32, #tpu.memory_space<hbm>> -> memref<1x80x128xi32, #tpu.memory_space<hbm>>
      %dma_start3A_31 = tpu.memref_squeeze %dma_start3A_30 : memref<1x80x128xi32, #tpu.memory_space<hbm>> -> memref<80x128xi32, #tpu.memory_space<hbm>>
      %dma_start3A_32 = arith.constant 0 : i32
      %dma_start3A_33 = arith.constant 0 : i32
      %dma_start3A_34 = tpu.memref_slice %arg4[%add3A, %dma_start3A_32, %dma_start3A_33] : memref<32x80x128xi32, #tpu.memory_space<hbm>> -> memref<1x80x128xi32, #tpu.memory_space<hbm>>
      %dma_start3A_35 = tpu.memref_squeeze %dma_start3A_34 : memref<1x80x128xi32, #tpu.memory_space<hbm>> -> memref<80x128xi32, #tpu.memory_space<hbm>>
      tpu.enqueue_dma source(%dma_start3A_35 : memref<80x128xi32, #tpu.memory_space<hbm>>) target(%arg8 : memref<80x128xi32, #tpu.memory_space<vmem>>) target_semaphore(%run_scoped3A : memref<!tpu.dma_semaphore, #tpu.memory_space<semaphore_mem>>)
      %dma_wait3A = arith.constant 0 : i32
      %dma_wait3A_36 = arith.constant 0 : i32
      %dma_wait3A_37 = tpu.memref_slice %arg4[%add3A, %dma_wait3A, %dma_wait3A_36] : memref<32x80x128xi32, #tpu.memory_space<hbm>> -> memref<1x80x128xi32, #tpu.memory_space<hbm>>
      %dma_wait3A_38 = tpu.memref_squeeze %dma_wait3A_37 : memref<1x80x128xi32, #tpu.memory_space<hbm>> -> memref<80x128xi32, #tpu.memory_space<hbm>>
      %dma_wait3A_39 = arith.constant 0 : i32
      %dma_wait3A_40 = arith.constant 0 : i32
      %dma_wait3A_41 = tpu.memref_slice %arg4[%add3A, %dma_wait3A_39, %dma_wait3A_40] : memref<32x80x128xi32, #tpu.memory_space<hbm>> -> memref<1x80x128xi32, #tpu.memory_space<hbm>>
      %dma_wait3A_42 = tpu.memref_squeeze %dma_wait3A_41 : memref<1x80x128xi32, #tpu.memory_space<hbm>> -> memref<80x128xi32, #tpu.memory_space<hbm>>
      tpu.wait_dma2 semaphore(%run_scoped3A : memref<!tpu.dma_semaphore, #tpu.memory_space<semaphore_mem>>) src(%dma_wait3A_42 : memref<80x128xi32, #tpu.memory_space<hbm>>) dst(%arg8 : memref<80x128xi32, #tpu.memory_space<vmem>>)
      tpu.yield
    }) : () -> ()
    "tpu.region"() ({
      %run_scoped3A = tpu.sem_alloc : memref<!tpu.dma_semaphore, #tpu.memory_space<semaphore_mem>>
      %dma_start3A = arith.constant 0 : i32
      %dma_start3A_29 = arith.constant 0 : i32
      %dma_start3A_30 = tpu.memref_slice %arg5[%add3A, %dma_start3A, %dma_start3A_29] : memref<32x80x128xf32, #tpu.memory_space<hbm>> -> memref<1x80x128xf32, #tpu.memory_space<hbm>>
      %dma_start3A_31 = tpu.memref_squeeze %dma_start3A_30 : memref<1x80x128xf32, #tpu.memory_space<hbm>> -> memref<80x128xf32, #tpu.memory_space<hbm>>
      %dma_start3A_32 = arith.constant 0 : i32
      %dma_start3A_33 = arith.constant 0 : i32
      %dma_start3A_34 = tpu.memref_slice %arg5[%add3A, %dma_start3A_32, %dma_start3A_33] : memref<32x80x128xf32, #tpu.memory_space<hbm>> -> memref<1x80x128xf32, #tpu.memory_space<hbm>>
      %dma_start3A_35 = tpu.memref_squeeze %dma_start3A_34 : memref<1x80x128xf32, #tpu.memory_space<hbm>> -> memref<80x128xf32, #tpu.memory_space<hbm>>
      tpu.enqueue_dma source(%dma_start3A_35 : memref<80x128xf32, #tpu.memory_space<hbm>>) target(%arg9 : memref<80x128xf32, #tpu.memory_space<vmem>>) target_semaphore(%run_scoped3A : memref<!tpu.dma_semaphore, #tpu.memory_space<semaphore_mem>>)
      %dma_wait3A = arith.constant 0 : i32
      %dma_wait3A_36 = arith.constant 0 : i32
      %dma_wait3A_37 = tpu.memref_slice %arg5[%add3A, %dma_wait3A, %dma_wait3A_36] : memref<32x80x128xf32, #tpu.memory_space<hbm>> -> memref<1x80x128xf32, #tpu.memory_space<hbm>>
      %dma_wait3A_38 = tpu.memref_squeeze %dma_wait3A_37 : memref<1x80x128xf32, #tpu.memory_space<hbm>> -> memref<80x128xf32, #tpu.memory_space<hbm>>
      %dma_wait3A_39 = arith.constant 0 : i32
      %dma_wait3A_40 = arith.constant 0 : i32
      %dma_wait3A_41 = tpu.memref_slice %arg5[%add3A, %dma_wait3A_39, %dma_wait3A_40] : memref<32x80x128xf32, #tpu.memory_space<hbm>> -> memref<1x80x128xf32, #tpu.memory_space<hbm>>
      %dma_wait3A_42 = tpu.memref_squeeze %dma_wait3A_41 : memref<1x80x128xf32, #tpu.memory_space<hbm>> -> memref<80x128xf32, #tpu.memory_space<hbm>>
      tpu.wait_dma2 semaphore(%run_scoped3A : memref<!tpu.dma_semaphore, #tpu.memory_space<semaphore_mem>>) src(%dma_wait3A_42 : memref<80x128xf32, #tpu.memory_space<hbm>>) dst(%arg9 : memref<80x128xf32, #tpu.memory_space<vmem>>)
      tpu.yield
    }) : () -> ()
    %scan3A = arith.constant 0 : i32
    %scan3A_1 = arith.constant 0 : i32
    %scan3A_2 = arith.constant 1024 : i32
    %scan3A_3 = arith.addi %scan3A_1, %scan3A_2 : i32
    %scan3A_4 = arith.constant 1 : i32
    %scan3A_5 = scf.for %scan3A_29 = %scan3A_1 to %scan3A_3 step %scan3A_4 iter_args(%scan3A_30 = %scan3A) -> (i32)  : i32 {
      %broadcast_in_dim3A = arith.constant 0.000000e+00 : f32
      %broadcast_in_dim3A_31 = vector.broadcast %broadcast_in_dim3A : f32 to vector<16xf32>
      %jit3A = arith.constant 8 : i32
      %div3A = arith.divsi %scan3A_29, %jit3A : i32
      %sign3A = arith.constant 0 : i32
      %sign3A_32 = arith.cmpi sgt, %scan3A_29, %sign3A : i32
      %sign3A_33 = arith.extui %sign3A_32 : i1 to i32
      %sign3A_34 = arith.constant 0 : i32
      %sign3A_35 = arith.cmpi slt, %scan3A_29, %sign3A_34 : i32
      %sign3A_36 = arith.extui %sign3A_35 : i1 to i32
      %sign3A_37 = arith.subi %sign3A_33, %sign3A_36 : i32
      %sign3A_38 = arith.constant 0 : i32
      %sign3A_39 = arith.cmpi sgt, %jit3A, %sign3A_38 : i32
      %sign3A_40 = arith.extui %sign3A_39 : i1 to i32
      %sign3A_41 = arith.constant 0 : i32
      %sign3A_42 = arith.cmpi slt, %jit3A, %sign3A_41 : i32
      %sign3A_43 = arith.extui %sign3A_42 : i1 to i32
      %sign3A_44 = arith.subi %sign3A_40, %sign3A_43 : i32
      %ne3A = arith.cmpi ne, %sign3A_37, %sign3A_44 : i32
      %rem3A = arith.remsi %scan3A_29, %jit3A : i32
      %ne3A_45 = arith.constant 0 : i32
      %ne3A_46 = arith.cmpi ne, %rem3A, %ne3A_45 : i32
      %and3A = arith.andi %ne3A, %ne3A_46 : i1
      %sub3A = arith.constant 1 : i32
      %sub3A_47 = arith.subi %div3A, %sub3A : i32
      %select_n3A = arith.select %and3A, %sub3A_47, %div3A : i32
      %jit3A_48 = arith.constant 8 : i32
      %eq3A = arith.constant 0 : i32
      %eq3A_49 = arith.cmpi eq, %jit3A_48, %eq3A : i32
      %jit3A_50 = arith.constant 1 : i32
      %select_n3A_51 = arith.select %eq3A_49, %jit3A_50, %jit3A_48 : i32
      %rem3A_52 = arith.remsi %scan3A_29, %select_n3A_51 : i32
      %ne3A_53 = arith.constant 0 : i32
      %ne3A_54 = arith.cmpi ne, %rem3A_52, %ne3A_53 : i32
      %lt3A = arith.constant 0 : i32
      %lt3A_55 = arith.cmpi slt, %rem3A_52, %lt3A : i32
      %lt3A_56 = arith.constant 0 : i32
      %lt3A_57 = arith.cmpi slt, %select_n3A_51, %lt3A_56 : i32
      %ne3A_58 = arith.xori %lt3A_55, %lt3A_57 : i1
      %and3A_59 = arith.andi %ne3A_58, %ne3A_54 : i1
      %add3A_60 = arith.addi %rem3A_52, %select_n3A_51 : i32
      %select_n3A_61 = arith.select %and3A_59, %add3A_60, %rem3A_52 : i32
      %mul3A_62 = arith.constant 16 : i32
      %mul3A_63 = arith.muli %select_n3A_61, %mul3A_62 : i32
      %swap3A = arith.index_cast %select_n3A : i32 to index
      %swap3A_64 = arith.index_cast %mul3A_63 : i32 to index
      %swap3A_65 = tpu.vector_load %arg10[%swap3A, %swap3A_64] {strides = array<i32>} : memref<128x128xf32, #tpu.memory_space<vmem>>, vector<16xf32>,
      tpu.vector_store %arg10[%swap3A, %swap3A_64], %broadcast_in_dim3A_31 {strides = array<i32>} : memref<128x128xf32, #tpu.memory_space<vmem>>, vector<16xf32>,
      %scan3A_66 = arith.constant 0 : i32
      scf.yield %scan3A_66 : i32
    }
    %scan3A_6 = arith.constant 1024 : i32
    %scan3A_7 = arith.constant 0 : i32
    %scan3A_8 = arith.constant 0 : i32
    %scan3A_9 = arith.constant 5 : i32
    %scan3A_10 = arith.addi %scan3A_8, %scan3A_9 : i32
    %scan3A_11 = arith.constant 1 : i32
    %scan3A_12 = scf.for %scan3A_29 = %scan3A_8 to %scan3A_10 step %scan3A_11 iter_args(%scan3A_30 = %scan3A_7) -> (i32)  : i32 {
      %mul3A_31 = arith.constant 640 : i32
      %mul3A_32 = arith.muli %arg1, %mul3A_31 : i32
      %mul3A_33 = arith.constant 128 : i32
      %mul3A_34 = arith.muli %scan3A_29, %mul3A_33 : i32
      %add3A_35 = arith.addi %mul3A_32, %mul3A_34 : i32
      "tpu.region"() ({
        %run_scoped3A = tpu.sem_alloc : memref<!tpu.dma_semaphore, #tpu.memory_space<semaphore_mem>>
        %dma_start3A = arith.constant 0 : i32
        %dma_start3A_37 = arith.constant 0 : i32
        %dma_start3A_38 = tpu.memref_slice %arg10[%dma_start3A, %dma_start3A_37] : memref<128x128xf32, #tpu.memory_space<vmem>> -> memref<128x128xf32, #tpu.memory_space<vmem>>
        %dma_start3A_39 = arith.constant 0 : i32
        %dma_start3A_40 = tpu.memref_slice %arg11[%add3A_35, %dma_start3A_39] : memref<10240x128xf32, #tpu.memory_space<vmem_shared>> -> memref<128x128xf32, #tpu.memory_space<vmem_shared>>
        %dma_start3A_41 = arith.constant 0 : i32
        %dma_start3A_42 = tpu.memref_slice %arg11[%add3A_35, %dma_start3A_41] : memref<10240x128xf32, #tpu.memory_space<vmem_shared>> -> memref<128x128xf32, #tpu.memory_space<vmem_shared>>
        %dma_start3A_43 = arith.constant 0 : i32
        %dma_start3A_44 = arith.constant 0 : i32
        %dma_start3A_45 = tpu.memref_slice %arg10[%dma_start3A_43, %dma_start3A_44] : memref<128x128xf32, #tpu.memory_space<vmem>> -> memref<128x128xf32, #tpu.memory_space<vmem>>
        tpu.enqueue_dma source(%dma_start3A_45 : memref<128x128xf32, #tpu.memory_space<vmem>>) target(%dma_start3A_42 : memref<128x128xf32, #tpu.memory_space<vmem_shared>>) target_semaphore(%run_scoped3A : memref<!tpu.dma_semaphore, #tpu.memory_space<semaphore_mem>>)
        %dma_wait3A = arith.constant 0 : i32
        %dma_wait3A_46 = arith.constant 0 : i32
        %dma_wait3A_47 = tpu.memref_slice %arg10[%dma_wait3A, %dma_wait3A_46] : memref<128x128xf32, #tpu.memory_space<vmem>> -> memref<128x128xf32, #tpu.memory_space<vmem>>
        %dma_wait3A_48 = arith.constant 0 : i32
        %dma_wait3A_49 = tpu.memref_slice %arg11[%add3A_35, %dma_wait3A_48] : memref<10240x128xf32, #tpu.memory_space<vmem_shared>> -> memref<128x128xf32, #tpu.memory_space<vmem_shared>>
        %dma_wait3A_50 = arith.constant 0 : i32
        %dma_wait3A_51 = tpu.memref_slice %arg11[%add3A_35, %dma_wait3A_50] : memref<10240x128xf32, #tpu.memory_space<vmem_shared>> -> memref<128x128xf32, #tpu.memory_space<vmem_shared>>
        %dma_wait3A_52 = arith.constant 0 : i32
        %dma_wait3A_53 = arith.constant 0 : i32
        %dma_wait3A_54 = tpu.memref_slice %arg10[%dma_wait3A_52, %dma_wait3A_53] : memref<128x128xf32, #tpu.memory_space<vmem>> -> memref<128x128xf32, #tpu.memory_space<vmem>>
        tpu.wait_dma2 semaphore(%run_scoped3A : memref<!tpu.dma_semaphore, #tpu.memory_space<semaphore_mem>>) src(%dma_wait3A_54 : memref<128x128xf32, #tpu.memory_space<vmem>>) dst(%dma_wait3A_51 : memref<128x128xf32, #tpu.memory_space<vmem_shared>>)
        tpu.yield
      }) : () -> ()
      %scan3A_36 = arith.constant 0 : i32
      scf.yield %scan3A_36 : i32
    }
    %scan3A_13 = arith.constant 5 : i32
    %barrier3A = arith.constant 0 : index
    tpu.barrier barrier_id(%barrier3A)
    %scan3A_14 = arith.constant 0 : i32
    %scan3A_15 = arith.constant 0 : i32
    %scan3A_16 = arith.constant 80 : i32
    %scan3A_17 = arith.addi %scan3A_15, %scan3A_16 : i32
    %scan3A_18 = arith.constant 1 : i32
    %scan3A_19 = scf.for %scan3A_29 = %scan3A_15 to %scan3A_17 step %scan3A_18 iter_args(%scan3A_30 = %scan3A_14) -> (i32)  : i32 {
      %dma_start3A = arith.constant 0 : i32
      %dma_start3A_31 = tpu.memref_slice %arg8[%scan3A_29, %dma_start3A] : memref<80x128xi32, #tpu.memory_space<vmem>> -> memref<1x128xi32, #tpu.memory_space<vmem>>
      %dma_start3A_32 = tpu.memref_squeeze %dma_start3A_31 : memref<1x128xi32, #tpu.memory_space<vmem>> -> memref<128xi32, #tpu.memory_space<vmem>>
      %dma_start3A_33 = arith.constant 0 : i32
      %dma_start3A_34 = arith.constant 0 : i32
      %dma_start3A_35 = tpu.memref_slice %arg2[%dma_start3A_33, %dma_start3A_34] : memref<10000x128xf32, #tpu.memory_space<hbm>> -> memref<10000x128xf32, #tpu.memory_space<hbm>>
      tpu.enqueue_indirect_dma source(%dma_start3A_35 : memref<10000x128xf32, #tpu.memory_space<hbm>>) target(%arg10 : memref<128x128xf32, #tpu.memory_space<vmem>>) offsets(%dma_start3A_32 : memref<128xi32, #tpu.memory_space<vmem>>) semaphore(%arg12 : memref<!tpu.dma_semaphore, #tpu.memory_space<semaphore_mem>>)
      %dma_wait3A = arith.constant 0 : i32
      %dma_wait3A_36 = tpu.memref_slice %arg8[%scan3A_29, %dma_wait3A] : memref<80x128xi32, #tpu.memory_space<vmem>> -> memref<1x128xi32, #tpu.memory_space<vmem>>
      %dma_wait3A_37 = tpu.memref_squeeze %dma_wait3A_36 : memref<1x128xi32, #tpu.memory_space<vmem>> -> memref<128xi32, #tpu.memory_space<vmem>>
      %dma_wait3A_38 = arith.constant 0 : i32
      %dma_wait3A_39 = arith.constant 0 : i32
      %dma_wait3A_40 = tpu.memref_slice %arg2[%dma_wait3A_38, %dma_wait3A_39] : memref<10000x128xf32, #tpu.memory_space<hbm>> -> memref<10000x128xf32, #tpu.memory_space<hbm>>
      tpu.wait_indirect_dma semaphore(%arg12 : memref<!tpu.dma_semaphore, #tpu.memory_space<semaphore_mem>>) src(%dma_wait3A_40 : memref<10000x128xf32, #tpu.memory_space<hbm>>) dst(%arg10 : memref<128x128xf32, #tpu.memory_space<vmem>>)
      %scan3A_41 = arith.constant 0 : i32
      %scan3A_42 = arith.constant 0 : i32
      %scan3A_43 = arith.constant 8 : i32
      %scan3A_44 = arith.addi %scan3A_42, %scan3A_43 : i32
      %scan3A_45 = arith.constant 1 : i32
      %scan3A_46 = scf.for %scan3A_49 = %scan3A_42 to %scan3A_44 step %scan3A_45 iter_args(%scan3A_50 = %scan3A_41) -> (i32)  : i32 {
        %mul3A_51 = arith.constant 16 : i32
        %mul3A_52 = arith.muli %scan3A_49, %mul3A_51 : i32
        %get3A = arith.index_cast %scan3A_29 : i32 to index
        %get3A_53 = arith.index_cast %mul3A_52 : i32 to index
        %get3A_54 = tpu.vector_load %arg9[%get3A, %get3A_53] {strides = array<i32>} : memref<80x128xf32, #tpu.memory_space<vmem>>, vector<16xf32>,
        %slice3A = vector.extract_strided_slice %get3A_54 {offsets = [0], sizes = [1], strides = [1]} : vector<16xf32> to vector<1xf32>
        %squeeze3A = vector.extract %slice3A[0] : f32 from vector<1xf32>
        %broadcast_in_dim3A = vector.broadcast %squeeze3A : f32 to vector<16xf32>
        %mul3A_55 = arith.constant 16 : i32
        %mul3A_56 = arith.muli %scan3A_49, %mul3A_55 : i32
        %add3A_57 = arith.constant 0 : i32
        %add3A_58 = arith.addi %mul3A_56, %add3A_57 : i32
        %get3A_59 = arith.index_cast %add3A_58 : i32 to index
        %get3A_60 = arith.constant 0 : index
        %get3A_61 = tpu.vector_load %arg10[%get3A_59, %get3A_60] {strides = array<i32>} : memref<128x128xf32, #tpu.memory_space<vmem>>, vector<16xf32>,
        %mul3A_62 = arith.mulf %get3A_61, %broadcast_in_dim3A : vector<16xf32>
        %swap3A = arith.index_cast %add3A_58 : i32 to index
        %swap3A_63 = arith.constant 0 : index
        %swap3A_64 = tpu.vector_load %arg10[%swap3A, %swap3A_63] {strides = array<i32>} : memref<128x128xf32, #tpu.memory_space<vmem>>, vector<16xf32>,
        tpu.vector_store %arg10[%swap3A, %swap3A_63], %mul3A_62 {strides = array<i32>} : memref<128x128xf32, #tpu.memory_space<vmem>>, vector<16xf32>,
        %get3A_65 = arith.index_cast %add3A_58 : i32 to index
        %get3A_66 = arith.constant 16 : index
        %get3A_67 = tpu.vector_load %arg10[%get3A_65, %get3A_66] {strides = array<i32>} : memref<128x128xf32, #tpu.memory_space<vmem>>, vector<16xf32>,
        %mul3A_68 = arith.mulf %get3A_67, %broadcast_in_dim3A : vector<16xf32>
        %swap3A_69 = arith.index_cast %add3A_58 : i32 to index
        %swap3A_70 = arith.constant 16 : index
        %swap3A_71 = tpu.vector_load %arg10[%swap3A_69, %swap3A_70] {strides = array<i32>} : memref<128x128xf32, #tpu.memory_space<vmem>>, vector<16xf32>,
        tpu.vector_store %arg10[%swap3A_69, %swap3A_70], %mul3A_68 {strides = array<i32>} : memref<128x128xf32, #tpu.memory_space<vmem>>, vector<16xf32>,
        %get3A_72 = arith.index_cast %add3A_58 : i32 to index
        %get3A_73 = arith.constant 32 : index
        %get3A_74 = tpu.vector_load %arg10[%get3A_72, %get3A_73] {strides = array<i32>} : memref<128x128xf32, #tpu.memory_space<vmem>>, vector<16xf32>,
        %mul3A_75 = arith.mulf %get3A_74, %broadcast_in_dim3A : vector<16xf32>
        %swap3A_76 = arith.index_cast %add3A_58 : i32 to index
        %swap3A_77 = arith.constant 32 : index
        %swap3A_78 = tpu.vector_load %arg10[%swap3A_76, %swap3A_77] {strides = array<i32>} : memref<128x128xf32, #tpu.memory_space<vmem>>, vector<16xf32>,
        tpu.vector_store %arg10[%swap3A_76, %swap3A_77], %mul3A_75 {strides = array<i32>} : memref<128x128xf32, #tpu.memory_space<vmem>>, vector<16xf32>,
        %get3A_79 = arith.index_cast %add3A_58 : i32 to index
        %get3A_80 = arith.constant 48 : index
        %get3A_81 = tpu.vector_load %arg10[%get3A_79, %get3A_80] {strides = array<i32>} : memref<128x128xf32, #tpu.memory_space<vmem>>, vector<16xf32>,
        %mul3A_82 = arith.mulf %get3A_81, %broadcast_in_dim3A : vector<16xf32>
        %swap3A_83 = arith.index_cast %add3A_58 : i32 to index
        %swap3A_84 = arith.constant 48 : index
        %swap3A_85 = tpu.vector_load %arg10[%swap3A_83, %swap3A_84] {strides = array<i32>} : memref<128x128xf32, #tpu.memory_space<vmem>>, vector<16xf32>,
        tpu.vector_store %arg10[%swap3A_83, %swap3A_84], %mul3A_82 {strides = array<i32>} : memref<128x128xf32, #tpu.memory_space<vmem>>, vector<16xf32>,
        %get3A_86 = arith.index_cast %add3A_58 : i32 to index
        %get3A_87 = arith.constant 64 : index
        %get3A_88 = tpu.vector_load %arg10[%get3A_86, %get3A_87] {strides = array<i32>} : memref<128x128xf32, #tpu.memory_space<vmem>>, vector<16xf32>,
        %mul3A_89 = arith.mulf %get3A_88, %broadcast_in_dim3A : vector<16xf32>
        %swap3A_90 = arith.index_cast %add3A_58 : i32 to index
        %swap3A_91 = arith.constant 64 : index
        %swap3A_92 = tpu.vector_load %arg10[%swap3A_90, %swap3A_91] {strides = array<i32>} : memref<128x128xf32, #tpu.memory_space<vmem>>, vector<16xf32>,
        tpu.vector_store %arg10[%swap3A_90, %swap3A_91], %mul3A_89 {strides = array<i32>} : memref<128x128xf32, #tpu.memory_space<vmem>>, vector<16xf32>,
        %get3A_93 = arith.index_cast %add3A_58 : i32 to index
        %get3A_94 = arith.constant 80 : index
        %get3A_95 = tpu.vector_load %arg10[%get3A_93, %get3A_94] {strides = array<i32>} : memref<128x128xf32, #tpu.memory_space<vmem>>, vector<16xf32>,
        %mul3A_96 = arith.mulf %get3A_95, %broadcast_in_dim3A : vector<16xf32>
        %swap3A_97 = arith.index_cast %add3A_58 : i32 to index
        %swap3A_98 = arith.constant 80 : index
        %swap3A_99 = tpu.vector_load %arg10[%swap3A_97, %swap3A_98] {strides = array<i32>} : memref<128x128xf32, #tpu.memory_space<vmem>>, vector<16xf32>,
        tpu.vector_store %arg10[%swap3A_97, %swap3A_98], %mul3A_96 {strides = array<i32>} : memref<128x128xf32, #tpu.memory_space<vmem>>, vector<16xf32>,
        %get3A_100 = arith.index_cast %add3A_58 : i32 to index
        %get3A_101 = arith.constant 96 : index
        %get3A_102 = tpu.vector_load %arg10[%get3A_100, %get3A_101] {strides = array<i32>} : memref<128x128xf32, #tpu.memory_space<vmem>>, vector<16xf32>,
        %mul3A_103 = arith.mulf %get3A_102, %broadcast_in_dim3A : vector<16xf32>
        %swap3A_104 = arith.index_cast %add3A_58 : i32 to index
        %swap3A_105 = arith.constant 96 : index
        %swap3A_106 = tpu.vector_load %arg10[%swap3A_104, %swap3A_105] {strides = array<i32>} : memref<128x128xf32, #tpu.memory_space<vmem>>, vector<16xf32>,
        tpu.vector_store %arg10[%swap3A_104, %swap3A_105], %mul3A_103 {strides = array<i32>} : memref<128x128xf32, #tpu.memory_space<vmem>>, vector<16xf32>,
        %get3A_107 = arith.index_cast %add3A_58 : i32 to index
        %get3A_108 = arith.constant 112 : index
        %get3A_109 = tpu.vector_load %arg10[%get3A_107, %get3A_108] {strides = array<i32>} : memref<128x128xf32, #tpu.memory_space<vmem>>, vector<16xf32>,
        %mul3A_110 = arith.mulf %get3A_109, %broadcast_in_dim3A : vector<16xf32>
        %swap3A_111 = arith.index_cast %add3A_58 : i32 to index
        %swap3A_112 = arith.constant 112 : index
        %swap3A_113 = tpu.vector_load %arg10[%swap3A_111, %swap3A_112] {strides = array<i32>} : memref<128x128xf32, #tpu.memory_space<vmem>>, vector<16xf32>,
        tpu.vector_store %arg10[%swap3A_111, %swap3A_112], %mul3A_110 {strides = array<i32>} : memref<128x128xf32, #tpu.memory_space<vmem>>, vector<16xf32>,
        %slice3A_114 = vector.extract_strided_slice %get3A_54 {offsets = [1], sizes = [1], strides = [1]} : vector<16xf32> to vector<1xf32>
        %squeeze3A_115 = vector.extract %slice3A_114[0] : f32 from vector<1xf32>
        %broadcast_in_dim3A_116 = vector.broadcast %squeeze3A_115 : f32 to vector<16xf32>
        %mul3A_117 = arith.constant 16 : i32
        %mul3A_118 = arith.muli %scan3A_49, %mul3A_117 : i32
        %add3A_119 = arith.constant 1 : i32
        %add3A_120 = arith.addi %mul3A_118, %add3A_119 : i32
        %get3A_121 = arith.index_cast %add3A_120 : i32 to index
        %get3A_122 = arith.constant 0 : index
        %get3A_123 = tpu.vector_load %arg10[%get3A_121, %get3A_122] {strides = array<i32>} : memref<128x128xf32, #tpu.memory_space<vmem>>, vector<16xf32>,
        %mul3A_124 = arith.mulf %get3A_123, %broadcast_in_dim3A_116 : vector<16xf32>
        %swap3A_125 = arith.index_cast %add3A_120 : i32 to index
        %swap3A_126 = arith.constant 0 : index
        %swap3A_127 = tpu.vector_load %arg10[%swap3A_125, %swap3A_126] {strides = array<i32>} : memref<128x128xf32, #tpu.memory_space<vmem>>, vector<16xf32>,
        tpu.vector_store %arg10[%swap3A_125, %swap3A_126], %mul3A_124 {strides = array<i32>} : memref<128x128xf32, #tpu.memory_space<vmem>>, vector<16xf32>,
        %get3A_128 = arith.index_cast %add3A_120 : i32 to index
        %get3A_129 = arith.constant 16 : index
        %get3A_130 = tpu.vector_load %arg10[%get3A_128, %get3A_129] {strides = array<i32>} : memref<128x128xf32, #tpu.memory_space<vmem>>, vector<16xf32>,
        %mul3A_131 = arith.mulf %get3A_130, %broadcast_in_dim3A_116 : vector<16xf32>
        %swap3A_132 = arith.index_cast %add3A_120 : i32 to index
        %swap3A_133 = arith.constant 16 : index
        %swap3A_134 = tpu.vector_load %arg10[%swap3A_132, %swap3A_133] {strides = array<i32>} : memref<128x128xf32, #tpu.memory_space<vmem>>, vector<16xf32>,
        tpu.vector_store %arg10[%swap3A_132, %swap3A_133], %mul3A_131 {strides = array<i32>} : memref<128x128xf32, #tpu.memory_space<vmem>>, vector<16xf32>,
        %get3A_135 = arith.index_cast %add3A_120 : i32 to index
        %get3A_136 = arith.constant 32 : index
        %get3A_137 = tpu.vector_load %arg10[%get3A_135, %get3A_136] {strides = array<i32>} : memref<128x128xf32, #tpu.memory_space<vmem>>, vector<16xf32>,
        %mul3A_138 = arith.mulf %get3A_137, %broadcast_in_dim3A_116 : vector<16xf32>
        %swap3A_139 = arith.index_cast %add3A_120 : i32 to index
        %swap3A_140 = arith.constant 32 : index
        %swap3A_141 = tpu.vector_load %arg10[%swap3A_139, %swap3A_140] {strides = array<i32>} : memref<128x128xf32, #tpu.memory_space<vmem>>, vector<16xf32>,
        tpu.vector_store %arg10[%swap3A_139, %swap3A_140], %mul3A_138 {strides = array<i32>} : memref<128x128xf32, #tpu.memory_space<vmem>>, vector<16xf32>,
        %get3A_142 = arith.index_cast %add3A_120 : i32 to index
        %get3A_143 = arith.constant 48 : index
        %get3A_144 = tpu.vector_load %arg10[%get3A_142, %get3A_143] {strides = array<i32>} : memref<128x128xf32, #tpu.memory_space<vmem>>, vector<16xf32>,
        %mul3A_145 = arith.mulf %get3A_144, %broadcast_in_dim3A_116 : vector<16xf32>
        %swap3A_146 = arith.index_cast %add3A_120 : i32 to index
        %swap3A_147 = arith.constant 48 : index
        %swap3A_148 = tpu.vector_load %arg10[%swap3A_146, %swap3A_147] {strides = array<i32>} : memref<128x128xf32, #tpu.memory_space<vmem>>, vector<16xf32>,
        tpu.vector_store %arg10[%swap3A_146, %swap3A_147], %mul3A_145 {strides = array<i32>} : memref<128x128xf32, #tpu.memory_space<vmem>>, vector<16xf32>,
        %get3A_149 = arith.index_cast %add3A_120 : i32 to index
        %get3A_150 = arith.constant 64 : index
        %get3A_151 = tpu.vector_load %arg10[%get3A_149, %get3A_150] {strides = array<i32>} : memref<128x128xf32, #tpu.memory_space<vmem>>, vector<16xf32>,
        %mul3A_152 = arith.mulf %get3A_151, %broadcast_in_dim3A_116 : vector<16xf32>
        %swap3A_153 = arith.index_cast %add3A_120 : i32 to index
        %swap3A_154 = arith.constant 64 : index
        %swap3A_155 = tpu.vector_load %arg10[%swap3A_153, %swap3A_154] {strides = array<i32>} : memref<128x128xf32, #tpu.memory_space<vmem>>, vector<16xf32>,
        tpu.vector_store %arg10[%swap3A_153, %swap3A_154], %mul3A_152 {strides = array<i32>} : memref<128x128xf32, #tpu.memory_space<vmem>>, vector<16xf32>,
        %get3A_156 = arith.index_cast %add3A_120 : i32 to index
        %get3A_157 = arith.constant 80 : index
        %get3A_158 = tpu.vector_load %arg10[%get3A_156, %get3A_157] {strides = array<i32>} : memref<128x128xf32, #tpu.memory_space<vmem>>, vector<16xf32>,
        %mul3A_159 = arith.mulf %get3A_158, %broadcast_in_dim3A_116 : vector<16xf32>
        %swap3A_160 = arith.index_cast %add3A_120 : i32 to index
        %swap3A_161 = arith.constant 80 : index
        %swap3A_162 = tpu.vector_load %arg10[%swap3A_160, %swap3A_161] {strides = array<i32>} : memref<128x128xf32, #tpu.memory_space<vmem>>, vector<16xf32>,
        tpu.vector_store %arg10[%swap3A_160, %swap3A_161], %mul3A_159 {strides = array<i32>} : memref<128x128xf32, #tpu.memory_space<vmem>>, vector<16xf32>,
        %get3A_163 = arith.index_cast %add3A_120 : i32 to index
        %get3A_164 = arith.constant 96 : index
        %get3A_165 = tpu.vector_load %arg10[%get3A_163, %get3A_164] {strides = array<i32>} : memref<128x128xf32, #tpu.memory_space<vmem>>, vector<16xf32>,
        %mul3A_166 = arith.mulf %get3A_165, %broadcast_in_dim3A_116 : vector<16xf32>
        %swap3A_167 = arith.index_cast %add3A_120 : i32 to index
        %swap3A_168 = arith.constant 96 : index
        %swap3A_169 = tpu.vector_load %arg10[%swap3A_167, %swap3A_168] {strides = array<i32>} : memref<128x128xf32, #tpu.memory_space<vmem>>, vector<16xf32>,
        tpu.vector_store %arg10[%swap3A_167, %swap3A_168], %mul3A_166 {strides = array<i32>} : memref<128x128xf32, #tpu.memory_space<vmem>>, vector<16xf32>,
        %get3A_170 = arith.index_cast %add3A_120 : i32 to index
        %get3A_171 = arith.constant 112 : index
        %get3A_172 = tpu.vector_load %arg10[%get3A_170, %get3A_171] {strides = array<i32>} : memref<128x128xf32, #tpu.memory_space<vmem>>, vector<16xf32>,
        %mul3A_173 = arith.mulf %get3A_172, %broadcast_in_dim3A_116 : vector<16xf32>
        %swap3A_174 = arith.index_cast %add3A_120 : i32 to index
        %swap3A_175 = arith.constant 112 : index
        %swap3A_176 = tpu.vector_load %arg10[%swap3A_174, %swap3A_175] {strides = array<i32>} : memref<128x128xf32, #tpu.memory_space<vmem>>, vector<16xf32>,
        tpu.vector_store %arg10[%swap3A_174, %swap3A_175], %mul3A_173 {strides = array<i32>} : memref<128x128xf32, #tpu.memory_space<vmem>>, vector<16xf32>,
        %slice3A_177 = vector.extract_strided_slice %get3A_54 {offsets = [2], sizes = [1], strides = [1]} : vector<16xf32> to vector<1xf32>
        %squeeze3A_178 = vector.extract %slice3A_177[0] : f32 from vector<1xf32>
        %broadcast_in_dim3A_179 = vector.broadcast %squeeze3A_178 : f32 to vector<16xf32>
        %mul3A_180 = arith.constant 16 : i32
        %mul3A_181 = arith.muli %scan3A_49, %mul3A_180 : i32
        %add3A_182 = arith.constant 2 : i32
        %add3A_183 = arith.addi %mul3A_181, %add3A_182 : i32
        %get3A_184 = arith.index_cast %add3A_183 : i32 to index
        %get3A_185 = arith.constant 0 : index
        %get3A_186 = tpu.vector_load %arg10[%get3A_184, %get3A_185] {strides = array<i32>} : memref<128x128xf32, #tpu.memory_space<vmem>>, vector<16xf32>,
        %mul3A_187 = arith.mulf %get3A_186, %broadcast_in_dim3A_179 : vector<16xf32>
        %swap3A_188 = arith.index_cast %add3A_183 : i32 to index
        %swap3A_189 = arith.constant 0 : index
        %swap3A_190 = tpu.vector_load %arg10[%swap3A_188, %swap3A_189] {strides = array<i32>} : memref<128x128xf32, #tpu.memory_space<vmem>>, vector<16xf32>,
        tpu.vector_store %arg10[%swap3A_188, %swap3A_189], %mul3A_187 {strides = array<i32>} : memref<128x128xf32, #tpu.memory_space<vmem>>, vector<16xf32>,
        %get3A_191 = arith.index_cast %add3A_183 : i32 to index
        %get3A_192 = arith.constant 16 : index
        %get3A_193 = tpu.vector_load %arg10[%get3A_191, %get3A_192] {strides = array<i32>} : memref<128x128xf32, #tpu.memory_space<vmem>>, vector<16xf32>,
        %mul3A_194 = arith.mulf %get3A_193, %broadcast_in_dim3A_179 : vector<16xf32>
        %swap3A_195 = arith.index_cast %add3A_183 : i32 to index
        %swap3A_196 = arith.constant 16 : index
        %swap3A_197 = tpu.vector_load %arg10[%swap3A_195, %swap3A_196] {strides = array<i32>} : memref<128x128xf32, #tpu.memory_space<vmem>>, vector<16xf32>,
        tpu.vector_store %arg10[%swap3A_195, %swap3A_196], %mul3A_194 {strides = array<i32>} : memref<128x128xf32, #tpu.memory_space<vmem>>, vector<16xf32>,
        %get3A_198 = arith.index_cast %add3A_183 : i32 to index
        %get3A_199 = arith.constant 32 : index
        %get3A_200 = tpu.vector_load %arg10[%get3A_198, %get3A_199] {strides = array<i32>} : memref<128x128xf32, #tpu.memory_space<vmem>>, vector<16xf32>,
        %mul3A_201 = arith.mulf %get3A_200, %broadcast_in_dim3A_179 : vector<16xf32>
        %swap3A_202 = arith.index_cast %add3A_183 : i32 to index
        %swap3A_203 = arith.constant 32 : index
        %swap3A_204 = tpu.vector_load %arg10[%swap3A_202, %swap3A_203] {strides = array<i32>} : memref<128x128xf32, #tpu.memory_space<vmem>>, vector<16xf32>,
        tpu.vector_store %arg10[%swap3A_202, %swap3A_203], %mul3A_201 {strides = array<i32>} : memref<128x128xf32, #tpu.memory_space<vmem>>, vector<16xf32>,
        %get3A_205 = arith.index_cast %add3A_183 : i32 to index
        %get3A_206 = arith.constant 48 : index
        %get3A_207 = tpu.vector_load %arg10[%get3A_205, %get3A_206] {strides = array<i32>} : memref<128x128xf32, #tpu.memory_space<vmem>>, vector<16xf32>,
        %mul3A_208 = arith.mulf %get3A_207, %broadcast_in_dim3A_179 : vector<16xf32>
        %swap3A_209 = arith.index_cast %add3A_183 : i32 to index
        %swap3A_210 = arith.constant 48 : index
        %swap3A_211 = tpu.vector_load %arg10[%swap3A_209, %swap3A_210] {strides = array<i32>} : memref<128x128xf32, #tpu.memory_space<vmem>>, vector<16xf32>,
        tpu.vector_store %arg10[%swap3A_209, %swap3A_210], %mul3A_208 {strides = array<i32>} : memref<128x128xf32, #tpu.memory_space<vmem>>, vector<16xf32>,
        %get3A_212 = arith.index_cast %add3A_183 : i32 to index
        %get3A_213 = arith.constant 64 : index
        %get3A_214 = tpu.vector_load %arg10[%get3A_212, %get3A_213] {strides = array<i32>} : memref<128x128xf32, #tpu.memory_space<vmem>>, vector<16xf32>,
        %mul3A_215 = arith.mulf %get3A_214, %broadcast_in_dim3A_179 : vector<16xf32>
        %swap3A_216 = arith.index_cast %add3A_183 : i32 to index
        %swap3A_217 = arith.constant 64 : index
        %swap3A_218 = tpu.vector_load %arg10[%swap3A_216, %swap3A_217] {strides = array<i32>} : memref<128x128xf32, #tpu.memory_space<vmem>>, vector<16xf32>,
        tpu.vector_store %arg10[%swap3A_216, %swap3A_217], %mul3A_215 {strides = array<i32>} : memref<128x128xf32, #tpu.memory_space<vmem>>, vector<16xf32>,
        %get3A_219 = arith.index_cast %add3A_183 : i32 to index
        %get3A_220 = arith.constant 80 : index
        %get3A_221 = tpu.vector_load %arg10[%get3A_219, %get3A_220] {strides = array<i32>} : memref<128x128xf32, #tpu.memory_space<vmem>>, vector<16xf32>,
        %mul3A_222 = arith.mulf %get3A_221, %broadcast_in_dim3A_179 : vector<16xf32>
        %swap3A_223 = arith.index_cast %add3A_183 : i32 to index
        %swap3A_224 = arith.constant 80 : index
        %swap3A_225 = tpu.vector_load %arg10[%swap3A_223, %swap3A_224] {strides = array<i32>} : memref<128x128xf32, #tpu.memory_space<vmem>>, vector<16xf32>,
        tpu.vector_store %arg10[%swap3A_223, %swap3A_224], %mul3A_222 {strides = array<i32>} : memref<128x128xf32, #tpu.memory_space<vmem>>, vector<16xf32>,
        %get3A_226 = arith.index_cast %add3A_183 : i32 to index
        %get3A_227 = arith.constant 96 : index
        %get3A_228 = tpu.vector_load %arg10[%get3A_226, %get3A_227] {strides = array<i32>} : memref<128x128xf32, #tpu.memory_space<vmem>>, vector<16xf32>,
        %mul3A_229 = arith.mulf %get3A_228, %broadcast_in_dim3A_179 : vector<16xf32>
        %swap3A_230 = arith.index_cast %add3A_183 : i32 to index
        %swap3A_231 = arith.constant 96 : index
        %swap3A_232 = tpu.vector_load %arg10[%swap3A_230, %swap3A_231] {strides = array<i32>} : memref<128x128xf32, #tpu.memory_space<vmem>>, vector<16xf32>,
        tpu.vector_store %arg10[%swap3A_230, %swap3A_231], %mul3A_229 {strides = array<i32>} : memref<128x128xf32, #tpu.memory_space<vmem>>, vector<16xf32>,
        %get3A_233 = arith.index_cast %add3A_183 : i32 to index
        %get3A_234 = arith.constant 112 : index
        %get3A_235 = tpu.vector_load %arg10[%get3A_233, %get3A_234] {strides = array<i32>} : memref<128x128xf32, #tpu.memory_space<vmem>>, vector<16xf32>,
        %mul3A_236 = arith.mulf %get3A_235, %broadcast_in_dim3A_179 : vector<16xf32>
        %swap3A_237 = arith.index_cast %add3A_183 : i32 to index
        %swap3A_238 = arith.constant 112 : index
        %swap3A_239 = tpu.vector_load %arg10[%swap3A_237, %swap3A_238] {strides = array<i32>} : memref<128x128xf32, #tpu.memory_space<vmem>>, vector<16xf32>,
        tpu.vector_store %arg10[%swap3A_237, %swap3A_238], %mul3A_236 {strides = array<i32>} : memref<128x128xf32, #tpu.memory_space<vmem>>, vector<16xf32>,
        %slice3A_240 = vector.extract_strided_slice %get3A_54 {offsets = [3], sizes = [1], strides = [1]} : vector<16xf32> to vector<1xf32>
        %squeeze3A_241 = vector.extract %slice3A_240[0] : f32 from vector<1xf32>
        %broadcast_in_dim3A_242 = vector.broadcast %squeeze3A_241 : f32 to vector<16xf32>
        %mul3A_243 = arith.constant 16 : i32
        %mul3A_244 = arith.muli %scan3A_49, %mul3A_243 : i32
        %add3A_245 = arith.constant 3 : i32
        %add3A_246 = arith.addi %mul3A_244, %add3A_245 : i32
        %get3A_247 = arith.index_cast %add3A_246 : i32 to index
        %get3A_248 = arith.constant 0 : index
        %get3A_249 = tpu.vector_load %arg10[%get3A_247, %get3A_248] {strides = array<i32>} : memref<128x128xf32, #tpu.memory_space<vmem>>, vector<16xf32>,
        %mul3A_250 = arith.mulf %get3A_249, %broadcast_in_dim3A_242 : vector<16xf32>
        %swap3A_251 = arith.index_cast %add3A_246 : i32 to index
        %swap3A_252 = arith.constant 0 : index
        %swap3A_253 = tpu.vector_load %arg10[%swap3A_251, %swap3A_252] {strides = array<i32>} : memref<128x128xf32, #tpu.memory_space<vmem>>, vector<16xf32>,
        tpu.vector_store %arg10[%swap3A_251, %swap3A_252], %mul3A_250 {strides = array<i32>} : memref<128x128xf32, #tpu.memory_space<vmem>>, vector<16xf32>,
        %get3A_254 = arith.index_cast %add3A_246 : i32 to index
        %get3A_255 = arith.constant 16 : index
        %get3A_256 = tpu.vector_load %arg10[%get3A_254, %get3A_255] {strides = array<i32>} : memref<128x128xf32, #tpu.memory_space<vmem>>, vector<16xf32>,
        %mul3A_257 = arith.mulf %get3A_256, %broadcast_in_dim3A_242 : vector<16xf32>
        %swap3A_258 = arith.index_cast %add3A_246 : i32 to index
        %swap3A_259 = arith.constant 16 : index
        %swap3A_260 = tpu.vector_load %arg10[%swap3A_258, %swap3A_259] {strides = array<i32>} : memref<128x128xf32, #tpu.memory_space<vmem>>, vector<16xf32>,
        tpu.vector_store %arg10[%swap3A_258, %swap3A_259], %mul3A_257 {strides = array<i32>} : memref<128x128xf32, #tpu.memory_space<vmem>>, vector<16xf32>,
        %get3A_261 = arith.index_cast %add3A_246 : i32 to index
        %get3A_262 = arith.constant 32 : index
        %get3A_263 = tpu.vector_load %arg10[%get3A_261, %get3A_262] {strides = array<i32>} : memref<128x128xf32, #tpu.memory_space<vmem>>, vector<16xf32>,
        %mul3A_264 = arith.mulf %get3A_263, %broadcast_in_dim3A_242 : vector<16xf32>
        %swap3A_265 = arith.index_cast %add3A_246 : i32 to index
        %swap3A_266 = arith.constant 32 : index
        %swap3A_267 = tpu.vector_load %arg10[%swap3A_265, %swap3A_266] {strides = array<i32>} : memref<128x128xf32, #tpu.memory_space<vmem>>, vector<16xf32>,
        tpu.vector_store %arg10[%swap3A_265, %swap3A_266], %mul3A_264 {strides = array<i32>} : memref<128x128xf32, #tpu.memory_space<vmem>>, vector<16xf32>,
        %get3A_268 = arith.index_cast %add3A_246 : i32 to index
        %get3A_269 = arith.constant 48 : index
        %get3A_270 = tpu.vector_load %arg10[%get3A_268, %get3A_269] {strides = array<i32>} : memref<128x128xf32, #tpu.memory_space<vmem>>, vector<16xf32>,
        %mul3A_271 = arith.mulf %get3A_270, %broadcast_in_dim3A_242 : vector<16xf32>
        %swap3A_272 = arith.index_cast %add3A_246 : i32 to index
        %swap3A_273 = arith.constant 48 : index
        %swap3A_274 = tpu.vector_load %arg10[%swap3A_272, %swap3A_273] {strides = array<i32>} : memref<128x128xf32, #tpu.memory_space<vmem>>, vector<16xf32>,
        tpu.vector_store %arg10[%swap3A_272, %swap3A_273], %mul3A_271 {strides = array<i32>} : memref<128x128xf32, #tpu.memory_space<vmem>>, vector<16xf32>,
        %get3A_275 = arith.index_cast %add3A_246 : i32 to index
        %get3A_276 = arith.constant 64 : index
        %get3A_277 = tpu.vector_load %arg10[%get3A_275, %get3A_276] {strides = array<i32>} : memref<128x128xf32, #tpu.memory_space<vmem>>, vector<16xf32>,
        %mul3A_278 = arith.mulf %get3A_277, %broadcast_in_dim3A_242 : vector<16xf32>
        %swap3A_279 = arith.index_cast %add3A_246 : i32 to index
        %swap3A_280 = arith.constant 64 : index
        %swap3A_281 = tpu.vector_load %arg10[%swap3A_279, %swap3A_280] {strides = array<i32>} : memref<128x128xf32, #tpu.memory_space<vmem>>, vector<16xf32>,
        tpu.vector_store %arg10[%swap3A_279, %swap3A_280], %mul3A_278 {strides = array<i32>} : memref<128x128xf32, #tpu.memory_space<vmem>>, vector<16xf32>,
        %get3A_282 = arith.index_cast %add3A_246 : i32 to index
        %get3A_283 = arith.constant 80 : index
        %get3A_284 = tpu.vector_load %arg10[%get3A_282, %get3A_283] {strides = array<i32>} : memref<128x128xf32, #tpu.memory_space<vmem>>, vector<16xf32>,
        %mul3A_285 = arith.mulf %get3A_284, %broadcast_in_dim3A_242 : vector<16xf32>
        %swap3A_286 = arith.index_cast %add3A_246 : i32 to index
        %swap3A_287 = arith.constant 80 : index
        %swap3A_288 = tpu.vector_load %arg10[%swap3A_286, %swap3A_287] {strides = array<i32>} : memref<128x128xf32, #tpu.memory_space<vmem>>, vector<16xf32>,
        tpu.vector_store %arg10[%swap3A_286, %swap3A_287], %mul3A_285 {strides = array<i32>} : memref<128x128xf32, #tpu.memory_space<vmem>>, vector<16xf32>,
        %get3A_289 = arith.index_cast %add3A_246 : i32 to index
        %get3A_290 = arith.constant 96 : index
        %get3A_291 = tpu.vector_load %arg10[%get3A_289, %get3A_290] {strides = array<i32>} : memref<128x128xf32, #tpu.memory_space<vmem>>, vector<16xf32>,
        %mul3A_292 = arith.mulf %get3A_291, %broadcast_in_dim3A_242 : vector<16xf32>
        %swap3A_293 = arith.index_cast %add3A_246 : i32 to index
        %swap3A_294 = arith.constant 96 : index
        %swap3A_295 = tpu.vector_load %arg10[%swap3A_293, %swap3A_294] {strides = array<i32>} : memref<128x128xf32, #tpu.memory_space<vmem>>, vector<16xf32>,
        tpu.vector_store %arg10[%swap3A_293, %swap3A_294], %mul3A_292 {strides = array<i32>} : memref<128x128xf32, #tpu.memory_space<vmem>>, vector<16xf32>,
        %get3A_296 = arith.index_cast %add3A_246 : i32 to index
        %get3A_297 = arith.constant 112 : index
        %get3A_298 = tpu.vector_load %arg10[%get3A_296, %get3A_297] {strides = array<i32>} : memref<128x128xf32, #tpu.memory_space<vmem>>, vector<16xf32>,
        %mul3A_299 = arith.mulf %get3A_298, %broadcast_in_dim3A_242 : vector<16xf32>
        %swap3A_300 = arith.index_cast %add3A_246 : i32 to index
        %swap3A_301 = arith.constant 112 : index
        %swap3A_302 = tpu.vector_load %arg10[%swap3A_300, %swap3A_301] {strides = array<i32>} : memref<128x128xf32, #tpu.memory_space<vmem>>, vector<16xf32>,
        tpu.vector_store %arg10[%swap3A_300, %swap3A_301], %mul3A_299 {strides = array<i32>} : memref<128x128xf32, #tpu.memory_space<vmem>>, vector<16xf32>,
        %slice3A_303 = vector.extract_strided_slice %get3A_54 {offsets = [4], sizes = [1], strides = [1]} : vector<16xf32> to vector<1xf32>
        %squeeze3A_304 = vector.extract %slice3A_303[0] : f32 from vector<1xf32>
        %broadcast_in_dim3A_305 = vector.broadcast %squeeze3A_304 : f32 to vector<16xf32>
        %mul3A_306 = arith.constant 16 : i32
        %mul3A_307 = arith.muli %scan3A_49, %mul3A_306 : i32
        %add3A_308 = arith.constant 4 : i32
        %add3A_309 = arith.addi %mul3A_307, %add3A_308 : i32
        %get3A_310 = arith.index_cast %add3A_309 : i32 to index
        %get3A_311 = arith.constant 0 : index
        %get3A_312 = tpu.vector_load %arg10[%get3A_310, %get3A_311] {strides = array<i32>} : memref<128x128xf32, #tpu.memory_space<vmem>>, vector<16xf32>,
        %mul3A_313 = arith.mulf %get3A_312, %broadcast_in_dim3A_305 : vector<16xf32>
        %swap3A_314 = arith.index_cast %add3A_309 : i32 to index
        %swap3A_315 = arith.constant 0 : index
        %swap3A_316 = tpu.vector_load %arg10[%swap3A_314, %swap3A_315] {strides = array<i32>} : memref<128x128xf32, #tpu.memory_space<vmem>>, vector<16xf32>,
        tpu.vector_store %arg10[%swap3A_314, %swap3A_315], %mul3A_313 {strides = array<i32>} : memref<128x128xf32, #tpu.memory_space<vmem>>, vector<16xf32>,
        %get3A_317 = arith.index_cast %add3A_309 : i32 to index
        %get3A_318 = arith.constant 16 : index
        %get3A_319 = tpu.vector_load %arg10[%get3A_317, %get3A_318] {strides = array<i32>} : memref<128x128xf32, #tpu.memory_space<vmem>>, vector<16xf32>,
        %mul3A_320 = arith.mulf %get3A_319, %broadcast_in_dim3A_305 : vector<16xf32>
        %swap3A_321 = arith.index_cast %add3A_309 : i32 to index
        %swap3A_322 = arith.constant 16 : index
        %swap3A_323 = tpu.vector_load %arg10[%swap3A_321, %swap3A_322] {strides = array<i32>} : memref<128x128xf32, #tpu.memory_space<vmem>>, vector<16xf32>,
        tpu.vector_store %arg10[%swap3A_321, %swap3A_322], %mul3A_320 {strides = array<i32>} : memref<128x128xf32, #tpu.memory_space<vmem>>, vector<16xf32>,
        %get3A_324 = arith.index_cast %add3A_309 : i32 to index
        %get3A_325 = arith.constant 32 : index
        %get3A_326 = tpu.vector_load %arg10[%get3A_324, %get3A_325] {strides = array<i32>} : memref<128x128xf32, #tpu.memory_space<vmem>>, vector<16xf32>,
        %mul3A_327 = arith.mulf %get3A_326, %broadcast_in_dim3A_305 : vector<16xf32>
        %swap3A_328 = arith.index_cast %add3A_309 : i32 to index
        %swap3A_329 = arith.constant 32 : index
        %swap3A_330 = tpu.vector_load %arg10[%swap3A_328, %swap3A_329] {strides = array<i32>} : memref<128x128xf32, #tpu.memory_space<vmem>>, vector<16xf32>,
        tpu.vector_store %arg10[%swap3A_328, %swap3A_329], %mul3A_327 {strides = array<i32>} : memref<128x128xf32, #tpu.memory_space<vmem>>, vector<16xf32>,
        %get3A_331 = arith.index_cast %add3A_309 : i32 to index
        %get3A_332 = arith.constant 48 : index
        %get3A_333 = tpu.vector_load %arg10[%get3A_331, %get3A_332] {strides = array<i32>} : memref<128x128xf32, #tpu.memory_space<vmem>>, vector<16xf32>,
        %mul3A_334 = arith.mulf %get3A_333, %broadcast_in_dim3A_305 : vector<16xf32>
        %swap3A_335 = arith.index_cast %add3A_309 : i32 to index
        %swap3A_336 = arith.constant 48 : index
        %swap3A_337 = tpu.vector_load %arg10[%swap3A_335, %swap3A_336] {strides = array<i32>} : memref<128x128xf32, #tpu.memory_space<vmem>>, vector<16xf32>,
        tpu.vector_store %arg10[%swap3A_335, %swap3A_336], %mul3A_334 {strides = array<i32>} : memref<128x128xf32, #tpu.memory_space<vmem>>, vector<16xf32>,
        %get3A_338 = arith.index_cast %add3A_309 : i32 to index
        %get3A_339 = arith.constant 64 : index
        %get3A_340 = tpu.vector_load %arg10[%get3A_338, %get3A_339] {strides = array<i32>} : memref<128x128xf32, #tpu.memory_space<vmem>>, vector<16xf32>,
        %mul3A_341 = arith.mulf %get3A_340, %broadcast_in_dim3A_305 : vector<16xf32>
        %swap3A_342 = arith.index_cast %add3A_309 : i32 to index
        %swap3A_343 = arith.constant 64 : index
        %swap3A_344 = tpu.vector_load %arg10[%swap3A_342, %swap3A_343] {strides = array<i32>} : memref<128x128xf32, #tpu.memory_space<vmem>>, vector<16xf32>,
        tpu.vector_store %arg10[%swap3A_342, %swap3A_343], %mul3A_341 {strides = array<i32>} : memref<128x128xf32, #tpu.memory_space<vmem>>, vector<16xf32>,
        %get3A_345 = arith.index_cast %add3A_309 : i32 to index
        %get3A_346 = arith.constant 80 : index
        %get3A_347 = tpu.vector_load %arg10[%get3A_345, %get3A_346] {strides = array<i32>} : memref<128x128xf32, #tpu.memory_space<vmem>>, vector<16xf32>,
        %mul3A_348 = arith.mulf %get3A_347, %broadcast_in_dim3A_305 : vector<16xf32>
        %swap3A_349 = arith.index_cast %add3A_309 : i32 to index
        %swap3A_350 = arith.constant 80 : index
        %swap3A_351 = tpu.vector_load %arg10[%swap3A_349, %swap3A_350] {strides = array<i32>} : memref<128x128xf32, #tpu.memory_space<vmem>>, vector<16xf32>,
        tpu.vector_store %arg10[%swap3A_349, %swap3A_350], %mul3A_348 {strides = array<i32>} : memref<128x128xf32, #tpu.memory_space<vmem>>, vector<16xf32>,
        %get3A_352 = arith.index_cast %add3A_309 : i32 to index
        %get3A_353 = arith.constant 96 : index
        %get3A_354 = tpu.vector_load %arg10[%get3A_352, %get3A_353] {strides = array<i32>} : memref<128x128xf32, #tpu.memory_space<vmem>>, vector<16xf32>,
        %mul3A_355 = arith.mulf %get3A_354, %broadcast_in_dim3A_305 : vector<16xf32>
        %swap3A_356 = arith.index_cast %add3A_309 : i32 to index
        %swap3A_357 = arith.constant 96 : index
        %swap3A_358 = tpu.vector_load %arg10[%swap3A_356, %swap3A_357] {strides = array<i32>} : memref<128x128xf32, #tpu.memory_space<vmem>>, vector<16xf32>,
        tpu.vector_store %arg10[%swap3A_356, %swap3A_357], %mul3A_355 {strides = array<i32>} : memref<128x128xf32, #tpu.memory_space<vmem>>, vector<16xf32>,
        %get3A_359 = arith.index_cast %add3A_309 : i32 to index
        %get3A_360 = arith.constant 112 : index
        %get3A_361 = tpu.vector_load %arg10[%get3A_359, %get3A_360] {strides = array<i32>} : memref<128x128xf32, #tpu.memory_space<vmem>>, vector<16xf32>,
        %mul3A_362 = arith.mulf %get3A_361, %broadcast_in_dim3A_305 : vector<16xf32>
        %swap3A_363 = arith.index_cast %add3A_309 : i32 to index
        %swap3A_364 = arith.constant 112 : index
        %swap3A_365 = tpu.vector_load %arg10[%swap3A_363, %swap3A_364] {strides = array<i32>} : memref<128x128xf32, #tpu.memory_space<vmem>>, vector<16xf32>,
        tpu.vector_store %arg10[%swap3A_363, %swap3A_364], %mul3A_362 {strides = array<i32>} : memref<128x128xf32, #tpu.memory_space<vmem>>, vector<16xf32>,
        %slice3A_366 = vector.extract_strided_slice %get3A_54 {offsets = [5], sizes = [1], strides = [1]} : vector<16xf32> to vector<1xf32>
        %squeeze3A_367 = vector.extract %slice3A_366[0] : f32 from vector<1xf32>
        %broadcast_in_dim3A_368 = vector.broadcast %squeeze3A_367 : f32 to vector<16xf32>
        %mul3A_369 = arith.constant 16 : i32
        %mul3A_370 = arith.muli %scan3A_49, %mul3A_369 : i32
        %add3A_371 = arith.constant 5 : i32
        %add3A_372 = arith.addi %mul3A_370, %add3A_371 : i32
        %get3A_373 = arith.index_cast %add3A_372 : i32 to index
        %get3A_374 = arith.constant 0 : index
        %get3A_375 = tpu.vector_load %arg10[%get3A_373, %get3A_374] {strides = array<i32>} : memref<128x128xf32, #tpu.memory_space<vmem>>, vector<16xf32>,
        %mul3A_376 = arith.mulf %get3A_375, %broadcast_in_dim3A_368 : vector<16xf32>
        %swap3A_377 = arith.index_cast %add3A_372 : i32 to index
        %swap3A_378 = arith.constant 0 : index
        %swap3A_379 = tpu.vector_load %arg10[%swap3A_377, %swap3A_378] {strides = array<i32>} : memref<128x128xf32, #tpu.memory_space<vmem>>, vector<16xf32>,
        tpu.vector_store %arg10[%swap3A_377, %swap3A_378], %mul3A_376 {strides = array<i32>} : memref<128x128xf32, #tpu.memory_space<vmem>>, vector<16xf32>,
        %get3A_380 = arith.index_cast %add3A_372 : i32 to index
        %get3A_381 = arith.constant 16 : index
        %get3A_382 = tpu.vector_load %arg10[%get3A_380, %get3A_381] {strides = array<i32>} : memref<128x128xf32, #tpu.memory_space<vmem>>, vector<16xf32>,
        %mul3A_383 = arith.mulf %get3A_382, %broadcast_in_dim3A_368 : vector<16xf32>
        %swap3A_384 = arith.index_cast %add3A_372 : i32 to index
        %swap3A_385 = arith.constant 16 : index
        %swap3A_386 = tpu.vector_load %arg10[%swap3A_384, %swap3A_385] {strides = array<i32>} : memref<128x128xf32, #tpu.memory_space<vmem>>, vector<16xf32>,
        tpu.vector_store %arg10[%swap3A_384, %swap3A_385], %mul3A_383 {strides = array<i32>} : memref<128x128xf32, #tpu.memory_space<vmem>>, vector<16xf32>,
        %get3A_387 = arith.index_cast %add3A_372 : i32 to index
        %get3A_388 = arith.constant 32 : index
        %get3A_389 = tpu.vector_load %arg10[%get3A_387, %get3A_388] {strides = array<i32>} : memref<128x128xf32, #tpu.memory_space<vmem>>, vector<16xf32>,
        %mul3A_390 = arith.mulf %get3A_389, %broadcast_in_dim3A_368 : vector<16xf32>
        %swap3A_391 = arith.index_cast %add3A_372 : i32 to index
        %swap3A_392 = arith.constant 32 : index
        %swap3A_393 = tpu.vector_load %arg10[%swap3A_391, %swap3A_392] {strides = array<i32>} : memref<128x128xf32, #tpu.memory_space<vmem>>, vector<16xf32>,
        tpu.vector_store %arg10[%swap3A_391, %swap3A_392], %mul3A_390 {strides = array<i32>} : memref<128x128xf32, #tpu.memory_space<vmem>>, vector<16xf32>,
        %get3A_394 = arith.index_cast %add3A_372 : i32 to index
        %get3A_395 = arith.constant 48 : index
        %get3A_396 = tpu.vector_load %arg10[%get3A_394, %get3A_395] {strides = array<i32>} : memref<128x128xf32, #tpu.memory_space<vmem>>, vector<16xf32>,
        %mul3A_397 = arith.mulf %get3A_396, %broadcast_in_dim3A_368 : vector<16xf32>
        %swap3A_398 = arith.index_cast %add3A_372 : i32 to index
        %swap3A_399 = arith.constant 48 : index
        %swap3A_400 = tpu.vector_load %arg10[%swap3A_398, %swap3A_399] {strides = array<i32>} : memref<128x128xf32, #tpu.memory_space<vmem>>, vector<16xf32>,
        tpu.vector_store %arg10[%swap3A_398, %swap3A_399], %mul3A_397 {strides = array<i32>} : memref<128x128xf32, #tpu.memory_space<vmem>>, vector<16xf32>,
        %get3A_401 = arith.index_cast %add3A_372 : i32 to index
        %get3A_402 = arith.constant 64 : index
        %get3A_403 = tpu.vector_load %arg10[%get3A_401, %get3A_402] {strides = array<i32>} : memref<128x128xf32, #tpu.memory_space<vmem>>, vector<16xf32>,
        %mul3A_404 = arith.mulf %get3A_403, %broadcast_in_dim3A_368 : vector<16xf32>
        %swap3A_405 = arith.index_cast %add3A_372 : i32 to index
        %swap3A_406 = arith.constant 64 : index
        %swap3A_407 = tpu.vector_load %arg10[%swap3A_405, %swap3A_406] {strides = array<i32>} : memref<128x128xf32, #tpu.memory_space<vmem>>, vector<16xf32>,
        tpu.vector_store %arg10[%swap3A_405, %swap3A_406], %mul3A_404 {strides = array<i32>} : memref<128x128xf32, #tpu.memory_space<vmem>>, vector<16xf32>,
        %get3A_408 = arith.index_cast %add3A_372 : i32 to index
        %get3A_409 = arith.constant 80 : index
        %get3A_410 = tpu.vector_load %arg10[%get3A_408, %get3A_409] {strides = array<i32>} : memref<128x128xf32, #tpu.memory_space<vmem>>, vector<16xf32>,
        %mul3A_411 = arith.mulf %get3A_410, %broadcast_in_dim3A_368 : vector<16xf32>
        %swap3A_412 = arith.index_cast %add3A_372 : i32 to index
        %swap3A_413 = arith.constant 80 : index
        %swap3A_414 = tpu.vector_load %arg10[%swap3A_412, %swap3A_413] {strides = array<i32>} : memref<128x128xf32, #tpu.memory_space<vmem>>, vector<16xf32>,
        tpu.vector_store %arg10[%swap3A_412, %swap3A_413], %mul3A_411 {strides = array<i32>} : memref<128x128xf32, #tpu.memory_space<vmem>>, vector<16xf32>,
        %get3A_415 = arith.index_cast %add3A_372 : i32 to index
        %get3A_416 = arith.constant 96 : index
        %get3A_417 = tpu.vector_load %arg10[%get3A_415, %get3A_416] {strides = array<i32>} : memref<128x128xf32, #tpu.memory_space<vmem>>, vector<16xf32>,
        %mul3A_418 = arith.mulf %get3A_417, %broadcast_in_dim3A_368 : vector<16xf32>
        %swap3A_419 = arith.index_cast %add3A_372 : i32 to index
        %swap3A_420 = arith.constant 96 : index
        %swap3A_421 = tpu.vector_load %arg10[%swap3A_419, %swap3A_420] {strides = array<i32>} : memref<128x128xf32, #tpu.memory_space<vmem>>, vector<16xf32>,
        tpu.vector_store %arg10[%swap3A_419, %swap3A_420], %mul3A_418 {strides = array<i32>} : memref<128x128xf32, #tpu.memory_space<vmem>>, vector<16xf32>,
        %get3A_422 = arith.index_cast %add3A_372 : i32 to index
        %get3A_423 = arith.constant 112 : index
        %get3A_424 = tpu.vector_load %arg10[%get3A_422, %get3A_423] {strides = array<i32>} : memref<128x128xf32, #tpu.memory_space<vmem>>, vector<16xf32>,
        %mul3A_425 = arith.mulf %get3A_424, %broadcast_in_dim3A_368 : vector<16xf32>
        %swap3A_426 = arith.index_cast %add3A_372 : i32 to index
        %swap3A_427 = arith.constant 112 : index
        %swap3A_428 = tpu.vector_load %arg10[%swap3A_426, %swap3A_427] {strides = array<i32>} : memref<128x128xf32, #tpu.memory_space<vmem>>, vector<16xf32>,
        tpu.vector_store %arg10[%swap3A_426, %swap3A_427], %mul3A_425 {strides = array<i32>} : memref<128x128xf32, #tpu.memory_space<vmem>>, vector<16xf32>,
        %slice3A_429 = vector.extract_strided_slice %get3A_54 {offsets = [6], sizes = [1], strides = [1]} : vector<16xf32> to vector<1xf32>
        %squeeze3A_430 = vector.extract %slice3A_429[0] : f32 from vector<1xf32>
        %broadcast_in_dim3A_431 = vector.broadcast %squeeze3A_430 : f32 to vector<16xf32>
        %mul3A_432 = arith.constant 16 : i32
        %mul3A_433 = arith.muli %scan3A_49, %mul3A_432 : i32
        %add3A_434 = arith.constant 6 : i32
        %add3A_435 = arith.addi %mul3A_433, %add3A_434 : i32
        %get3A_436 = arith.index_cast %add3A_435 : i32 to index
        %get3A_437 = arith.constant 0 : index
        %get3A_438 = tpu.vector_load %arg10[%get3A_436, %get3A_437] {strides = array<i32>} : memref<128x128xf32, #tpu.memory_space<vmem>>, vector<16xf32>,
        %mul3A_439 = arith.mulf %get3A_438, %broadcast_in_dim3A_431 : vector<16xf32>
        %swap3A_440 = arith.index_cast %add3A_435 : i32 to index
        %swap3A_441 = arith.constant 0 : index
        %swap3A_442 = tpu.vector_load %arg10[%swap3A_440, %swap3A_441] {strides = array<i32>} : memref<128x128xf32, #tpu.memory_space<vmem>>, vector<16xf32>,
        tpu.vector_store %arg10[%swap3A_440, %swap3A_441], %mul3A_439 {strides = array<i32>} : memref<128x128xf32, #tpu.memory_space<vmem>>, vector<16xf32>,
        %get3A_443 = arith.index_cast %add3A_435 : i32 to index
        %get3A_444 = arith.constant 16 : index
        %get3A_445 = tpu.vector_load %arg10[%get3A_443, %get3A_444] {strides = array<i32>} : memref<128x128xf32, #tpu.memory_space<vmem>>, vector<16xf32>,
        %mul3A_446 = arith.mulf %get3A_445, %broadcast_in_dim3A_431 : vector<16xf32>
        %swap3A_447 = arith.index_cast %add3A_435 : i32 to index
        %swap3A_448 = arith.constant 16 : index
        %swap3A_449 = tpu.vector_load %arg10[%swap3A_447, %swap3A_448] {strides = array<i32>} : memref<128x128xf32, #tpu.memory_space<vmem>>, vector<16xf32>,
        tpu.vector_store %arg10[%swap3A_447, %swap3A_448], %mul3A_446 {strides = array<i32>} : memref<128x128xf32, #tpu.memory_space<vmem>>, vector<16xf32>,
        %get3A_450 = arith.index_cast %add3A_435 : i32 to index
        %get3A_451 = arith.constant 32 : index
        %get3A_452 = tpu.vector_load %arg10[%get3A_450, %get3A_451] {strides = array<i32>} : memref<128x128xf32, #tpu.memory_space<vmem>>, vector<16xf32>,
        %mul3A_453 = arith.mulf %get3A_452, %broadcast_in_dim3A_431 : vector<16xf32>
        %swap3A_454 = arith.index_cast %add3A_435 : i32 to index
        %swap3A_455 = arith.constant 32 : index
        %swap3A_456 = tpu.vector_load %arg10[%swap3A_454, %swap3A_455] {strides = array<i32>} : memref<128x128xf32, #tpu.memory_space<vmem>>, vector<16xf32>,
        tpu.vector_store %arg10[%swap3A_454, %swap3A_455], %mul3A_453 {strides = array<i32>} : memref<128x128xf32, #tpu.memory_space<vmem>>, vector<16xf32>,
        %get3A_457 = arith.index_cast %add3A_435 : i32 to index
        %get3A_458 = arith.constant 48 : index
        %get3A_459 = tpu.vector_load %arg10[%get3A_457, %get3A_458] {strides = array<i32>} : memref<128x128xf32, #tpu.memory_space<vmem>>, vector<16xf32>,
        %mul3A_460 = arith.mulf %get3A_459, %broadcast_in_dim3A_431 : vector<16xf32>
        %swap3A_461 = arith.index_cast %add3A_435 : i32 to index
        %swap3A_462 = arith.constant 48 : index
        %swap3A_463 = tpu.vector_load %arg10[%swap3A_461, %swap3A_462] {strides = array<i32>} : memref<128x128xf32, #tpu.memory_space<vmem>>, vector<16xf32>,
        tpu.vector_store %arg10[%swap3A_461, %swap3A_462], %mul3A_460 {strides = array<i32>} : memref<128x128xf32, #tpu.memory_space<vmem>>, vector<16xf32>,
        %get3A_464 = arith.index_cast %add3A_435 : i32 to index
        %get3A_465 = arith.constant 64 : index
        %get3A_466 = tpu.vector_load %arg10[%get3A_464, %get3A_465] {strides = array<i32>} : memref<128x128xf32, #tpu.memory_space<vmem>>, vector<16xf32>,
        %mul3A_467 = arith.mulf %get3A_466, %broadcast_in_dim3A_431 : vector<16xf32>
        %swap3A_468 = arith.index_cast %add3A_435 : i32 to index
        %swap3A_469 = arith.constant 64 : index
        %swap3A_470 = tpu.vector_load %arg10[%swap3A_468, %swap3A_469] {strides = array<i32>} : memref<128x128xf32, #tpu.memory_space<vmem>>, vector<16xf32>,
        tpu.vector_store %arg10[%swap3A_468, %swap3A_469], %mul3A_467 {strides = array<i32>} : memref<128x128xf32, #tpu.memory_space<vmem>>, vector<16xf32>,
        %get3A_471 = arith.index_cast %add3A_435 : i32 to index
        %get3A_472 = arith.constant 80 : index
        %get3A_473 = tpu.vector_load %arg10[%get3A_471, %get3A_472] {strides = array<i32>} : memref<128x128xf32, #tpu.memory_space<vmem>>, vector<16xf32>,
        %mul3A_474 = arith.mulf %get3A_473, %broadcast_in_dim3A_431 : vector<16xf32>
        %swap3A_475 = arith.index_cast %add3A_435 : i32 to index
        %swap3A_476 = arith.constant 80 : index
        %swap3A_477 = tpu.vector_load %arg10[%swap3A_475, %swap3A_476] {strides = array<i32>} : memref<128x128xf32, #tpu.memory_space<vmem>>, vector<16xf32>,
        tpu.vector_store %arg10[%swap3A_475, %swap3A_476], %mul3A_474 {strides = array<i32>} : memref<128x128xf32, #tpu.memory_space<vmem>>, vector<16xf32>,
        %get3A_478 = arith.index_cast %add3A_435 : i32 to index
        %get3A_479 = arith.constant 96 : index
        %get3A_480 = tpu.vector_load %arg10[%get3A_478, %get3A_479] {strides = array<i32>} : memref<128x128xf32, #tpu.memory_space<vmem>>, vector<16xf32>,
        %mul3A_481 = arith.mulf %get3A_480, %broadcast_in_dim3A_431 : vector<16xf32>
        %swap3A_482 = arith.index_cast %add3A_435 : i32 to index
        %swap3A_483 = arith.constant 96 : index
        %swap3A_484 = tpu.vector_load %arg10[%swap3A_482, %swap3A_483] {strides = array<i32>} : memref<128x128xf32, #tpu.memory_space<vmem>>, vector<16xf32>,
        tpu.vector_store %arg10[%swap3A_482, %swap3A_483], %mul3A_481 {strides = array<i32>} : memref<128x128xf32, #tpu.memory_space<vmem>>, vector<16xf32>,
        %get3A_485 = arith.index_cast %add3A_435 : i32 to index
        %get3A_486 = arith.constant 112 : index
        %get3A_487 = tpu.vector_load %arg10[%get3A_485, %get3A_486] {strides = array<i32>} : memref<128x128xf32, #tpu.memory_space<vmem>>, vector<16xf32>,
        %mul3A_488 = arith.mulf %get3A_487, %broadcast_in_dim3A_431 : vector<16xf32>
        %swap3A_489 = arith.index_cast %add3A_435 : i32 to index
        %swap3A_490 = arith.constant 112 : index
        %swap3A_491 = tpu.vector_load %arg10[%swap3A_489, %swap3A_490] {strides = array<i32>} : memref<128x128xf32, #tpu.memory_space<vmem>>, vector<16xf32>,
        tpu.vector_store %arg10[%swap3A_489, %swap3A_490], %mul3A_488 {strides = array<i32>} : memref<128x128xf32, #tpu.memory_space<vmem>>, vector<16xf32>,
        %slice3A_492 = vector.extract_strided_slice %get3A_54 {offsets = [7], sizes = [1], strides = [1]} : vector<16xf32> to vector<1xf32>
        %squeeze3A_493 = vector.extract %slice3A_492[0] : f32 from vector<1xf32>
        %broadcast_in_dim3A_494 = vector.broadcast %squeeze3A_493 : f32 to vector<16xf32>
        %mul3A_495 = arith.constant 16 : i32
        %mul3A_496 = arith.muli %scan3A_49, %mul3A_495 : i32
        %add3A_497 = arith.constant 7 : i32
        %add3A_498 = arith.addi %mul3A_496, %add3A_497 : i32
        %get3A_499 = arith.index_cast %add3A_498 : i32 to index
        %get3A_500 = arith.constant 0 : index
        %get3A_501 = tpu.vector_load %arg10[%get3A_499, %get3A_500] {strides = array<i32>} : memref<128x128xf32, #tpu.memory_space<vmem>>, vector<16xf32>,
        %mul3A_502 = arith.mulf %get3A_501, %broadcast_in_dim3A_494 : vector<16xf32>
        %swap3A_503 = arith.index_cast %add3A_498 : i32 to index
        %swap3A_504 = arith.constant 0 : index
        %swap3A_505 = tpu.vector_load %arg10[%swap3A_503, %swap3A_504] {strides = array<i32>} : memref<128x128xf32, #tpu.memory_space<vmem>>, vector<16xf32>,
        tpu.vector_store %arg10[%swap3A_503, %swap3A_504], %mul3A_502 {strides = array<i32>} : memref<128x128xf32, #tpu.memory_space<vmem>>, vector<16xf32>,
        %get3A_506 = arith.index_cast %add3A_498 : i32 to index
        %get3A_507 = arith.constant 16 : index
        %get3A_508 = tpu.vector_load %arg10[%get3A_506, %get3A_507] {strides = array<i32>} : memref<128x128xf32, #tpu.memory_space<vmem>>, vector<16xf32>,
        %mul3A_509 = arith.mulf %get3A_508, %broadcast_in_dim3A_494 : vector<16xf32>
        %swap3A_510 = arith.index_cast %add3A_498 : i32 to index
        %swap3A_511 = arith.constant 16 : index
        %swap3A_512 = tpu.vector_load %arg10[%swap3A_510, %swap3A_511] {strides = array<i32>} : memref<128x128xf32, #tpu.memory_space<vmem>>, vector<16xf32>,
        tpu.vector_store %arg10[%swap3A_510, %swap3A_511], %mul3A_509 {strides = array<i32>} : memref<128x128xf32, #tpu.memory_space<vmem>>, vector<16xf32>,
        %get3A_513 = arith.index_cast %add3A_498 : i32 to index
        %get3A_514 = arith.constant 32 : index
        %get3A_515 = tpu.vector_load %arg10[%get3A_513, %get3A_514] {strides = array<i32>} : memref<128x128xf32, #tpu.memory_space<vmem>>, vector<16xf32>,
        %mul3A_516 = arith.mulf %get3A_515, %broadcast_in_dim3A_494 : vector<16xf32>
        %swap3A_517 = arith.index_cast %add3A_498 : i32 to index
        %swap3A_518 = arith.constant 32 : index
        %swap3A_519 = tpu.vector_load %arg10[%swap3A_517, %swap3A_518] {strides = array<i32>} : memref<128x128xf32, #tpu.memory_space<vmem>>, vector<16xf32>,
        tpu.vector_store %arg10[%swap3A_517, %swap3A_518], %mul3A_516 {strides = array<i32>} : memref<128x128xf32, #tpu.memory_space<vmem>>, vector<16xf32>,
        %get3A_520 = arith.index_cast %add3A_498 : i32 to index
        %get3A_521 = arith.constant 48 : index
        %get3A_522 = tpu.vector_load %arg10[%get3A_520, %get3A_521] {strides = array<i32>} : memref<128x128xf32, #tpu.memory_space<vmem>>, vector<16xf32>,
        %mul3A_523 = arith.mulf %get3A_522, %broadcast_in_dim3A_494 : vector<16xf32>
        %swap3A_524 = arith.index_cast %add3A_498 : i32 to index
        %swap3A_525 = arith.constant 48 : index
        %swap3A_526 = tpu.vector_load %arg10[%swap3A_524, %swap3A_525] {strides = array<i32>} : memref<128x128xf32, #tpu.memory_space<vmem>>, vector<16xf32>,
        tpu.vector_store %arg10[%swap3A_524, %swap3A_525], %mul3A_523 {strides = array<i32>} : memref<128x128xf32, #tpu.memory_space<vmem>>, vector<16xf32>,
        %get3A_527 = arith.index_cast %add3A_498 : i32 to index
        %get3A_528 = arith.constant 64 : index
        %get3A_529 = tpu.vector_load %arg10[%get3A_527, %get3A_528] {strides = array<i32>} : memref<128x128xf32, #tpu.memory_space<vmem>>, vector<16xf32>,
        %mul3A_530 = arith.mulf %get3A_529, %broadcast_in_dim3A_494 : vector<16xf32>
        %swap3A_531 = arith.index_cast %add3A_498 : i32 to index
        %swap3A_532 = arith.constant 64 : index
        %swap3A_533 = tpu.vector_load %arg10[%swap3A_531, %swap3A_532] {strides = array<i32>} : memref<128x128xf32, #tpu.memory_space<vmem>>, vector<16xf32>,
        tpu.vector_store %arg10[%swap3A_531, %swap3A_532], %mul3A_530 {strides = array<i32>} : memref<128x128xf32, #tpu.memory_space<vmem>>, vector<16xf32>,
        %get3A_534 = arith.index_cast %add3A_498 : i32 to index
        %get3A_535 = arith.constant 80 : index
        %get3A_536 = tpu.vector_load %arg10[%get3A_534, %get3A_535] {strides = array<i32>} : memref<128x128xf32, #tpu.memory_space<vmem>>, vector<16xf32>,
        %mul3A_537 = arith.mulf %get3A_536, %broadcast_in_dim3A_494 : vector<16xf32>
        %swap3A_538 = arith.index_cast %add3A_498 : i32 to index
        %swap3A_539 = arith.constant 80 : index
        %swap3A_540 = tpu.vector_load %arg10[%swap3A_538, %swap3A_539] {strides = array<i32>} : memref<128x128xf32, #tpu.memory_space<vmem>>, vector<16xf32>,
        tpu.vector_store %arg10[%swap3A_538, %swap3A_539], %mul3A_537 {strides = array<i32>} : memref<128x128xf32, #tpu.memory_space<vmem>>, vector<16xf32>,
        %get3A_541 = arith.index_cast %add3A_498 : i32 to index
        %get3A_542 = arith.constant 96 : index
        %get3A_543 = tpu.vector_load %arg10[%get3A_541, %get3A_542] {strides = array<i32>} : memref<128x128xf32, #tpu.memory_space<vmem>>, vector<16xf32>,
        %mul3A_544 = arith.mulf %get3A_543, %broadcast_in_dim3A_494 : vector<16xf32>
        %swap3A_545 = arith.index_cast %add3A_498 : i32 to index
        %swap3A_546 = arith.constant 96 : index
        %swap3A_547 = tpu.vector_load %arg10[%swap3A_545, %swap3A_546] {strides = array<i32>} : memref<128x128xf32, #tpu.memory_space<vmem>>, vector<16xf32>,
        tpu.vector_store %arg10[%swap3A_545, %swap3A_546], %mul3A_544 {strides = array<i32>} : memref<128x128xf32, #tpu.memory_space<vmem>>, vector<16xf32>,
        %get3A_548 = arith.index_cast %add3A_498 : i32 to index
        %get3A_549 = arith.constant 112 : index
        %get3A_550 = tpu.vector_load %arg10[%get3A_548, %get3A_549] {strides = array<i32>} : memref<128x128xf32, #tpu.memory_space<vmem>>, vector<16xf32>,
        %mul3A_551 = arith.mulf %get3A_550, %broadcast_in_dim3A_494 : vector<16xf32>
        %swap3A_552 = arith.index_cast %add3A_498 : i32 to index
        %swap3A_553 = arith.constant 112 : index
        %swap3A_554 = tpu.vector_load %arg10[%swap3A_552, %swap3A_553] {strides = array<i32>} : memref<128x128xf32, #tpu.memory_space<vmem>>, vector<16xf32>,
        tpu.vector_store %arg10[%swap3A_552, %swap3A_553], %mul3A_551 {strides = array<i32>} : memref<128x128xf32, #tpu.memory_space<vmem>>, vector<16xf32>,
        %slice3A_555 = vector.extract_strided_slice %get3A_54 {offsets = [8], sizes = [1], strides = [1]} : vector<16xf32> to vector<1xf32>
        %squeeze3A_556 = vector.extract %slice3A_555[0] : f32 from vector<1xf32>
        %broadcast_in_dim3A_557 = vector.broadcast %squeeze3A_556 : f32 to vector<16xf32>
        %mul3A_558 = arith.constant 16 : i32
        %mul3A_559 = arith.muli %scan3A_49, %mul3A_558 : i32
        %add3A_560 = arith.constant 8 : i32
        %add3A_561 = arith.addi %mul3A_559, %add3A_560 : i32
        %get3A_562 = arith.index_cast %add3A_561 : i32 to index
        %get3A_563 = arith.constant 0 : index
        %get3A_564 = tpu.vector_load %arg10[%get3A_562, %get3A_563] {strides = array<i32>} : memref<128x128xf32, #tpu.memory_space<vmem>>, vector<16xf32>,
        %mul3A_565 = arith.mulf %get3A_564, %broadcast_in_dim3A_557 : vector<16xf32>
        %swap3A_566 = arith.index_cast %add3A_561 : i32 to index
        %swap3A_567 = arith.constant 0 : index
        %swap3A_568 = tpu.vector_load %arg10[%swap3A_566, %swap3A_567] {strides = array<i32>} : memref<128x128xf32, #tpu.memory_space<vmem>>, vector<16xf32>,
        tpu.vector_store %arg10[%swap3A_566, %swap3A_567], %mul3A_565 {strides = array<i32>} : memref<128x128xf32, #tpu.memory_space<vmem>>, vector<16xf32>,
        %get3A_569 = arith.index_cast %add3A_561 : i32 to index
        %get3A_570 = arith.constant 16 : index
        %get3A_571 = tpu.vector_load %arg10[%get3A_569, %get3A_570] {strides = array<i32>} : memref<128x128xf32, #tpu.memory_space<vmem>>, vector<16xf32>,
        %mul3A_572 = arith.mulf %get3A_571, %broadcast_in_dim3A_557 : vector<16xf32>
        %swap3A_573 = arith.index_cast %add3A_561 : i32 to index
        %swap3A_574 = arith.constant 16 : index
        %swap3A_575 = tpu.vector_load %arg10[%swap3A_573, %swap3A_574] {strides = array<i32>} : memref<128x128xf32, #tpu.memory_space<vmem>>, vector<16xf32>,
        tpu.vector_store %arg10[%swap3A_573, %swap3A_574], %mul3A_572 {strides = array<i32>} : memref<128x128xf32, #tpu.memory_space<vmem>>, vector<16xf32>,
        %get3A_576 = arith.index_cast %add3A_561 : i32 to index
        %get3A_577 = arith.constant 32 : index
        %get3A_578 = tpu.vector_load %arg10[%get3A_576, %get3A_577] {strides = array<i32>} : memref<128x128xf32, #tpu.memory_space<vmem>>, vector<16xf32>,
        %mul3A_579 = arith.mulf %get3A_578, %broadcast_in_dim3A_557 : vector<16xf32>
        %swap3A_580 = arith.index_cast %add3A_561 : i32 to index
        %swap3A_581 = arith.constant 32 : index
        %swap3A_582 = tpu.vector_load %arg10[%swap3A_580, %swap3A_581] {strides = array<i32>} : memref<128x128xf32, #tpu.memory_space<vmem>>, vector<16xf32>,
        tpu.vector_store %arg10[%swap3A_580, %swap3A_581], %mul3A_579 {strides = array<i32>} : memref<128x128xf32, #tpu.memory_space<vmem>>, vector<16xf32>,
        %get3A_583 = arith.index_cast %add3A_561 : i32 to index
        %get3A_584 = arith.constant 48 : index
        %get3A_585 = tpu.vector_load %arg10[%get3A_583, %get3A_584] {strides = array<i32>} : memref<128x128xf32, #tpu.memory_space<vmem>>, vector<16xf32>,
        %mul3A_586 = arith.mulf %get3A_585, %broadcast_in_dim3A_557 : vector<16xf32>
        %swap3A_587 = arith.index_cast %add3A_561 : i32 to index
        %swap3A_588 = arith.constant 48 : index
        %swap3A_589 = tpu.vector_load %arg10[%swap3A_587, %swap3A_588] {strides = array<i32>} : memref<128x128xf32, #tpu.memory_space<vmem>>, vector<16xf32>,
        tpu.vector_store %arg10[%swap3A_587, %swap3A_588], %mul3A_586 {strides = array<i32>} : memref<128x128xf32, #tpu.memory_space<vmem>>, vector<16xf32>,
        %get3A_590 = arith.index_cast %add3A_561 : i32 to index
        %get3A_591 = arith.constant 64 : index
        %get3A_592 = tpu.vector_load %arg10[%get3A_590, %get3A_591] {strides = array<i32>} : memref<128x128xf32, #tpu.memory_space<vmem>>, vector<16xf32>,
        %mul3A_593 = arith.mulf %get3A_592, %broadcast_in_dim3A_557 : vector<16xf32>
        %swap3A_594 = arith.index_cast %add3A_561 : i32 to index
        %swap3A_595 = arith.constant 64 : index
        %swap3A_596 = tpu.vector_load %arg10[%swap3A_594, %swap3A_595] {strides = array<i32>} : memref<128x128xf32, #tpu.memory_space<vmem>>, vector<16xf32>,
        tpu.vector_store %arg10[%swap3A_594, %swap3A_595], %mul3A_593 {strides = array<i32>} : memref<128x128xf32, #tpu.memory_space<vmem>>, vector<16xf32>,
        %get3A_597 = arith.index_cast %add3A_561 : i32 to index
        %get3A_598 = arith.constant 80 : index
        %get3A_599 = tpu.vector_load %arg10[%get3A_597, %get3A_598] {strides = array<i32>} : memref<128x128xf32, #tpu.memory_space<vmem>>, vector<16xf32>,
        %mul3A_600 = arith.mulf %get3A_599, %broadcast_in_dim3A_557 : vector<16xf32>
        %swap3A_601 = arith.index_cast %add3A_561 : i32 to index
        %swap3A_602 = arith.constant 80 : index
        %swap3A_603 = tpu.vector_load %arg10[%swap3A_601, %swap3A_602] {strides = array<i32>} : memref<128x128xf32, #tpu.memory_space<vmem>>, vector<16xf32>,
        tpu.vector_store %arg10[%swap3A_601, %swap3A_602], %mul3A_600 {strides = array<i32>} : memref<128x128xf32, #tpu.memory_space<vmem>>, vector<16xf32>,
        %get3A_604 = arith.index_cast %add3A_561 : i32 to index
        %get3A_605 = arith.constant 96 : index
        %get3A_606 = tpu.vector_load %arg10[%get3A_604, %get3A_605] {strides = array<i32>} : memref<128x128xf32, #tpu.memory_space<vmem>>, vector<16xf32>,
        %mul3A_607 = arith.mulf %get3A_606, %broadcast_in_dim3A_557 : vector<16xf32>
        %swap3A_608 = arith.index_cast %add3A_561 : i32 to index
        %swap3A_609 = arith.constant 96 : index
        %swap3A_610 = tpu.vector_load %arg10[%swap3A_608, %swap3A_609] {strides = array<i32>} : memref<128x128xf32, #tpu.memory_space<vmem>>, vector<16xf32>,
        tpu.vector_store %arg10[%swap3A_608, %swap3A_609], %mul3A_607 {strides = array<i32>} : memref<128x128xf32, #tpu.memory_space<vmem>>, vector<16xf32>,
        %get3A_611 = arith.index_cast %add3A_561 : i32 to index
        %get3A_612 = arith.constant 112 : index
        %get3A_613 = tpu.vector_load %arg10[%get3A_611, %get3A_612] {strides = array<i32>} : memref<128x128xf32, #tpu.memory_space<vmem>>, vector<16xf32>,
        %mul3A_614 = arith.mulf %get3A_613, %broadcast_in_dim3A_557 : vector<16xf32>
        %swap3A_615 = arith.index_cast %add3A_561 : i32 to index
        %swap3A_616 = arith.constant 112 : index
        %swap3A_617 = tpu.vector_load %arg10[%swap3A_615, %swap3A_616] {strides = array<i32>} : memref<128x128xf32, #tpu.memory_space<vmem>>, vector<16xf32>,
        tpu.vector_store %arg10[%swap3A_615, %swap3A_616], %mul3A_614 {strides = array<i32>} : memref<128x128xf32, #tpu.memory_space<vmem>>, vector<16xf32>,
        %slice3A_618 = vector.extract_strided_slice %get3A_54 {offsets = [9], sizes = [1], strides = [1]} : vector<16xf32> to vector<1xf32>
        %squeeze3A_619 = vector.extract %slice3A_618[0] : f32 from vector<1xf32>
        %broadcast_in_dim3A_620 = vector.broadcast %squeeze3A_619 : f32 to vector<16xf32>
        %mul3A_621 = arith.constant 16 : i32
        %mul3A_622 = arith.muli %scan3A_49, %mul3A_621 : i32
        %add3A_623 = arith.constant 9 : i32
        %add3A_624 = arith.addi %mul3A_622, %add3A_623 : i32
        %get3A_625 = arith.index_cast %add3A_624 : i32 to index
        %get3A_626 = arith.constant 0 : index
        %get3A_627 = tpu.vector_load %arg10[%get3A_625, %get3A_626] {strides = array<i32>} : memref<128x128xf32, #tpu.memory_space<vmem>>, vector<16xf32>,
        %mul3A_628 = arith.mulf %get3A_627, %broadcast_in_dim3A_620 : vector<16xf32>
        %swap3A_629 = arith.index_cast %add3A_624 : i32 to index
        %swap3A_630 = arith.constant 0 : index
        %swap3A_631 = tpu.vector_load %arg10[%swap3A_629, %swap3A_630] {strides = array<i32>} : memref<128x128xf32, #tpu.memory_space<vmem>>, vector<16xf32>,
        tpu.vector_store %arg10[%swap3A_629, %swap3A_630], %mul3A_628 {strides = array<i32>} : memref<128x128xf32, #tpu.memory_space<vmem>>, vector<16xf32>,
        %get3A_632 = arith.index_cast %add3A_624 : i32 to index
        %get3A_633 = arith.constant 16 : index
        %get3A_634 = tpu.vector_load %arg10[%get3A_632, %get3A_633] {strides = array<i32>} : memref<128x128xf32, #tpu.memory_space<vmem>>, vector<16xf32>,
        %mul3A_635 = arith.mulf %get3A_634, %broadcast_in_dim3A_620 : vector<16xf32>
        %swap3A_636 = arith.index_cast %add3A_624 : i32 to index
        %swap3A_637 = arith.constant 16 : index
        %swap3A_638 = tpu.vector_load %arg10[%swap3A_636, %swap3A_637] {strides = array<i32>} : memref<128x128xf32, #tpu.memory_space<vmem>>, vector<16xf32>,
        tpu.vector_store %arg10[%swap3A_636, %swap3A_637], %mul3A_635 {strides = array<i32>} : memref<128x128xf32, #tpu.memory_space<vmem>>, vector<16xf32>,
        %get3A_639 = arith.index_cast %add3A_624 : i32 to index
        %get3A_640 = arith.constant 32 : index
        %get3A_641 = tpu.vector_load %arg10[%get3A_639, %get3A_640] {strides = array<i32>} : memref<128x128xf32, #tpu.memory_space<vmem>>, vector<16xf32>,
        %mul3A_642 = arith.mulf %get3A_641, %broadcast_in_dim3A_620 : vector<16xf32>
        %swap3A_643 = arith.index_cast %add3A_624 : i32 to index
        %swap3A_644 = arith.constant 32 : index
        %swap3A_645 = tpu.vector_load %arg10[%swap3A_643, %swap3A_644] {strides = array<i32>} : memref<128x128xf32, #tpu.memory_space<vmem>>, vector<16xf32>,
        tpu.vector_store %arg10[%swap3A_643, %swap3A_644], %mul3A_642 {strides = array<i32>} : memref<128x128xf32, #tpu.memory_space<vmem>>, vector<16xf32>,
        %get3A_646 = arith.index_cast %add3A_624 : i32 to index
        %get3A_647 = arith.constant 48 : index
        %get3A_648 = tpu.vector_load %arg10[%get3A_646, %get3A_647] {strides = array<i32>} : memref<128x128xf32, #tpu.memory_space<vmem>>, vector<16xf32>,
        %mul3A_649 = arith.mulf %get3A_648, %broadcast_in_dim3A_620 : vector<16xf32>
        %swap3A_650 = arith.index_cast %add3A_624 : i32 to index
        %swap3A_651 = arith.constant 48 : index
        %swap3A_652 = tpu.vector_load %arg10[%swap3A_650, %swap3A_651] {strides = array<i32>} : memref<128x128xf32, #tpu.memory_space<vmem>>, vector<16xf32>,
        tpu.vector_store %arg10[%swap3A_650, %swap3A_651], %mul3A_649 {strides = array<i32>} : memref<128x128xf32, #tpu.memory_space<vmem>>, vector<16xf32>,
        %get3A_653 = arith.index_cast %add3A_624 : i32 to index
        %get3A_654 = arith.constant 64 : index
        %get3A_655 = tpu.vector_load %arg10[%get3A_653, %get3A_654] {strides = array<i32>} : memref<128x128xf32, #tpu.memory_space<vmem>>, vector<16xf32>,
        %mul3A_656 = arith.mulf %get3A_655, %broadcast_in_dim3A_620 : vector<16xf32>
        %swap3A_657 = arith.index_cast %add3A_624 : i32 to index
        %swap3A_658 = arith.constant 64 : index
        %swap3A_659 = tpu.vector_load %arg10[%swap3A_657, %swap3A_658] {strides = array<i32>} : memref<128x128xf32, #tpu.memory_space<vmem>>, vector<16xf32>,
        tpu.vector_store %arg10[%swap3A_657, %swap3A_658], %mul3A_656 {strides = array<i32>} : memref<128x128xf32, #tpu.memory_space<vmem>>, vector<16xf32>,
        %get3A_660 = arith.index_cast %add3A_624 : i32 to index
        %get3A_661 = arith.constant 80 : index
        %get3A_662 = tpu.vector_load %arg10[%get3A_660, %get3A_661] {strides = array<i32>} : memref<128x128xf32, #tpu.memory_space<vmem>>, vector<16xf32>,
        %mul3A_663 = arith.mulf %get3A_662, %broadcast_in_dim3A_620 : vector<16xf32>
        %swap3A_664 = arith.index_cast %add3A_624 : i32 to index
        %swap3A_665 = arith.constant 80 : index
        %swap3A_666 = tpu.vector_load %arg10[%swap3A_664, %swap3A_665] {strides = array<i32>} : memref<128x128xf32, #tpu.memory_space<vmem>>, vector<16xf32>,
        tpu.vector_store %arg10[%swap3A_664, %swap3A_665], %mul3A_663 {strides = array<i32>} : memref<128x128xf32, #tpu.memory_space<vmem>>, vector<16xf32>,
        %get3A_667 = arith.index_cast %add3A_624 : i32 to index
        %get3A_668 = arith.constant 96 : index
        %get3A_669 = tpu.vector_load %arg10[%get3A_667, %get3A_668] {strides = array<i32>} : memref<128x128xf32, #tpu.memory_space<vmem>>, vector<16xf32>,
        %mul3A_670 = arith.mulf %get3A_669, %broadcast_in_dim3A_620 : vector<16xf32>
        %swap3A_671 = arith.index_cast %add3A_624 : i32 to index
        %swap3A_672 = arith.constant 96 : index
        %swap3A_673 = tpu.vector_load %arg10[%swap3A_671, %swap3A_672] {strides = array<i32>} : memref<128x128xf32, #tpu.memory_space<vmem>>, vector<16xf32>,
        tpu.vector_store %arg10[%swap3A_671, %swap3A_672], %mul3A_670 {strides = array<i32>} : memref<128x128xf32, #tpu.memory_space<vmem>>, vector<16xf32>,
        %get3A_674 = arith.index_cast %add3A_624 : i32 to index
        %get3A_675 = arith.constant 112 : index
        %get3A_676 = tpu.vector_load %arg10[%get3A_674, %get3A_675] {strides = array<i32>} : memref<128x128xf32, #tpu.memory_space<vmem>>, vector<16xf32>,
        %mul3A_677 = arith.mulf %get3A_676, %broadcast_in_dim3A_620 : vector<16xf32>
        %swap3A_678 = arith.index_cast %add3A_624 : i32 to index
        %swap3A_679 = arith.constant 112 : index
        %swap3A_680 = tpu.vector_load %arg10[%swap3A_678, %swap3A_679] {strides = array<i32>} : memref<128x128xf32, #tpu.memory_space<vmem>>, vector<16xf32>,
        tpu.vector_store %arg10[%swap3A_678, %swap3A_679], %mul3A_677 {strides = array<i32>} : memref<128x128xf32, #tpu.memory_space<vmem>>, vector<16xf32>,
        %slice3A_681 = vector.extract_strided_slice %get3A_54 {offsets = [10], sizes = [1], strides = [1]} : vector<16xf32> to vector<1xf32>
        %squeeze3A_682 = vector.extract %slice3A_681[0] : f32 from vector<1xf32>
        %broadcast_in_dim3A_683 = vector.broadcast %squeeze3A_682 : f32 to vector<16xf32>
        %mul3A_684 = arith.constant 16 : i32
        %mul3A_685 = arith.muli %scan3A_49, %mul3A_684 : i32
        %add3A_686 = arith.constant 10 : i32
        %add3A_687 = arith.addi %mul3A_685, %add3A_686 : i32
        %get3A_688 = arith.index_cast %add3A_687 : i32 to index
        %get3A_689 = arith.constant 0 : index
        %get3A_690 = tpu.vector_load %arg10[%get3A_688, %get3A_689] {strides = array<i32>} : memref<128x128xf32, #tpu.memory_space<vmem>>, vector<16xf32>,
        %mul3A_691 = arith.mulf %get3A_690, %broadcast_in_dim3A_683 : vector<16xf32>
        %swap3A_692 = arith.index_cast %add3A_687 : i32 to index
        %swap3A_693 = arith.constant 0 : index
        %swap3A_694 = tpu.vector_load %arg10[%swap3A_692, %swap3A_693] {strides = array<i32>} : memref<128x128xf32, #tpu.memory_space<vmem>>, vector<16xf32>,
        tpu.vector_store %arg10[%swap3A_692, %swap3A_693], %mul3A_691 {strides = array<i32>} : memref<128x128xf32, #tpu.memory_space<vmem>>, vector<16xf32>,
        %get3A_695 = arith.index_cast %add3A_687 : i32 to index
        %get3A_696 = arith.constant 16 : index
        %get3A_697 = tpu.vector_load %arg10[%get3A_695, %get3A_696] {strides = array<i32>} : memref<128x128xf32, #tpu.memory_space<vmem>>, vector<16xf32>,
        %mul3A_698 = arith.mulf %get3A_697, %broadcast_in_dim3A_683 : vector<16xf32>
        %swap3A_699 = arith.index_cast %add3A_687 : i32 to index
        %swap3A_700 = arith.constant 16 : index
        %swap3A_701 = tpu.vector_load %arg10[%swap3A_699, %swap3A_700] {strides = array<i32>} : memref<128x128xf32, #tpu.memory_space<vmem>>, vector<16xf32>,
        tpu.vector_store %arg10[%swap3A_699, %swap3A_700], %mul3A_698 {strides = array<i32>} : memref<128x128xf32, #tpu.memory_space<vmem>>, vector<16xf32>,
        %get3A_702 = arith.index_cast %add3A_687 : i32 to index
        %get3A_703 = arith.constant 32 : index
        %get3A_704 = tpu.vector_load %arg10[%get3A_702, %get3A_703] {strides = array<i32>} : memref<128x128xf32, #tpu.memory_space<vmem>>, vector<16xf32>,
        %mul3A_705 = arith.mulf %get3A_704, %broadcast_in_dim3A_683 : vector<16xf32>
        %swap3A_706 = arith.index_cast %add3A_687 : i32 to index
        %swap3A_707 = arith.constant 32 : index
        %swap3A_708 = tpu.vector_load %arg10[%swap3A_706, %swap3A_707] {strides = array<i32>} : memref<128x128xf32, #tpu.memory_space<vmem>>, vector<16xf32>,
        tpu.vector_store %arg10[%swap3A_706, %swap3A_707], %mul3A_705 {strides = array<i32>} : memref<128x128xf32, #tpu.memory_space<vmem>>, vector<16xf32>,
        %get3A_709 = arith.index_cast %add3A_687 : i32 to index
        %get3A_710 = arith.constant 48 : index
        %get3A_711 = tpu.vector_load %arg10[%get3A_709, %get3A_710] {strides = array<i32>} : memref<128x128xf32, #tpu.memory_space<vmem>>, vector<16xf32>,
        %mul3A_712 = arith.mulf %get3A_711, %broadcast_in_dim3A_683 : vector<16xf32>
        %swap3A_713 = arith.index_cast %add3A_687 : i32 to index
        %swap3A_714 = arith.constant 48 : index
        %swap3A_715 = tpu.vector_load %arg10[%swap3A_713, %swap3A_714] {strides = array<i32>} : memref<128x128xf32, #tpu.memory_space<vmem>>, vector<16xf32>,
        tpu.vector_store %arg10[%swap3A_713, %swap3A_714], %mul3A_712 {strides = array<i32>} : memref<128x128xf32, #tpu.memory_space<vmem>>, vector<16xf32>,
        %get3A_716 = arith.index_cast %add3A_687 : i32 to index
        %get3A_717 = arith.constant 64 : index
        %get3A_718 = tpu.vector_load %arg10[%get3A_716, %get3A_717] {strides = array<i32>} : memref<128x128xf32, #tpu.memory_space<vmem>>, vector<16xf32>,
        %mul3A_719 = arith.mulf %get3A_718, %broadcast_in_dim3A_683 : vector<16xf32>
        %swap3A_720 = arith.index_cast %add3A_687 : i32 to index
        %swap3A_721 = arith.constant 64 : index
        %swap3A_722 = tpu.vector_load %arg10[%swap3A_720, %swap3A_721] {strides = array<i32>} : memref<128x128xf32, #tpu.memory_space<vmem>>, vector<16xf32>,
        tpu.vector_store %arg10[%swap3A_720, %swap3A_721], %mul3A_719 {strides = array<i32>} : memref<128x128xf32, #tpu.memory_space<vmem>>, vector<16xf32>,
        %get3A_723 = arith.index_cast %add3A_687 : i32 to index
        %get3A_724 = arith.constant 80 : index
        %get3A_725 = tpu.vector_load %arg10[%get3A_723, %get3A_724] {strides = array<i32>} : memref<128x128xf32, #tpu.memory_space<vmem>>, vector<16xf32>,
        %mul3A_726 = arith.mulf %get3A_725, %broadcast_in_dim3A_683 : vector<16xf32>
        %swap3A_727 = arith.index_cast %add3A_687 : i32 to index
        %swap3A_728 = arith.constant 80 : index
        %swap3A_729 = tpu.vector_load %arg10[%swap3A_727, %swap3A_728] {strides = array<i32>} : memref<128x128xf32, #tpu.memory_space<vmem>>, vector<16xf32>,
        tpu.vector_store %arg10[%swap3A_727, %swap3A_728], %mul3A_726 {strides = array<i32>} : memref<128x128xf32, #tpu.memory_space<vmem>>, vector<16xf32>,
        %get3A_730 = arith.index_cast %add3A_687 : i32 to index
        %get3A_731 = arith.constant 96 : index
        %get3A_732 = tpu.vector_load %arg10[%get3A_730, %get3A_731] {strides = array<i32>} : memref<128x128xf32, #tpu.memory_space<vmem>>, vector<16xf32>,
        %mul3A_733 = arith.mulf %get3A_732, %broadcast_in_dim3A_683 : vector<16xf32>
        %swap3A_734 = arith.index_cast %add3A_687 : i32 to index
        %swap3A_735 = arith.constant 96 : index
        %swap3A_736 = tpu.vector_load %arg10[%swap3A_734, %swap3A_735] {strides = array<i32>} : memref<128x128xf32, #tpu.memory_space<vmem>>, vector<16xf32>,
        tpu.vector_store %arg10[%swap3A_734, %swap3A_735], %mul3A_733 {strides = array<i32>} : memref<128x128xf32, #tpu.memory_space<vmem>>, vector<16xf32>,
        %get3A_737 = arith.index_cast %add3A_687 : i32 to index
        %get3A_738 = arith.constant 112 : index
        %get3A_739 = tpu.vector_load %arg10[%get3A_737, %get3A_738] {strides = array<i32>} : memref<128x128xf32, #tpu.memory_space<vmem>>, vector<16xf32>,
        %mul3A_740 = arith.mulf %get3A_739, %broadcast_in_dim3A_683 : vector<16xf32>
        %swap3A_741 = arith.index_cast %add3A_687 : i32 to index
        %swap3A_742 = arith.constant 112 : index
        %swap3A_743 = tpu.vector_load %arg10[%swap3A_741, %swap3A_742] {strides = array<i32>} : memref<128x128xf32, #tpu.memory_space<vmem>>, vector<16xf32>,
        tpu.vector_store %arg10[%swap3A_741, %swap3A_742], %mul3A_740 {strides = array<i32>} : memref<128x128xf32, #tpu.memory_space<vmem>>, vector<16xf32>,
        %slice3A_744 = vector.extract_strided_slice %get3A_54 {offsets = [11], sizes = [1], strides = [1]} : vector<16xf32> to vector<1xf32>
        %squeeze3A_745 = vector.extract %slice3A_744[0] : f32 from vector<1xf32>
        %broadcast_in_dim3A_746 = vector.broadcast %squeeze3A_745 : f32 to vector<16xf32>
        %mul3A_747 = arith.constant 16 : i32
        %mul3A_748 = arith.muli %scan3A_49, %mul3A_747 : i32
        %add3A_749 = arith.constant 11 : i32
        %add3A_750 = arith.addi %mul3A_748, %add3A_749 : i32
        %get3A_751 = arith.index_cast %add3A_750 : i32 to index
        %get3A_752 = arith.constant 0 : index
        %get3A_753 = tpu.vector_load %arg10[%get3A_751, %get3A_752] {strides = array<i32>} : memref<128x128xf32, #tpu.memory_space<vmem>>, vector<16xf32>,
        %mul3A_754 = arith.mulf %get3A_753, %broadcast_in_dim3A_746 : vector<16xf32>
        %swap3A_755 = arith.index_cast %add3A_750 : i32 to index
        %swap3A_756 = arith.constant 0 : index
        %swap3A_757 = tpu.vector_load %arg10[%swap3A_755, %swap3A_756] {strides = array<i32>} : memref<128x128xf32, #tpu.memory_space<vmem>>, vector<16xf32>,
        tpu.vector_store %arg10[%swap3A_755, %swap3A_756], %mul3A_754 {strides = array<i32>} : memref<128x128xf32, #tpu.memory_space<vmem>>, vector<16xf32>,
        %get3A_758 = arith.index_cast %add3A_750 : i32 to index
        %get3A_759 = arith.constant 16 : index
        %get3A_760 = tpu.vector_load %arg10[%get3A_758, %get3A_759] {strides = array<i32>} : memref<128x128xf32, #tpu.memory_space<vmem>>, vector<16xf32>,
        %mul3A_761 = arith.mulf %get3A_760, %broadcast_in_dim3A_746 : vector<16xf32>
        %swap3A_762 = arith.index_cast %add3A_750 : i32 to index
        %swap3A_763 = arith.constant 16 : index
        %swap3A_764 = tpu.vector_load %arg10[%swap3A_762, %swap3A_763] {strides = array<i32>} : memref<128x128xf32, #tpu.memory_space<vmem>>, vector<16xf32>,
        tpu.vector_store %arg10[%swap3A_762, %swap3A_763], %mul3A_761 {strides = array<i32>} : memref<128x128xf32, #tpu.memory_space<vmem>>, vector<16xf32>,
        %get3A_765 = arith.index_cast %add3A_750 : i32 to index
        %get3A_766 = arith.constant 32 : index
        %get3A_767 = tpu.vector_load %arg10[%get3A_765, %get3A_766] {strides = array<i32>} : memref<128x128xf32, #tpu.memory_space<vmem>>, vector<16xf32>,
        %mul3A_768 = arith.mulf %get3A_767, %broadcast_in_dim3A_746 : vector<16xf32>
        %swap3A_769 = arith.index_cast %add3A_750 : i32 to index
        %swap3A_770 = arith.constant 32 : index
        %swap3A_771 = tpu.vector_load %arg10[%swap3A_769, %swap3A_770] {strides = array<i32>} : memref<128x128xf32, #tpu.memory_space<vmem>>, vector<16xf32>,
        tpu.vector_store %arg10[%swap3A_769, %swap3A_770], %mul3A_768 {strides = array<i32>} : memref<128x128xf32, #tpu.memory_space<vmem>>, vector<16xf32>,
        %get3A_772 = arith.index_cast %add3A_750 : i32 to index
        %get3A_773 = arith.constant 48 : index
        %get3A_774 = tpu.vector_load %arg10[%get3A_772, %get3A_773] {strides = array<i32>} : memref<128x128xf32, #tpu.memory_space<vmem>>, vector<16xf32>,
        %mul3A_775 = arith.mulf %get3A_774, %broadcast_in_dim3A_746 : vector<16xf32>
        %swap3A_776 = arith.index_cast %add3A_750 : i32 to index
        %swap3A_777 = arith.constant 48 : index
        %swap3A_778 = tpu.vector_load %arg10[%swap3A_776, %swap3A_777] {strides = array<i32>} : memref<128x128xf32, #tpu.memory_space<vmem>>, vector<16xf32>,
        tpu.vector_store %arg10[%swap3A_776, %swap3A_777], %mul3A_775 {strides = array<i32>} : memref<128x128xf32, #tpu.memory_space<vmem>>, vector<16xf32>,
        %get3A_779 = arith.index_cast %add3A_750 : i32 to index
        %get3A_780 = arith.constant 64 : index
        %get3A_781 = tpu.vector_load %arg10[%get3A_779, %get3A_780] {strides = array<i32>} : memref<128x128xf32, #tpu.memory_space<vmem>>, vector<16xf32>,
        %mul3A_782 = arith.mulf %get3A_781, %broadcast_in_dim3A_746 : vector<16xf32>
        %swap3A_783 = arith.index_cast %add3A_750 : i32 to index
        %swap3A_784 = arith.constant 64 : index
        %swap3A_785 = tpu.vector_load %arg10[%swap3A_783, %swap3A_784] {strides = array<i32>} : memref<128x128xf32, #tpu.memory_space<vmem>>, vector<16xf32>,
        tpu.vector_store %arg10[%swap3A_783, %swap3A_784], %mul3A_782 {strides = array<i32>} : memref<128x128xf32, #tpu.memory_space<vmem>>, vector<16xf32>,
        %get3A_786 = arith.index_cast %add3A_750 : i32 to index
        %get3A_787 = arith.constant 80 : index
        %get3A_788 = tpu.vector_load %arg10[%get3A_786, %get3A_787] {strides = array<i32>} : memref<128x128xf32, #tpu.memory_space<vmem>>, vector<16xf32>,
        %mul3A_789 = arith.mulf %get3A_788, %broadcast_in_dim3A_746 : vector<16xf32>
        %swap3A_790 = arith.index_cast %add3A_750 : i32 to index
        %swap3A_791 = arith.constant 80 : index
        %swap3A_792 = tpu.vector_load %arg10[%swap3A_790, %swap3A_791] {strides = array<i32>} : memref<128x128xf32, #tpu.memory_space<vmem>>, vector<16xf32>,
        tpu.vector_store %arg10[%swap3A_790, %swap3A_791], %mul3A_789 {strides = array<i32>} : memref<128x128xf32, #tpu.memory_space<vmem>>, vector<16xf32>,
        %get3A_793 = arith.index_cast %add3A_750 : i32 to index
        %get3A_794 = arith.constant 96 : index
        %get3A_795 = tpu.vector_load %arg10[%get3A_793, %get3A_794] {strides = array<i32>} : memref<128x128xf32, #tpu.memory_space<vmem>>, vector<16xf32>,
        %mul3A_796 = arith.mulf %get3A_795, %broadcast_in_dim3A_746 : vector<16xf32>
        %swap3A_797 = arith.index_cast %add3A_750 : i32 to index
        %swap3A_798 = arith.constant 96 : index
        %swap3A_799 = tpu.vector_load %arg10[%swap3A_797, %swap3A_798] {strides = array<i32>} : memref<128x128xf32, #tpu.memory_space<vmem>>, vector<16xf32>,
        tpu.vector_store %arg10[%swap3A_797, %swap3A_798], %mul3A_796 {strides = array<i32>} : memref<128x128xf32, #tpu.memory_space<vmem>>, vector<16xf32>,
        %get3A_800 = arith.index_cast %add3A_750 : i32 to index
        %get3A_801 = arith.constant 112 : index
        %get3A_802 = tpu.vector_load %arg10[%get3A_800, %get3A_801] {strides = array<i32>} : memref<128x128xf32, #tpu.memory_space<vmem>>, vector<16xf32>,
        %mul3A_803 = arith.mulf %get3A_802, %broadcast_in_dim3A_746 : vector<16xf32>
        %swap3A_804 = arith.index_cast %add3A_750 : i32 to index
        %swap3A_805 = arith.constant 112 : index
        %swap3A_806 = tpu.vector_load %arg10[%swap3A_804, %swap3A_805] {strides = array<i32>} : memref<128x128xf32, #tpu.memory_space<vmem>>, vector<16xf32>,
        tpu.vector_store %arg10[%swap3A_804, %swap3A_805], %mul3A_803 {strides = array<i32>} : memref<128x128xf32, #tpu.memory_space<vmem>>, vector<16xf32>,
        %slice3A_807 = vector.extract_strided_slice %get3A_54 {offsets = [12], sizes = [1], strides = [1]} : vector<16xf32> to vector<1xf32>
        %squeeze3A_808 = vector.extract %slice3A_807[0] : f32 from vector<1xf32>
        %broadcast_in_dim3A_809 = vector.broadcast %squeeze3A_808 : f32 to vector<16xf32>
        %mul3A_810 = arith.constant 16 : i32
        %mul3A_811 = arith.muli %scan3A_49, %mul3A_810 : i32
        %add3A_812 = arith.constant 12 : i32
        %add3A_813 = arith.addi %mul3A_811, %add3A_812 : i32
        %get3A_814 = arith.index_cast %add3A_813 : i32 to index
        %get3A_815 = arith.constant 0 : index
        %get3A_816 = tpu.vector_load %arg10[%get3A_814, %get3A_815] {strides = array<i32>} : memref<128x128xf32, #tpu.memory_space<vmem>>, vector<16xf32>,
        %mul3A_817 = arith.mulf %get3A_816, %broadcast_in_dim3A_809 : vector<16xf32>
        %swap3A_818 = arith.index_cast %add3A_813 : i32 to index
        %swap3A_819 = arith.constant 0 : index
        %swap3A_820 = tpu.vector_load %arg10[%swap3A_818, %swap3A_819] {strides = array<i32>} : memref<128x128xf32, #tpu.memory_space<vmem>>, vector<16xf32>,
        tpu.vector_store %arg10[%swap3A_818, %swap3A_819], %mul3A_817 {strides = array<i32>} : memref<128x128xf32, #tpu.memory_space<vmem>>, vector<16xf32>,
        %get3A_821 = arith.index_cast %add3A_813 : i32 to index
        %get3A_822 = arith.constant 16 : index
        %get3A_823 = tpu.vector_load %arg10[%get3A_821, %get3A_822] {strides = array<i32>} : memref<128x128xf32, #tpu.memory_space<vmem>>, vector<16xf32>,
        %mul3A_824 = arith.mulf %get3A_823, %broadcast_in_dim3A_809 : vector<16xf32>
        %swap3A_825 = arith.index_cast %add3A_813 : i32 to index
        %swap3A_826 = arith.constant 16 : index
        %swap3A_827 = tpu.vector_load %arg10[%swap3A_825, %swap3A_826] {strides = array<i32>} : memref<128x128xf32, #tpu.memory_space<vmem>>, vector<16xf32>,
        tpu.vector_store %arg10[%swap3A_825, %swap3A_826], %mul3A_824 {strides = array<i32>} : memref<128x128xf32, #tpu.memory_space<vmem>>, vector<16xf32>,
        %get3A_828 = arith.index_cast %add3A_813 : i32 to index
        %get3A_829 = arith.constant 32 : index
        %get3A_830 = tpu.vector_load %arg10[%get3A_828, %get3A_829] {strides = array<i32>} : memref<128x128xf32, #tpu.memory_space<vmem>>, vector<16xf32>,
        %mul3A_831 = arith.mulf %get3A_830, %broadcast_in_dim3A_809 : vector<16xf32>
        %swap3A_832 = arith.index_cast %add3A_813 : i32 to index
        %swap3A_833 = arith.constant 32 : index
        %swap3A_834 = tpu.vector_load %arg10[%swap3A_832, %swap3A_833] {strides = array<i32>} : memref<128x128xf32, #tpu.memory_space<vmem>>, vector<16xf32>,
        tpu.vector_store %arg10[%swap3A_832, %swap3A_833], %mul3A_831 {strides = array<i32>} : memref<128x128xf32, #tpu.memory_space<vmem>>, vector<16xf32>,
        %get3A_835 = arith.index_cast %add3A_813 : i32 to index
        %get3A_836 = arith.constant 48 : index
        %get3A_837 = tpu.vector_load %arg10[%get3A_835, %get3A_836] {strides = array<i32>} : memref<128x128xf32, #tpu.memory_space<vmem>>, vector<16xf32>,
        %mul3A_838 = arith.mulf %get3A_837, %broadcast_in_dim3A_809 : vector<16xf32>
        %swap3A_839 = arith.index_cast %add3A_813 : i32 to index
        %swap3A_840 = arith.constant 48 : index
        %swap3A_841 = tpu.vector_load %arg10[%swap3A_839, %swap3A_840] {strides = array<i32>} : memref<128x128xf32, #tpu.memory_space<vmem>>, vector<16xf32>,
        tpu.vector_store %arg10[%swap3A_839, %swap3A_840], %mul3A_838 {strides = array<i32>} : memref<128x128xf32, #tpu.memory_space<vmem>>, vector<16xf32>,
        %get3A_842 = arith.index_cast %add3A_813 : i32 to index
        %get3A_843 = arith.constant 64 : index
        %get3A_844 = tpu.vector_load %arg10[%get3A_842, %get3A_843] {strides = array<i32>} : memref<128x128xf32, #tpu.memory_space<vmem>>, vector<16xf32>,
        %mul3A_845 = arith.mulf %get3A_844, %broadcast_in_dim3A_809 : vector<16xf32>
        %swap3A_846 = arith.index_cast %add3A_813 : i32 to index
        %swap3A_847 = arith.constant 64 : index
        %swap3A_848 = tpu.vector_load %arg10[%swap3A_846, %swap3A_847] {strides = array<i32>} : memref<128x128xf32, #tpu.memory_space<vmem>>, vector<16xf32>,
        tpu.vector_store %arg10[%swap3A_846, %swap3A_847], %mul3A_845 {strides = array<i32>} : memref<128x128xf32, #tpu.memory_space<vmem>>, vector<16xf32>,
        %get3A_849 = arith.index_cast %add3A_813 : i32 to index
        %get3A_850 = arith.constant 80 : index
        %get3A_851 = tpu.vector_load %arg10[%get3A_849, %get3A_850] {strides = array<i32>} : memref<128x128xf32, #tpu.memory_space<vmem>>, vector<16xf32>,
        %mul3A_852 = arith.mulf %get3A_851, %broadcast_in_dim3A_809 : vector<16xf32>
        %swap3A_853 = arith.index_cast %add3A_813 : i32 to index
        %swap3A_854 = arith.constant 80 : index
        %swap3A_855 = tpu.vector_load %arg10[%swap3A_853, %swap3A_854] {strides = array<i32>} : memref<128x128xf32, #tpu.memory_space<vmem>>, vector<16xf32>,
        tpu.vector_store %arg10[%swap3A_853, %swap3A_854], %mul3A_852 {strides = array<i32>} : memref<128x128xf32, #tpu.memory_space<vmem>>, vector<16xf32>,
        %get3A_856 = arith.index_cast %add3A_813 : i32 to index
        %get3A_857 = arith.constant 96 : index
        %get3A_858 = tpu.vector_load %arg10[%get3A_856, %get3A_857] {strides = array<i32>} : memref<128x128xf32, #tpu.memory_space<vmem>>, vector<16xf32>,
        %mul3A_859 = arith.mulf %get3A_858, %broadcast_in_dim3A_809 : vector<16xf32>
        %swap3A_860 = arith.index_cast %add3A_813 : i32 to index
        %swap3A_861 = arith.constant 96 : index
        %swap3A_862 = tpu.vector_load %arg10[%swap3A_860, %swap3A_861] {strides = array<i32>} : memref<128x128xf32, #tpu.memory_space<vmem>>, vector<16xf32>,
        tpu.vector_store %arg10[%swap3A_860, %swap3A_861], %mul3A_859 {strides = array<i32>} : memref<128x128xf32, #tpu.memory_space<vmem>>, vector<16xf32>,
        %get3A_863 = arith.index_cast %add3A_813 : i32 to index
        %get3A_864 = arith.constant 112 : index
        %get3A_865 = tpu.vector_load %arg10[%get3A_863, %get3A_864] {strides = array<i32>} : memref<128x128xf32, #tpu.memory_space<vmem>>, vector<16xf32>,
        %mul3A_866 = arith.mulf %get3A_865, %broadcast_in_dim3A_809 : vector<16xf32>
        %swap3A_867 = arith.index_cast %add3A_813 : i32 to index
        %swap3A_868 = arith.constant 112 : index
        %swap3A_869 = tpu.vector_load %arg10[%swap3A_867, %swap3A_868] {strides = array<i32>} : memref<128x128xf32, #tpu.memory_space<vmem>>, vector<16xf32>,
        tpu.vector_store %arg10[%swap3A_867, %swap3A_868], %mul3A_866 {strides = array<i32>} : memref<128x128xf32, #tpu.memory_space<vmem>>, vector<16xf32>,
        %slice3A_870 = vector.extract_strided_slice %get3A_54 {offsets = [13], sizes = [1], strides = [1]} : vector<16xf32> to vector<1xf32>
        %squeeze3A_871 = vector.extract %slice3A_870[0] : f32 from vector<1xf32>
        %broadcast_in_dim3A_872 = vector.broadcast %squeeze3A_871 : f32 to vector<16xf32>
        %mul3A_873 = arith.constant 16 : i32
        %mul3A_874 = arith.muli %scan3A_49, %mul3A_873 : i32
        %add3A_875 = arith.constant 13 : i32
        %add3A_876 = arith.addi %mul3A_874, %add3A_875 : i32
        %get3A_877 = arith.index_cast %add3A_876 : i32 to index
        %get3A_878 = arith.constant 0 : index
        %get3A_879 = tpu.vector_load %arg10[%get3A_877, %get3A_878] {strides = array<i32>} : memref<128x128xf32, #tpu.memory_space<vmem>>, vector<16xf32>,
        %mul3A_880 = arith.mulf %get3A_879, %broadcast_in_dim3A_872 : vector<16xf32>
        %swap3A_881 = arith.index_cast %add3A_876 : i32 to index
        %swap3A_882 = arith.constant 0 : index
        %swap3A_883 = tpu.vector_load %arg10[%swap3A_881, %swap3A_882] {strides = array<i32>} : memref<128x128xf32, #tpu.memory_space<vmem>>, vector<16xf32>,
        tpu.vector_store %arg10[%swap3A_881, %swap3A_882], %mul3A_880 {strides = array<i32>} : memref<128x128xf32, #tpu.memory_space<vmem>>, vector<16xf32>,
        %get3A_884 = arith.index_cast %add3A_876 : i32 to index
        %get3A_885 = arith.constant 16 : index
        %get3A_886 = tpu.vector_load %arg10[%get3A_884, %get3A_885] {strides = array<i32>} : memref<128x128xf32, #tpu.memory_space<vmem>>, vector<16xf32>,
        %mul3A_887 = arith.mulf %get3A_886, %broadcast_in_dim3A_872 : vector<16xf32>
        %swap3A_888 = arith.index_cast %add3A_876 : i32 to index
        %swap3A_889 = arith.constant 16 : index
        %swap3A_890 = tpu.vector_load %arg10[%swap3A_888, %swap3A_889] {strides = array<i32>} : memref<128x128xf32, #tpu.memory_space<vmem>>, vector<16xf32>,
        tpu.vector_store %arg10[%swap3A_888, %swap3A_889], %mul3A_887 {strides = array<i32>} : memref<128x128xf32, #tpu.memory_space<vmem>>, vector<16xf32>,
        %get3A_891 = arith.index_cast %add3A_876 : i32 to index
        %get3A_892 = arith.constant 32 : index
        %get3A_893 = tpu.vector_load %arg10[%get3A_891, %get3A_892] {strides = array<i32>} : memref<128x128xf32, #tpu.memory_space<vmem>>, vector<16xf32>,
        %mul3A_894 = arith.mulf %get3A_893, %broadcast_in_dim3A_872 : vector<16xf32>
        %swap3A_895 = arith.index_cast %add3A_876 : i32 to index
        %swap3A_896 = arith.constant 32 : index
        %swap3A_897 = tpu.vector_load %arg10[%swap3A_895, %swap3A_896] {strides = array<i32>} : memref<128x128xf32, #tpu.memory_space<vmem>>, vector<16xf32>,
        tpu.vector_store %arg10[%swap3A_895, %swap3A_896], %mul3A_894 {strides = array<i32>} : memref<128x128xf32, #tpu.memory_space<vmem>>, vector<16xf32>,
        %get3A_898 = arith.index_cast %add3A_876 : i32 to index
        %get3A_899 = arith.constant 48 : index
        %get3A_900 = tpu.vector_load %arg10[%get3A_898, %get3A_899] {strides = array<i32>} : memref<128x128xf32, #tpu.memory_space<vmem>>, vector<16xf32>,
        %mul3A_901 = arith.mulf %get3A_900, %broadcast_in_dim3A_872 : vector<16xf32>
        %swap3A_902 = arith.index_cast %add3A_876 : i32 to index
        %swap3A_903 = arith.constant 48 : index
        %swap3A_904 = tpu.vector_load %arg10[%swap3A_902, %swap3A_903] {strides = array<i32>} : memref<128x128xf32, #tpu.memory_space<vmem>>, vector<16xf32>,
        tpu.vector_store %arg10[%swap3A_902, %swap3A_903], %mul3A_901 {strides = array<i32>} : memref<128x128xf32, #tpu.memory_space<vmem>>, vector<16xf32>,
        %get3A_905 = arith.index_cast %add3A_876 : i32 to index
        %get3A_906 = arith.constant 64 : index
        %get3A_907 = tpu.vector_load %arg10[%get3A_905, %get3A_906] {strides = array<i32>} : memref<128x128xf32, #tpu.memory_space<vmem>>, vector<16xf32>,
        %mul3A_908 = arith.mulf %get3A_907, %broadcast_in_dim3A_872 : vector<16xf32>
        %swap3A_909 = arith.index_cast %add3A_876 : i32 to index
        %swap3A_910 = arith.constant 64 : index
        %swap3A_911 = tpu.vector_load %arg10[%swap3A_909, %swap3A_910] {strides = array<i32>} : memref<128x128xf32, #tpu.memory_space<vmem>>, vector<16xf32>,
        tpu.vector_store %arg10[%swap3A_909, %swap3A_910], %mul3A_908 {strides = array<i32>} : memref<128x128xf32, #tpu.memory_space<vmem>>, vector<16xf32>,
        %get3A_912 = arith.index_cast %add3A_876 : i32 to index
        %get3A_913 = arith.constant 80 : index
        %get3A_914 = tpu.vector_load %arg10[%get3A_912, %get3A_913] {strides = array<i32>} : memref<128x128xf32, #tpu.memory_space<vmem>>, vector<16xf32>,
        %mul3A_915 = arith.mulf %get3A_914, %broadcast_in_dim3A_872 : vector<16xf32>
        %swap3A_916 = arith.index_cast %add3A_876 : i32 to index
        %swap3A_917 = arith.constant 80 : index
        %swap3A_918 = tpu.vector_load %arg10[%swap3A_916, %swap3A_917] {strides = array<i32>} : memref<128x128xf32, #tpu.memory_space<vmem>>, vector<16xf32>,
        tpu.vector_store %arg10[%swap3A_916, %swap3A_917], %mul3A_915 {strides = array<i32>} : memref<128x128xf32, #tpu.memory_space<vmem>>, vector<16xf32>,
        %get3A_919 = arith.index_cast %add3A_876 : i32 to index
        %get3A_920 = arith.constant 96 : index
        %get3A_921 = tpu.vector_load %arg10[%get3A_919, %get3A_920] {strides = array<i32>} : memref<128x128xf32, #tpu.memory_space<vmem>>, vector<16xf32>,
        %mul3A_922 = arith.mulf %get3A_921, %broadcast_in_dim3A_872 : vector<16xf32>
        %swap3A_923 = arith.index_cast %add3A_876 : i32 to index
        %swap3A_924 = arith.constant 96 : index
        %swap3A_925 = tpu.vector_load %arg10[%swap3A_923, %swap3A_924] {strides = array<i32>} : memref<128x128xf32, #tpu.memory_space<vmem>>, vector<16xf32>,
        tpu.vector_store %arg10[%swap3A_923, %swap3A_924], %mul3A_922 {strides = array<i32>} : memref<128x128xf32, #tpu.memory_space<vmem>>, vector<16xf32>,
        %get3A_926 = arith.index_cast %add3A_876 : i32 to index
        %get3A_927 = arith.constant 112 : index
        %get3A_928 = tpu.vector_load %arg10[%get3A_926, %get3A_927] {strides = array<i32>} : memref<128x128xf32, #tpu.memory_space<vmem>>, vector<16xf32>,
        %mul3A_929 = arith.mulf %get3A_928, %broadcast_in_dim3A_872 : vector<16xf32>
        %swap3A_930 = arith.index_cast %add3A_876 : i32 to index
        %swap3A_931 = arith.constant 112 : index
        %swap3A_932 = tpu.vector_load %arg10[%swap3A_930, %swap3A_931] {strides = array<i32>} : memref<128x128xf32, #tpu.memory_space<vmem>>, vector<16xf32>,
        tpu.vector_store %arg10[%swap3A_930, %swap3A_931], %mul3A_929 {strides = array<i32>} : memref<128x128xf32, #tpu.memory_space<vmem>>, vector<16xf32>,
        %slice3A_933 = vector.extract_strided_slice %get3A_54 {offsets = [14], sizes = [1], strides = [1]} : vector<16xf32> to vector<1xf32>
        %squeeze3A_934 = vector.extract %slice3A_933[0] : f32 from vector<1xf32>
        %broadcast_in_dim3A_935 = vector.broadcast %squeeze3A_934 : f32 to vector<16xf32>
        %mul3A_936 = arith.constant 16 : i32
        %mul3A_937 = arith.muli %scan3A_49, %mul3A_936 : i32
        %add3A_938 = arith.constant 14 : i32
        %add3A_939 = arith.addi %mul3A_937, %add3A_938 : i32
        %get3A_940 = arith.index_cast %add3A_939 : i32 to index
        %get3A_941 = arith.constant 0 : index
        %get3A_942 = tpu.vector_load %arg10[%get3A_940, %get3A_941] {strides = array<i32>} : memref<128x128xf32, #tpu.memory_space<vmem>>, vector<16xf32>,
        %mul3A_943 = arith.mulf %get3A_942, %broadcast_in_dim3A_935 : vector<16xf32>
        %swap3A_944 = arith.index_cast %add3A_939 : i32 to index
        %swap3A_945 = arith.constant 0 : index
        %swap3A_946 = tpu.vector_load %arg10[%swap3A_944, %swap3A_945] {strides = array<i32>} : memref<128x128xf32, #tpu.memory_space<vmem>>, vector<16xf32>,
        tpu.vector_store %arg10[%swap3A_944, %swap3A_945], %mul3A_943 {strides = array<i32>} : memref<128x128xf32, #tpu.memory_space<vmem>>, vector<16xf32>,
        %get3A_947 = arith.index_cast %add3A_939 : i32 to index
        %get3A_948 = arith.constant 16 : index
        %get3A_949 = tpu.vector_load %arg10[%get3A_947, %get3A_948] {strides = array<i32>} : memref<128x128xf32, #tpu.memory_space<vmem>>, vector<16xf32>,
        %mul3A_950 = arith.mulf %get3A_949, %broadcast_in_dim3A_935 : vector<16xf32>
        %swap3A_951 = arith.index_cast %add3A_939 : i32 to index
        %swap3A_952 = arith.constant 16 : index
        %swap3A_953 = tpu.vector_load %arg10[%swap3A_951, %swap3A_952] {strides = array<i32>} : memref<128x128xf32, #tpu.memory_space<vmem>>, vector<16xf32>,
        tpu.vector_store %arg10[%swap3A_951, %swap3A_952], %mul3A_950 {strides = array<i32>} : memref<128x128xf32, #tpu.memory_space<vmem>>, vector<16xf32>,
        %get3A_954 = arith.index_cast %add3A_939 : i32 to index
        %get3A_955 = arith.constant 32 : index
        %get3A_956 = tpu.vector_load %arg10[%get3A_954, %get3A_955] {strides = array<i32>} : memref<128x128xf32, #tpu.memory_space<vmem>>, vector<16xf32>,
        %mul3A_957 = arith.mulf %get3A_956, %broadcast_in_dim3A_935 : vector<16xf32>
        %swap3A_958 = arith.index_cast %add3A_939 : i32 to index
        %swap3A_959 = arith.constant 32 : index
        %swap3A_960 = tpu.vector_load %arg10[%swap3A_958, %swap3A_959] {strides = array<i32>} : memref<128x128xf32, #tpu.memory_space<vmem>>, vector<16xf32>,
        tpu.vector_store %arg10[%swap3A_958, %swap3A_959], %mul3A_957 {strides = array<i32>} : memref<128x128xf32, #tpu.memory_space<vmem>>, vector<16xf32>,
        %get3A_961 = arith.index_cast %add3A_939 : i32 to index
        %get3A_962 = arith.constant 48 : index
        %get3A_963 = tpu.vector_load %arg10[%get3A_961, %get3A_962] {strides = array<i32>} : memref<128x128xf32, #tpu.memory_space<vmem>>, vector<16xf32>,
        %mul3A_964 = arith.mulf %get3A_963, %broadcast_in_dim3A_935 : vector<16xf32>
        %swap3A_965 = arith.index_cast %add3A_939 : i32 to index
        %swap3A_966 = arith.constant 48 : index
        %swap3A_967 = tpu.vector_load %arg10[%swap3A_965, %swap3A_966] {strides = array<i32>} : memref<128x128xf32, #tpu.memory_space<vmem>>, vector<16xf32>,
        tpu.vector_store %arg10[%swap3A_965, %swap3A_966], %mul3A_964 {strides = array<i32>} : memref<128x128xf32, #tpu.memory_space<vmem>>, vector<16xf32>,
        %get3A_968 = arith.index_cast %add3A_939 : i32 to index
        %get3A_969 = arith.constant 64 : index
        %get3A_970 = tpu.vector_load %arg10[%get3A_968, %get3A_969] {strides = array<i32>} : memref<128x128xf32, #tpu.memory_space<vmem>>, vector<16xf32>,
        %mul3A_971 = arith.mulf %get3A_970, %broadcast_in_dim3A_935 : vector<16xf32>
        %swap3A_972 = arith.index_cast %add3A_939 : i32 to index
        %swap3A_973 = arith.constant 64 : index
        %swap3A_974 = tpu.vector_load %arg10[%swap3A_972, %swap3A_973] {strides = array<i32>} : memref<128x128xf32, #tpu.memory_space<vmem>>, vector<16xf32>,
        tpu.vector_store %arg10[%swap3A_972, %swap3A_973], %mul3A_971 {strides = array<i32>} : memref<128x128xf32, #tpu.memory_space<vmem>>, vector<16xf32>,
        %get3A_975 = arith.index_cast %add3A_939 : i32 to index
        %get3A_976 = arith.constant 80 : index
        %get3A_977 = tpu.vector_load %arg10[%get3A_975, %get3A_976] {strides = array<i32>} : memref<128x128xf32, #tpu.memory_space<vmem>>, vector<16xf32>,
        %mul3A_978 = arith.mulf %get3A_977, %broadcast_in_dim3A_935 : vector<16xf32>
        %swap3A_979 = arith.index_cast %add3A_939 : i32 to index
        %swap3A_980 = arith.constant 80 : index
        %swap3A_981 = tpu.vector_load %arg10[%swap3A_979, %swap3A_980] {strides = array<i32>} : memref<128x128xf32, #tpu.memory_space<vmem>>, vector<16xf32>,
        tpu.vector_store %arg10[%swap3A_979, %swap3A_980], %mul3A_978 {strides = array<i32>} : memref<128x128xf32, #tpu.memory_space<vmem>>, vector<16xf32>,
        %get3A_982 = arith.index_cast %add3A_939 : i32 to index
        %get3A_983 = arith.constant 96 : index
        %get3A_984 = tpu.vector_load %arg10[%get3A_982, %get3A_983] {strides = array<i32>} : memref<128x128xf32, #tpu.memory_space<vmem>>, vector<16xf32>,
        %mul3A_985 = arith.mulf %get3A_984, %broadcast_in_dim3A_935 : vector<16xf32>
        %swap3A_986 = arith.index_cast %add3A_939 : i32 to index
        %swap3A_987 = arith.constant 96 : index
        %swap3A_988 = tpu.vector_load %arg10[%swap3A_986, %swap3A_987] {strides = array<i32>} : memref<128x128xf32, #tpu.memory_space<vmem>>, vector<16xf32>,
        tpu.vector_store %arg10[%swap3A_986, %swap3A_987], %mul3A_985 {strides = array<i32>} : memref<128x128xf32, #tpu.memory_space<vmem>>, vector<16xf32>,
        %get3A_989 = arith.index_cast %add3A_939 : i32 to index
        %get3A_990 = arith.constant 112 : index
        %get3A_991 = tpu.vector_load %arg10[%get3A_989, %get3A_990] {strides = array<i32>} : memref<128x128xf32, #tpu.memory_space<vmem>>, vector<16xf32>,
        %mul3A_992 = arith.mulf %get3A_991, %broadcast_in_dim3A_935 : vector<16xf32>
        %swap3A_993 = arith.index_cast %add3A_939 : i32 to index
        %swap3A_994 = arith.constant 112 : index
        %swap3A_995 = tpu.vector_load %arg10[%swap3A_993, %swap3A_994] {strides = array<i32>} : memref<128x128xf32, #tpu.memory_space<vmem>>, vector<16xf32>,
        tpu.vector_store %arg10[%swap3A_993, %swap3A_994], %mul3A_992 {strides = array<i32>} : memref<128x128xf32, #tpu.memory_space<vmem>>, vector<16xf32>,
        %slice3A_996 = vector.extract_strided_slice %get3A_54 {offsets = [15], sizes = [1], strides = [1]} : vector<16xf32> to vector<1xf32>
        %squeeze3A_997 = vector.extract %slice3A_996[0] : f32 from vector<1xf32>
        %broadcast_in_dim3A_998 = vector.broadcast %squeeze3A_997 : f32 to vector<16xf32>
        %mul3A_999 = arith.constant 16 : i32
        %mul3A_1000 = arith.muli %scan3A_49, %mul3A_999 : i32
        %add3A_1001 = arith.constant 15 : i32
        %add3A_1002 = arith.addi %mul3A_1000, %add3A_1001 : i32
        %get3A_1003 = arith.index_cast %add3A_1002 : i32 to index
        %get3A_1004 = arith.constant 0 : index
        %get3A_1005 = tpu.vector_load %arg10[%get3A_1003, %get3A_1004] {strides = array<i32>} : memref<128x128xf32, #tpu.memory_space<vmem>>, vector<16xf32>,
        %mul3A_1006 = arith.mulf %get3A_1005, %broadcast_in_dim3A_998 : vector<16xf32>
        %swap3A_1007 = arith.index_cast %add3A_1002 : i32 to index
        %swap3A_1008 = arith.constant 0 : index
        %swap3A_1009 = tpu.vector_load %arg10[%swap3A_1007, %swap3A_1008] {strides = array<i32>} : memref<128x128xf32, #tpu.memory_space<vmem>>, vector<16xf32>,
        tpu.vector_store %arg10[%swap3A_1007, %swap3A_1008], %mul3A_1006 {strides = array<i32>} : memref<128x128xf32, #tpu.memory_space<vmem>>, vector<16xf32>,
        %get3A_1010 = arith.index_cast %add3A_1002 : i32 to index
        %get3A_1011 = arith.constant 16 : index
        %get3A_1012 = tpu.vector_load %arg10[%get3A_1010, %get3A_1011] {strides = array<i32>} : memref<128x128xf32, #tpu.memory_space<vmem>>, vector<16xf32>,
        %mul3A_1013 = arith.mulf %get3A_1012, %broadcast_in_dim3A_998 : vector<16xf32>
        %swap3A_1014 = arith.index_cast %add3A_1002 : i32 to index
        %swap3A_1015 = arith.constant 16 : index
        %swap3A_1016 = tpu.vector_load %arg10[%swap3A_1014, %swap3A_1015] {strides = array<i32>} : memref<128x128xf32, #tpu.memory_space<vmem>>, vector<16xf32>,
        tpu.vector_store %arg10[%swap3A_1014, %swap3A_1015], %mul3A_1013 {strides = array<i32>} : memref<128x128xf32, #tpu.memory_space<vmem>>, vector<16xf32>,
        %get3A_1017 = arith.index_cast %add3A_1002 : i32 to index
        %get3A_1018 = arith.constant 32 : index
        %get3A_1019 = tpu.vector_load %arg10[%get3A_1017, %get3A_1018] {strides = array<i32>} : memref<128x128xf32, #tpu.memory_space<vmem>>, vector<16xf32>,
        %mul3A_1020 = arith.mulf %get3A_1019, %broadcast_in_dim3A_998 : vector<16xf32>
        %swap3A_1021 = arith.index_cast %add3A_1002 : i32 to index
        %swap3A_1022 = arith.constant 32 : index
        %swap3A_1023 = tpu.vector_load %arg10[%swap3A_1021, %swap3A_1022] {strides = array<i32>} : memref<128x128xf32, #tpu.memory_space<vmem>>, vector<16xf32>,
        tpu.vector_store %arg10[%swap3A_1021, %swap3A_1022], %mul3A_1020 {strides = array<i32>} : memref<128x128xf32, #tpu.memory_space<vmem>>, vector<16xf32>,
        %get3A_1024 = arith.index_cast %add3A_1002 : i32 to index
        %get3A_1025 = arith.constant 48 : index
        %get3A_1026 = tpu.vector_load %arg10[%get3A_1024, %get3A_1025] {strides = array<i32>} : memref<128x128xf32, #tpu.memory_space<vmem>>, vector<16xf32>,
        %mul3A_1027 = arith.mulf %get3A_1026, %broadcast_in_dim3A_998 : vector<16xf32>
        %swap3A_1028 = arith.index_cast %add3A_1002 : i32 to index
        %swap3A_1029 = arith.constant 48 : index
        %swap3A_1030 = tpu.vector_load %arg10[%swap3A_1028, %swap3A_1029] {strides = array<i32>} : memref<128x128xf32, #tpu.memory_space<vmem>>, vector<16xf32>,
        tpu.vector_store %arg10[%swap3A_1028, %swap3A_1029], %mul3A_1027 {strides = array<i32>} : memref<128x128xf32, #tpu.memory_space<vmem>>, vector<16xf32>,
        %get3A_1031 = arith.index_cast %add3A_1002 : i32 to index
        %get3A_1032 = arith.constant 64 : index
        %get3A_1033 = tpu.vector_load %arg10[%get3A_1031, %get3A_1032] {strides = array<i32>} : memref<128x128xf32, #tpu.memory_space<vmem>>, vector<16xf32>,
        %mul3A_1034 = arith.mulf %get3A_1033, %broadcast_in_dim3A_998 : vector<16xf32>
        %swap3A_1035 = arith.index_cast %add3A_1002 : i32 to index
        %swap3A_1036 = arith.constant 64 : index
        %swap3A_1037 = tpu.vector_load %arg10[%swap3A_1035, %swap3A_1036] {strides = array<i32>} : memref<128x128xf32, #tpu.memory_space<vmem>>, vector<16xf32>,
        tpu.vector_store %arg10[%swap3A_1035, %swap3A_1036], %mul3A_1034 {strides = array<i32>} : memref<128x128xf32, #tpu.memory_space<vmem>>, vector<16xf32>,
        %get3A_1038 = arith.index_cast %add3A_1002 : i32 to index
        %get3A_1039 = arith.constant 80 : index
        %get3A_1040 = tpu.vector_load %arg10[%get3A_1038, %get3A_1039] {strides = array<i32>} : memref<128x128xf32, #tpu.memory_space<vmem>>, vector<16xf32>,
        %mul3A_1041 = arith.mulf %get3A_1040, %broadcast_in_dim3A_998 : vector<16xf32>
        %swap3A_1042 = arith.index_cast %add3A_1002 : i32 to index
        %swap3A_1043 = arith.constant 80 : index
        %swap3A_1044 = tpu.vector_load %arg10[%swap3A_1042, %swap3A_1043] {strides = array<i32>} : memref<128x128xf32, #tpu.memory_space<vmem>>, vector<16xf32>,
        tpu.vector_store %arg10[%swap3A_1042, %swap3A_1043], %mul3A_1041 {strides = array<i32>} : memref<128x128xf32, #tpu.memory_space<vmem>>, vector<16xf32>,
        %get3A_1045 = arith.index_cast %add3A_1002 : i32 to index
        %get3A_1046 = arith.constant 96 : index
        %get3A_1047 = tpu.vector_load %arg10[%get3A_1045, %get3A_1046] {strides = array<i32>} : memref<128x128xf32, #tpu.memory_space<vmem>>, vector<16xf32>,
        %mul3A_1048 = arith.mulf %get3A_1047, %broadcast_in_dim3A_998 : vector<16xf32>
        %swap3A_1049 = arith.index_cast %add3A_1002 : i32 to index
        %swap3A_1050 = arith.constant 96 : index
        %swap3A_1051 = tpu.vector_load %arg10[%swap3A_1049, %swap3A_1050] {strides = array<i32>} : memref<128x128xf32, #tpu.memory_space<vmem>>, vector<16xf32>,
        tpu.vector_store %arg10[%swap3A_1049, %swap3A_1050], %mul3A_1048 {strides = array<i32>} : memref<128x128xf32, #tpu.memory_space<vmem>>, vector<16xf32>,
        %get3A_1052 = arith.index_cast %add3A_1002 : i32 to index
        %get3A_1053 = arith.constant 112 : index
        %get3A_1054 = tpu.vector_load %arg10[%get3A_1052, %get3A_1053] {strides = array<i32>} : memref<128x128xf32, #tpu.memory_space<vmem>>, vector<16xf32>,
        %mul3A_1055 = arith.mulf %get3A_1054, %broadcast_in_dim3A_998 : vector<16xf32>
        %swap3A_1056 = arith.index_cast %add3A_1002 : i32 to index
        %swap3A_1057 = arith.constant 112 : index
        %swap3A_1058 = tpu.vector_load %arg10[%swap3A_1056, %swap3A_1057] {strides = array<i32>} : memref<128x128xf32, #tpu.memory_space<vmem>>, vector<16xf32>,
        tpu.vector_store %arg10[%swap3A_1056, %swap3A_1057], %mul3A_1055 {strides = array<i32>} : memref<128x128xf32, #tpu.memory_space<vmem>>, vector<16xf32>,
        %scan3A_1059 = arith.constant 0 : i32
        scf.yield %scan3A_1059 : i32
      }
      %scan3A_47 = arith.constant 8 : i32
      "tpu.region"() ({
        %run_scoped3A = tpu.sem_alloc : memref<!tpu.dma_semaphore, #tpu.memory_space<semaphore_mem>>
        %dma_start3A_49 = arith.constant 0 : i32
        %dma_start3A_50 = tpu.memref_slice %arg7[%scan3A_29, %dma_start3A_49] : memref<80x128xi32, #tpu.memory_space<vmem>> -> memref<1x128xi32, #tpu.memory_space<vmem>>
        %dma_start3A_51 = tpu.memref_squeeze %dma_start3A_50 : memref<1x128xi32, #tpu.memory_space<vmem>> -> memref<128xi32, #tpu.memory_space<vmem>>
        %dma_start3A_52 = arith.constant 0 : i32
        %dma_start3A_53 = arith.constant 0 : i32
        %dma_start3A_54 = tpu.memref_slice %arg11[%dma_start3A_52, %dma_start3A_53] : memref<10240x128xf32, #tpu.memory_space<vmem_shared>> -> memref<10240x128xf32, #tpu.memory_space<vmem_shared>>
        tpu.enqueue_indirect_dma source(%arg10 : memref<128x128xf32, #tpu.memory_space<vmem>>) target(%dma_start3A_54 : memref<10240x128xf32, #tpu.memory_space<vmem_shared>>) offsets(%dma_start3A_51 : memref<128xi32, #tpu.memory_space<vmem>>) semaphore(%run_scoped3A : memref<!tpu.dma_semaphore, #tpu.memory_space<semaphore_mem>>) {add = true}
        %dma_wait3A_55 = arith.constant 0 : i32
        %dma_wait3A_56 = tpu.memref_slice %arg7[%scan3A_29, %dma_wait3A_55] : memref<80x128xi32, #tpu.memory_space<vmem>> -> memref<1x128xi32, #tpu.memory_space<vmem>>
        %dma_wait3A_57 = tpu.memref_squeeze %dma_wait3A_56 : memref<1x128xi32, #tpu.memory_space<vmem>> -> memref<128xi32, #tpu.memory_space<vmem>>
        %dma_wait3A_58 = arith.constant 0 : i32
        %dma_wait3A_59 = arith.constant 0 : i32
        %dma_wait3A_60 = tpu.memref_slice %arg11[%dma_wait3A_58, %dma_wait3A_59] : memref<10240x128xf32, #tpu.memory_space<vmem_shared>> -> memref<10240x128xf32, #tpu.memory_space<vmem_shared>>
        tpu.wait_indirect_dma semaphore(%run_scoped3A : memref<!tpu.dma_semaphore, #tpu.memory_space<semaphore_mem>>) src(%arg10 : memref<128x128xf32, #tpu.memory_space<vmem>>) dst(%dma_wait3A_60 : memref<10240x128xf32, #tpu.memory_space<vmem_shared>>)
        tpu.yield
      }) : () -> ()
      %scan3A_48 = arith.constant 0 : i32
      scf.yield %scan3A_48 : i32
    }
    %scan3A_20 = arith.constant 80 : i32
    %barrier3A_21 = arith.constant 0 : index
    tpu.barrier barrier_id(%barrier3A_21)
    %scan3A_22 = arith.constant 0 : i32
    %scan3A_23 = arith.constant 0 : i32
    %scan3A_24 = arith.constant 5 : i32
    %scan3A_25 = arith.addi %scan3A_23, %scan3A_24 : i32
    %scan3A_26 = arith.constant 1 : i32
    %scan3A_27 = scf.for %scan3A_29 = %scan3A_23 to %scan3A_25 step %scan3A_26 iter_args(%scan3A_30 = %scan3A_22) -> (i32)  : i32 {
      %mul3A_31 = arith.constant 640 : i32
      %mul3A_32 = arith.muli %arg1, %mul3A_31 : i32
      %mul3A_33 = arith.constant 128 : i32
      %mul3A_34 = arith.muli %scan3A_29, %mul3A_33 : i32
      %add3A_35 = arith.addi %mul3A_32, %mul3A_34 : i32
      "tpu.region"() ({
        %run_scoped3A = tpu.sem_alloc : memref<!tpu.dma_semaphore, #tpu.memory_space<semaphore_mem>>
        %dma_start3A = arith.constant 0 : i32
        %dma_start3A_37 = arith.constant 0 : i32
        %dma_start3A_38 = tpu.memref_slice %arg10[%dma_start3A, %dma_start3A_37] : memref<128x128xf32, #tpu.memory_space<vmem>> -> memref<128x128xf32, #tpu.memory_space<vmem>>
        %dma_start3A_39 = arith.constant 0 : i32
        %dma_start3A_40 = tpu.memref_slice %arg11[%add3A_35, %dma_start3A_39] : memref<10240x128xf32, #tpu.memory_space<vmem_shared>> -> memref<128x128xf32, #tpu.memory_space<vmem_shared>>
        %dma_start3A_41 = arith.constant 0 : i32
        %dma_start3A_42 = arith.constant 0 : i32
        %dma_start3A_43 = tpu.memref_slice %arg10[%dma_start3A_41, %dma_start3A_42] : memref<128x128xf32, #tpu.memory_space<vmem>> -> memref<128x128xf32, #tpu.memory_space<vmem>>
        %dma_start3A_44 = arith.constant 0 : i32
        %dma_start3A_45 = tpu.memref_slice %arg11[%add3A_35, %dma_start3A_44] : memref<10240x128xf32, #tpu.memory_space<vmem_shared>> -> memref<128x128xf32, #tpu.memory_space<vmem_shared>>
        tpu.enqueue_dma source(%dma_start3A_45 : memref<128x128xf32, #tpu.memory_space<vmem_shared>>) target(%dma_start3A_43 : memref<128x128xf32, #tpu.memory_space<vmem>>) target_semaphore(%run_scoped3A : memref<!tpu.dma_semaphore, #tpu.memory_space<semaphore_mem>>)
        %dma_wait3A = arith.constant 0 : i32
        %dma_wait3A_46 = arith.constant 0 : i32
        %dma_wait3A_47 = tpu.memref_slice %arg10[%dma_wait3A, %dma_wait3A_46] : memref<128x128xf32, #tpu.memory_space<vmem>> -> memref<128x128xf32, #tpu.memory_space<vmem>>
        %dma_wait3A_48 = arith.constant 0 : i32
        %dma_wait3A_49 = tpu.memref_slice %arg11[%add3A_35, %dma_wait3A_48] : memref<10240x128xf32, #tpu.memory_space<vmem_shared>> -> memref<128x128xf32, #tpu.memory_space<vmem_shared>>
        %dma_wait3A_50 = arith.constant 0 : i32
        %dma_wait3A_51 = arith.constant 0 : i32
        %dma_wait3A_52 = tpu.memref_slice %arg10[%dma_wait3A_50, %dma_wait3A_51] : memref<128x128xf32, #tpu.memory_space<vmem>> -> memref<128x128xf32, #tpu.memory_space<vmem>>
        %dma_wait3A_53 = arith.constant 0 : i32
        %dma_wait3A_54 = tpu.memref_slice %arg11[%add3A_35, %dma_wait3A_53] : memref<10240x128xf32, #tpu.memory_space<vmem_shared>> -> memref<128x128xf32, #tpu.memory_space<vmem_shared>>
        tpu.wait_dma2 semaphore(%run_scoped3A : memref<!tpu.dma_semaphore, #tpu.memory_space<semaphore_mem>>) src(%dma_wait3A_54 : memref<128x128xf32, #tpu.memory_space<vmem_shared>>) dst(%dma_wait3A_52 : memref<128x128xf32, #tpu.memory_space<vmem>>)
        tpu.yield
      }) : () -> ()
      "tpu.region"() ({
        %run_scoped3A = tpu.sem_alloc : memref<!tpu.dma_semaphore, #tpu.memory_space<semaphore_mem>>
        %dma_start3A = arith.constant 0 : i32
        %dma_start3A_37 = arith.constant 0 : i32
        %dma_start3A_38 = tpu.memref_slice %arg10[%dma_start3A, %dma_start3A_37] : memref<128x128xf32, #tpu.memory_space<vmem>> -> memref<128x128xf32, #tpu.memory_space<vmem>>
        %dma_start3A_39 = arith.constant 0 : i32
        %dma_start3A_40 = tpu.memref_slice %arg6[%arg0, %add3A_35, %dma_start3A_39] : memref<2x10240x128xf32, #tpu.memory_space<hbm>> -> memref<1x128x128xf32, #tpu.memory_space<hbm>>
        %dma_start3A_41 = tpu.memref_squeeze %dma_start3A_40 : memref<1x128x128xf32, #tpu.memory_space<hbm>> -> memref<128x128xf32, #tpu.memory_space<hbm>>
        %dma_start3A_42 = arith.constant 0 : i32
        %dma_start3A_43 = tpu.memref_slice %arg6[%arg0, %add3A_35, %dma_start3A_42] : memref<2x10240x128xf32, #tpu.memory_space<hbm>> -> memref<1x128x128xf32, #tpu.memory_space<hbm>>
        %dma_start3A_44 = tpu.memref_squeeze %dma_start3A_43 : memref<1x128x128xf32, #tpu.memory_space<hbm>> -> memref<128x128xf32, #tpu.memory_space<hbm>>
        %dma_start3A_45 = arith.constant 0 : i32
        %dma_start3A_46 = arith.constant 0 : i32
        %dma_start3A_47 = tpu.memref_slice %arg10[%dma_start3A_45, %dma_start3A_46] : memref<128x128xf32, #tpu.memory_space<vmem>> -> memref<128x128xf32, #tpu.memory_space<vmem>>
        tpu.enqueue_dma source(%dma_start3A_47 : memref<128x128xf32, #tpu.memory_space<vmem>>) target(%dma_start3A_44 : memref<128x128xf32, #tpu.memory_space<hbm>>) target_semaphore(%run_scoped3A : memref<!tpu.dma_semaphore, #tpu.memory_space<semaphore_mem>>)
        %dma_wait3A = arith.constant 0 : i32
        %dma_wait3A_48 = arith.constant 0 : i32
        %dma_wait3A_49 = tpu.memref_slice %arg10[%dma_wait3A, %dma_wait3A_48] : memref<128x128xf32, #tpu.memory_space<vmem>> -> memref<128x128xf32, #tpu.memory_space<vmem>>
        %dma_wait3A_50 = arith.constant 0 : i32
        %dma_wait3A_51 = tpu.memref_slice %arg6[%arg0, %add3A_35, %dma_wait3A_50] : memref<2x10240x128xf32, #tpu.memory_space<hbm>> -> memref<1x128x128xf32, #tpu.memory_space<hbm>>
        %dma_wait3A_52 = tpu.memref_squeeze %dma_wait3A_51 : memref<1x128x128xf32, #tpu.memory_space<hbm>> -> memref<128x128xf32, #tpu.memory_space<hbm>>
        %dma_wait3A_53 = arith.constant 0 : i32
        %dma_wait3A_54 = tpu.memref_slice %arg6[%arg0, %add3A_35, %dma_wait3A_53] : memref<2x10240x128xf32, #tpu.memory_space<hbm>> -> memref<1x128x128xf32, #tpu.memory_space<hbm>>
        %dma_wait3A_55 = tpu.memref_squeeze %dma_wait3A_54 : memref<1x128x128xf32, #tpu.memory_space<hbm>> -> memref<128x128xf32, #tpu.memory_space<hbm>>
        %dma_wait3A_56 = arith.constant 0 : i32
        %dma_wait3A_57 = arith.constant 0 : i32
        %dma_wait3A_58 = tpu.memref_slice %arg10[%dma_wait3A_56, %dma_wait3A_57] : memref<128x128xf32, #tpu.memory_space<vmem>> -> memref<128x128xf32, #tpu.memory_space<vmem>>
        tpu.wait_dma2 semaphore(%run_scoped3A : memref<!tpu.dma_semaphore, #tpu.memory_space<semaphore_mem>>) src(%dma_wait3A_58 : memref<128x128xf32, #tpu.memory_space<vmem>>) dst(%dma_wait3A_55 : memref<128x128xf32, #tpu.memory_space<hbm>>)
        tpu.yield
      }) : () -> ()
      %scan3A_36 = arith.constant 0 : i32
      scf.yield %scan3A_36 : i32
    }
    %scan3A_28 = arith.constant 5 : i32
    return
  }
}

#map = affine_map<(d0, d1) -> (0)>
#map1 = affine_map<(d0, d1) -> (0, 0, 0)>
module attributes {stable_mosaic.version = 14 : i64} {
  func.func @_scv_body(%arg0: i32, %arg1: i32, %arg2: memref<10000xf32, #tpu.memory_space<hbm>>, %arg3: memref<10000xf32, #tpu.memory_space<hbm>>, %arg4: memref<32x80x128xi32, #tpu.memory_space<hbm>>, %arg5: memref<32x80x128xi32, #tpu.memory_space<hbm>>, %arg6: memref<32x80x128xf32, #tpu.memory_space<hbm>>, %arg7: memref<32x80x128xf32, #tpu.memory_space<hbm>>, %arg8: memref<80x128xi32, #tpu.memory_space<vmem>>, %arg9: memref<80x128xi32, #tpu.memory_space<vmem>>, %arg10: memref<80x128xf32, #tpu.memory_space<vmem>>, %arg11: memref<80x128xf32, #tpu.memory_space<vmem>>, %arg12: memref<10000xf32, #tpu.memory_space<vmem>>, %arg13: memref<10000xf32, #tpu.memory_space<vmem>>) attributes {dimension_semantics = [#tpu.dimension_semantics<core_parallel>, #tpu.dimension_semantics<subcore_parallel>], iteration_bounds = array<i64: 2, 16>, scalar_prefetch = 0 : i64, scratch_operands = 6 : i64, tpu.core_type = #tpu.core_type<sc_vector_subcore>, window_params = [{transform_indices = #map}, {transform_indices = #map}, {transform_indices = #map1}, {transform_indices = #map1}, {transform_indices = #map1}, {transform_indices = #map1}]} {
    %mul3A = arith.constant 16 : i32
    %mul3A_0 = arith.muli %arg0, %mul3A : i32
    %add3A = arith.addi %mul3A_0, %arg1 : i32
    "tpu.region"() ({
      %run_scoped3A = tpu.sem_alloc : memref<!tpu.dma_semaphore, #tpu.memory_space<semaphore_mem>>
      %dma_start3A = arith.constant 0 : i32
      %dma_start3A_7 = arith.constant 0 : i32
      %dma_start3A_8 = tpu.memref_slice %arg4[%add3A, %dma_start3A, %dma_start3A_7] : memref<32x80x128xi32, #tpu.memory_space<hbm>> -> memref<1x80x128xi32, #tpu.memory_space<hbm>>
      %dma_start3A_9 = tpu.memref_squeeze %dma_start3A_8 : memref<1x80x128xi32, #tpu.memory_space<hbm>> -> memref<80x128xi32, #tpu.memory_space<hbm>>
      %dma_start3A_10 = arith.constant 0 : i32
      %dma_start3A_11 = arith.constant 0 : i32
      %dma_start3A_12 = tpu.memref_slice %arg4[%add3A, %dma_start3A_10, %dma_start3A_11] : memref<32x80x128xi32, #tpu.memory_space<hbm>> -> memref<1x80x128xi32, #tpu.memory_space<hbm>>
      %dma_start3A_13 = tpu.memref_squeeze %dma_start3A_12 : memref<1x80x128xi32, #tpu.memory_space<hbm>> -> memref<80x128xi32, #tpu.memory_space<hbm>>
      tpu.enqueue_dma source(%dma_start3A_13 : memref<80x128xi32, #tpu.memory_space<hbm>>) target(%arg8 : memref<80x128xi32, #tpu.memory_space<vmem>>) target_semaphore(%run_scoped3A : memref<!tpu.dma_semaphore, #tpu.memory_space<semaphore_mem>>)
      %dma_wait3A = arith.constant 0 : i32
      %dma_wait3A_14 = arith.constant 0 : i32
      %dma_wait3A_15 = tpu.memref_slice %arg4[%add3A, %dma_wait3A, %dma_wait3A_14] : memref<32x80x128xi32, #tpu.memory_space<hbm>> -> memref<1x80x128xi32, #tpu.memory_space<hbm>>
      %dma_wait3A_16 = tpu.memref_squeeze %dma_wait3A_15 : memref<1x80x128xi32, #tpu.memory_space<hbm>> -> memref<80x128xi32, #tpu.memory_space<hbm>>
      %dma_wait3A_17 = arith.constant 0 : i32
      %dma_wait3A_18 = arith.constant 0 : i32
      %dma_wait3A_19 = tpu.memref_slice %arg4[%add3A, %dma_wait3A_17, %dma_wait3A_18] : memref<32x80x128xi32, #tpu.memory_space<hbm>> -> memref<1x80x128xi32, #tpu.memory_space<hbm>>
      %dma_wait3A_20 = tpu.memref_squeeze %dma_wait3A_19 : memref<1x80x128xi32, #tpu.memory_space<hbm>> -> memref<80x128xi32, #tpu.memory_space<hbm>>
      tpu.wait_dma2 semaphore(%run_scoped3A : memref<!tpu.dma_semaphore, #tpu.memory_space<semaphore_mem>>) src(%dma_wait3A_20 : memref<80x128xi32, #tpu.memory_space<hbm>>) dst(%arg8 : memref<80x128xi32, #tpu.memory_space<vmem>>)
      tpu.yield
    }) : () -> ()
    "tpu.region"() ({
      %run_scoped3A = tpu.sem_alloc : memref<!tpu.dma_semaphore, #tpu.memory_space<semaphore_mem>>
      %dma_start3A = arith.constant 0 : i32
      %dma_start3A_7 = arith.constant 0 : i32
      %dma_start3A_8 = tpu.memref_slice %arg5[%add3A, %dma_start3A, %dma_start3A_7] : memref<32x80x128xi32, #tpu.memory_space<hbm>> -> memref<1x80x128xi32, #tpu.memory_space<hbm>>
      %dma_start3A_9 = tpu.memref_squeeze %dma_start3A_8 : memref<1x80x128xi32, #tpu.memory_space<hbm>> -> memref<80x128xi32, #tpu.memory_space<hbm>>
      %dma_start3A_10 = arith.constant 0 : i32
      %dma_start3A_11 = arith.constant 0 : i32
      %dma_start3A_12 = tpu.memref_slice %arg5[%add3A, %dma_start3A_10, %dma_start3A_11] : memref<32x80x128xi32, #tpu.memory_space<hbm>> -> memref<1x80x128xi32, #tpu.memory_space<hbm>>
      %dma_start3A_13 = tpu.memref_squeeze %dma_start3A_12 : memref<1x80x128xi32, #tpu.memory_space<hbm>> -> memref<80x128xi32, #tpu.memory_space<hbm>>
      tpu.enqueue_dma source(%dma_start3A_13 : memref<80x128xi32, #tpu.memory_space<hbm>>) target(%arg9 : memref<80x128xi32, #tpu.memory_space<vmem>>) target_semaphore(%run_scoped3A : memref<!tpu.dma_semaphore, #tpu.memory_space<semaphore_mem>>)
      %dma_wait3A = arith.constant 0 : i32
      %dma_wait3A_14 = arith.constant 0 : i32
      %dma_wait3A_15 = tpu.memref_slice %arg5[%add3A, %dma_wait3A, %dma_wait3A_14] : memref<32x80x128xi32, #tpu.memory_space<hbm>> -> memref<1x80x128xi32, #tpu.memory_space<hbm>>
      %dma_wait3A_16 = tpu.memref_squeeze %dma_wait3A_15 : memref<1x80x128xi32, #tpu.memory_space<hbm>> -> memref<80x128xi32, #tpu.memory_space<hbm>>
      %dma_wait3A_17 = arith.constant 0 : i32
      %dma_wait3A_18 = arith.constant 0 : i32
      %dma_wait3A_19 = tpu.memref_slice %arg5[%add3A, %dma_wait3A_17, %dma_wait3A_18] : memref<32x80x128xi32, #tpu.memory_space<hbm>> -> memref<1x80x128xi32, #tpu.memory_space<hbm>>
      %dma_wait3A_20 = tpu.memref_squeeze %dma_wait3A_19 : memref<1x80x128xi32, #tpu.memory_space<hbm>> -> memref<80x128xi32, #tpu.memory_space<hbm>>
      tpu.wait_dma2 semaphore(%run_scoped3A : memref<!tpu.dma_semaphore, #tpu.memory_space<semaphore_mem>>) src(%dma_wait3A_20 : memref<80x128xi32, #tpu.memory_space<hbm>>) dst(%arg9 : memref<80x128xi32, #tpu.memory_space<vmem>>)
      tpu.yield
    }) : () -> ()
    "tpu.region"() ({
      %run_scoped3A = tpu.sem_alloc : memref<!tpu.dma_semaphore, #tpu.memory_space<semaphore_mem>>
      %dma_start3A = arith.constant 0 : i32
      %dma_start3A_7 = arith.constant 0 : i32
      %dma_start3A_8 = tpu.memref_slice %arg6[%add3A, %dma_start3A, %dma_start3A_7] : memref<32x80x128xf32, #tpu.memory_space<hbm>> -> memref<1x80x128xf32, #tpu.memory_space<hbm>>
      %dma_start3A_9 = tpu.memref_squeeze %dma_start3A_8 : memref<1x80x128xf32, #tpu.memory_space<hbm>> -> memref<80x128xf32, #tpu.memory_space<hbm>>
      %dma_start3A_10 = arith.constant 0 : i32
      %dma_start3A_11 = arith.constant 0 : i32
      %dma_start3A_12 = tpu.memref_slice %arg6[%add3A, %dma_start3A_10, %dma_start3A_11] : memref<32x80x128xf32, #tpu.memory_space<hbm>> -> memref<1x80x128xf32, #tpu.memory_space<hbm>>
      %dma_start3A_13 = tpu.memref_squeeze %dma_start3A_12 : memref<1x80x128xf32, #tpu.memory_space<hbm>> -> memref<80x128xf32, #tpu.memory_space<hbm>>
      tpu.enqueue_dma source(%dma_start3A_13 : memref<80x128xf32, #tpu.memory_space<hbm>>) target(%arg10 : memref<80x128xf32, #tpu.memory_space<vmem>>) target_semaphore(%run_scoped3A : memref<!tpu.dma_semaphore, #tpu.memory_space<semaphore_mem>>)
      %dma_wait3A = arith.constant 0 : i32
      %dma_wait3A_14 = arith.constant 0 : i32
      %dma_wait3A_15 = tpu.memref_slice %arg6[%add3A, %dma_wait3A, %dma_wait3A_14] : memref<32x80x128xf32, #tpu.memory_space<hbm>> -> memref<1x80x128xf32, #tpu.memory_space<hbm>>
      %dma_wait3A_16 = tpu.memref_squeeze %dma_wait3A_15 : memref<1x80x128xf32, #tpu.memory_space<hbm>> -> memref<80x128xf32, #tpu.memory_space<hbm>>
      %dma_wait3A_17 = arith.constant 0 : i32
      %dma_wait3A_18 = arith.constant 0 : i32
      %dma_wait3A_19 = tpu.memref_slice %arg6[%add3A, %dma_wait3A_17, %dma_wait3A_18] : memref<32x80x128xf32, #tpu.memory_space<hbm>> -> memref<1x80x128xf32, #tpu.memory_space<hbm>>
      %dma_wait3A_20 = tpu.memref_squeeze %dma_wait3A_19 : memref<1x80x128xf32, #tpu.memory_space<hbm>> -> memref<80x128xf32, #tpu.memory_space<hbm>>
      tpu.wait_dma2 semaphore(%run_scoped3A : memref<!tpu.dma_semaphore, #tpu.memory_space<semaphore_mem>>) src(%dma_wait3A_20 : memref<80x128xf32, #tpu.memory_space<hbm>>) dst(%arg10 : memref<80x128xf32, #tpu.memory_space<vmem>>)
      tpu.yield
    }) : () -> ()
    "tpu.region"() ({
      %run_scoped3A = tpu.sem_alloc : memref<!tpu.dma_semaphore, #tpu.memory_space<semaphore_mem>>
      tpu.enqueue_dma source(%arg2 : memref<10000xf32, #tpu.memory_space<hbm>>) target(%arg12 : memref<10000xf32, #tpu.memory_space<vmem>>) target_semaphore(%run_scoped3A : memref<!tpu.dma_semaphore, #tpu.memory_space<semaphore_mem>>)
      tpu.wait_dma2 semaphore(%run_scoped3A : memref<!tpu.dma_semaphore, #tpu.memory_space<semaphore_mem>>) src(%arg2 : memref<10000xf32, #tpu.memory_space<hbm>>) dst(%arg12 : memref<10000xf32, #tpu.memory_space<vmem>>)
      tpu.yield
    }) : () -> ()
    "tpu.region"() ({
      %run_scoped3A = tpu.sem_alloc : memref<!tpu.dma_semaphore, #tpu.memory_space<semaphore_mem>>
      tpu.enqueue_dma source(%arg3 : memref<10000xf32, #tpu.memory_space<hbm>>) target(%arg13 : memref<10000xf32, #tpu.memory_space<vmem>>) target_semaphore(%run_scoped3A : memref<!tpu.dma_semaphore, #tpu.memory_space<semaphore_mem>>)
      tpu.wait_dma2 semaphore(%run_scoped3A : memref<!tpu.dma_semaphore, #tpu.memory_space<semaphore_mem>>) src(%arg3 : memref<10000xf32, #tpu.memory_space<hbm>>) dst(%arg13 : memref<10000xf32, #tpu.memory_space<vmem>>)
      tpu.yield
    }) : () -> ()
    %scan3A = arith.constant 0 : i32
    %scan3A_1 = arith.constant 0 : i32
    %scan3A_2 = arith.constant 640 : i32
    %scan3A_3 = arith.addi %scan3A_1, %scan3A_2 : i32
    %scan3A_4 = arith.constant 1 : i32
    %scan3A_5 = scf.for %scan3A_7 = %scan3A_1 to %scan3A_3 step %scan3A_4 iter_args(%scan3A_8 = %scan3A) -> (i32)  : i32 {
      %jit3A = arith.constant 8 : i32
      %div3A = arith.divsi %scan3A_7, %jit3A : i32
      %sign3A = arith.constant 0 : i32
      %sign3A_9 = arith.cmpi sgt, %scan3A_7, %sign3A : i32
      %sign3A_10 = arith.extui %sign3A_9 : i1 to i32
      %sign3A_11 = arith.constant 0 : i32
      %sign3A_12 = arith.cmpi slt, %scan3A_7, %sign3A_11 : i32
      %sign3A_13 = arith.extui %sign3A_12 : i1 to i32
      %sign3A_14 = arith.subi %sign3A_10, %sign3A_13 : i32
      %sign3A_15 = arith.constant 0 : i32
      %sign3A_16 = arith.cmpi sgt, %jit3A, %sign3A_15 : i32
      %sign3A_17 = arith.extui %sign3A_16 : i1 to i32
      %sign3A_18 = arith.constant 0 : i32
      %sign3A_19 = arith.cmpi slt, %jit3A, %sign3A_18 : i32
      %sign3A_20 = arith.extui %sign3A_19 : i1 to i32
      %sign3A_21 = arith.subi %sign3A_17, %sign3A_20 : i32
      %ne3A = arith.cmpi ne, %sign3A_14, %sign3A_21 : i32
      %rem3A = arith.remsi %scan3A_7, %jit3A : i32
      %ne3A_22 = arith.constant 0 : i32
      %ne3A_23 = arith.cmpi ne, %rem3A, %ne3A_22 : i32
      %and3A = arith.andi %ne3A, %ne3A_23 : i1
      %sub3A = arith.constant 1 : i32
      %sub3A_24 = arith.subi %div3A, %sub3A : i32
      %select_n3A = arith.select %and3A, %sub3A_24, %div3A : i32
      %jit3A_25 = arith.constant 8 : i32
      %eq3A = arith.constant 0 : i32
      %eq3A_26 = arith.cmpi eq, %jit3A_25, %eq3A : i32
      %jit3A_27 = arith.constant 1 : i32
      %select_n3A_28 = arith.select %eq3A_26, %jit3A_27, %jit3A_25 : i32
      %rem3A_29 = arith.remsi %scan3A_7, %select_n3A_28 : i32
      %ne3A_30 = arith.constant 0 : i32
      %ne3A_31 = arith.cmpi ne, %rem3A_29, %ne3A_30 : i32
      %lt3A = arith.constant 0 : i32
      %lt3A_32 = arith.cmpi slt, %rem3A_29, %lt3A : i32
      %lt3A_33 = arith.constant 0 : i32
      %lt3A_34 = arith.cmpi slt, %select_n3A_28, %lt3A_33 : i32
      %ne3A_35 = arith.xori %lt3A_32, %lt3A_34 : i1
      %and3A_36 = arith.andi %ne3A_35, %ne3A_31 : i1
      %add3A_37 = arith.addi %rem3A_29, %select_n3A_28 : i32
      %select_n3A_38 = arith.select %and3A_36, %add3A_37, %rem3A_29 : i32
      %mul3A_39 = arith.constant 16 : i32
      %mul3A_40 = arith.muli %select_n3A_38, %mul3A_39 : i32
      %get3A = arith.index_cast %select_n3A : i32 to index
      %get3A_41 = arith.index_cast %mul3A_40 : i32 to index
      %get3A_42 = tpu.vector_load %arg8[%get3A, %get3A_41] {strides = array<i32>} : memref<80x128xi32, #tpu.memory_space<vmem>>, vector<16xi32>,
      %get3A_43 = arith.index_cast %select_n3A : i32 to index
      %get3A_44 = arith.index_cast %mul3A_40 : i32 to index
      %get3A_45 = tpu.vector_load %arg9[%get3A_43, %get3A_44] {strides = array<i32>} : memref<80x128xi32, #tpu.memory_space<vmem>>, vector<16xi32>,
      %gather3A = tpu.vector_load_idx %arg12[%get3A_42] : memref<10000xf32, #tpu.memory_space<vmem>>[vector<16xi32>], vector<16xf32>,
      %gather3A_46 = tpu.vector_load_idx %arg13[%get3A_45] : memref<10000xf32, #tpu.memory_space<vmem>>[vector<16xi32>], vector<16xf32>,
      %add3A_47 = arith.addf %gather3A, %gather3A_46 : vector<16xf32>
      %ge3A = arith.constant 0.000000e+00 : f32
      %ge3A_48 = vector.broadcast %ge3A : f32 to vector<16xf32>
      %ge3A_49 = arith.cmpf oge, %add3A_47, %ge3A_48 : vector<16xf32>
      %mul3A_50 = arith.constant 2.000000e-01 : f32
      %mul3A_51 = vector.broadcast %mul3A_50 : f32 to vector<16xf32>
      %mul3A_52 = arith.mulf %mul3A_51, %add3A_47 : vector<16xf32>
      %select_n3A_53 = arith.select %ge3A_49, %add3A_47, %mul3A_52 : vector<16xi1>, vector<16xf32>
      %neg3A = arith.constant 0.000000e+00 : f32
      %neg3A_54 = vector.broadcast %neg3A : f32 to vector<16xf32>
      %neg3A_55 = arith.subf %neg3A_54, %select_n3A_53 : vector<16xf32>
      %exp3A = math.exp %neg3A_55 : vector<16xf32>
      %add3A_56 = arith.constant 1.000000e+00 : f32
      %add3A_57 = vector.broadcast %add3A_56 : f32 to vector<16xf32>
      %add3A_58 = arith.addf %add3A_57, %exp3A : vector<16xf32>
      %div3A_59 = arith.constant 1.000000e+00 : f32
      %div3A_60 = vector.broadcast %div3A_59 : f32 to vector<16xf32>
      %div3A_61 = arith.divf %div3A_60, %add3A_58 : vector<16xf32>
      %get3A_62 = arith.index_cast %select_n3A : i32 to index
      %get3A_63 = arith.index_cast %mul3A_40 : i32 to index
      %get3A_64 = tpu.vector_load %arg10[%get3A_62, %get3A_63] {strides = array<i32>} : memref<80x128xf32, #tpu.memory_space<vmem>>, vector<16xf32>,
      %mul3A_65 = arith.mulf %div3A_61, %get3A_64 : vector<16xf32>
      %swap3A = arith.index_cast %select_n3A : i32 to index
      %swap3A_66 = arith.index_cast %mul3A_40 : i32 to index
      %swap3A_67 = tpu.vector_load %arg11[%swap3A, %swap3A_66] {strides = array<i32>} : memref<80x128xf32, #tpu.memory_space<vmem>>, vector<16xf32>,
      tpu.vector_store %arg11[%swap3A, %swap3A_66], %mul3A_65 {strides = array<i32>} : memref<80x128xf32, #tpu.memory_space<vmem>>, vector<16xf32>,
      %scan3A_68 = arith.constant 0 : i32
      scf.yield %scan3A_68 : i32
    }
    %scan3A_6 = arith.constant 640 : i32
    "tpu.region"() ({
      %run_scoped3A = tpu.sem_alloc : memref<!tpu.dma_semaphore, #tpu.memory_space<semaphore_mem>>
      %dma_start3A = arith.constant 0 : i32
      %dma_start3A_7 = arith.constant 0 : i32
      %dma_start3A_8 = tpu.memref_slice %arg7[%add3A, %dma_start3A, %dma_start3A_7] : memref<32x80x128xf32, #tpu.memory_space<hbm>> -> memref<1x80x128xf32, #tpu.memory_space<hbm>>
      %dma_start3A_9 = tpu.memref_squeeze %dma_start3A_8 : memref<1x80x128xf32, #tpu.memory_space<hbm>> -> memref<80x128xf32, #tpu.memory_space<hbm>>
      %dma_start3A_10 = arith.constant 0 : i32
      %dma_start3A_11 = arith.constant 0 : i32
      %dma_start3A_12 = tpu.memref_slice %arg7[%add3A, %dma_start3A_10, %dma_start3A_11] : memref<32x80x128xf32, #tpu.memory_space<hbm>> -> memref<1x80x128xf32, #tpu.memory_space<hbm>>
      %dma_start3A_13 = tpu.memref_squeeze %dma_start3A_12 : memref<1x80x128xf32, #tpu.memory_space<hbm>> -> memref<80x128xf32, #tpu.memory_space<hbm>>
      tpu.enqueue_dma source(%arg11 : memref<80x128xf32, #tpu.memory_space<vmem>>) target(%dma_start3A_13 : memref<80x128xf32, #tpu.memory_space<hbm>>) target_semaphore(%run_scoped3A : memref<!tpu.dma_semaphore, #tpu.memory_space<semaphore_mem>>)
      %dma_wait3A = arith.constant 0 : i32
      %dma_wait3A_14 = arith.constant 0 : i32
      %dma_wait3A_15 = tpu.memref_slice %arg7[%add3A, %dma_wait3A, %dma_wait3A_14] : memref<32x80x128xf32, #tpu.memory_space<hbm>> -> memref<1x80x128xf32, #tpu.memory_space<hbm>>
      %dma_wait3A_16 = tpu.memref_squeeze %dma_wait3A_15 : memref<1x80x128xf32, #tpu.memory_space<hbm>> -> memref<80x128xf32, #tpu.memory_space<hbm>>
      %dma_wait3A_17 = arith.constant 0 : i32
      %dma_wait3A_18 = arith.constant 0 : i32
      %dma_wait3A_19 = tpu.memref_slice %arg7[%add3A, %dma_wait3A_17, %dma_wait3A_18] : memref<32x80x128xf32, #tpu.memory_space<hbm>> -> memref<1x80x128xf32, #tpu.memory_space<hbm>>
      %dma_wait3A_20 = tpu.memref_squeeze %dma_wait3A_19 : memref<1x80x128xf32, #tpu.memory_space<hbm>> -> memref<80x128xf32, #tpu.memory_space<hbm>>
      tpu.wait_dma2 semaphore(%run_scoped3A : memref<!tpu.dma_semaphore, #tpu.memory_space<semaphore_mem>>) src(%arg11 : memref<80x128xf32, #tpu.memory_space<vmem>>) dst(%dma_wait3A_20 : memref<80x128xf32, #tpu.memory_space<hbm>>)
      tpu.yield
    }) : () -> ()
    return
  }
}

#map = affine_map<(d0, d1) -> (0, 0)>
#map1 = affine_map<(d0, d1) -> (0, 0, 0)>
module attributes {stable_mosaic.version = 14 : i64} {
  func.func @_scm_body(%arg0: i32, %arg1: i32, %arg2: memref<10000x128xf32, #tpu.memory_space<hbm>>, %arg3: memref<32x80x128xi32, #tpu.memory_space<hbm>>, %arg4: memref<32x80x128xi32, #tpu.memory_space<hbm>>, %arg5: memref<32x80x128xf32, #tpu.memory_space<hbm>>, %arg6: memref<2x10240x128xf32, #tpu.memory_space<hbm>>, %arg7: memref<80x128xi32, #tpu.memory_space<vmem>>, %arg8: memref<80x128xi32, #tpu.memory_space<vmem>>, %arg9: memref<80x128xf32, #tpu.memory_space<vmem>>, %arg10: memref<128x128xf32, #tpu.memory_space<vmem>>, %arg11: memref<10240x128xf32, #tpu.memory_space<vmem_shared>>, %arg12: memref<!tpu.dma_semaphore, #tpu.memory_space<semaphore_mem>>) attributes {dimension_semantics = [#tpu.dimension_semantics<core_parallel>, #tpu.dimension_semantics<subcore_parallel>], iteration_bounds = array<i64: 2, 16>, scalar_prefetch = 0 : i64, scratch_operands = 6 : i64, tpu.core_type = #tpu.core_type<sc_vector_subcore>, window_params = [{transform_indices = #map}, {transform_indices = #map1}, {transform_indices = #map1}, {transform_indices = #map1}, {transform_indices = #map1}]} {
    %mul3A = arith.constant 16 : i32
    %mul3A_0 = arith.muli %arg0, %mul3A : i32
    %add3A = arith.addi %mul3A_0, %arg1 : i32
    "tpu.region"() ({
      %run_scoped3A = tpu.sem_alloc : memref<!tpu.dma_semaphore, #tpu.memory_space<semaphore_mem>>
      %dma_start3A = arith.constant 0 : i32
      %dma_start3A_29 = arith.constant 0 : i32
      %dma_start3A_30 = tpu.memref_slice %arg3[%add3A, %dma_start3A, %dma_start3A_29] : memref<32x80x128xi32, #tpu.memory_space<hbm>> -> memref<1x80x128xi32, #tpu.memory_space<hbm>>
      %dma_start3A_31 = tpu.memref_squeeze %dma_start3A_30 : memref<1x80x128xi32, #tpu.memory_space<hbm>> -> memref<80x128xi32, #tpu.memory_space<hbm>>
      %dma_start3A_32 = arith.constant 0 : i32
      %dma_start3A_33 = arith.constant 0 : i32
      %dma_start3A_34 = tpu.memref_slice %arg3[%add3A, %dma_start3A_32, %dma_start3A_33] : memref<32x80x128xi32, #tpu.memory_space<hbm>> -> memref<1x80x128xi32, #tpu.memory_space<hbm>>
      %dma_start3A_35 = tpu.memref_squeeze %dma_start3A_34 : memref<1x80x128xi32, #tpu.memory_space<hbm>> -> memref<80x128xi32, #tpu.memory_space<hbm>>
      tpu.enqueue_dma source(%dma_start3A_35 : memref<80x128xi32, #tpu.memory_space<hbm>>) target(%arg7 : memref<80x128xi32, #tpu.memory_space<vmem>>) target_semaphore(%run_scoped3A : memref<!tpu.dma_semaphore, #tpu.memory_space<semaphore_mem>>)
      %dma_wait3A = arith.constant 0 : i32
      %dma_wait3A_36 = arith.constant 0 : i32
      %dma_wait3A_37 = tpu.memref_slice %arg3[%add3A, %dma_wait3A, %dma_wait3A_36] : memref<32x80x128xi32, #tpu.memory_space<hbm>> -> memref<1x80x128xi32, #tpu.memory_space<hbm>>
      %dma_wait3A_38 = tpu.memref_squeeze %dma_wait3A_37 : memref<1x80x128xi32, #tpu.memory_space<hbm>> -> memref<80x128xi32, #tpu.memory_space<hbm>>
      %dma_wait3A_39 = arith.constant 0 : i32
      %dma_wait3A_40 = arith.constant 0 : i32
      %dma_wait3A_41 = tpu.memref_slice %arg3[%add3A, %dma_wait3A_39, %dma_wait3A_40] : memref<32x80x128xi32, #tpu.memory_space<hbm>> -> memref<1x80x128xi32, #tpu.memory_space<hbm>>
      %dma_wait3A_42 = tpu.memref_squeeze %dma_wait3A_41 : memref<1x80x128xi32, #tpu.memory_space<hbm>> -> memref<80x128xi32, #tpu.memory_space<hbm>>
      tpu.wait_dma2 semaphore(%run_scoped3A : memref<!tpu.dma_semaphore, #tpu.memory_space<semaphore_mem>>) src(%dma_wait3A_42 : memref<80x128xi32, #tpu.memory_space<hbm>>) dst(%arg7 : memref<80x128xi32, #tpu.memory_space<vmem>>)
      tpu.yield
    }) : () -> ()
    "tpu.region"() ({
      %run_scoped3A = tpu.sem_alloc : memref<!tpu.dma_semaphore, #tpu.memory_space<semaphore_mem>>
      %dma_start3A = arith.constant 0 : i32
      %dma_start3A_29 = arith.constant 0 : i32
      %dma_start3A_30 = tpu.memref_slice %arg4[%add3A, %dma_start3A, %dma_start3A_29] : memref<32x80x128xi32, #tpu.memory_space<hbm>> -> memref<1x80x128xi32, #tpu.memory_space<hbm>>
      %dma_start3A_31 = tpu.memref_squeeze %dma_start3A_30 : memref<1x80x128xi32, #tpu.memory_space<hbm>> -> memref<80x128xi32, #tpu.memory_space<hbm>>
      %dma_start3A_32 = arith.constant 0 : i32
      %dma_start3A_33 = arith.constant 0 : i32
      %dma_start3A_34 = tpu.memref_slice %arg4[%add3A, %dma_start3A_32, %dma_start3A_33] : memref<32x80x128xi32, #tpu.memory_space<hbm>> -> memref<1x80x128xi32, #tpu.memory_space<hbm>>
      %dma_start3A_35 = tpu.memref_squeeze %dma_start3A_34 : memref<1x80x128xi32, #tpu.memory_space<hbm>> -> memref<80x128xi32, #tpu.memory_space<hbm>>
      tpu.enqueue_dma source(%dma_start3A_35 : memref<80x128xi32, #tpu.memory_space<hbm>>) target(%arg8 : memref<80x128xi32, #tpu.memory_space<vmem>>) target_semaphore(%run_scoped3A : memref<!tpu.dma_semaphore, #tpu.memory_space<semaphore_mem>>)
      %dma_wait3A = arith.constant 0 : i32
      %dma_wait3A_36 = arith.constant 0 : i32
      %dma_wait3A_37 = tpu.memref_slice %arg4[%add3A, %dma_wait3A, %dma_wait3A_36] : memref<32x80x128xi32, #tpu.memory_space<hbm>> -> memref<1x80x128xi32, #tpu.memory_space<hbm>>
      %dma_wait3A_38 = tpu.memref_squeeze %dma_wait3A_37 : memref<1x80x128xi32, #tpu.memory_space<hbm>> -> memref<80x128xi32, #tpu.memory_space<hbm>>
      %dma_wait3A_39 = arith.constant 0 : i32
      %dma_wait3A_40 = arith.constant 0 : i32
      %dma_wait3A_41 = tpu.memref_slice %arg4[%add3A, %dma_wait3A_39, %dma_wait3A_40] : memref<32x80x128xi32, #tpu.memory_space<hbm>> -> memref<1x80x128xi32, #tpu.memory_space<hbm>>
      %dma_wait3A_42 = tpu.memref_squeeze %dma_wait3A_41 : memref<1x80x128xi32, #tpu.memory_space<hbm>> -> memref<80x128xi32, #tpu.memory_space<hbm>>
      tpu.wait_dma2 semaphore(%run_scoped3A : memref<!tpu.dma_semaphore, #tpu.memory_space<semaphore_mem>>) src(%dma_wait3A_42 : memref<80x128xi32, #tpu.memory_space<hbm>>) dst(%arg8 : memref<80x128xi32, #tpu.memory_space<vmem>>)
      tpu.yield
    }) : () -> ()
    "tpu.region"() ({
      %run_scoped3A = tpu.sem_alloc : memref<!tpu.dma_semaphore, #tpu.memory_space<semaphore_mem>>
      %dma_start3A = arith.constant 0 : i32
      %dma_start3A_29 = arith.constant 0 : i32
      %dma_start3A_30 = tpu.memref_slice %arg5[%add3A, %dma_start3A, %dma_start3A_29] : memref<32x80x128xf32, #tpu.memory_space<hbm>> -> memref<1x80x128xf32, #tpu.memory_space<hbm>>
      %dma_start3A_31 = tpu.memref_squeeze %dma_start3A_30 : memref<1x80x128xf32, #tpu.memory_space<hbm>> -> memref<80x128xf32, #tpu.memory_space<hbm>>
      %dma_start3A_32 = arith.constant 0 : i32
      %dma_start3A_33 = arith.constant 0 : i32
      %dma_start3A_34 = tpu.memref_slice %arg5[%add3A, %dma_start3A_32, %dma_start3A_33] : memref<32x80x128xf32, #tpu.memory_space<hbm>> -> memref<1x80x128xf32, #tpu.memory_space<hbm>>
      %dma_start3A_35 = tpu.memref_squeeze %dma_start3A_34 : memref<1x80x128xf32, #tpu.memory_space<hbm>> -> memref<80x128xf32, #tpu.memory_space<hbm>>
      tpu.enqueue_dma source(%dma_start3A_35 : memref<80x128xf32, #tpu.memory_space<hbm>>) target(%arg9 : memref<80x128xf32, #tpu.memory_space<vmem>>) target_semaphore(%run_scoped3A : memref<!tpu.dma_semaphore, #tpu.memory_space<semaphore_mem>>)
      %dma_wait3A = arith.constant 0 : i32
      %dma_wait3A_36 = arith.constant 0 : i32
      %dma_wait3A_37 = tpu.memref_slice %arg5[%add3A, %dma_wait3A, %dma_wait3A_36] : memref<32x80x128xf32, #tpu.memory_space<hbm>> -> memref<1x80x128xf32, #tpu.memory_space<hbm>>
      %dma_wait3A_38 = tpu.memref_squeeze %dma_wait3A_37 : memref<1x80x128xf32, #tpu.memory_space<hbm>> -> memref<80x128xf32, #tpu.memory_space<hbm>>
      %dma_wait3A_39 = arith.constant 0 : i32
      %dma_wait3A_40 = arith.constant 0 : i32
      %dma_wait3A_41 = tpu.memref_slice %arg5[%add3A, %dma_wait3A_39, %dma_wait3A_40] : memref<32x80x128xf32, #tpu.memory_space<hbm>> -> memref<1x80x128xf32, #tpu.memory_space<hbm>>
      %dma_wait3A_42 = tpu.memref_squeeze %dma_wait3A_41 : memref<1x80x128xf32, #tpu.memory_space<hbm>> -> memref<80x128xf32, #tpu.memory_space<hbm>>
      tpu.wait_dma2 semaphore(%run_scoped3A : memref<!tpu.dma_semaphore, #tpu.memory_space<semaphore_mem>>) src(%dma_wait3A_42 : memref<80x128xf32, #tpu.memory_space<hbm>>) dst(%arg9 : memref<80x128xf32, #tpu.memory_space<vmem>>)
      tpu.yield
    }) : () -> ()
    %scan3A = arith.constant 0 : i32
    %scan3A_1 = arith.constant 0 : i32
    %scan3A_2 = arith.constant 1024 : i32
    %scan3A_3 = arith.addi %scan3A_1, %scan3A_2 : i32
    %scan3A_4 = arith.constant 1 : i32
    %scan3A_5 = scf.for %scan3A_29 = %scan3A_1 to %scan3A_3 step %scan3A_4 iter_args(%scan3A_30 = %scan3A) -> (i32)  : i32 {
      %broadcast_in_dim3A = arith.constant 0.000000e+00 : f32
      %broadcast_in_dim3A_31 = vector.broadcast %broadcast_in_dim3A : f32 to vector<16xf32>
      %jit3A = arith.constant 8 : i32
      %div3A = arith.divsi %scan3A_29, %jit3A : i32
      %sign3A = arith.constant 0 : i32
      %sign3A_32 = arith.cmpi sgt, %scan3A_29, %sign3A : i32
      %sign3A_33 = arith.extui %sign3A_32 : i1 to i32
      %sign3A_34 = arith.constant 0 : i32
      %sign3A_35 = arith.cmpi slt, %scan3A_29, %sign3A_34 : i32
      %sign3A_36 = arith.extui %sign3A_35 : i1 to i32
      %sign3A_37 = arith.subi %sign3A_33, %sign3A_36 : i32
      %sign3A_38 = arith.constant 0 : i32
      %sign3A_39 = arith.cmpi sgt, %jit3A, %sign3A_38 : i32
      %sign3A_40 = arith.extui %sign3A_39 : i1 to i32
      %sign3A_41 = arith.constant 0 : i32
      %sign3A_42 = arith.cmpi slt, %jit3A, %sign3A_41 : i32
      %sign3A_43 = arith.extui %sign3A_42 : i1 to i32
      %sign3A_44 = arith.subi %sign3A_40, %sign3A_43 : i32
      %ne3A = arith.cmpi ne, %sign3A_37, %sign3A_44 : i32
      %rem3A = arith.remsi %scan3A_29, %jit3A : i32
      %ne3A_45 = arith.constant 0 : i32
      %ne3A_46 = arith.cmpi ne, %rem3A, %ne3A_45 : i32
      %and3A = arith.andi %ne3A, %ne3A_46 : i1
      %sub3A = arith.constant 1 : i32
      %sub3A_47 = arith.subi %div3A, %sub3A : i32
      %select_n3A = arith.select %and3A, %sub3A_47, %div3A : i32
      %jit3A_48 = arith.constant 8 : i32
      %eq3A = arith.constant 0 : i32
      %eq3A_49 = arith.cmpi eq, %jit3A_48, %eq3A : i32
      %jit3A_50 = arith.constant 1 : i32
      %select_n3A_51 = arith.select %eq3A_49, %jit3A_50, %jit3A_48 : i32
      %rem3A_52 = arith.remsi %scan3A_29, %select_n3A_51 : i32
      %ne3A_53 = arith.constant 0 : i32
      %ne3A_54 = arith.cmpi ne, %rem3A_52, %ne3A_53 : i32
      %lt3A = arith.constant 0 : i32
      %lt3A_55 = arith.cmpi slt, %rem3A_52, %lt3A : i32
      %lt3A_56 = arith.constant 0 : i32
      %lt3A_57 = arith.cmpi slt, %select_n3A_51, %lt3A_56 : i32
      %ne3A_58 = arith.xori %lt3A_55, %lt3A_57 : i1
      %and3A_59 = arith.andi %ne3A_58, %ne3A_54 : i1
      %add3A_60 = arith.addi %rem3A_52, %select_n3A_51 : i32
      %select_n3A_61 = arith.select %and3A_59, %add3A_60, %rem3A_52 : i32
      %mul3A_62 = arith.constant 16 : i32
      %mul3A_63 = arith.muli %select_n3A_61, %mul3A_62 : i32
      %swap3A = arith.index_cast %select_n3A : i32 to index
      %swap3A_64 = arith.index_cast %mul3A_63 : i32 to index
      %swap3A_65 = tpu.vector_load %arg10[%swap3A, %swap3A_64] {strides = array<i32>} : memref<128x128xf32, #tpu.memory_space<vmem>>, vector<16xf32>,
      tpu.vector_store %arg10[%swap3A, %swap3A_64], %broadcast_in_dim3A_31 {strides = array<i32>} : memref<128x128xf32, #tpu.memory_space<vmem>>, vector<16xf32>,
      %scan3A_66 = arith.constant 0 : i32
      scf.yield %scan3A_66 : i32
    }
    %scan3A_6 = arith.constant 1024 : i32
    %scan3A_7 = arith.constant 0 : i32
    %scan3A_8 = arith.constant 0 : i32
    %scan3A_9 = arith.constant 5 : i32
    %scan3A_10 = arith.addi %scan3A_8, %scan3A_9 : i32
    %scan3A_11 = arith.constant 1 : i32
    %scan3A_12 = scf.for %scan3A_29 = %scan3A_8 to %scan3A_10 step %scan3A_11 iter_args(%scan3A_30 = %scan3A_7) -> (i32)  : i32 {
      %mul3A_31 = arith.constant 640 : i32
      %mul3A_32 = arith.muli %arg1, %mul3A_31 : i32
      %mul3A_33 = arith.constant 128 : i32
      %mul3A_34 = arith.muli %scan3A_29, %mul3A_33 : i32
      %add3A_35 = arith.addi %mul3A_32, %mul3A_34 : i32
      "tpu.region"() ({
        %run_scoped3A = tpu.sem_alloc : memref<!tpu.dma_semaphore, #tpu.memory_space<semaphore_mem>>
        %dma_start3A = arith.constant 0 : i32
        %dma_start3A_37 = arith.constant 0 : i32
        %dma_start3A_38 = tpu.memref_slice %arg10[%dma_start3A, %dma_start3A_37] : memref<128x128xf32, #tpu.memory_space<vmem>> -> memref<128x128xf32, #tpu.memory_space<vmem>>
        %dma_start3A_39 = arith.constant 0 : i32
        %dma_start3A_40 = tpu.memref_slice %arg11[%add3A_35, %dma_start3A_39] : memref<10240x128xf32, #tpu.memory_space<vmem_shared>> -> memref<128x128xf32, #tpu.memory_space<vmem_shared>>
        %dma_start3A_41 = arith.constant 0 : i32
        %dma_start3A_42 = tpu.memref_slice %arg11[%add3A_35, %dma_start3A_41] : memref<10240x128xf32, #tpu.memory_space<vmem_shared>> -> memref<128x128xf32, #tpu.memory_space<vmem_shared>>
        %dma_start3A_43 = arith.constant 0 : i32
        %dma_start3A_44 = arith.constant 0 : i32
        %dma_start3A_45 = tpu.memref_slice %arg10[%dma_start3A_43, %dma_start3A_44] : memref<128x128xf32, #tpu.memory_space<vmem>> -> memref<128x128xf32, #tpu.memory_space<vmem>>
        tpu.enqueue_dma source(%dma_start3A_45 : memref<128x128xf32, #tpu.memory_space<vmem>>) target(%dma_start3A_42 : memref<128x128xf32, #tpu.memory_space<vmem_shared>>) target_semaphore(%run_scoped3A : memref<!tpu.dma_semaphore, #tpu.memory_space<semaphore_mem>>)
        %dma_wait3A = arith.constant 0 : i32
        %dma_wait3A_46 = arith.constant 0 : i32
        %dma_wait3A_47 = tpu.memref_slice %arg10[%dma_wait3A, %dma_wait3A_46] : memref<128x128xf32, #tpu.memory_space<vmem>> -> memref<128x128xf32, #tpu.memory_space<vmem>>
        %dma_wait3A_48 = arith.constant 0 : i32
        %dma_wait3A_49 = tpu.memref_slice %arg11[%add3A_35, %dma_wait3A_48] : memref<10240x128xf32, #tpu.memory_space<vmem_shared>> -> memref<128x128xf32, #tpu.memory_space<vmem_shared>>
        %dma_wait3A_50 = arith.constant 0 : i32
        %dma_wait3A_51 = tpu.memref_slice %arg11[%add3A_35, %dma_wait3A_50] : memref<10240x128xf32, #tpu.memory_space<vmem_shared>> -> memref<128x128xf32, #tpu.memory_space<vmem_shared>>
        %dma_wait3A_52 = arith.constant 0 : i32
        %dma_wait3A_53 = arith.constant 0 : i32
        %dma_wait3A_54 = tpu.memref_slice %arg10[%dma_wait3A_52, %dma_wait3A_53] : memref<128x128xf32, #tpu.memory_space<vmem>> -> memref<128x128xf32, #tpu.memory_space<vmem>>
        tpu.wait_dma2 semaphore(%run_scoped3A : memref<!tpu.dma_semaphore, #tpu.memory_space<semaphore_mem>>) src(%dma_wait3A_54 : memref<128x128xf32, #tpu.memory_space<vmem>>) dst(%dma_wait3A_51 : memref<128x128xf32, #tpu.memory_space<vmem_shared>>)
        tpu.yield
      }) : () -> ()
      %scan3A_36 = arith.constant 0 : i32
      scf.yield %scan3A_36 : i32
    }
    %scan3A_13 = arith.constant 5 : i32
    %barrier3A = arith.constant 0 : index
    tpu.barrier barrier_id(%barrier3A)
    %scan3A_14 = arith.constant 0 : i32
    %scan3A_15 = arith.constant 0 : i32
    %scan3A_16 = arith.constant 80 : i32
    %scan3A_17 = arith.addi %scan3A_15, %scan3A_16 : i32
    %scan3A_18 = arith.constant 1 : i32
    %scan3A_19 = scf.for %scan3A_29 = %scan3A_15 to %scan3A_17 step %scan3A_18 iter_args(%scan3A_30 = %scan3A_14) -> (i32)  : i32 {
      %dma_start3A = arith.constant 0 : i32
      %dma_start3A_31 = tpu.memref_slice %arg8[%scan3A_29, %dma_start3A] : memref<80x128xi32, #tpu.memory_space<vmem>> -> memref<1x128xi32, #tpu.memory_space<vmem>>
      %dma_start3A_32 = tpu.memref_squeeze %dma_start3A_31 : memref<1x128xi32, #tpu.memory_space<vmem>> -> memref<128xi32, #tpu.memory_space<vmem>>
      %dma_start3A_33 = arith.constant 0 : i32
      %dma_start3A_34 = arith.constant 0 : i32
      %dma_start3A_35 = tpu.memref_slice %arg2[%dma_start3A_33, %dma_start3A_34] : memref<10000x128xf32, #tpu.memory_space<hbm>> -> memref<10000x128xf32, #tpu.memory_space<hbm>>
      tpu.enqueue_indirect_dma source(%dma_start3A_35 : memref<10000x128xf32, #tpu.memory_space<hbm>>) target(%arg10 : memref<128x128xf32, #tpu.memory_space<vmem>>) offsets(%dma_start3A_32 : memref<128xi32, #tpu.memory_space<vmem>>) semaphore(%arg12 : memref<!tpu.dma_semaphore, #tpu.memory_space<semaphore_mem>>)
      %dma_wait3A = arith.constant 0 : i32
      %dma_wait3A_36 = tpu.memref_slice %arg8[%scan3A_29, %dma_wait3A] : memref<80x128xi32, #tpu.memory_space<vmem>> -> memref<1x128xi32, #tpu.memory_space<vmem>>
      %dma_wait3A_37 = tpu.memref_squeeze %dma_wait3A_36 : memref<1x128xi32, #tpu.memory_space<vmem>> -> memref<128xi32, #tpu.memory_space<vmem>>
      %dma_wait3A_38 = arith.constant 0 : i32
      %dma_wait3A_39 = arith.constant 0 : i32
      %dma_wait3A_40 = tpu.memref_slice %arg2[%dma_wait3A_38, %dma_wait3A_39] : memref<10000x128xf32, #tpu.memory_space<hbm>> -> memref<10000x128xf32, #tpu.memory_space<hbm>>
      tpu.wait_indirect_dma semaphore(%arg12 : memref<!tpu.dma_semaphore, #tpu.memory_space<semaphore_mem>>) src(%dma_wait3A_40 : memref<10000x128xf32, #tpu.memory_space<hbm>>) dst(%arg10 : memref<128x128xf32, #tpu.memory_space<vmem>>)
      %scan3A_41 = arith.constant 0 : i32
      %scan3A_42 = arith.constant 0 : i32
      %scan3A_43 = arith.constant 8 : i32
      %scan3A_44 = arith.addi %scan3A_42, %scan3A_43 : i32
      %scan3A_45 = arith.constant 1 : i32
      %scan3A_46 = scf.for %scan3A_49 = %scan3A_42 to %scan3A_44 step %scan3A_45 iter_args(%scan3A_50 = %scan3A_41) -> (i32)  : i32 {
        %mul3A_51 = arith.constant 16 : i32
        %mul3A_52 = arith.muli %scan3A_49, %mul3A_51 : i32
        %get3A = arith.index_cast %scan3A_29 : i32 to index
        %get3A_53 = arith.index_cast %mul3A_52 : i32 to index
        %get3A_54 = tpu.vector_load %arg9[%get3A, %get3A_53] {strides = array<i32>} : memref<80x128xf32, #tpu.memory_space<vmem>>, vector<16xf32>,
        %slice3A = vector.extract_strided_slice %get3A_54 {offsets = [0], sizes = [1], strides = [1]} : vector<16xf32> to vector<1xf32>
        %squeeze3A = vector.extract %slice3A[0] : f32 from vector<1xf32>
        %broadcast_in_dim3A = vector.broadcast %squeeze3A : f32 to vector<16xf32>
        %mul3A_55 = arith.constant 16 : i32
        %mul3A_56 = arith.muli %scan3A_49, %mul3A_55 : i32
        %add3A_57 = arith.constant 0 : i32
        %add3A_58 = arith.addi %mul3A_56, %add3A_57 : i32
        %get3A_59 = arith.index_cast %add3A_58 : i32 to index
        %get3A_60 = arith.constant 0 : index
        %get3A_61 = tpu.vector_load %arg10[%get3A_59, %get3A_60] {strides = array<i32>} : memref<128x128xf32, #tpu.memory_space<vmem>>, vector<16xf32>,
        %mul3A_62 = arith.mulf %get3A_61, %broadcast_in_dim3A : vector<16xf32>
        %swap3A = arith.index_cast %add3A_58 : i32 to index
        %swap3A_63 = arith.constant 0 : index
        %swap3A_64 = tpu.vector_load %arg10[%swap3A, %swap3A_63] {strides = array<i32>} : memref<128x128xf32, #tpu.memory_space<vmem>>, vector<16xf32>,
        tpu.vector_store %arg10[%swap3A, %swap3A_63], %mul3A_62 {strides = array<i32>} : memref<128x128xf32, #tpu.memory_space<vmem>>, vector<16xf32>,
        %get3A_65 = arith.index_cast %add3A_58 : i32 to index
        %get3A_66 = arith.constant 16 : index
        %get3A_67 = tpu.vector_load %arg10[%get3A_65, %get3A_66] {strides = array<i32>} : memref<128x128xf32, #tpu.memory_space<vmem>>, vector<16xf32>,
        %mul3A_68 = arith.mulf %get3A_67, %broadcast_in_dim3A : vector<16xf32>
        %swap3A_69 = arith.index_cast %add3A_58 : i32 to index
        %swap3A_70 = arith.constant 16 : index
        %swap3A_71 = tpu.vector_load %arg10[%swap3A_69, %swap3A_70] {strides = array<i32>} : memref<128x128xf32, #tpu.memory_space<vmem>>, vector<16xf32>,
        tpu.vector_store %arg10[%swap3A_69, %swap3A_70], %mul3A_68 {strides = array<i32>} : memref<128x128xf32, #tpu.memory_space<vmem>>, vector<16xf32>,
        %get3A_72 = arith.index_cast %add3A_58 : i32 to index
        %get3A_73 = arith.constant 32 : index
        %get3A_74 = tpu.vector_load %arg10[%get3A_72, %get3A_73] {strides = array<i32>} : memref<128x128xf32, #tpu.memory_space<vmem>>, vector<16xf32>,
        %mul3A_75 = arith.mulf %get3A_74, %broadcast_in_dim3A : vector<16xf32>
        %swap3A_76 = arith.index_cast %add3A_58 : i32 to index
        %swap3A_77 = arith.constant 32 : index
        %swap3A_78 = tpu.vector_load %arg10[%swap3A_76, %swap3A_77] {strides = array<i32>} : memref<128x128xf32, #tpu.memory_space<vmem>>, vector<16xf32>,
        tpu.vector_store %arg10[%swap3A_76, %swap3A_77], %mul3A_75 {strides = array<i32>} : memref<128x128xf32, #tpu.memory_space<vmem>>, vector<16xf32>,
        %get3A_79 = arith.index_cast %add3A_58 : i32 to index
        %get3A_80 = arith.constant 48 : index
        %get3A_81 = tpu.vector_load %arg10[%get3A_79, %get3A_80] {strides = array<i32>} : memref<128x128xf32, #tpu.memory_space<vmem>>, vector<16xf32>,
        %mul3A_82 = arith.mulf %get3A_81, %broadcast_in_dim3A : vector<16xf32>
        %swap3A_83 = arith.index_cast %add3A_58 : i32 to index
        %swap3A_84 = arith.constant 48 : index
        %swap3A_85 = tpu.vector_load %arg10[%swap3A_83, %swap3A_84] {strides = array<i32>} : memref<128x128xf32, #tpu.memory_space<vmem>>, vector<16xf32>,
        tpu.vector_store %arg10[%swap3A_83, %swap3A_84], %mul3A_82 {strides = array<i32>} : memref<128x128xf32, #tpu.memory_space<vmem>>, vector<16xf32>,
        %get3A_86 = arith.index_cast %add3A_58 : i32 to index
        %get3A_87 = arith.constant 64 : index
        %get3A_88 = tpu.vector_load %arg10[%get3A_86, %get3A_87] {strides = array<i32>} : memref<128x128xf32, #tpu.memory_space<vmem>>, vector<16xf32>,
        %mul3A_89 = arith.mulf %get3A_88, %broadcast_in_dim3A : vector<16xf32>
        %swap3A_90 = arith.index_cast %add3A_58 : i32 to index
        %swap3A_91 = arith.constant 64 : index
        %swap3A_92 = tpu.vector_load %arg10[%swap3A_90, %swap3A_91] {strides = array<i32>} : memref<128x128xf32, #tpu.memory_space<vmem>>, vector<16xf32>,
        tpu.vector_store %arg10[%swap3A_90, %swap3A_91], %mul3A_89 {strides = array<i32>} : memref<128x128xf32, #tpu.memory_space<vmem>>, vector<16xf32>,
        %get3A_93 = arith.index_cast %add3A_58 : i32 to index
        %get3A_94 = arith.constant 80 : index
        %get3A_95 = tpu.vector_load %arg10[%get3A_93, %get3A_94] {strides = array<i32>} : memref<128x128xf32, #tpu.memory_space<vmem>>, vector<16xf32>,
        %mul3A_96 = arith.mulf %get3A_95, %broadcast_in_dim3A : vector<16xf32>
        %swap3A_97 = arith.index_cast %add3A_58 : i32 to index
        %swap3A_98 = arith.constant 80 : index
        %swap3A_99 = tpu.vector_load %arg10[%swap3A_97, %swap3A_98] {strides = array<i32>} : memref<128x128xf32, #tpu.memory_space<vmem>>, vector<16xf32>,
        tpu.vector_store %arg10[%swap3A_97, %swap3A_98], %mul3A_96 {strides = array<i32>} : memref<128x128xf32, #tpu.memory_space<vmem>>, vector<16xf32>,
        %get3A_100 = arith.index_cast %add3A_58 : i32 to index
        %get3A_101 = arith.constant 96 : index
        %get3A_102 = tpu.vector_load %arg10[%get3A_100, %get3A_101] {strides = array<i32>} : memref<128x128xf32, #tpu.memory_space<vmem>>, vector<16xf32>,
        %mul3A_103 = arith.mulf %get3A_102, %broadcast_in_dim3A : vector<16xf32>
        %swap3A_104 = arith.index_cast %add3A_58 : i32 to index
        %swap3A_105 = arith.constant 96 : index
        %swap3A_106 = tpu.vector_load %arg10[%swap3A_104, %swap3A_105] {strides = array<i32>} : memref<128x128xf32, #tpu.memory_space<vmem>>, vector<16xf32>,
        tpu.vector_store %arg10[%swap3A_104, %swap3A_105], %mul3A_103 {strides = array<i32>} : memref<128x128xf32, #tpu.memory_space<vmem>>, vector<16xf32>,
        %get3A_107 = arith.index_cast %add3A_58 : i32 to index
        %get3A_108 = arith.constant 112 : index
        %get3A_109 = tpu.vector_load %arg10[%get3A_107, %get3A_108] {strides = array<i32>} : memref<128x128xf32, #tpu.memory_space<vmem>>, vector<16xf32>,
        %mul3A_110 = arith.mulf %get3A_109, %broadcast_in_dim3A : vector<16xf32>
        %swap3A_111 = arith.index_cast %add3A_58 : i32 to index
        %swap3A_112 = arith.constant 112 : index
        %swap3A_113 = tpu.vector_load %arg10[%swap3A_111, %swap3A_112] {strides = array<i32>} : memref<128x128xf32, #tpu.memory_space<vmem>>, vector<16xf32>,
        tpu.vector_store %arg10[%swap3A_111, %swap3A_112], %mul3A_110 {strides = array<i32>} : memref<128x128xf32, #tpu.memory_space<vmem>>, vector<16xf32>,
        %slice3A_114 = vector.extract_strided_slice %get3A_54 {offsets = [1], sizes = [1], strides = [1]} : vector<16xf32> to vector<1xf32>
        %squeeze3A_115 = vector.extract %slice3A_114[0] : f32 from vector<1xf32>
        %broadcast_in_dim3A_116 = vector.broadcast %squeeze3A_115 : f32 to vector<16xf32>
        %mul3A_117 = arith.constant 16 : i32
        %mul3A_118 = arith.muli %scan3A_49, %mul3A_117 : i32
        %add3A_119 = arith.constant 1 : i32
        %add3A_120 = arith.addi %mul3A_118, %add3A_119 : i32
        %get3A_121 = arith.index_cast %add3A_120 : i32 to index
        %get3A_122 = arith.constant 0 : index
        %get3A_123 = tpu.vector_load %arg10[%get3A_121, %get3A_122] {strides = array<i32>} : memref<128x128xf32, #tpu.memory_space<vmem>>, vector<16xf32>,
        %mul3A_124 = arith.mulf %get3A_123, %broadcast_in_dim3A_116 : vector<16xf32>
        %swap3A_125 = arith.index_cast %add3A_120 : i32 to index
        %swap3A_126 = arith.constant 0 : index
        %swap3A_127 = tpu.vector_load %arg10[%swap3A_125, %swap3A_126] {strides = array<i32>} : memref<128x128xf32, #tpu.memory_space<vmem>>, vector<16xf32>,
        tpu.vector_store %arg10[%swap3A_125, %swap3A_126], %mul3A_124 {strides = array<i32>} : memref<128x128xf32, #tpu.memory_space<vmem>>, vector<16xf32>,
        %get3A_128 = arith.index_cast %add3A_120 : i32 to index
        %get3A_129 = arith.constant 16 : index
        %get3A_130 = tpu.vector_load %arg10[%get3A_128, %get3A_129] {strides = array<i32>} : memref<128x128xf32, #tpu.memory_space<vmem>>, vector<16xf32>,
        %mul3A_131 = arith.mulf %get3A_130, %broadcast_in_dim3A_116 : vector<16xf32>
        %swap3A_132 = arith.index_cast %add3A_120 : i32 to index
        %swap3A_133 = arith.constant 16 : index
        %swap3A_134 = tpu.vector_load %arg10[%swap3A_132, %swap3A_133] {strides = array<i32>} : memref<128x128xf32, #tpu.memory_space<vmem>>, vector<16xf32>,
        tpu.vector_store %arg10[%swap3A_132, %swap3A_133], %mul3A_131 {strides = array<i32>} : memref<128x128xf32, #tpu.memory_space<vmem>>, vector<16xf32>,
        %get3A_135 = arith.index_cast %add3A_120 : i32 to index
        %get3A_136 = arith.constant 32 : index
        %get3A_137 = tpu.vector_load %arg10[%get3A_135, %get3A_136] {strides = array<i32>} : memref<128x128xf32, #tpu.memory_space<vmem>>, vector<16xf32>,
        %mul3A_138 = arith.mulf %get3A_137, %broadcast_in_dim3A_116 : vector<16xf32>
        %swap3A_139 = arith.index_cast %add3A_120 : i32 to index
        %swap3A_140 = arith.constant 32 : index
        %swap3A_141 = tpu.vector_load %arg10[%swap3A_139, %swap3A_140] {strides = array<i32>} : memref<128x128xf32, #tpu.memory_space<vmem>>, vector<16xf32>,
        tpu.vector_store %arg10[%swap3A_139, %swap3A_140], %mul3A_138 {strides = array<i32>} : memref<128x128xf32, #tpu.memory_space<vmem>>, vector<16xf32>,
        %get3A_142 = arith.index_cast %add3A_120 : i32 to index
        %get3A_143 = arith.constant 48 : index
        %get3A_144 = tpu.vector_load %arg10[%get3A_142, %get3A_143] {strides = array<i32>} : memref<128x128xf32, #tpu.memory_space<vmem>>, vector<16xf32>,
        %mul3A_145 = arith.mulf %get3A_144, %broadcast_in_dim3A_116 : vector<16xf32>
        %swap3A_146 = arith.index_cast %add3A_120 : i32 to index
        %swap3A_147 = arith.constant 48 : index
        %swap3A_148 = tpu.vector_load %arg10[%swap3A_146, %swap3A_147] {strides = array<i32>} : memref<128x128xf32, #tpu.memory_space<vmem>>, vector<16xf32>,
        tpu.vector_store %arg10[%swap3A_146, %swap3A_147], %mul3A_145 {strides = array<i32>} : memref<128x128xf32, #tpu.memory_space<vmem>>, vector<16xf32>,
        %get3A_149 = arith.index_cast %add3A_120 : i32 to index
        %get3A_150 = arith.constant 64 : index
        %get3A_151 = tpu.vector_load %arg10[%get3A_149, %get3A_150] {strides = array<i32>} : memref<128x128xf32, #tpu.memory_space<vmem>>, vector<16xf32>,
        %mul3A_152 = arith.mulf %get3A_151, %broadcast_in_dim3A_116 : vector<16xf32>
        %swap3A_153 = arith.index_cast %add3A_120 : i32 to index
        %swap3A_154 = arith.constant 64 : index
        %swap3A_155 = tpu.vector_load %arg10[%swap3A_153, %swap3A_154] {strides = array<i32>} : memref<128x128xf32, #tpu.memory_space<vmem>>, vector<16xf32>,
        tpu.vector_store %arg10[%swap3A_153, %swap3A_154], %mul3A_152 {strides = array<i32>} : memref<128x128xf32, #tpu.memory_space<vmem>>, vector<16xf32>,
        %get3A_156 = arith.index_cast %add3A_120 : i32 to index
        %get3A_157 = arith.constant 80 : index
        %get3A_158 = tpu.vector_load %arg10[%get3A_156, %get3A_157] {strides = array<i32>} : memref<128x128xf32, #tpu.memory_space<vmem>>, vector<16xf32>,
        %mul3A_159 = arith.mulf %get3A_158, %broadcast_in_dim3A_116 : vector<16xf32>
        %swap3A_160 = arith.index_cast %add3A_120 : i32 to index
        %swap3A_161 = arith.constant 80 : index
        %swap3A_162 = tpu.vector_load %arg10[%swap3A_160, %swap3A_161] {strides = array<i32>} : memref<128x128xf32, #tpu.memory_space<vmem>>, vector<16xf32>,
        tpu.vector_store %arg10[%swap3A_160, %swap3A_161], %mul3A_159 {strides = array<i32>} : memref<128x128xf32, #tpu.memory_space<vmem>>, vector<16xf32>,
        %get3A_163 = arith.index_cast %add3A_120 : i32 to index
        %get3A_164 = arith.constant 96 : index
        %get3A_165 = tpu.vector_load %arg10[%get3A_163, %get3A_164] {strides = array<i32>} : memref<128x128xf32, #tpu.memory_space<vmem>>, vector<16xf32>,
        %mul3A_166 = arith.mulf %get3A_165, %broadcast_in_dim3A_116 : vector<16xf32>
        %swap3A_167 = arith.index_cast %add3A_120 : i32 to index
        %swap3A_168 = arith.constant 96 : index
        %swap3A_169 = tpu.vector_load %arg10[%swap3A_167, %swap3A_168] {strides = array<i32>} : memref<128x128xf32, #tpu.memory_space<vmem>>, vector<16xf32>,
        tpu.vector_store %arg10[%swap3A_167, %swap3A_168], %mul3A_166 {strides = array<i32>} : memref<128x128xf32, #tpu.memory_space<vmem>>, vector<16xf32>,
        %get3A_170 = arith.index_cast %add3A_120 : i32 to index
        %get3A_171 = arith.constant 112 : index
        %get3A_172 = tpu.vector_load %arg10[%get3A_170, %get3A_171] {strides = array<i32>} : memref<128x128xf32, #tpu.memory_space<vmem>>, vector<16xf32>,
        %mul3A_173 = arith.mulf %get3A_172, %broadcast_in_dim3A_116 : vector<16xf32>
        %swap3A_174 = arith.index_cast %add3A_120 : i32 to index
        %swap3A_175 = arith.constant 112 : index
        %swap3A_176 = tpu.vector_load %arg10[%swap3A_174, %swap3A_175] {strides = array<i32>} : memref<128x128xf32, #tpu.memory_space<vmem>>, vector<16xf32>,
        tpu.vector_store %arg10[%swap3A_174, %swap3A_175], %mul3A_173 {strides = array<i32>} : memref<128x128xf32, #tpu.memory_space<vmem>>, vector<16xf32>,
        %slice3A_177 = vector.extract_strided_slice %get3A_54 {offsets = [2], sizes = [1], strides = [1]} : vector<16xf32> to vector<1xf32>
        %squeeze3A_178 = vector.extract %slice3A_177[0] : f32 from vector<1xf32>
        %broadcast_in_dim3A_179 = vector.broadcast %squeeze3A_178 : f32 to vector<16xf32>
        %mul3A_180 = arith.constant 16 : i32
        %mul3A_181 = arith.muli %scan3A_49, %mul3A_180 : i32
        %add3A_182 = arith.constant 2 : i32
        %add3A_183 = arith.addi %mul3A_181, %add3A_182 : i32
        %get3A_184 = arith.index_cast %add3A_183 : i32 to index
        %get3A_185 = arith.constant 0 : index
        %get3A_186 = tpu.vector_load %arg10[%get3A_184, %get3A_185] {strides = array<i32>} : memref<128x128xf32, #tpu.memory_space<vmem>>, vector<16xf32>,
        %mul3A_187 = arith.mulf %get3A_186, %broadcast_in_dim3A_179 : vector<16xf32>
        %swap3A_188 = arith.index_cast %add3A_183 : i32 to index
        %swap3A_189 = arith.constant 0 : index
        %swap3A_190 = tpu.vector_load %arg10[%swap3A_188, %swap3A_189] {strides = array<i32>} : memref<128x128xf32, #tpu.memory_space<vmem>>, vector<16xf32>,
        tpu.vector_store %arg10[%swap3A_188, %swap3A_189], %mul3A_187 {strides = array<i32>} : memref<128x128xf32, #tpu.memory_space<vmem>>, vector<16xf32>,
        %get3A_191 = arith.index_cast %add3A_183 : i32 to index
        %get3A_192 = arith.constant 16 : index
        %get3A_193 = tpu.vector_load %arg10[%get3A_191, %get3A_192] {strides = array<i32>} : memref<128x128xf32, #tpu.memory_space<vmem>>, vector<16xf32>,
        %mul3A_194 = arith.mulf %get3A_193, %broadcast_in_dim3A_179 : vector<16xf32>
        %swap3A_195 = arith.index_cast %add3A_183 : i32 to index
        %swap3A_196 = arith.constant 16 : index
        %swap3A_197 = tpu.vector_load %arg10[%swap3A_195, %swap3A_196] {strides = array<i32>} : memref<128x128xf32, #tpu.memory_space<vmem>>, vector<16xf32>,
        tpu.vector_store %arg10[%swap3A_195, %swap3A_196], %mul3A_194 {strides = array<i32>} : memref<128x128xf32, #tpu.memory_space<vmem>>, vector<16xf32>,
        %get3A_198 = arith.index_cast %add3A_183 : i32 to index
        %get3A_199 = arith.constant 32 : index
        %get3A_200 = tpu.vector_load %arg10[%get3A_198, %get3A_199] {strides = array<i32>} : memref<128x128xf32, #tpu.memory_space<vmem>>, vector<16xf32>,
        %mul3A_201 = arith.mulf %get3A_200, %broadcast_in_dim3A_179 : vector<16xf32>
        %swap3A_202 = arith.index_cast %add3A_183 : i32 to index
        %swap3A_203 = arith.constant 32 : index
        %swap3A_204 = tpu.vector_load %arg10[%swap3A_202, %swap3A_203] {strides = array<i32>} : memref<128x128xf32, #tpu.memory_space<vmem>>, vector<16xf32>,
        tpu.vector_store %arg10[%swap3A_202, %swap3A_203], %mul3A_201 {strides = array<i32>} : memref<128x128xf32, #tpu.memory_space<vmem>>, vector<16xf32>,
        %get3A_205 = arith.index_cast %add3A_183 : i32 to index
        %get3A_206 = arith.constant 48 : index
        %get3A_207 = tpu.vector_load %arg10[%get3A_205, %get3A_206] {strides = array<i32>} : memref<128x128xf32, #tpu.memory_space<vmem>>, vector<16xf32>,
        %mul3A_208 = arith.mulf %get3A_207, %broadcast_in_dim3A_179 : vector<16xf32>
        %swap3A_209 = arith.index_cast %add3A_183 : i32 to index
        %swap3A_210 = arith.constant 48 : index
        %swap3A_211 = tpu.vector_load %arg10[%swap3A_209, %swap3A_210] {strides = array<i32>} : memref<128x128xf32, #tpu.memory_space<vmem>>, vector<16xf32>,
        tpu.vector_store %arg10[%swap3A_209, %swap3A_210], %mul3A_208 {strides = array<i32>} : memref<128x128xf32, #tpu.memory_space<vmem>>, vector<16xf32>,
        %get3A_212 = arith.index_cast %add3A_183 : i32 to index
        %get3A_213 = arith.constant 64 : index
        %get3A_214 = tpu.vector_load %arg10[%get3A_212, %get3A_213] {strides = array<i32>} : memref<128x128xf32, #tpu.memory_space<vmem>>, vector<16xf32>,
        %mul3A_215 = arith.mulf %get3A_214, %broadcast_in_dim3A_179 : vector<16xf32>
        %swap3A_216 = arith.index_cast %add3A_183 : i32 to index
        %swap3A_217 = arith.constant 64 : index
        %swap3A_218 = tpu.vector_load %arg10[%swap3A_216, %swap3A_217] {strides = array<i32>} : memref<128x128xf32, #tpu.memory_space<vmem>>, vector<16xf32>,
        tpu.vector_store %arg10[%swap3A_216, %swap3A_217], %mul3A_215 {strides = array<i32>} : memref<128x128xf32, #tpu.memory_space<vmem>>, vector<16xf32>,
        %get3A_219 = arith.index_cast %add3A_183 : i32 to index
        %get3A_220 = arith.constant 80 : index
        %get3A_221 = tpu.vector_load %arg10[%get3A_219, %get3A_220] {strides = array<i32>} : memref<128x128xf32, #tpu.memory_space<vmem>>, vector<16xf32>,
        %mul3A_222 = arith.mulf %get3A_221, %broadcast_in_dim3A_179 : vector<16xf32>
        %swap3A_223 = arith.index_cast %add3A_183 : i32 to index
        %swap3A_224 = arith.constant 80 : index
        %swap3A_225 = tpu.vector_load %arg10[%swap3A_223, %swap3A_224] {strides = array<i32>} : memref<128x128xf32, #tpu.memory_space<vmem>>, vector<16xf32>,
        tpu.vector_store %arg10[%swap3A_223, %swap3A_224], %mul3A_222 {strides = array<i32>} : memref<128x128xf32, #tpu.memory_space<vmem>>, vector<16xf32>,
        %get3A_226 = arith.index_cast %add3A_183 : i32 to index
        %get3A_227 = arith.constant 96 : index
        %get3A_228 = tpu.vector_load %arg10[%get3A_226, %get3A_227] {strides = array<i32>} : memref<128x128xf32, #tpu.memory_space<vmem>>, vector<16xf32>,
        %mul3A_229 = arith.mulf %get3A_228, %broadcast_in_dim3A_179 : vector<16xf32>
        %swap3A_230 = arith.index_cast %add3A_183 : i32 to index
        %swap3A_231 = arith.constant 96 : index
        %swap3A_232 = tpu.vector_load %arg10[%swap3A_230, %swap3A_231] {strides = array<i32>} : memref<128x128xf32, #tpu.memory_space<vmem>>, vector<16xf32>,
        tpu.vector_store %arg10[%swap3A_230, %swap3A_231], %mul3A_229 {strides = array<i32>} : memref<128x128xf32, #tpu.memory_space<vmem>>, vector<16xf32>,
        %get3A_233 = arith.index_cast %add3A_183 : i32 to index
        %get3A_234 = arith.constant 112 : index
        %get3A_235 = tpu.vector_load %arg10[%get3A_233, %get3A_234] {strides = array<i32>} : memref<128x128xf32, #tpu.memory_space<vmem>>, vector<16xf32>,
        %mul3A_236 = arith.mulf %get3A_235, %broadcast_in_dim3A_179 : vector<16xf32>
        %swap3A_237 = arith.index_cast %add3A_183 : i32 to index
        %swap3A_238 = arith.constant 112 : index
        %swap3A_239 = tpu.vector_load %arg10[%swap3A_237, %swap3A_238] {strides = array<i32>} : memref<128x128xf32, #tpu.memory_space<vmem>>, vector<16xf32>,
        tpu.vector_store %arg10[%swap3A_237, %swap3A_238], %mul3A_236 {strides = array<i32>} : memref<128x128xf32, #tpu.memory_space<vmem>>, vector<16xf32>,
        %slice3A_240 = vector.extract_strided_slice %get3A_54 {offsets = [3], sizes = [1], strides = [1]} : vector<16xf32> to vector<1xf32>
        %squeeze3A_241 = vector.extract %slice3A_240[0] : f32 from vector<1xf32>
        %broadcast_in_dim3A_242 = vector.broadcast %squeeze3A_241 : f32 to vector<16xf32>
        %mul3A_243 = arith.constant 16 : i32
        %mul3A_244 = arith.muli %scan3A_49, %mul3A_243 : i32
        %add3A_245 = arith.constant 3 : i32
        %add3A_246 = arith.addi %mul3A_244, %add3A_245 : i32
        %get3A_247 = arith.index_cast %add3A_246 : i32 to index
        %get3A_248 = arith.constant 0 : index
        %get3A_249 = tpu.vector_load %arg10[%get3A_247, %get3A_248] {strides = array<i32>} : memref<128x128xf32, #tpu.memory_space<vmem>>, vector<16xf32>,
        %mul3A_250 = arith.mulf %get3A_249, %broadcast_in_dim3A_242 : vector<16xf32>
        %swap3A_251 = arith.index_cast %add3A_246 : i32 to index
        %swap3A_252 = arith.constant 0 : index
        %swap3A_253 = tpu.vector_load %arg10[%swap3A_251, %swap3A_252] {strides = array<i32>} : memref<128x128xf32, #tpu.memory_space<vmem>>, vector<16xf32>,
        tpu.vector_store %arg10[%swap3A_251, %swap3A_252], %mul3A_250 {strides = array<i32>} : memref<128x128xf32, #tpu.memory_space<vmem>>, vector<16xf32>,
        %get3A_254 = arith.index_cast %add3A_246 : i32 to index
        %get3A_255 = arith.constant 16 : index
        %get3A_256 = tpu.vector_load %arg10[%get3A_254, %get3A_255] {strides = array<i32>} : memref<128x128xf32, #tpu.memory_space<vmem>>, vector<16xf32>,
        %mul3A_257 = arith.mulf %get3A_256, %broadcast_in_dim3A_242 : vector<16xf32>
        %swap3A_258 = arith.index_cast %add3A_246 : i32 to index
        %swap3A_259 = arith.constant 16 : index
        %swap3A_260 = tpu.vector_load %arg10[%swap3A_258, %swap3A_259] {strides = array<i32>} : memref<128x128xf32, #tpu.memory_space<vmem>>, vector<16xf32>,
        tpu.vector_store %arg10[%swap3A_258, %swap3A_259], %mul3A_257 {strides = array<i32>} : memref<128x128xf32, #tpu.memory_space<vmem>>, vector<16xf32>,
        %get3A_261 = arith.index_cast %add3A_246 : i32 to index
        %get3A_262 = arith.constant 32 : index
        %get3A_263 = tpu.vector_load %arg10[%get3A_261, %get3A_262] {strides = array<i32>} : memref<128x128xf32, #tpu.memory_space<vmem>>, vector<16xf32>,
        %mul3A_264 = arith.mulf %get3A_263, %broadcast_in_dim3A_242 : vector<16xf32>
        %swap3A_265 = arith.index_cast %add3A_246 : i32 to index
        %swap3A_266 = arith.constant 32 : index
        %swap3A_267 = tpu.vector_load %arg10[%swap3A_265, %swap3A_266] {strides = array<i32>} : memref<128x128xf32, #tpu.memory_space<vmem>>, vector<16xf32>,
        tpu.vector_store %arg10[%swap3A_265, %swap3A_266], %mul3A_264 {strides = array<i32>} : memref<128x128xf32, #tpu.memory_space<vmem>>, vector<16xf32>,
        %get3A_268 = arith.index_cast %add3A_246 : i32 to index
        %get3A_269 = arith.constant 48 : index
        %get3A_270 = tpu.vector_load %arg10[%get3A_268, %get3A_269] {strides = array<i32>} : memref<128x128xf32, #tpu.memory_space<vmem>>, vector<16xf32>,
        %mul3A_271 = arith.mulf %get3A_270, %broadcast_in_dim3A_242 : vector<16xf32>
        %swap3A_272 = arith.index_cast %add3A_246 : i32 to index
        %swap3A_273 = arith.constant 48 : index
        %swap3A_274 = tpu.vector_load %arg10[%swap3A_272, %swap3A_273] {strides = array<i32>} : memref<128x128xf32, #tpu.memory_space<vmem>>, vector<16xf32>,
        tpu.vector_store %arg10[%swap3A_272, %swap3A_273], %mul3A_271 {strides = array<i32>} : memref<128x128xf32, #tpu.memory_space<vmem>>, vector<16xf32>,
        %get3A_275 = arith.index_cast %add3A_246 : i32 to index
        %get3A_276 = arith.constant 64 : index
        %get3A_277 = tpu.vector_load %arg10[%get3A_275, %get3A_276] {strides = array<i32>} : memref<128x128xf32, #tpu.memory_space<vmem>>, vector<16xf32>,
        %mul3A_278 = arith.mulf %get3A_277, %broadcast_in_dim3A_242 : vector<16xf32>
        %swap3A_279 = arith.index_cast %add3A_246 : i32 to index
        %swap3A_280 = arith.constant 64 : index
        %swap3A_281 = tpu.vector_load %arg10[%swap3A_279, %swap3A_280] {strides = array<i32>} : memref<128x128xf32, #tpu.memory_space<vmem>>, vector<16xf32>,
        tpu.vector_store %arg10[%swap3A_279, %swap3A_280], %mul3A_278 {strides = array<i32>} : memref<128x128xf32, #tpu.memory_space<vmem>>, vector<16xf32>,
        %get3A_282 = arith.index_cast %add3A_246 : i32 to index
        %get3A_283 = arith.constant 80 : index
        %get3A_284 = tpu.vector_load %arg10[%get3A_282, %get3A_283] {strides = array<i32>} : memref<128x128xf32, #tpu.memory_space<vmem>>, vector<16xf32>,
        %mul3A_285 = arith.mulf %get3A_284, %broadcast_in_dim3A_242 : vector<16xf32>
        %swap3A_286 = arith.index_cast %add3A_246 : i32 to index
        %swap3A_287 = arith.constant 80 : index
        %swap3A_288 = tpu.vector_load %arg10[%swap3A_286, %swap3A_287] {strides = array<i32>} : memref<128x128xf32, #tpu.memory_space<vmem>>, vector<16xf32>,
        tpu.vector_store %arg10[%swap3A_286, %swap3A_287], %mul3A_285 {strides = array<i32>} : memref<128x128xf32, #tpu.memory_space<vmem>>, vector<16xf32>,
        %get3A_289 = arith.index_cast %add3A_246 : i32 to index
        %get3A_290 = arith.constant 96 : index
        %get3A_291 = tpu.vector_load %arg10[%get3A_289, %get3A_290] {strides = array<i32>} : memref<128x128xf32, #tpu.memory_space<vmem>>, vector<16xf32>,
        %mul3A_292 = arith.mulf %get3A_291, %broadcast_in_dim3A_242 : vector<16xf32>
        %swap3A_293 = arith.index_cast %add3A_246 : i32 to index
        %swap3A_294 = arith.constant 96 : index
        %swap3A_295 = tpu.vector_load %arg10[%swap3A_293, %swap3A_294] {strides = array<i32>} : memref<128x128xf32, #tpu.memory_space<vmem>>, vector<16xf32>,
        tpu.vector_store %arg10[%swap3A_293, %swap3A_294], %mul3A_292 {strides = array<i32>} : memref<128x128xf32, #tpu.memory_space<vmem>>, vector<16xf32>,
        %get3A_296 = arith.index_cast %add3A_246 : i32 to index
        %get3A_297 = arith.constant 112 : index
        %get3A_298 = tpu.vector_load %arg10[%get3A_296, %get3A_297] {strides = array<i32>} : memref<128x128xf32, #tpu.memory_space<vmem>>, vector<16xf32>,
        %mul3A_299 = arith.mulf %get3A_298, %broadcast_in_dim3A_242 : vector<16xf32>
        %swap3A_300 = arith.index_cast %add3A_246 : i32 to index
        %swap3A_301 = arith.constant 112 : index
        %swap3A_302 = tpu.vector_load %arg10[%swap3A_300, %swap3A_301] {strides = array<i32>} : memref<128x128xf32, #tpu.memory_space<vmem>>, vector<16xf32>,
        tpu.vector_store %arg10[%swap3A_300, %swap3A_301], %mul3A_299 {strides = array<i32>} : memref<128x128xf32, #tpu.memory_space<vmem>>, vector<16xf32>,
        %slice3A_303 = vector.extract_strided_slice %get3A_54 {offsets = [4], sizes = [1], strides = [1]} : vector<16xf32> to vector<1xf32>
        %squeeze3A_304 = vector.extract %slice3A_303[0] : f32 from vector<1xf32>
        %broadcast_in_dim3A_305 = vector.broadcast %squeeze3A_304 : f32 to vector<16xf32>
        %mul3A_306 = arith.constant 16 : i32
        %mul3A_307 = arith.muli %scan3A_49, %mul3A_306 : i32
        %add3A_308 = arith.constant 4 : i32
        %add3A_309 = arith.addi %mul3A_307, %add3A_308 : i32
        %get3A_310 = arith.index_cast %add3A_309 : i32 to index
        %get3A_311 = arith.constant 0 : index
        %get3A_312 = tpu.vector_load %arg10[%get3A_310, %get3A_311] {strides = array<i32>} : memref<128x128xf32, #tpu.memory_space<vmem>>, vector<16xf32>,
        %mul3A_313 = arith.mulf %get3A_312, %broadcast_in_dim3A_305 : vector<16xf32>
        %swap3A_314 = arith.index_cast %add3A_309 : i32 to index
        %swap3A_315 = arith.constant 0 : index
        %swap3A_316 = tpu.vector_load %arg10[%swap3A_314, %swap3A_315] {strides = array<i32>} : memref<128x128xf32, #tpu.memory_space<vmem>>, vector<16xf32>,
        tpu.vector_store %arg10[%swap3A_314, %swap3A_315], %mul3A_313 {strides = array<i32>} : memref<128x128xf32, #tpu.memory_space<vmem>>, vector<16xf32>,
        %get3A_317 = arith.index_cast %add3A_309 : i32 to index
        %get3A_318 = arith.constant 16 : index
        %get3A_319 = tpu.vector_load %arg10[%get3A_317, %get3A_318] {strides = array<i32>} : memref<128x128xf32, #tpu.memory_space<vmem>>, vector<16xf32>,
        %mul3A_320 = arith.mulf %get3A_319, %broadcast_in_dim3A_305 : vector<16xf32>
        %swap3A_321 = arith.index_cast %add3A_309 : i32 to index
        %swap3A_322 = arith.constant 16 : index
        %swap3A_323 = tpu.vector_load %arg10[%swap3A_321, %swap3A_322] {strides = array<i32>} : memref<128x128xf32, #tpu.memory_space<vmem>>, vector<16xf32>,
        tpu.vector_store %arg10[%swap3A_321, %swap3A_322], %mul3A_320 {strides = array<i32>} : memref<128x128xf32, #tpu.memory_space<vmem>>, vector<16xf32>,
        %get3A_324 = arith.index_cast %add3A_309 : i32 to index
        %get3A_325 = arith.constant 32 : index
        %get3A_326 = tpu.vector_load %arg10[%get3A_324, %get3A_325] {strides = array<i32>} : memref<128x128xf32, #tpu.memory_space<vmem>>, vector<16xf32>,
        %mul3A_327 = arith.mulf %get3A_326, %broadcast_in_dim3A_305 : vector<16xf32>
        %swap3A_328 = arith.index_cast %add3A_309 : i32 to index
        %swap3A_329 = arith.constant 32 : index
        %swap3A_330 = tpu.vector_load %arg10[%swap3A_328, %swap3A_329] {strides = array<i32>} : memref<128x128xf32, #tpu.memory_space<vmem>>, vector<16xf32>,
        tpu.vector_store %arg10[%swap3A_328, %swap3A_329], %mul3A_327 {strides = array<i32>} : memref<128x128xf32, #tpu.memory_space<vmem>>, vector<16xf32>,
        %get3A_331 = arith.index_cast %add3A_309 : i32 to index
        %get3A_332 = arith.constant 48 : index
        %get3A_333 = tpu.vector_load %arg10[%get3A_331, %get3A_332] {strides = array<i32>} : memref<128x128xf32, #tpu.memory_space<vmem>>, vector<16xf32>,
        %mul3A_334 = arith.mulf %get3A_333, %broadcast_in_dim3A_305 : vector<16xf32>
        %swap3A_335 = arith.index_cast %add3A_309 : i32 to index
        %swap3A_336 = arith.constant 48 : index
        %swap3A_337 = tpu.vector_load %arg10[%swap3A_335, %swap3A_336] {strides = array<i32>} : memref<128x128xf32, #tpu.memory_space<vmem>>, vector<16xf32>,
        tpu.vector_store %arg10[%swap3A_335, %swap3A_336], %mul3A_334 {strides = array<i32>} : memref<128x128xf32, #tpu.memory_space<vmem>>, vector<16xf32>,
        %get3A_338 = arith.index_cast %add3A_309 : i32 to index
        %get3A_339 = arith.constant 64 : index
        %get3A_340 = tpu.vector_load %arg10[%get3A_338, %get3A_339] {strides = array<i32>} : memref<128x128xf32, #tpu.memory_space<vmem>>, vector<16xf32>,
        %mul3A_341 = arith.mulf %get3A_340, %broadcast_in_dim3A_305 : vector<16xf32>
        %swap3A_342 = arith.index_cast %add3A_309 : i32 to index
        %swap3A_343 = arith.constant 64 : index
        %swap3A_344 = tpu.vector_load %arg10[%swap3A_342, %swap3A_343] {strides = array<i32>} : memref<128x128xf32, #tpu.memory_space<vmem>>, vector<16xf32>,
        tpu.vector_store %arg10[%swap3A_342, %swap3A_343], %mul3A_341 {strides = array<i32>} : memref<128x128xf32, #tpu.memory_space<vmem>>, vector<16xf32>,
        %get3A_345 = arith.index_cast %add3A_309 : i32 to index
        %get3A_346 = arith.constant 80 : index
        %get3A_347 = tpu.vector_load %arg10[%get3A_345, %get3A_346] {strides = array<i32>} : memref<128x128xf32, #tpu.memory_space<vmem>>, vector<16xf32>,
        %mul3A_348 = arith.mulf %get3A_347, %broadcast_in_dim3A_305 : vector<16xf32>
        %swap3A_349 = arith.index_cast %add3A_309 : i32 to index
        %swap3A_350 = arith.constant 80 : index
        %swap3A_351 = tpu.vector_load %arg10[%swap3A_349, %swap3A_350] {strides = array<i32>} : memref<128x128xf32, #tpu.memory_space<vmem>>, vector<16xf32>,
        tpu.vector_store %arg10[%swap3A_349, %swap3A_350], %mul3A_348 {strides = array<i32>} : memref<128x128xf32, #tpu.memory_space<vmem>>, vector<16xf32>,
        %get3A_352 = arith.index_cast %add3A_309 : i32 to index
        %get3A_353 = arith.constant 96 : index
        %get3A_354 = tpu.vector_load %arg10[%get3A_352, %get3A_353] {strides = array<i32>} : memref<128x128xf32, #tpu.memory_space<vmem>>, vector<16xf32>,
        %mul3A_355 = arith.mulf %get3A_354, %broadcast_in_dim3A_305 : vector<16xf32>
        %swap3A_356 = arith.index_cast %add3A_309 : i32 to index
        %swap3A_357 = arith.constant 96 : index
        %swap3A_358 = tpu.vector_load %arg10[%swap3A_356, %swap3A_357] {strides = array<i32>} : memref<128x128xf32, #tpu.memory_space<vmem>>, vector<16xf32>,
        tpu.vector_store %arg10[%swap3A_356, %swap3A_357], %mul3A_355 {strides = array<i32>} : memref<128x128xf32, #tpu.memory_space<vmem>>, vector<16xf32>,
        %get3A_359 = arith.index_cast %add3A_309 : i32 to index
        %get3A_360 = arith.constant 112 : index
        %get3A_361 = tpu.vector_load %arg10[%get3A_359, %get3A_360] {strides = array<i32>} : memref<128x128xf32, #tpu.memory_space<vmem>>, vector<16xf32>,
        %mul3A_362 = arith.mulf %get3A_361, %broadcast_in_dim3A_305 : vector<16xf32>
        %swap3A_363 = arith.index_cast %add3A_309 : i32 to index
        %swap3A_364 = arith.constant 112 : index
        %swap3A_365 = tpu.vector_load %arg10[%swap3A_363, %swap3A_364] {strides = array<i32>} : memref<128x128xf32, #tpu.memory_space<vmem>>, vector<16xf32>,
        tpu.vector_store %arg10[%swap3A_363, %swap3A_364], %mul3A_362 {strides = array<i32>} : memref<128x128xf32, #tpu.memory_space<vmem>>, vector<16xf32>,
        %slice3A_366 = vector.extract_strided_slice %get3A_54 {offsets = [5], sizes = [1], strides = [1]} : vector<16xf32> to vector<1xf32>
        %squeeze3A_367 = vector.extract %slice3A_366[0] : f32 from vector<1xf32>
        %broadcast_in_dim3A_368 = vector.broadcast %squeeze3A_367 : f32 to vector<16xf32>
        %mul3A_369 = arith.constant 16 : i32
        %mul3A_370 = arith.muli %scan3A_49, %mul3A_369 : i32
        %add3A_371 = arith.constant 5 : i32
        %add3A_372 = arith.addi %mul3A_370, %add3A_371 : i32
        %get3A_373 = arith.index_cast %add3A_372 : i32 to index
        %get3A_374 = arith.constant 0 : index
        %get3A_375 = tpu.vector_load %arg10[%get3A_373, %get3A_374] {strides = array<i32>} : memref<128x128xf32, #tpu.memory_space<vmem>>, vector<16xf32>,
        %mul3A_376 = arith.mulf %get3A_375, %broadcast_in_dim3A_368 : vector<16xf32>
        %swap3A_377 = arith.index_cast %add3A_372 : i32 to index
        %swap3A_378 = arith.constant 0 : index
        %swap3A_379 = tpu.vector_load %arg10[%swap3A_377, %swap3A_378] {strides = array<i32>} : memref<128x128xf32, #tpu.memory_space<vmem>>, vector<16xf32>,
        tpu.vector_store %arg10[%swap3A_377, %swap3A_378], %mul3A_376 {strides = array<i32>} : memref<128x128xf32, #tpu.memory_space<vmem>>, vector<16xf32>,
        %get3A_380 = arith.index_cast %add3A_372 : i32 to index
        %get3A_381 = arith.constant 16 : index
        %get3A_382 = tpu.vector_load %arg10[%get3A_380, %get3A_381] {strides = array<i32>} : memref<128x128xf32, #tpu.memory_space<vmem>>, vector<16xf32>,
        %mul3A_383 = arith.mulf %get3A_382, %broadcast_in_dim3A_368 : vector<16xf32>
        %swap3A_384 = arith.index_cast %add3A_372 : i32 to index
        %swap3A_385 = arith.constant 16 : index
        %swap3A_386 = tpu.vector_load %arg10[%swap3A_384, %swap3A_385] {strides = array<i32>} : memref<128x128xf32, #tpu.memory_space<vmem>>, vector<16xf32>,
        tpu.vector_store %arg10[%swap3A_384, %swap3A_385], %mul3A_383 {strides = array<i32>} : memref<128x128xf32, #tpu.memory_space<vmem>>, vector<16xf32>,
        %get3A_387 = arith.index_cast %add3A_372 : i32 to index
        %get3A_388 = arith.constant 32 : index
        %get3A_389 = tpu.vector_load %arg10[%get3A_387, %get3A_388] {strides = array<i32>} : memref<128x128xf32, #tpu.memory_space<vmem>>, vector<16xf32>,
        %mul3A_390 = arith.mulf %get3A_389, %broadcast_in_dim3A_368 : vector<16xf32>
        %swap3A_391 = arith.index_cast %add3A_372 : i32 to index
        %swap3A_392 = arith.constant 32 : index
        %swap3A_393 = tpu.vector_load %arg10[%swap3A_391, %swap3A_392] {strides = array<i32>} : memref<128x128xf32, #tpu.memory_space<vmem>>, vector<16xf32>,
        tpu.vector_store %arg10[%swap3A_391, %swap3A_392], %mul3A_390 {strides = array<i32>} : memref<128x128xf32, #tpu.memory_space<vmem>>, vector<16xf32>,
        %get3A_394 = arith.index_cast %add3A_372 : i32 to index
        %get3A_395 = arith.constant 48 : index
        %get3A_396 = tpu.vector_load %arg10[%get3A_394, %get3A_395] {strides = array<i32>} : memref<128x128xf32, #tpu.memory_space<vmem>>, vector<16xf32>,
        %mul3A_397 = arith.mulf %get3A_396, %broadcast_in_dim3A_368 : vector<16xf32>
        %swap3A_398 = arith.index_cast %add3A_372 : i32 to index
        %swap3A_399 = arith.constant 48 : index
        %swap3A_400 = tpu.vector_load %arg10[%swap3A_398, %swap3A_399] {strides = array<i32>} : memref<128x128xf32, #tpu.memory_space<vmem>>, vector<16xf32>,
        tpu.vector_store %arg10[%swap3A_398, %swap3A_399], %mul3A_397 {strides = array<i32>} : memref<128x128xf32, #tpu.memory_space<vmem>>, vector<16xf32>,
        %get3A_401 = arith.index_cast %add3A_372 : i32 to index
        %get3A_402 = arith.constant 64 : index
        %get3A_403 = tpu.vector_load %arg10[%get3A_401, %get3A_402] {strides = array<i32>} : memref<128x128xf32, #tpu.memory_space<vmem>>, vector<16xf32>,
        %mul3A_404 = arith.mulf %get3A_403, %broadcast_in_dim3A_368 : vector<16xf32>
        %swap3A_405 = arith.index_cast %add3A_372 : i32 to index
        %swap3A_406 = arith.constant 64 : index
        %swap3A_407 = tpu.vector_load %arg10[%swap3A_405, %swap3A_406] {strides = array<i32>} : memref<128x128xf32, #tpu.memory_space<vmem>>, vector<16xf32>,
        tpu.vector_store %arg10[%swap3A_405, %swap3A_406], %mul3A_404 {strides = array<i32>} : memref<128x128xf32, #tpu.memory_space<vmem>>, vector<16xf32>,
        %get3A_408 = arith.index_cast %add3A_372 : i32 to index
        %get3A_409 = arith.constant 80 : index
        %get3A_410 = tpu.vector_load %arg10[%get3A_408, %get3A_409] {strides = array<i32>} : memref<128x128xf32, #tpu.memory_space<vmem>>, vector<16xf32>,
        %mul3A_411 = arith.mulf %get3A_410, %broadcast_in_dim3A_368 : vector<16xf32>
        %swap3A_412 = arith.index_cast %add3A_372 : i32 to index
        %swap3A_413 = arith.constant 80 : index
        %swap3A_414 = tpu.vector_load %arg10[%swap3A_412, %swap3A_413] {strides = array<i32>} : memref<128x128xf32, #tpu.memory_space<vmem>>, vector<16xf32>,
        tpu.vector_store %arg10[%swap3A_412, %swap3A_413], %mul3A_411 {strides = array<i32>} : memref<128x128xf32, #tpu.memory_space<vmem>>, vector<16xf32>,
        %get3A_415 = arith.index_cast %add3A_372 : i32 to index
        %get3A_416 = arith.constant 96 : index
        %get3A_417 = tpu.vector_load %arg10[%get3A_415, %get3A_416] {strides = array<i32>} : memref<128x128xf32, #tpu.memory_space<vmem>>, vector<16xf32>,
        %mul3A_418 = arith.mulf %get3A_417, %broadcast_in_dim3A_368 : vector<16xf32>
        %swap3A_419 = arith.index_cast %add3A_372 : i32 to index
        %swap3A_420 = arith.constant 96 : index
        %swap3A_421 = tpu.vector_load %arg10[%swap3A_419, %swap3A_420] {strides = array<i32>} : memref<128x128xf32, #tpu.memory_space<vmem>>, vector<16xf32>,
        tpu.vector_store %arg10[%swap3A_419, %swap3A_420], %mul3A_418 {strides = array<i32>} : memref<128x128xf32, #tpu.memory_space<vmem>>, vector<16xf32>,
        %get3A_422 = arith.index_cast %add3A_372 : i32 to index
        %get3A_423 = arith.constant 112 : index
        %get3A_424 = tpu.vector_load %arg10[%get3A_422, %get3A_423] {strides = array<i32>} : memref<128x128xf32, #tpu.memory_space<vmem>>, vector<16xf32>,
        %mul3A_425 = arith.mulf %get3A_424, %broadcast_in_dim3A_368 : vector<16xf32>
        %swap3A_426 = arith.index_cast %add3A_372 : i32 to index
        %swap3A_427 = arith.constant 112 : index
        %swap3A_428 = tpu.vector_load %arg10[%swap3A_426, %swap3A_427] {strides = array<i32>} : memref<128x128xf32, #tpu.memory_space<vmem>>, vector<16xf32>,
        tpu.vector_store %arg10[%swap3A_426, %swap3A_427], %mul3A_425 {strides = array<i32>} : memref<128x128xf32, #tpu.memory_space<vmem>>, vector<16xf32>,
        %slice3A_429 = vector.extract_strided_slice %get3A_54 {offsets = [6], sizes = [1], strides = [1]} : vector<16xf32> to vector<1xf32>
        %squeeze3A_430 = vector.extract %slice3A_429[0] : f32 from vector<1xf32>
        %broadcast_in_dim3A_431 = vector.broadcast %squeeze3A_430 : f32 to vector<16xf32>
        %mul3A_432 = arith.constant 16 : i32
        %mul3A_433 = arith.muli %scan3A_49, %mul3A_432 : i32
        %add3A_434 = arith.constant 6 : i32
        %add3A_435 = arith.addi %mul3A_433, %add3A_434 : i32
        %get3A_436 = arith.index_cast %add3A_435 : i32 to index
        %get3A_437 = arith.constant 0 : index
        %get3A_438 = tpu.vector_load %arg10[%get3A_436, %get3A_437] {strides = array<i32>} : memref<128x128xf32, #tpu.memory_space<vmem>>, vector<16xf32>,
        %mul3A_439 = arith.mulf %get3A_438, %broadcast_in_dim3A_431 : vector<16xf32>
        %swap3A_440 = arith.index_cast %add3A_435 : i32 to index
        %swap3A_441 = arith.constant 0 : index
        %swap3A_442 = tpu.vector_load %arg10[%swap3A_440, %swap3A_441] {strides = array<i32>} : memref<128x128xf32, #tpu.memory_space<vmem>>, vector<16xf32>,
        tpu.vector_store %arg10[%swap3A_440, %swap3A_441], %mul3A_439 {strides = array<i32>} : memref<128x128xf32, #tpu.memory_space<vmem>>, vector<16xf32>,
        %get3A_443 = arith.index_cast %add3A_435 : i32 to index
        %get3A_444 = arith.constant 16 : index
        %get3A_445 = tpu.vector_load %arg10[%get3A_443, %get3A_444] {strides = array<i32>} : memref<128x128xf32, #tpu.memory_space<vmem>>, vector<16xf32>,
        %mul3A_446 = arith.mulf %get3A_445, %broadcast_in_dim3A_431 : vector<16xf32>
        %swap3A_447 = arith.index_cast %add3A_435 : i32 to index
        %swap3A_448 = arith.constant 16 : index
        %swap3A_449 = tpu.vector_load %arg10[%swap3A_447, %swap3A_448] {strides = array<i32>} : memref<128x128xf32, #tpu.memory_space<vmem>>, vector<16xf32>,
        tpu.vector_store %arg10[%swap3A_447, %swap3A_448], %mul3A_446 {strides = array<i32>} : memref<128x128xf32, #tpu.memory_space<vmem>>, vector<16xf32>,
        %get3A_450 = arith.index_cast %add3A_435 : i32 to index
        %get3A_451 = arith.constant 32 : index
        %get3A_452 = tpu.vector_load %arg10[%get3A_450, %get3A_451] {strides = array<i32>} : memref<128x128xf32, #tpu.memory_space<vmem>>, vector<16xf32>,
        %mul3A_453 = arith.mulf %get3A_452, %broadcast_in_dim3A_431 : vector<16xf32>
        %swap3A_454 = arith.index_cast %add3A_435 : i32 to index
        %swap3A_455 = arith.constant 32 : index
        %swap3A_456 = tpu.vector_load %arg10[%swap3A_454, %swap3A_455] {strides = array<i32>} : memref<128x128xf32, #tpu.memory_space<vmem>>, vector<16xf32>,
        tpu.vector_store %arg10[%swap3A_454, %swap3A_455], %mul3A_453 {strides = array<i32>} : memref<128x128xf32, #tpu.memory_space<vmem>>, vector<16xf32>,
        %get3A_457 = arith.index_cast %add3A_435 : i32 to index
        %get3A_458 = arith.constant 48 : index
        %get3A_459 = tpu.vector_load %arg10[%get3A_457, %get3A_458] {strides = array<i32>} : memref<128x128xf32, #tpu.memory_space<vmem>>, vector<16xf32>,
        %mul3A_460 = arith.mulf %get3A_459, %broadcast_in_dim3A_431 : vector<16xf32>
        %swap3A_461 = arith.index_cast %add3A_435 : i32 to index
        %swap3A_462 = arith.constant 48 : index
        %swap3A_463 = tpu.vector_load %arg10[%swap3A_461, %swap3A_462] {strides = array<i32>} : memref<128x128xf32, #tpu.memory_space<vmem>>, vector<16xf32>,
        tpu.vector_store %arg10[%swap3A_461, %swap3A_462], %mul3A_460 {strides = array<i32>} : memref<128x128xf32, #tpu.memory_space<vmem>>, vector<16xf32>,
        %get3A_464 = arith.index_cast %add3A_435 : i32 to index
        %get3A_465 = arith.constant 64 : index
        %get3A_466 = tpu.vector_load %arg10[%get3A_464, %get3A_465] {strides = array<i32>} : memref<128x128xf32, #tpu.memory_space<vmem>>, vector<16xf32>,
        %mul3A_467 = arith.mulf %get3A_466, %broadcast_in_dim3A_431 : vector<16xf32>
        %swap3A_468 = arith.index_cast %add3A_435 : i32 to index
        %swap3A_469 = arith.constant 64 : index
        %swap3A_470 = tpu.vector_load %arg10[%swap3A_468, %swap3A_469] {strides = array<i32>} : memref<128x128xf32, #tpu.memory_space<vmem>>, vector<16xf32>,
        tpu.vector_store %arg10[%swap3A_468, %swap3A_469], %mul3A_467 {strides = array<i32>} : memref<128x128xf32, #tpu.memory_space<vmem>>, vector<16xf32>,
        %get3A_471 = arith.index_cast %add3A_435 : i32 to index
        %get3A_472 = arith.constant 80 : index
        %get3A_473 = tpu.vector_load %arg10[%get3A_471, %get3A_472] {strides = array<i32>} : memref<128x128xf32, #tpu.memory_space<vmem>>, vector<16xf32>,
        %mul3A_474 = arith.mulf %get3A_473, %broadcast_in_dim3A_431 : vector<16xf32>
        %swap3A_475 = arith.index_cast %add3A_435 : i32 to index
        %swap3A_476 = arith.constant 80 : index
        %swap3A_477 = tpu.vector_load %arg10[%swap3A_475, %swap3A_476] {strides = array<i32>} : memref<128x128xf32, #tpu.memory_space<vmem>>, vector<16xf32>,
        tpu.vector_store %arg10[%swap3A_475, %swap3A_476], %mul3A_474 {strides = array<i32>} : memref<128x128xf32, #tpu.memory_space<vmem>>, vector<16xf32>,
        %get3A_478 = arith.index_cast %add3A_435 : i32 to index
        %get3A_479 = arith.constant 96 : index
        %get3A_480 = tpu.vector_load %arg10[%get3A_478, %get3A_479] {strides = array<i32>} : memref<128x128xf32, #tpu.memory_space<vmem>>, vector<16xf32>,
        %mul3A_481 = arith.mulf %get3A_480, %broadcast_in_dim3A_431 : vector<16xf32>
        %swap3A_482 = arith.index_cast %add3A_435 : i32 to index
        %swap3A_483 = arith.constant 96 : index
        %swap3A_484 = tpu.vector_load %arg10[%swap3A_482, %swap3A_483] {strides = array<i32>} : memref<128x128xf32, #tpu.memory_space<vmem>>, vector<16xf32>,
        tpu.vector_store %arg10[%swap3A_482, %swap3A_483], %mul3A_481 {strides = array<i32>} : memref<128x128xf32, #tpu.memory_space<vmem>>, vector<16xf32>,
        %get3A_485 = arith.index_cast %add3A_435 : i32 to index
        %get3A_486 = arith.constant 112 : index
        %get3A_487 = tpu.vector_load %arg10[%get3A_485, %get3A_486] {strides = array<i32>} : memref<128x128xf32, #tpu.memory_space<vmem>>, vector<16xf32>,
        %mul3A_488 = arith.mulf %get3A_487, %broadcast_in_dim3A_431 : vector<16xf32>
        %swap3A_489 = arith.index_cast %add3A_435 : i32 to index
        %swap3A_490 = arith.constant 112 : index
        %swap3A_491 = tpu.vector_load %arg10[%swap3A_489, %swap3A_490] {strides = array<i32>} : memref<128x128xf32, #tpu.memory_space<vmem>>, vector<16xf32>,
        tpu.vector_store %arg10[%swap3A_489, %swap3A_490], %mul3A_488 {strides = array<i32>} : memref<128x128xf32, #tpu.memory_space<vmem>>, vector<16xf32>,
        %slice3A_492 = vector.extract_strided_slice %get3A_54 {offsets = [7], sizes = [1], strides = [1]} : vector<16xf32> to vector<1xf32>
        %squeeze3A_493 = vector.extract %slice3A_492[0] : f32 from vector<1xf32>
        %broadcast_in_dim3A_494 = vector.broadcast %squeeze3A_493 : f32 to vector<16xf32>
        %mul3A_495 = arith.constant 16 : i32
        %mul3A_496 = arith.muli %scan3A_49, %mul3A_495 : i32
        %add3A_497 = arith.constant 7 : i32
        %add3A_498 = arith.addi %mul3A_496, %add3A_497 : i32
        %get3A_499 = arith.index_cast %add3A_498 : i32 to index
        %get3A_500 = arith.constant 0 : index
        %get3A_501 = tpu.vector_load %arg10[%get3A_499, %get3A_500] {strides = array<i32>} : memref<128x128xf32, #tpu.memory_space<vmem>>, vector<16xf32>,
        %mul3A_502 = arith.mulf %get3A_501, %broadcast_in_dim3A_494 : vector<16xf32>
        %swap3A_503 = arith.index_cast %add3A_498 : i32 to index
        %swap3A_504 = arith.constant 0 : index
        %swap3A_505 = tpu.vector_load %arg10[%swap3A_503, %swap3A_504] {strides = array<i32>} : memref<128x128xf32, #tpu.memory_space<vmem>>, vector<16xf32>,
        tpu.vector_store %arg10[%swap3A_503, %swap3A_504], %mul3A_502 {strides = array<i32>} : memref<128x128xf32, #tpu.memory_space<vmem>>, vector<16xf32>,
        %get3A_506 = arith.index_cast %add3A_498 : i32 to index
        %get3A_507 = arith.constant 16 : index
        %get3A_508 = tpu.vector_load %arg10[%get3A_506, %get3A_507] {strides = array<i32>} : memref<128x128xf32, #tpu.memory_space<vmem>>, vector<16xf32>,
        %mul3A_509 = arith.mulf %get3A_508, %broadcast_in_dim3A_494 : vector<16xf32>
        %swap3A_510 = arith.index_cast %add3A_498 : i32 to index
        %swap3A_511 = arith.constant 16 : index
        %swap3A_512 = tpu.vector_load %arg10[%swap3A_510, %swap3A_511] {strides = array<i32>} : memref<128x128xf32, #tpu.memory_space<vmem>>, vector<16xf32>,
        tpu.vector_store %arg10[%swap3A_510, %swap3A_511], %mul3A_509 {strides = array<i32>} : memref<128x128xf32, #tpu.memory_space<vmem>>, vector<16xf32>,
        %get3A_513 = arith.index_cast %add3A_498 : i32 to index
        %get3A_514 = arith.constant 32 : index
        %get3A_515 = tpu.vector_load %arg10[%get3A_513, %get3A_514] {strides = array<i32>} : memref<128x128xf32, #tpu.memory_space<vmem>>, vector<16xf32>,
        %mul3A_516 = arith.mulf %get3A_515, %broadcast_in_dim3A_494 : vector<16xf32>
        %swap3A_517 = arith.index_cast %add3A_498 : i32 to index
        %swap3A_518 = arith.constant 32 : index
        %swap3A_519 = tpu.vector_load %arg10[%swap3A_517, %swap3A_518] {strides = array<i32>} : memref<128x128xf32, #tpu.memory_space<vmem>>, vector<16xf32>,
        tpu.vector_store %arg10[%swap3A_517, %swap3A_518], %mul3A_516 {strides = array<i32>} : memref<128x128xf32, #tpu.memory_space<vmem>>, vector<16xf32>,
        %get3A_520 = arith.index_cast %add3A_498 : i32 to index
        %get3A_521 = arith.constant 48 : index
        %get3A_522 = tpu.vector_load %arg10[%get3A_520, %get3A_521] {strides = array<i32>} : memref<128x128xf32, #tpu.memory_space<vmem>>, vector<16xf32>,
        %mul3A_523 = arith.mulf %get3A_522, %broadcast_in_dim3A_494 : vector<16xf32>
        %swap3A_524 = arith.index_cast %add3A_498 : i32 to index
        %swap3A_525 = arith.constant 48 : index
        %swap3A_526 = tpu.vector_load %arg10[%swap3A_524, %swap3A_525] {strides = array<i32>} : memref<128x128xf32, #tpu.memory_space<vmem>>, vector<16xf32>,
        tpu.vector_store %arg10[%swap3A_524, %swap3A_525], %mul3A_523 {strides = array<i32>} : memref<128x128xf32, #tpu.memory_space<vmem>>, vector<16xf32>,
        %get3A_527 = arith.index_cast %add3A_498 : i32 to index
        %get3A_528 = arith.constant 64 : index
        %get3A_529 = tpu.vector_load %arg10[%get3A_527, %get3A_528] {strides = array<i32>} : memref<128x128xf32, #tpu.memory_space<vmem>>, vector<16xf32>,
        %mul3A_530 = arith.mulf %get3A_529, %broadcast_in_dim3A_494 : vector<16xf32>
        %swap3A_531 = arith.index_cast %add3A_498 : i32 to index
        %swap3A_532 = arith.constant 64 : index
        %swap3A_533 = tpu.vector_load %arg10[%swap3A_531, %swap3A_532] {strides = array<i32>} : memref<128x128xf32, #tpu.memory_space<vmem>>, vector<16xf32>,
        tpu.vector_store %arg10[%swap3A_531, %swap3A_532], %mul3A_530 {strides = array<i32>} : memref<128x128xf32, #tpu.memory_space<vmem>>, vector<16xf32>,
        %get3A_534 = arith.index_cast %add3A_498 : i32 to index
        %get3A_535 = arith.constant 80 : index
        %get3A_536 = tpu.vector_load %arg10[%get3A_534, %get3A_535] {strides = array<i32>} : memref<128x128xf32, #tpu.memory_space<vmem>>, vector<16xf32>,
        %mul3A_537 = arith.mulf %get3A_536, %broadcast_in_dim3A_494 : vector<16xf32>
        %swap3A_538 = arith.index_cast %add3A_498 : i32 to index
        %swap3A_539 = arith.constant 80 : index
        %swap3A_540 = tpu.vector_load %arg10[%swap3A_538, %swap3A_539] {strides = array<i32>} : memref<128x128xf32, #tpu.memory_space<vmem>>, vector<16xf32>,
        tpu.vector_store %arg10[%swap3A_538, %swap3A_539], %mul3A_537 {strides = array<i32>} : memref<128x128xf32, #tpu.memory_space<vmem>>, vector<16xf32>,
        %get3A_541 = arith.index_cast %add3A_498 : i32 to index
        %get3A_542 = arith.constant 96 : index
        %get3A_543 = tpu.vector_load %arg10[%get3A_541, %get3A_542] {strides = array<i32>} : memref<128x128xf32, #tpu.memory_space<vmem>>, vector<16xf32>,
        %mul3A_544 = arith.mulf %get3A_543, %broadcast_in_dim3A_494 : vector<16xf32>
        %swap3A_545 = arith.index_cast %add3A_498 : i32 to index
        %swap3A_546 = arith.constant 96 : index
        %swap3A_547 = tpu.vector_load %arg10[%swap3A_545, %swap3A_546] {strides = array<i32>} : memref<128x128xf32, #tpu.memory_space<vmem>>, vector<16xf32>,
        tpu.vector_store %arg10[%swap3A_545, %swap3A_546], %mul3A_544 {strides = array<i32>} : memref<128x128xf32, #tpu.memory_space<vmem>>, vector<16xf32>,
        %get3A_548 = arith.index_cast %add3A_498 : i32 to index
        %get3A_549 = arith.constant 112 : index
        %get3A_550 = tpu.vector_load %arg10[%get3A_548, %get3A_549] {strides = array<i32>} : memref<128x128xf32, #tpu.memory_space<vmem>>, vector<16xf32>,
        %mul3A_551 = arith.mulf %get3A_550, %broadcast_in_dim3A_494 : vector<16xf32>
        %swap3A_552 = arith.index_cast %add3A_498 : i32 to index
        %swap3A_553 = arith.constant 112 : index
        %swap3A_554 = tpu.vector_load %arg10[%swap3A_552, %swap3A_553] {strides = array<i32>} : memref<128x128xf32, #tpu.memory_space<vmem>>, vector<16xf32>,
        tpu.vector_store %arg10[%swap3A_552, %swap3A_553], %mul3A_551 {strides = array<i32>} : memref<128x128xf32, #tpu.memory_space<vmem>>, vector<16xf32>,
        %slice3A_555 = vector.extract_strided_slice %get3A_54 {offsets = [8], sizes = [1], strides = [1]} : vector<16xf32> to vector<1xf32>
        %squeeze3A_556 = vector.extract %slice3A_555[0] : f32 from vector<1xf32>
        %broadcast_in_dim3A_557 = vector.broadcast %squeeze3A_556 : f32 to vector<16xf32>
        %mul3A_558 = arith.constant 16 : i32
        %mul3A_559 = arith.muli %scan3A_49, %mul3A_558 : i32
        %add3A_560 = arith.constant 8 : i32
        %add3A_561 = arith.addi %mul3A_559, %add3A_560 : i32
        %get3A_562 = arith.index_cast %add3A_561 : i32 to index
        %get3A_563 = arith.constant 0 : index
        %get3A_564 = tpu.vector_load %arg10[%get3A_562, %get3A_563] {strides = array<i32>} : memref<128x128xf32, #tpu.memory_space<vmem>>, vector<16xf32>,
        %mul3A_565 = arith.mulf %get3A_564, %broadcast_in_dim3A_557 : vector<16xf32>
        %swap3A_566 = arith.index_cast %add3A_561 : i32 to index
        %swap3A_567 = arith.constant 0 : index
        %swap3A_568 = tpu.vector_load %arg10[%swap3A_566, %swap3A_567] {strides = array<i32>} : memref<128x128xf32, #tpu.memory_space<vmem>>, vector<16xf32>,
        tpu.vector_store %arg10[%swap3A_566, %swap3A_567], %mul3A_565 {strides = array<i32>} : memref<128x128xf32, #tpu.memory_space<vmem>>, vector<16xf32>,
        %get3A_569 = arith.index_cast %add3A_561 : i32 to index
        %get3A_570 = arith.constant 16 : index
        %get3A_571 = tpu.vector_load %arg10[%get3A_569, %get3A_570] {strides = array<i32>} : memref<128x128xf32, #tpu.memory_space<vmem>>, vector<16xf32>,
        %mul3A_572 = arith.mulf %get3A_571, %broadcast_in_dim3A_557 : vector<16xf32>
        %swap3A_573 = arith.index_cast %add3A_561 : i32 to index
        %swap3A_574 = arith.constant 16 : index
        %swap3A_575 = tpu.vector_load %arg10[%swap3A_573, %swap3A_574] {strides = array<i32>} : memref<128x128xf32, #tpu.memory_space<vmem>>, vector<16xf32>,
        tpu.vector_store %arg10[%swap3A_573, %swap3A_574], %mul3A_572 {strides = array<i32>} : memref<128x128xf32, #tpu.memory_space<vmem>>, vector<16xf32>,
        %get3A_576 = arith.index_cast %add3A_561 : i32 to index
        %get3A_577 = arith.constant 32 : index
        %get3A_578 = tpu.vector_load %arg10[%get3A_576, %get3A_577] {strides = array<i32>} : memref<128x128xf32, #tpu.memory_space<vmem>>, vector<16xf32>,
        %mul3A_579 = arith.mulf %get3A_578, %broadcast_in_dim3A_557 : vector<16xf32>
        %swap3A_580 = arith.index_cast %add3A_561 : i32 to index
        %swap3A_581 = arith.constant 32 : index
        %swap3A_582 = tpu.vector_load %arg10[%swap3A_580, %swap3A_581] {strides = array<i32>} : memref<128x128xf32, #tpu.memory_space<vmem>>, vector<16xf32>,
        tpu.vector_store %arg10[%swap3A_580, %swap3A_581], %mul3A_579 {strides = array<i32>} : memref<128x128xf32, #tpu.memory_space<vmem>>, vector<16xf32>,
        %get3A_583 = arith.index_cast %add3A_561 : i32 to index
        %get3A_584 = arith.constant 48 : index
        %get3A_585 = tpu.vector_load %arg10[%get3A_583, %get3A_584] {strides = array<i32>} : memref<128x128xf32, #tpu.memory_space<vmem>>, vector<16xf32>,
        %mul3A_586 = arith.mulf %get3A_585, %broadcast_in_dim3A_557 : vector<16xf32>
        %swap3A_587 = arith.index_cast %add3A_561 : i32 to index
        %swap3A_588 = arith.constant 48 : index
        %swap3A_589 = tpu.vector_load %arg10[%swap3A_587, %swap3A_588] {strides = array<i32>} : memref<128x128xf32, #tpu.memory_space<vmem>>, vector<16xf32>,
        tpu.vector_store %arg10[%swap3A_587, %swap3A_588], %mul3A_586 {strides = array<i32>} : memref<128x128xf32, #tpu.memory_space<vmem>>, vector<16xf32>,
        %get3A_590 = arith.index_cast %add3A_561 : i32 to index
        %get3A_591 = arith.constant 64 : index
        %get3A_592 = tpu.vector_load %arg10[%get3A_590, %get3A_591] {strides = array<i32>} : memref<128x128xf32, #tpu.memory_space<vmem>>, vector<16xf32>,
        %mul3A_593 = arith.mulf %get3A_592, %broadcast_in_dim3A_557 : vector<16xf32>
        %swap3A_594 = arith.index_cast %add3A_561 : i32 to index
        %swap3A_595 = arith.constant 64 : index
        %swap3A_596 = tpu.vector_load %arg10[%swap3A_594, %swap3A_595] {strides = array<i32>} : memref<128x128xf32, #tpu.memory_space<vmem>>, vector<16xf32>,
        tpu.vector_store %arg10[%swap3A_594, %swap3A_595], %mul3A_593 {strides = array<i32>} : memref<128x128xf32, #tpu.memory_space<vmem>>, vector<16xf32>,
        %get3A_597 = arith.index_cast %add3A_561 : i32 to index
        %get3A_598 = arith.constant 80 : index
        %get3A_599 = tpu.vector_load %arg10[%get3A_597, %get3A_598] {strides = array<i32>} : memref<128x128xf32, #tpu.memory_space<vmem>>, vector<16xf32>,
        %mul3A_600 = arith.mulf %get3A_599, %broadcast_in_dim3A_557 : vector<16xf32>
        %swap3A_601 = arith.index_cast %add3A_561 : i32 to index
        %swap3A_602 = arith.constant 80 : index
        %swap3A_603 = tpu.vector_load %arg10[%swap3A_601, %swap3A_602] {strides = array<i32>} : memref<128x128xf32, #tpu.memory_space<vmem>>, vector<16xf32>,
        tpu.vector_store %arg10[%swap3A_601, %swap3A_602], %mul3A_600 {strides = array<i32>} : memref<128x128xf32, #tpu.memory_space<vmem>>, vector<16xf32>,
        %get3A_604 = arith.index_cast %add3A_561 : i32 to index
        %get3A_605 = arith.constant 96 : index
        %get3A_606 = tpu.vector_load %arg10[%get3A_604, %get3A_605] {strides = array<i32>} : memref<128x128xf32, #tpu.memory_space<vmem>>, vector<16xf32>,
        %mul3A_607 = arith.mulf %get3A_606, %broadcast_in_dim3A_557 : vector<16xf32>
        %swap3A_608 = arith.index_cast %add3A_561 : i32 to index
        %swap3A_609 = arith.constant 96 : index
        %swap3A_610 = tpu.vector_load %arg10[%swap3A_608, %swap3A_609] {strides = array<i32>} : memref<128x128xf32, #tpu.memory_space<vmem>>, vector<16xf32>,
        tpu.vector_store %arg10[%swap3A_608, %swap3A_609], %mul3A_607 {strides = array<i32>} : memref<128x128xf32, #tpu.memory_space<vmem>>, vector<16xf32>,
        %get3A_611 = arith.index_cast %add3A_561 : i32 to index
        %get3A_612 = arith.constant 112 : index
        %get3A_613 = tpu.vector_load %arg10[%get3A_611, %get3A_612] {strides = array<i32>} : memref<128x128xf32, #tpu.memory_space<vmem>>, vector<16xf32>,
        %mul3A_614 = arith.mulf %get3A_613, %broadcast_in_dim3A_557 : vector<16xf32>
        %swap3A_615 = arith.index_cast %add3A_561 : i32 to index
        %swap3A_616 = arith.constant 112 : index
        %swap3A_617 = tpu.vector_load %arg10[%swap3A_615, %swap3A_616] {strides = array<i32>} : memref<128x128xf32, #tpu.memory_space<vmem>>, vector<16xf32>,
        tpu.vector_store %arg10[%swap3A_615, %swap3A_616], %mul3A_614 {strides = array<i32>} : memref<128x128xf32, #tpu.memory_space<vmem>>, vector<16xf32>,
        %slice3A_618 = vector.extract_strided_slice %get3A_54 {offsets = [9], sizes = [1], strides = [1]} : vector<16xf32> to vector<1xf32>
        %squeeze3A_619 = vector.extract %slice3A_618[0] : f32 from vector<1xf32>
        %broadcast_in_dim3A_620 = vector.broadcast %squeeze3A_619 : f32 to vector<16xf32>
        %mul3A_621 = arith.constant 16 : i32
        %mul3A_622 = arith.muli %scan3A_49, %mul3A_621 : i32
        %add3A_623 = arith.constant 9 : i32
        %add3A_624 = arith.addi %mul3A_622, %add3A_623 : i32
        %get3A_625 = arith.index_cast %add3A_624 : i32 to index
        %get3A_626 = arith.constant 0 : index
        %get3A_627 = tpu.vector_load %arg10[%get3A_625, %get3A_626] {strides = array<i32>} : memref<128x128xf32, #tpu.memory_space<vmem>>, vector<16xf32>,
        %mul3A_628 = arith.mulf %get3A_627, %broadcast_in_dim3A_620 : vector<16xf32>
        %swap3A_629 = arith.index_cast %add3A_624 : i32 to index
        %swap3A_630 = arith.constant 0 : index
        %swap3A_631 = tpu.vector_load %arg10[%swap3A_629, %swap3A_630] {strides = array<i32>} : memref<128x128xf32, #tpu.memory_space<vmem>>, vector<16xf32>,
        tpu.vector_store %arg10[%swap3A_629, %swap3A_630], %mul3A_628 {strides = array<i32>} : memref<128x128xf32, #tpu.memory_space<vmem>>, vector<16xf32>,
        %get3A_632 = arith.index_cast %add3A_624 : i32 to index
        %get3A_633 = arith.constant 16 : index
        %get3A_634 = tpu.vector_load %arg10[%get3A_632, %get3A_633] {strides = array<i32>} : memref<128x128xf32, #tpu.memory_space<vmem>>, vector<16xf32>,
        %mul3A_635 = arith.mulf %get3A_634, %broadcast_in_dim3A_620 : vector<16xf32>
        %swap3A_636 = arith.index_cast %add3A_624 : i32 to index
        %swap3A_637 = arith.constant 16 : index
        %swap3A_638 = tpu.vector_load %arg10[%swap3A_636, %swap3A_637] {strides = array<i32>} : memref<128x128xf32, #tpu.memory_space<vmem>>, vector<16xf32>,
        tpu.vector_store %arg10[%swap3A_636, %swap3A_637], %mul3A_635 {strides = array<i32>} : memref<128x128xf32, #tpu.memory_space<vmem>>, vector<16xf32>,
        %get3A_639 = arith.index_cast %add3A_624 : i32 to index
        %get3A_640 = arith.constant 32 : index
        %get3A_641 = tpu.vector_load %arg10[%get3A_639, %get3A_640] {strides = array<i32>} : memref<128x128xf32, #tpu.memory_space<vmem>>, vector<16xf32>,
        %mul3A_642 = arith.mulf %get3A_641, %broadcast_in_dim3A_620 : vector<16xf32>
        %swap3A_643 = arith.index_cast %add3A_624 : i32 to index
        %swap3A_644 = arith.constant 32 : index
        %swap3A_645 = tpu.vector_load %arg10[%swap3A_643, %swap3A_644] {strides = array<i32>} : memref<128x128xf32, #tpu.memory_space<vmem>>, vector<16xf32>,
        tpu.vector_store %arg10[%swap3A_643, %swap3A_644], %mul3A_642 {strides = array<i32>} : memref<128x128xf32, #tpu.memory_space<vmem>>, vector<16xf32>,
        %get3A_646 = arith.index_cast %add3A_624 : i32 to index
        %get3A_647 = arith.constant 48 : index
        %get3A_648 = tpu.vector_load %arg10[%get3A_646, %get3A_647] {strides = array<i32>} : memref<128x128xf32, #tpu.memory_space<vmem>>, vector<16xf32>,
        %mul3A_649 = arith.mulf %get3A_648, %broadcast_in_dim3A_620 : vector<16xf32>
        %swap3A_650 = arith.index_cast %add3A_624 : i32 to index
        %swap3A_651 = arith.constant 48 : index
        %swap3A_652 = tpu.vector_load %arg10[%swap3A_650, %swap3A_651] {strides = array<i32>} : memref<128x128xf32, #tpu.memory_space<vmem>>, vector<16xf32>,
        tpu.vector_store %arg10[%swap3A_650, %swap3A_651], %mul3A_649 {strides = array<i32>} : memref<128x128xf32, #tpu.memory_space<vmem>>, vector<16xf32>,
        %get3A_653 = arith.index_cast %add3A_624 : i32 to index
        %get3A_654 = arith.constant 64 : index
        %get3A_655 = tpu.vector_load %arg10[%get3A_653, %get3A_654] {strides = array<i32>} : memref<128x128xf32, #tpu.memory_space<vmem>>, vector<16xf32>,
        %mul3A_656 = arith.mulf %get3A_655, %broadcast_in_dim3A_620 : vector<16xf32>
        %swap3A_657 = arith.index_cast %add3A_624 : i32 to index
        %swap3A_658 = arith.constant 64 : index
        %swap3A_659 = tpu.vector_load %arg10[%swap3A_657, %swap3A_658] {strides = array<i32>} : memref<128x128xf32, #tpu.memory_space<vmem>>, vector<16xf32>,
        tpu.vector_store %arg10[%swap3A_657, %swap3A_658], %mul3A_656 {strides = array<i32>} : memref<128x128xf32, #tpu.memory_space<vmem>>, vector<16xf32>,
        %get3A_660 = arith.index_cast %add3A_624 : i32 to index
        %get3A_661 = arith.constant 80 : index
        %get3A_662 = tpu.vector_load %arg10[%get3A_660, %get3A_661] {strides = array<i32>} : memref<128x128xf32, #tpu.memory_space<vmem>>, vector<16xf32>,
        %mul3A_663 = arith.mulf %get3A_662, %broadcast_in_dim3A_620 : vector<16xf32>
        %swap3A_664 = arith.index_cast %add3A_624 : i32 to index
        %swap3A_665 = arith.constant 80 : index
        %swap3A_666 = tpu.vector_load %arg10[%swap3A_664, %swap3A_665] {strides = array<i32>} : memref<128x128xf32, #tpu.memory_space<vmem>>, vector<16xf32>,
        tpu.vector_store %arg10[%swap3A_664, %swap3A_665], %mul3A_663 {strides = array<i32>} : memref<128x128xf32, #tpu.memory_space<vmem>>, vector<16xf32>,
        %get3A_667 = arith.index_cast %add3A_624 : i32 to index
        %get3A_668 = arith.constant 96 : index
        %get3A_669 = tpu.vector_load %arg10[%get3A_667, %get3A_668] {strides = array<i32>} : memref<128x128xf32, #tpu.memory_space<vmem>>, vector<16xf32>,
        %mul3A_670 = arith.mulf %get3A_669, %broadcast_in_dim3A_620 : vector<16xf32>
        %swap3A_671 = arith.index_cast %add3A_624 : i32 to index
        %swap3A_672 = arith.constant 96 : index
        %swap3A_673 = tpu.vector_load %arg10[%swap3A_671, %swap3A_672] {strides = array<i32>} : memref<128x128xf32, #tpu.memory_space<vmem>>, vector<16xf32>,
        tpu.vector_store %arg10[%swap3A_671, %swap3A_672], %mul3A_670 {strides = array<i32>} : memref<128x128xf32, #tpu.memory_space<vmem>>, vector<16xf32>,
        %get3A_674 = arith.index_cast %add3A_624 : i32 to index
        %get3A_675 = arith.constant 112 : index
        %get3A_676 = tpu.vector_load %arg10[%get3A_674, %get3A_675] {strides = array<i32>} : memref<128x128xf32, #tpu.memory_space<vmem>>, vector<16xf32>,
        %mul3A_677 = arith.mulf %get3A_676, %broadcast_in_dim3A_620 : vector<16xf32>
        %swap3A_678 = arith.index_cast %add3A_624 : i32 to index
        %swap3A_679 = arith.constant 112 : index
        %swap3A_680 = tpu.vector_load %arg10[%swap3A_678, %swap3A_679] {strides = array<i32>} : memref<128x128xf32, #tpu.memory_space<vmem>>, vector<16xf32>,
        tpu.vector_store %arg10[%swap3A_678, %swap3A_679], %mul3A_677 {strides = array<i32>} : memref<128x128xf32, #tpu.memory_space<vmem>>, vector<16xf32>,
        %slice3A_681 = vector.extract_strided_slice %get3A_54 {offsets = [10], sizes = [1], strides = [1]} : vector<16xf32> to vector<1xf32>
        %squeeze3A_682 = vector.extract %slice3A_681[0] : f32 from vector<1xf32>
        %broadcast_in_dim3A_683 = vector.broadcast %squeeze3A_682 : f32 to vector<16xf32>
        %mul3A_684 = arith.constant 16 : i32
        %mul3A_685 = arith.muli %scan3A_49, %mul3A_684 : i32
        %add3A_686 = arith.constant 10 : i32
        %add3A_687 = arith.addi %mul3A_685, %add3A_686 : i32
        %get3A_688 = arith.index_cast %add3A_687 : i32 to index
        %get3A_689 = arith.constant 0 : index
        %get3A_690 = tpu.vector_load %arg10[%get3A_688, %get3A_689] {strides = array<i32>} : memref<128x128xf32, #tpu.memory_space<vmem>>, vector<16xf32>,
        %mul3A_691 = arith.mulf %get3A_690, %broadcast_in_dim3A_683 : vector<16xf32>
        %swap3A_692 = arith.index_cast %add3A_687 : i32 to index
        %swap3A_693 = arith.constant 0 : index
        %swap3A_694 = tpu.vector_load %arg10[%swap3A_692, %swap3A_693] {strides = array<i32>} : memref<128x128xf32, #tpu.memory_space<vmem>>, vector<16xf32>,
        tpu.vector_store %arg10[%swap3A_692, %swap3A_693], %mul3A_691 {strides = array<i32>} : memref<128x128xf32, #tpu.memory_space<vmem>>, vector<16xf32>,
        %get3A_695 = arith.index_cast %add3A_687 : i32 to index
        %get3A_696 = arith.constant 16 : index
        %get3A_697 = tpu.vector_load %arg10[%get3A_695, %get3A_696] {strides = array<i32>} : memref<128x128xf32, #tpu.memory_space<vmem>>, vector<16xf32>,
        %mul3A_698 = arith.mulf %get3A_697, %broadcast_in_dim3A_683 : vector<16xf32>
        %swap3A_699 = arith.index_cast %add3A_687 : i32 to index
        %swap3A_700 = arith.constant 16 : index
        %swap3A_701 = tpu.vector_load %arg10[%swap3A_699, %swap3A_700] {strides = array<i32>} : memref<128x128xf32, #tpu.memory_space<vmem>>, vector<16xf32>,
        tpu.vector_store %arg10[%swap3A_699, %swap3A_700], %mul3A_698 {strides = array<i32>} : memref<128x128xf32, #tpu.memory_space<vmem>>, vector<16xf32>,
        %get3A_702 = arith.index_cast %add3A_687 : i32 to index
        %get3A_703 = arith.constant 32 : index
        %get3A_704 = tpu.vector_load %arg10[%get3A_702, %get3A_703] {strides = array<i32>} : memref<128x128xf32, #tpu.memory_space<vmem>>, vector<16xf32>,
        %mul3A_705 = arith.mulf %get3A_704, %broadcast_in_dim3A_683 : vector<16xf32>
        %swap3A_706 = arith.index_cast %add3A_687 : i32 to index
        %swap3A_707 = arith.constant 32 : index
        %swap3A_708 = tpu.vector_load %arg10[%swap3A_706, %swap3A_707] {strides = array<i32>} : memref<128x128xf32, #tpu.memory_space<vmem>>, vector<16xf32>,
        tpu.vector_store %arg10[%swap3A_706, %swap3A_707], %mul3A_705 {strides = array<i32>} : memref<128x128xf32, #tpu.memory_space<vmem>>, vector<16xf32>,
        %get3A_709 = arith.index_cast %add3A_687 : i32 to index
        %get3A_710 = arith.constant 48 : index
        %get3A_711 = tpu.vector_load %arg10[%get3A_709, %get3A_710] {strides = array<i32>} : memref<128x128xf32, #tpu.memory_space<vmem>>, vector<16xf32>,
        %mul3A_712 = arith.mulf %get3A_711, %broadcast_in_dim3A_683 : vector<16xf32>
        %swap3A_713 = arith.index_cast %add3A_687 : i32 to index
        %swap3A_714 = arith.constant 48 : index
        %swap3A_715 = tpu.vector_load %arg10[%swap3A_713, %swap3A_714] {strides = array<i32>} : memref<128x128xf32, #tpu.memory_space<vmem>>, vector<16xf32>,
        tpu.vector_store %arg10[%swap3A_713, %swap3A_714], %mul3A_712 {strides = array<i32>} : memref<128x128xf32, #tpu.memory_space<vmem>>, vector<16xf32>,
        %get3A_716 = arith.index_cast %add3A_687 : i32 to index
        %get3A_717 = arith.constant 64 : index
        %get3A_718 = tpu.vector_load %arg10[%get3A_716, %get3A_717] {strides = array<i32>} : memref<128x128xf32, #tpu.memory_space<vmem>>, vector<16xf32>,
        %mul3A_719 = arith.mulf %get3A_718, %broadcast_in_dim3A_683 : vector<16xf32>
        %swap3A_720 = arith.index_cast %add3A_687 : i32 to index
        %swap3A_721 = arith.constant 64 : index
        %swap3A_722 = tpu.vector_load %arg10[%swap3A_720, %swap3A_721] {strides = array<i32>} : memref<128x128xf32, #tpu.memory_space<vmem>>, vector<16xf32>,
        tpu.vector_store %arg10[%swap3A_720, %swap3A_721], %mul3A_719 {strides = array<i32>} : memref<128x128xf32, #tpu.memory_space<vmem>>, vector<16xf32>,
        %get3A_723 = arith.index_cast %add3A_687 : i32 to index
        %get3A_724 = arith.constant 80 : index
        %get3A_725 = tpu.vector_load %arg10[%get3A_723, %get3A_724] {strides = array<i32>} : memref<128x128xf32, #tpu.memory_space<vmem>>, vector<16xf32>,
        %mul3A_726 = arith.mulf %get3A_725, %broadcast_in_dim3A_683 : vector<16xf32>
        %swap3A_727 = arith.index_cast %add3A_687 : i32 to index
        %swap3A_728 = arith.constant 80 : index
        %swap3A_729 = tpu.vector_load %arg10[%swap3A_727, %swap3A_728] {strides = array<i32>} : memref<128x128xf32, #tpu.memory_space<vmem>>, vector<16xf32>,
        tpu.vector_store %arg10[%swap3A_727, %swap3A_728], %mul3A_726 {strides = array<i32>} : memref<128x128xf32, #tpu.memory_space<vmem>>, vector<16xf32>,
        %get3A_730 = arith.index_cast %add3A_687 : i32 to index
        %get3A_731 = arith.constant 96 : index
        %get3A_732 = tpu.vector_load %arg10[%get3A_730, %get3A_731] {strides = array<i32>} : memref<128x128xf32, #tpu.memory_space<vmem>>, vector<16xf32>,
        %mul3A_733 = arith.mulf %get3A_732, %broadcast_in_dim3A_683 : vector<16xf32>
        %swap3A_734 = arith.index_cast %add3A_687 : i32 to index
        %swap3A_735 = arith.constant 96 : index
        %swap3A_736 = tpu.vector_load %arg10[%swap3A_734, %swap3A_735] {strides = array<i32>} : memref<128x128xf32, #tpu.memory_space<vmem>>, vector<16xf32>,
        tpu.vector_store %arg10[%swap3A_734, %swap3A_735], %mul3A_733 {strides = array<i32>} : memref<128x128xf32, #tpu.memory_space<vmem>>, vector<16xf32>,
        %get3A_737 = arith.index_cast %add3A_687 : i32 to index
        %get3A_738 = arith.constant 112 : index
        %get3A_739 = tpu.vector_load %arg10[%get3A_737, %get3A_738] {strides = array<i32>} : memref<128x128xf32, #tpu.memory_space<vmem>>, vector<16xf32>,
        %mul3A_740 = arith.mulf %get3A_739, %broadcast_in_dim3A_683 : vector<16xf32>
        %swap3A_741 = arith.index_cast %add3A_687 : i32 to index
        %swap3A_742 = arith.constant 112 : index
        %swap3A_743 = tpu.vector_load %arg10[%swap3A_741, %swap3A_742] {strides = array<i32>} : memref<128x128xf32, #tpu.memory_space<vmem>>, vector<16xf32>,
        tpu.vector_store %arg10[%swap3A_741, %swap3A_742], %mul3A_740 {strides = array<i32>} : memref<128x128xf32, #tpu.memory_space<vmem>>, vector<16xf32>,
        %slice3A_744 = vector.extract_strided_slice %get3A_54 {offsets = [11], sizes = [1], strides = [1]} : vector<16xf32> to vector<1xf32>
        %squeeze3A_745 = vector.extract %slice3A_744[0] : f32 from vector<1xf32>
        %broadcast_in_dim3A_746 = vector.broadcast %squeeze3A_745 : f32 to vector<16xf32>
        %mul3A_747 = arith.constant 16 : i32
        %mul3A_748 = arith.muli %scan3A_49, %mul3A_747 : i32
        %add3A_749 = arith.constant 11 : i32
        %add3A_750 = arith.addi %mul3A_748, %add3A_749 : i32
        %get3A_751 = arith.index_cast %add3A_750 : i32 to index
        %get3A_752 = arith.constant 0 : index
        %get3A_753 = tpu.vector_load %arg10[%get3A_751, %get3A_752] {strides = array<i32>} : memref<128x128xf32, #tpu.memory_space<vmem>>, vector<16xf32>,
        %mul3A_754 = arith.mulf %get3A_753, %broadcast_in_dim3A_746 : vector<16xf32>
        %swap3A_755 = arith.index_cast %add3A_750 : i32 to index
        %swap3A_756 = arith.constant 0 : index
        %swap3A_757 = tpu.vector_load %arg10[%swap3A_755, %swap3A_756] {strides = array<i32>} : memref<128x128xf32, #tpu.memory_space<vmem>>, vector<16xf32>,
        tpu.vector_store %arg10[%swap3A_755, %swap3A_756], %mul3A_754 {strides = array<i32>} : memref<128x128xf32, #tpu.memory_space<vmem>>, vector<16xf32>,
        %get3A_758 = arith.index_cast %add3A_750 : i32 to index
        %get3A_759 = arith.constant 16 : index
        %get3A_760 = tpu.vector_load %arg10[%get3A_758, %get3A_759] {strides = array<i32>} : memref<128x128xf32, #tpu.memory_space<vmem>>, vector<16xf32>,
        %mul3A_761 = arith.mulf %get3A_760, %broadcast_in_dim3A_746 : vector<16xf32>
        %swap3A_762 = arith.index_cast %add3A_750 : i32 to index
        %swap3A_763 = arith.constant 16 : index
        %swap3A_764 = tpu.vector_load %arg10[%swap3A_762, %swap3A_763] {strides = array<i32>} : memref<128x128xf32, #tpu.memory_space<vmem>>, vector<16xf32>,
        tpu.vector_store %arg10[%swap3A_762, %swap3A_763], %mul3A_761 {strides = array<i32>} : memref<128x128xf32, #tpu.memory_space<vmem>>, vector<16xf32>,
        %get3A_765 = arith.index_cast %add3A_750 : i32 to index
        %get3A_766 = arith.constant 32 : index
        %get3A_767 = tpu.vector_load %arg10[%get3A_765, %get3A_766] {strides = array<i32>} : memref<128x128xf32, #tpu.memory_space<vmem>>, vector<16xf32>,
        %mul3A_768 = arith.mulf %get3A_767, %broadcast_in_dim3A_746 : vector<16xf32>
        %swap3A_769 = arith.index_cast %add3A_750 : i32 to index
        %swap3A_770 = arith.constant 32 : index
        %swap3A_771 = tpu.vector_load %arg10[%swap3A_769, %swap3A_770] {strides = array<i32>} : memref<128x128xf32, #tpu.memory_space<vmem>>, vector<16xf32>,
        tpu.vector_store %arg10[%swap3A_769, %swap3A_770], %mul3A_768 {strides = array<i32>} : memref<128x128xf32, #tpu.memory_space<vmem>>, vector<16xf32>,
        %get3A_772 = arith.index_cast %add3A_750 : i32 to index
        %get3A_773 = arith.constant 48 : index
        %get3A_774 = tpu.vector_load %arg10[%get3A_772, %get3A_773] {strides = array<i32>} : memref<128x128xf32, #tpu.memory_space<vmem>>, vector<16xf32>,
        %mul3A_775 = arith.mulf %get3A_774, %broadcast_in_dim3A_746 : vector<16xf32>
        %swap3A_776 = arith.index_cast %add3A_750 : i32 to index
        %swap3A_777 = arith.constant 48 : index
        %swap3A_778 = tpu.vector_load %arg10[%swap3A_776, %swap3A_777] {strides = array<i32>} : memref<128x128xf32, #tpu.memory_space<vmem>>, vector<16xf32>,
        tpu.vector_store %arg10[%swap3A_776, %swap3A_777], %mul3A_775 {strides = array<i32>} : memref<128x128xf32, #tpu.memory_space<vmem>>, vector<16xf32>,
        %get3A_779 = arith.index_cast %add3A_750 : i32 to index
        %get3A_780 = arith.constant 64 : index
        %get3A_781 = tpu.vector_load %arg10[%get3A_779, %get3A_780] {strides = array<i32>} : memref<128x128xf32, #tpu.memory_space<vmem>>, vector<16xf32>,
        %mul3A_782 = arith.mulf %get3A_781, %broadcast_in_dim3A_746 : vector<16xf32>
        %swap3A_783 = arith.index_cast %add3A_750 : i32 to index
        %swap3A_784 = arith.constant 64 : index
        %swap3A_785 = tpu.vector_load %arg10[%swap3A_783, %swap3A_784] {strides = array<i32>} : memref<128x128xf32, #tpu.memory_space<vmem>>, vector<16xf32>,
        tpu.vector_store %arg10[%swap3A_783, %swap3A_784], %mul3A_782 {strides = array<i32>} : memref<128x128xf32, #tpu.memory_space<vmem>>, vector<16xf32>,
        %get3A_786 = arith.index_cast %add3A_750 : i32 to index
        %get3A_787 = arith.constant 80 : index
        %get3A_788 = tpu.vector_load %arg10[%get3A_786, %get3A_787] {strides = array<i32>} : memref<128x128xf32, #tpu.memory_space<vmem>>, vector<16xf32>,
        %mul3A_789 = arith.mulf %get3A_788, %broadcast_in_dim3A_746 : vector<16xf32>
        %swap3A_790 = arith.index_cast %add3A_750 : i32 to index
        %swap3A_791 = arith.constant 80 : index
        %swap3A_792 = tpu.vector_load %arg10[%swap3A_790, %swap3A_791] {strides = array<i32>} : memref<128x128xf32, #tpu.memory_space<vmem>>, vector<16xf32>,
        tpu.vector_store %arg10[%swap3A_790, %swap3A_791], %mul3A_789 {strides = array<i32>} : memref<128x128xf32, #tpu.memory_space<vmem>>, vector<16xf32>,
        %get3A_793 = arith.index_cast %add3A_750 : i32 to index
        %get3A_794 = arith.constant 96 : index
        %get3A_795 = tpu.vector_load %arg10[%get3A_793, %get3A_794] {strides = array<i32>} : memref<128x128xf32, #tpu.memory_space<vmem>>, vector<16xf32>,
        %mul3A_796 = arith.mulf %get3A_795, %broadcast_in_dim3A_746 : vector<16xf32>
        %swap3A_797 = arith.index_cast %add3A_750 : i32 to index
        %swap3A_798 = arith.constant 96 : index
        %swap3A_799 = tpu.vector_load %arg10[%swap3A_797, %swap3A_798] {strides = array<i32>} : memref<128x128xf32, #tpu.memory_space<vmem>>, vector<16xf32>,
        tpu.vector_store %arg10[%swap3A_797, %swap3A_798], %mul3A_796 {strides = array<i32>} : memref<128x128xf32, #tpu.memory_space<vmem>>, vector<16xf32>,
        %get3A_800 = arith.index_cast %add3A_750 : i32 to index
        %get3A_801 = arith.constant 112 : index
        %get3A_802 = tpu.vector_load %arg10[%get3A_800, %get3A_801] {strides = array<i32>} : memref<128x128xf32, #tpu.memory_space<vmem>>, vector<16xf32>,
        %mul3A_803 = arith.mulf %get3A_802, %broadcast_in_dim3A_746 : vector<16xf32>
        %swap3A_804 = arith.index_cast %add3A_750 : i32 to index
        %swap3A_805 = arith.constant 112 : index
        %swap3A_806 = tpu.vector_load %arg10[%swap3A_804, %swap3A_805] {strides = array<i32>} : memref<128x128xf32, #tpu.memory_space<vmem>>, vector<16xf32>,
        tpu.vector_store %arg10[%swap3A_804, %swap3A_805], %mul3A_803 {strides = array<i32>} : memref<128x128xf32, #tpu.memory_space<vmem>>, vector<16xf32>,
        %slice3A_807 = vector.extract_strided_slice %get3A_54 {offsets = [12], sizes = [1], strides = [1]} : vector<16xf32> to vector<1xf32>
        %squeeze3A_808 = vector.extract %slice3A_807[0] : f32 from vector<1xf32>
        %broadcast_in_dim3A_809 = vector.broadcast %squeeze3A_808 : f32 to vector<16xf32>
        %mul3A_810 = arith.constant 16 : i32
        %mul3A_811 = arith.muli %scan3A_49, %mul3A_810 : i32
        %add3A_812 = arith.constant 12 : i32
        %add3A_813 = arith.addi %mul3A_811, %add3A_812 : i32
        %get3A_814 = arith.index_cast %add3A_813 : i32 to index
        %get3A_815 = arith.constant 0 : index
        %get3A_816 = tpu.vector_load %arg10[%get3A_814, %get3A_815] {strides = array<i32>} : memref<128x128xf32, #tpu.memory_space<vmem>>, vector<16xf32>,
        %mul3A_817 = arith.mulf %get3A_816, %broadcast_in_dim3A_809 : vector<16xf32>
        %swap3A_818 = arith.index_cast %add3A_813 : i32 to index
        %swap3A_819 = arith.constant 0 : index
        %swap3A_820 = tpu.vector_load %arg10[%swap3A_818, %swap3A_819] {strides = array<i32>} : memref<128x128xf32, #tpu.memory_space<vmem>>, vector<16xf32>,
        tpu.vector_store %arg10[%swap3A_818, %swap3A_819], %mul3A_817 {strides = array<i32>} : memref<128x128xf32, #tpu.memory_space<vmem>>, vector<16xf32>,
        %get3A_821 = arith.index_cast %add3A_813 : i32 to index
        %get3A_822 = arith.constant 16 : index
        %get3A_823 = tpu.vector_load %arg10[%get3A_821, %get3A_822] {strides = array<i32>} : memref<128x128xf32, #tpu.memory_space<vmem>>, vector<16xf32>,
        %mul3A_824 = arith.mulf %get3A_823, %broadcast_in_dim3A_809 : vector<16xf32>
        %swap3A_825 = arith.index_cast %add3A_813 : i32 to index
        %swap3A_826 = arith.constant 16 : index
        %swap3A_827 = tpu.vector_load %arg10[%swap3A_825, %swap3A_826] {strides = array<i32>} : memref<128x128xf32, #tpu.memory_space<vmem>>, vector<16xf32>,
        tpu.vector_store %arg10[%swap3A_825, %swap3A_826], %mul3A_824 {strides = array<i32>} : memref<128x128xf32, #tpu.memory_space<vmem>>, vector<16xf32>,
        %get3A_828 = arith.index_cast %add3A_813 : i32 to index
        %get3A_829 = arith.constant 32 : index
        %get3A_830 = tpu.vector_load %arg10[%get3A_828, %get3A_829] {strides = array<i32>} : memref<128x128xf32, #tpu.memory_space<vmem>>, vector<16xf32>,
        %mul3A_831 = arith.mulf %get3A_830, %broadcast_in_dim3A_809 : vector<16xf32>
        %swap3A_832 = arith.index_cast %add3A_813 : i32 to index
        %swap3A_833 = arith.constant 32 : index
        %swap3A_834 = tpu.vector_load %arg10[%swap3A_832, %swap3A_833] {strides = array<i32>} : memref<128x128xf32, #tpu.memory_space<vmem>>, vector<16xf32>,
        tpu.vector_store %arg10[%swap3A_832, %swap3A_833], %mul3A_831 {strides = array<i32>} : memref<128x128xf32, #tpu.memory_space<vmem>>, vector<16xf32>,
        %get3A_835 = arith.index_cast %add3A_813 : i32 to index
        %get3A_836 = arith.constant 48 : index
        %get3A_837 = tpu.vector_load %arg10[%get3A_835, %get3A_836] {strides = array<i32>} : memref<128x128xf32, #tpu.memory_space<vmem>>, vector<16xf32>,
        %mul3A_838 = arith.mulf %get3A_837, %broadcast_in_dim3A_809 : vector<16xf32>
        %swap3A_839 = arith.index_cast %add3A_813 : i32 to index
        %swap3A_840 = arith.constant 48 : index
        %swap3A_841 = tpu.vector_load %arg10[%swap3A_839, %swap3A_840] {strides = array<i32>} : memref<128x128xf32, #tpu.memory_space<vmem>>, vector<16xf32>,
        tpu.vector_store %arg10[%swap3A_839, %swap3A_840], %mul3A_838 {strides = array<i32>} : memref<128x128xf32, #tpu.memory_space<vmem>>, vector<16xf32>,
        %get3A_842 = arith.index_cast %add3A_813 : i32 to index
        %get3A_843 = arith.constant 64 : index
        %get3A_844 = tpu.vector_load %arg10[%get3A_842, %get3A_843] {strides = array<i32>} : memref<128x128xf32, #tpu.memory_space<vmem>>, vector<16xf32>,
        %mul3A_845 = arith.mulf %get3A_844, %broadcast_in_dim3A_809 : vector<16xf32>
        %swap3A_846 = arith.index_cast %add3A_813 : i32 to index
        %swap3A_847 = arith.constant 64 : index
        %swap3A_848 = tpu.vector_load %arg10[%swap3A_846, %swap3A_847] {strides = array<i32>} : memref<128x128xf32, #tpu.memory_space<vmem>>, vector<16xf32>,
        tpu.vector_store %arg10[%swap3A_846, %swap3A_847], %mul3A_845 {strides = array<i32>} : memref<128x128xf32, #tpu.memory_space<vmem>>, vector<16xf32>,
        %get3A_849 = arith.index_cast %add3A_813 : i32 to index
        %get3A_850 = arith.constant 80 : index
        %get3A_851 = tpu.vector_load %arg10[%get3A_849, %get3A_850] {strides = array<i32>} : memref<128x128xf32, #tpu.memory_space<vmem>>, vector<16xf32>,
        %mul3A_852 = arith.mulf %get3A_851, %broadcast_in_dim3A_809 : vector<16xf32>
        %swap3A_853 = arith.index_cast %add3A_813 : i32 to index
        %swap3A_854 = arith.constant 80 : index
        %swap3A_855 = tpu.vector_load %arg10[%swap3A_853, %swap3A_854] {strides = array<i32>} : memref<128x128xf32, #tpu.memory_space<vmem>>, vector<16xf32>,
        tpu.vector_store %arg10[%swap3A_853, %swap3A_854], %mul3A_852 {strides = array<i32>} : memref<128x128xf32, #tpu.memory_space<vmem>>, vector<16xf32>,
        %get3A_856 = arith.index_cast %add3A_813 : i32 to index
        %get3A_857 = arith.constant 96 : index
        %get3A_858 = tpu.vector_load %arg10[%get3A_856, %get3A_857] {strides = array<i32>} : memref<128x128xf32, #tpu.memory_space<vmem>>, vector<16xf32>,
        %mul3A_859 = arith.mulf %get3A_858, %broadcast_in_dim3A_809 : vector<16xf32>
        %swap3A_860 = arith.index_cast %add3A_813 : i32 to index
        %swap3A_861 = arith.constant 96 : index
        %swap3A_862 = tpu.vector_load %arg10[%swap3A_860, %swap3A_861] {strides = array<i32>} : memref<128x128xf32, #tpu.memory_space<vmem>>, vector<16xf32>,
        tpu.vector_store %arg10[%swap3A_860, %swap3A_861], %mul3A_859 {strides = array<i32>} : memref<128x128xf32, #tpu.memory_space<vmem>>, vector<16xf32>,
        %get3A_863 = arith.index_cast %add3A_813 : i32 to index
        %get3A_864 = arith.constant 112 : index
        %get3A_865 = tpu.vector_load %arg10[%get3A_863, %get3A_864] {strides = array<i32>} : memref<128x128xf32, #tpu.memory_space<vmem>>, vector<16xf32>,
        %mul3A_866 = arith.mulf %get3A_865, %broadcast_in_dim3A_809 : vector<16xf32>
        %swap3A_867 = arith.index_cast %add3A_813 : i32 to index
        %swap3A_868 = arith.constant 112 : index
        %swap3A_869 = tpu.vector_load %arg10[%swap3A_867, %swap3A_868] {strides = array<i32>} : memref<128x128xf32, #tpu.memory_space<vmem>>, vector<16xf32>,
        tpu.vector_store %arg10[%swap3A_867, %swap3A_868], %mul3A_866 {strides = array<i32>} : memref<128x128xf32, #tpu.memory_space<vmem>>, vector<16xf32>,
        %slice3A_870 = vector.extract_strided_slice %get3A_54 {offsets = [13], sizes = [1], strides = [1]} : vector<16xf32> to vector<1xf32>
        %squeeze3A_871 = vector.extract %slice3A_870[0] : f32 from vector<1xf32>
        %broadcast_in_dim3A_872 = vector.broadcast %squeeze3A_871 : f32 to vector<16xf32>
        %mul3A_873 = arith.constant 16 : i32
        %mul3A_874 = arith.muli %scan3A_49, %mul3A_873 : i32
        %add3A_875 = arith.constant 13 : i32
        %add3A_876 = arith.addi %mul3A_874, %add3A_875 : i32
        %get3A_877 = arith.index_cast %add3A_876 : i32 to index
        %get3A_878 = arith.constant 0 : index
        %get3A_879 = tpu.vector_load %arg10[%get3A_877, %get3A_878] {strides = array<i32>} : memref<128x128xf32, #tpu.memory_space<vmem>>, vector<16xf32>,
        %mul3A_880 = arith.mulf %get3A_879, %broadcast_in_dim3A_872 : vector<16xf32>
        %swap3A_881 = arith.index_cast %add3A_876 : i32 to index
        %swap3A_882 = arith.constant 0 : index
        %swap3A_883 = tpu.vector_load %arg10[%swap3A_881, %swap3A_882] {strides = array<i32>} : memref<128x128xf32, #tpu.memory_space<vmem>>, vector<16xf32>,
        tpu.vector_store %arg10[%swap3A_881, %swap3A_882], %mul3A_880 {strides = array<i32>} : memref<128x128xf32, #tpu.memory_space<vmem>>, vector<16xf32>,
        %get3A_884 = arith.index_cast %add3A_876 : i32 to index
        %get3A_885 = arith.constant 16 : index
        %get3A_886 = tpu.vector_load %arg10[%get3A_884, %get3A_885] {strides = array<i32>} : memref<128x128xf32, #tpu.memory_space<vmem>>, vector<16xf32>,
        %mul3A_887 = arith.mulf %get3A_886, %broadcast_in_dim3A_872 : vector<16xf32>
        %swap3A_888 = arith.index_cast %add3A_876 : i32 to index
        %swap3A_889 = arith.constant 16 : index
        %swap3A_890 = tpu.vector_load %arg10[%swap3A_888, %swap3A_889] {strides = array<i32>} : memref<128x128xf32, #tpu.memory_space<vmem>>, vector<16xf32>,
        tpu.vector_store %arg10[%swap3A_888, %swap3A_889], %mul3A_887 {strides = array<i32>} : memref<128x128xf32, #tpu.memory_space<vmem>>, vector<16xf32>,
        %get3A_891 = arith.index_cast %add3A_876 : i32 to index
        %get3A_892 = arith.constant 32 : index
        %get3A_893 = tpu.vector_load %arg10[%get3A_891, %get3A_892] {strides = array<i32>} : memref<128x128xf32, #tpu.memory_space<vmem>>, vector<16xf32>,
        %mul3A_894 = arith.mulf %get3A_893, %broadcast_in_dim3A_872 : vector<16xf32>
        %swap3A_895 = arith.index_cast %add3A_876 : i32 to index
        %swap3A_896 = arith.constant 32 : index
        %swap3A_897 = tpu.vector_load %arg10[%swap3A_895, %swap3A_896] {strides = array<i32>} : memref<128x128xf32, #tpu.memory_space<vmem>>, vector<16xf32>,
        tpu.vector_store %arg10[%swap3A_895, %swap3A_896], %mul3A_894 {strides = array<i32>} : memref<128x128xf32, #tpu.memory_space<vmem>>, vector<16xf32>,
        %get3A_898 = arith.index_cast %add3A_876 : i32 to index
        %get3A_899 = arith.constant 48 : index
        %get3A_900 = tpu.vector_load %arg10[%get3A_898, %get3A_899] {strides = array<i32>} : memref<128x128xf32, #tpu.memory_space<vmem>>, vector<16xf32>,
        %mul3A_901 = arith.mulf %get3A_900, %broadcast_in_dim3A_872 : vector<16xf32>
        %swap3A_902 = arith.index_cast %add3A_876 : i32 to index
        %swap3A_903 = arith.constant 48 : index
        %swap3A_904 = tpu.vector_load %arg10[%swap3A_902, %swap3A_903] {strides = array<i32>} : memref<128x128xf32, #tpu.memory_space<vmem>>, vector<16xf32>,
        tpu.vector_store %arg10[%swap3A_902, %swap3A_903], %mul3A_901 {strides = array<i32>} : memref<128x128xf32, #tpu.memory_space<vmem>>, vector<16xf32>,
        %get3A_905 = arith.index_cast %add3A_876 : i32 to index
        %get3A_906 = arith.constant 64 : index
        %get3A_907 = tpu.vector_load %arg10[%get3A_905, %get3A_906] {strides = array<i32>} : memref<128x128xf32, #tpu.memory_space<vmem>>, vector<16xf32>,
        %mul3A_908 = arith.mulf %get3A_907, %broadcast_in_dim3A_872 : vector<16xf32>
        %swap3A_909 = arith.index_cast %add3A_876 : i32 to index
        %swap3A_910 = arith.constant 64 : index
        %swap3A_911 = tpu.vector_load %arg10[%swap3A_909, %swap3A_910] {strides = array<i32>} : memref<128x128xf32, #tpu.memory_space<vmem>>, vector<16xf32>,
        tpu.vector_store %arg10[%swap3A_909, %swap3A_910], %mul3A_908 {strides = array<i32>} : memref<128x128xf32, #tpu.memory_space<vmem>>, vector<16xf32>,
        %get3A_912 = arith.index_cast %add3A_876 : i32 to index
        %get3A_913 = arith.constant 80 : index
        %get3A_914 = tpu.vector_load %arg10[%get3A_912, %get3A_913] {strides = array<i32>} : memref<128x128xf32, #tpu.memory_space<vmem>>, vector<16xf32>,
        %mul3A_915 = arith.mulf %get3A_914, %broadcast_in_dim3A_872 : vector<16xf32>
        %swap3A_916 = arith.index_cast %add3A_876 : i32 to index
        %swap3A_917 = arith.constant 80 : index
        %swap3A_918 = tpu.vector_load %arg10[%swap3A_916, %swap3A_917] {strides = array<i32>} : memref<128x128xf32, #tpu.memory_space<vmem>>, vector<16xf32>,
        tpu.vector_store %arg10[%swap3A_916, %swap3A_917], %mul3A_915 {strides = array<i32>} : memref<128x128xf32, #tpu.memory_space<vmem>>, vector<16xf32>,
        %get3A_919 = arith.index_cast %add3A_876 : i32 to index
        %get3A_920 = arith.constant 96 : index
        %get3A_921 = tpu.vector_load %arg10[%get3A_919, %get3A_920] {strides = array<i32>} : memref<128x128xf32, #tpu.memory_space<vmem>>, vector<16xf32>,
        %mul3A_922 = arith.mulf %get3A_921, %broadcast_in_dim3A_872 : vector<16xf32>
        %swap3A_923 = arith.index_cast %add3A_876 : i32 to index
        %swap3A_924 = arith.constant 96 : index
        %swap3A_925 = tpu.vector_load %arg10[%swap3A_923, %swap3A_924] {strides = array<i32>} : memref<128x128xf32, #tpu.memory_space<vmem>>, vector<16xf32>,
        tpu.vector_store %arg10[%swap3A_923, %swap3A_924], %mul3A_922 {strides = array<i32>} : memref<128x128xf32, #tpu.memory_space<vmem>>, vector<16xf32>,
        %get3A_926 = arith.index_cast %add3A_876 : i32 to index
        %get3A_927 = arith.constant 112 : index
        %get3A_928 = tpu.vector_load %arg10[%get3A_926, %get3A_927] {strides = array<i32>} : memref<128x128xf32, #tpu.memory_space<vmem>>, vector<16xf32>,
        %mul3A_929 = arith.mulf %get3A_928, %broadcast_in_dim3A_872 : vector<16xf32>
        %swap3A_930 = arith.index_cast %add3A_876 : i32 to index
        %swap3A_931 = arith.constant 112 : index
        %swap3A_932 = tpu.vector_load %arg10[%swap3A_930, %swap3A_931] {strides = array<i32>} : memref<128x128xf32, #tpu.memory_space<vmem>>, vector<16xf32>,
        tpu.vector_store %arg10[%swap3A_930, %swap3A_931], %mul3A_929 {strides = array<i32>} : memref<128x128xf32, #tpu.memory_space<vmem>>, vector<16xf32>,
        %slice3A_933 = vector.extract_strided_slice %get3A_54 {offsets = [14], sizes = [1], strides = [1]} : vector<16xf32> to vector<1xf32>
        %squeeze3A_934 = vector.extract %slice3A_933[0] : f32 from vector<1xf32>
        %broadcast_in_dim3A_935 = vector.broadcast %squeeze3A_934 : f32 to vector<16xf32>
        %mul3A_936 = arith.constant 16 : i32
        %mul3A_937 = arith.muli %scan3A_49, %mul3A_936 : i32
        %add3A_938 = arith.constant 14 : i32
        %add3A_939 = arith.addi %mul3A_937, %add3A_938 : i32
        %get3A_940 = arith.index_cast %add3A_939 : i32 to index
        %get3A_941 = arith.constant 0 : index
        %get3A_942 = tpu.vector_load %arg10[%get3A_940, %get3A_941] {strides = array<i32>} : memref<128x128xf32, #tpu.memory_space<vmem>>, vector<16xf32>,
        %mul3A_943 = arith.mulf %get3A_942, %broadcast_in_dim3A_935 : vector<16xf32>
        %swap3A_944 = arith.index_cast %add3A_939 : i32 to index
        %swap3A_945 = arith.constant 0 : index
        %swap3A_946 = tpu.vector_load %arg10[%swap3A_944, %swap3A_945] {strides = array<i32>} : memref<128x128xf32, #tpu.memory_space<vmem>>, vector<16xf32>,
        tpu.vector_store %arg10[%swap3A_944, %swap3A_945], %mul3A_943 {strides = array<i32>} : memref<128x128xf32, #tpu.memory_space<vmem>>, vector<16xf32>,
        %get3A_947 = arith.index_cast %add3A_939 : i32 to index
        %get3A_948 = arith.constant 16 : index
        %get3A_949 = tpu.vector_load %arg10[%get3A_947, %get3A_948] {strides = array<i32>} : memref<128x128xf32, #tpu.memory_space<vmem>>, vector<16xf32>,
        %mul3A_950 = arith.mulf %get3A_949, %broadcast_in_dim3A_935 : vector<16xf32>
        %swap3A_951 = arith.index_cast %add3A_939 : i32 to index
        %swap3A_952 = arith.constant 16 : index
        %swap3A_953 = tpu.vector_load %arg10[%swap3A_951, %swap3A_952] {strides = array<i32>} : memref<128x128xf32, #tpu.memory_space<vmem>>, vector<16xf32>,
        tpu.vector_store %arg10[%swap3A_951, %swap3A_952], %mul3A_950 {strides = array<i32>} : memref<128x128xf32, #tpu.memory_space<vmem>>, vector<16xf32>,
        %get3A_954 = arith.index_cast %add3A_939 : i32 to index
        %get3A_955 = arith.constant 32 : index
        %get3A_956 = tpu.vector_load %arg10[%get3A_954, %get3A_955] {strides = array<i32>} : memref<128x128xf32, #tpu.memory_space<vmem>>, vector<16xf32>,
        %mul3A_957 = arith.mulf %get3A_956, %broadcast_in_dim3A_935 : vector<16xf32>
        %swap3A_958 = arith.index_cast %add3A_939 : i32 to index
        %swap3A_959 = arith.constant 32 : index
        %swap3A_960 = tpu.vector_load %arg10[%swap3A_958, %swap3A_959] {strides = array<i32>} : memref<128x128xf32, #tpu.memory_space<vmem>>, vector<16xf32>,
        tpu.vector_store %arg10[%swap3A_958, %swap3A_959], %mul3A_957 {strides = array<i32>} : memref<128x128xf32, #tpu.memory_space<vmem>>, vector<16xf32>,
        %get3A_961 = arith.index_cast %add3A_939 : i32 to index
        %get3A_962 = arith.constant 48 : index
        %get3A_963 = tpu.vector_load %arg10[%get3A_961, %get3A_962] {strides = array<i32>} : memref<128x128xf32, #tpu.memory_space<vmem>>, vector<16xf32>,
        %mul3A_964 = arith.mulf %get3A_963, %broadcast_in_dim3A_935 : vector<16xf32>
        %swap3A_965 = arith.index_cast %add3A_939 : i32 to index
        %swap3A_966 = arith.constant 48 : index
        %swap3A_967 = tpu.vector_load %arg10[%swap3A_965, %swap3A_966] {strides = array<i32>} : memref<128x128xf32, #tpu.memory_space<vmem>>, vector<16xf32>,
        tpu.vector_store %arg10[%swap3A_965, %swap3A_966], %mul3A_964 {strides = array<i32>} : memref<128x128xf32, #tpu.memory_space<vmem>>, vector<16xf32>,
        %get3A_968 = arith.index_cast %add3A_939 : i32 to index
        %get3A_969 = arith.constant 64 : index
        %get3A_970 = tpu.vector_load %arg10[%get3A_968, %get3A_969] {strides = array<i32>} : memref<128x128xf32, #tpu.memory_space<vmem>>, vector<16xf32>,
        %mul3A_971 = arith.mulf %get3A_970, %broadcast_in_dim3A_935 : vector<16xf32>
        %swap3A_972 = arith.index_cast %add3A_939 : i32 to index
        %swap3A_973 = arith.constant 64 : index
        %swap3A_974 = tpu.vector_load %arg10[%swap3A_972, %swap3A_973] {strides = array<i32>} : memref<128x128xf32, #tpu.memory_space<vmem>>, vector<16xf32>,
        tpu.vector_store %arg10[%swap3A_972, %swap3A_973], %mul3A_971 {strides = array<i32>} : memref<128x128xf32, #tpu.memory_space<vmem>>, vector<16xf32>,
        %get3A_975 = arith.index_cast %add3A_939 : i32 to index
        %get3A_976 = arith.constant 80 : index
        %get3A_977 = tpu.vector_load %arg10[%get3A_975, %get3A_976] {strides = array<i32>} : memref<128x128xf32, #tpu.memory_space<vmem>>, vector<16xf32>,
        %mul3A_978 = arith.mulf %get3A_977, %broadcast_in_dim3A_935 : vector<16xf32>
        %swap3A_979 = arith.index_cast %add3A_939 : i32 to index
        %swap3A_980 = arith.constant 80 : index
        %swap3A_981 = tpu.vector_load %arg10[%swap3A_979, %swap3A_980] {strides = array<i32>} : memref<128x128xf32, #tpu.memory_space<vmem>>, vector<16xf32>,
        tpu.vector_store %arg10[%swap3A_979, %swap3A_980], %mul3A_978 {strides = array<i32>} : memref<128x128xf32, #tpu.memory_space<vmem>>, vector<16xf32>,
        %get3A_982 = arith.index_cast %add3A_939 : i32 to index
        %get3A_983 = arith.constant 96 : index
        %get3A_984 = tpu.vector_load %arg10[%get3A_982, %get3A_983] {strides = array<i32>} : memref<128x128xf32, #tpu.memory_space<vmem>>, vector<16xf32>,
        %mul3A_985 = arith.mulf %get3A_984, %broadcast_in_dim3A_935 : vector<16xf32>
        %swap3A_986 = arith.index_cast %add3A_939 : i32 to index
        %swap3A_987 = arith.constant 96 : index
        %swap3A_988 = tpu.vector_load %arg10[%swap3A_986, %swap3A_987] {strides = array<i32>} : memref<128x128xf32, #tpu.memory_space<vmem>>, vector<16xf32>,
        tpu.vector_store %arg10[%swap3A_986, %swap3A_987], %mul3A_985 {strides = array<i32>} : memref<128x128xf32, #tpu.memory_space<vmem>>, vector<16xf32>,
        %get3A_989 = arith.index_cast %add3A_939 : i32 to index
        %get3A_990 = arith.constant 112 : index
        %get3A_991 = tpu.vector_load %arg10[%get3A_989, %get3A_990] {strides = array<i32>} : memref<128x128xf32, #tpu.memory_space<vmem>>, vector<16xf32>,
        %mul3A_992 = arith.mulf %get3A_991, %broadcast_in_dim3A_935 : vector<16xf32>
        %swap3A_993 = arith.index_cast %add3A_939 : i32 to index
        %swap3A_994 = arith.constant 112 : index
        %swap3A_995 = tpu.vector_load %arg10[%swap3A_993, %swap3A_994] {strides = array<i32>} : memref<128x128xf32, #tpu.memory_space<vmem>>, vector<16xf32>,
        tpu.vector_store %arg10[%swap3A_993, %swap3A_994], %mul3A_992 {strides = array<i32>} : memref<128x128xf32, #tpu.memory_space<vmem>>, vector<16xf32>,
        %slice3A_996 = vector.extract_strided_slice %get3A_54 {offsets = [15], sizes = [1], strides = [1]} : vector<16xf32> to vector<1xf32>
        %squeeze3A_997 = vector.extract %slice3A_996[0] : f32 from vector<1xf32>
        %broadcast_in_dim3A_998 = vector.broadcast %squeeze3A_997 : f32 to vector<16xf32>
        %mul3A_999 = arith.constant 16 : i32
        %mul3A_1000 = arith.muli %scan3A_49, %mul3A_999 : i32
        %add3A_1001 = arith.constant 15 : i32
        %add3A_1002 = arith.addi %mul3A_1000, %add3A_1001 : i32
        %get3A_1003 = arith.index_cast %add3A_1002 : i32 to index
        %get3A_1004 = arith.constant 0 : index
        %get3A_1005 = tpu.vector_load %arg10[%get3A_1003, %get3A_1004] {strides = array<i32>} : memref<128x128xf32, #tpu.memory_space<vmem>>, vector<16xf32>,
        %mul3A_1006 = arith.mulf %get3A_1005, %broadcast_in_dim3A_998 : vector<16xf32>
        %swap3A_1007 = arith.index_cast %add3A_1002 : i32 to index
        %swap3A_1008 = arith.constant 0 : index
        %swap3A_1009 = tpu.vector_load %arg10[%swap3A_1007, %swap3A_1008] {strides = array<i32>} : memref<128x128xf32, #tpu.memory_space<vmem>>, vector<16xf32>,
        tpu.vector_store %arg10[%swap3A_1007, %swap3A_1008], %mul3A_1006 {strides = array<i32>} : memref<128x128xf32, #tpu.memory_space<vmem>>, vector<16xf32>,
        %get3A_1010 = arith.index_cast %add3A_1002 : i32 to index
        %get3A_1011 = arith.constant 16 : index
        %get3A_1012 = tpu.vector_load %arg10[%get3A_1010, %get3A_1011] {strides = array<i32>} : memref<128x128xf32, #tpu.memory_space<vmem>>, vector<16xf32>,
        %mul3A_1013 = arith.mulf %get3A_1012, %broadcast_in_dim3A_998 : vector<16xf32>
        %swap3A_1014 = arith.index_cast %add3A_1002 : i32 to index
        %swap3A_1015 = arith.constant 16 : index
        %swap3A_1016 = tpu.vector_load %arg10[%swap3A_1014, %swap3A_1015] {strides = array<i32>} : memref<128x128xf32, #tpu.memory_space<vmem>>, vector<16xf32>,
        tpu.vector_store %arg10[%swap3A_1014, %swap3A_1015], %mul3A_1013 {strides = array<i32>} : memref<128x128xf32, #tpu.memory_space<vmem>>, vector<16xf32>,
        %get3A_1017 = arith.index_cast %add3A_1002 : i32 to index
        %get3A_1018 = arith.constant 32 : index
        %get3A_1019 = tpu.vector_load %arg10[%get3A_1017, %get3A_1018] {strides = array<i32>} : memref<128x128xf32, #tpu.memory_space<vmem>>, vector<16xf32>,
        %mul3A_1020 = arith.mulf %get3A_1019, %broadcast_in_dim3A_998 : vector<16xf32>
        %swap3A_1021 = arith.index_cast %add3A_1002 : i32 to index
        %swap3A_1022 = arith.constant 32 : index
        %swap3A_1023 = tpu.vector_load %arg10[%swap3A_1021, %swap3A_1022] {strides = array<i32>} : memref<128x128xf32, #tpu.memory_space<vmem>>, vector<16xf32>,
        tpu.vector_store %arg10[%swap3A_1021, %swap3A_1022], %mul3A_1020 {strides = array<i32>} : memref<128x128xf32, #tpu.memory_space<vmem>>, vector<16xf32>,
        %get3A_1024 = arith.index_cast %add3A_1002 : i32 to index
        %get3A_1025 = arith.constant 48 : index
        %get3A_1026 = tpu.vector_load %arg10[%get3A_1024, %get3A_1025] {strides = array<i32>} : memref<128x128xf32, #tpu.memory_space<vmem>>, vector<16xf32>,
        %mul3A_1027 = arith.mulf %get3A_1026, %broadcast_in_dim3A_998 : vector<16xf32>
        %swap3A_1028 = arith.index_cast %add3A_1002 : i32 to index
        %swap3A_1029 = arith.constant 48 : index
        %swap3A_1030 = tpu.vector_load %arg10[%swap3A_1028, %swap3A_1029] {strides = array<i32>} : memref<128x128xf32, #tpu.memory_space<vmem>>, vector<16xf32>,
        tpu.vector_store %arg10[%swap3A_1028, %swap3A_1029], %mul3A_1027 {strides = array<i32>} : memref<128x128xf32, #tpu.memory_space<vmem>>, vector<16xf32>,
        %get3A_1031 = arith.index_cast %add3A_1002 : i32 to index
        %get3A_1032 = arith.constant 64 : index
        %get3A_1033 = tpu.vector_load %arg10[%get3A_1031, %get3A_1032] {strides = array<i32>} : memref<128x128xf32, #tpu.memory_space<vmem>>, vector<16xf32>,
        %mul3A_1034 = arith.mulf %get3A_1033, %broadcast_in_dim3A_998 : vector<16xf32>
        %swap3A_1035 = arith.index_cast %add3A_1002 : i32 to index
        %swap3A_1036 = arith.constant 64 : index
        %swap3A_1037 = tpu.vector_load %arg10[%swap3A_1035, %swap3A_1036] {strides = array<i32>} : memref<128x128xf32, #tpu.memory_space<vmem>>, vector<16xf32>,
        tpu.vector_store %arg10[%swap3A_1035, %swap3A_1036], %mul3A_1034 {strides = array<i32>} : memref<128x128xf32, #tpu.memory_space<vmem>>, vector<16xf32>,
        %get3A_1038 = arith.index_cast %add3A_1002 : i32 to index
        %get3A_1039 = arith.constant 80 : index
        %get3A_1040 = tpu.vector_load %arg10[%get3A_1038, %get3A_1039] {strides = array<i32>} : memref<128x128xf32, #tpu.memory_space<vmem>>, vector<16xf32>,
        %mul3A_1041 = arith.mulf %get3A_1040, %broadcast_in_dim3A_998 : vector<16xf32>
        %swap3A_1042 = arith.index_cast %add3A_1002 : i32 to index
        %swap3A_1043 = arith.constant 80 : index
        %swap3A_1044 = tpu.vector_load %arg10[%swap3A_1042, %swap3A_1043] {strides = array<i32>} : memref<128x128xf32, #tpu.memory_space<vmem>>, vector<16xf32>,
        tpu.vector_store %arg10[%swap3A_1042, %swap3A_1043], %mul3A_1041 {strides = array<i32>} : memref<128x128xf32, #tpu.memory_space<vmem>>, vector<16xf32>,
        %get3A_1045 = arith.index_cast %add3A_1002 : i32 to index
        %get3A_1046 = arith.constant 96 : index
        %get3A_1047 = tpu.vector_load %arg10[%get3A_1045, %get3A_1046] {strides = array<i32>} : memref<128x128xf32, #tpu.memory_space<vmem>>, vector<16xf32>,
        %mul3A_1048 = arith.mulf %get3A_1047, %broadcast_in_dim3A_998 : vector<16xf32>
        %swap3A_1049 = arith.index_cast %add3A_1002 : i32 to index
        %swap3A_1050 = arith.constant 96 : index
        %swap3A_1051 = tpu.vector_load %arg10[%swap3A_1049, %swap3A_1050] {strides = array<i32>} : memref<128x128xf32, #tpu.memory_space<vmem>>, vector<16xf32>,
        tpu.vector_store %arg10[%swap3A_1049, %swap3A_1050], %mul3A_1048 {strides = array<i32>} : memref<128x128xf32, #tpu.memory_space<vmem>>, vector<16xf32>,
        %get3A_1052 = arith.index_cast %add3A_1002 : i32 to index
        %get3A_1053 = arith.constant 112 : index
        %get3A_1054 = tpu.vector_load %arg10[%get3A_1052, %get3A_1053] {strides = array<i32>} : memref<128x128xf32, #tpu.memory_space<vmem>>, vector<16xf32>,
        %mul3A_1055 = arith.mulf %get3A_1054, %broadcast_in_dim3A_998 : vector<16xf32>
        %swap3A_1056 = arith.index_cast %add3A_1002 : i32 to index
        %swap3A_1057 = arith.constant 112 : index
        %swap3A_1058 = tpu.vector_load %arg10[%swap3A_1056, %swap3A_1057] {strides = array<i32>} : memref<128x128xf32, #tpu.memory_space<vmem>>, vector<16xf32>,
        tpu.vector_store %arg10[%swap3A_1056, %swap3A_1057], %mul3A_1055 {strides = array<i32>} : memref<128x128xf32, #tpu.memory_space<vmem>>, vector<16xf32>,
        %scan3A_1059 = arith.constant 0 : i32
        scf.yield %scan3A_1059 : i32
      }
      %scan3A_47 = arith.constant 8 : i32
      "tpu.region"() ({
        %run_scoped3A = tpu.sem_alloc : memref<!tpu.dma_semaphore, #tpu.memory_space<semaphore_mem>>
        %dma_start3A_49 = arith.constant 0 : i32
        %dma_start3A_50 = tpu.memref_slice %arg7[%scan3A_29, %dma_start3A_49] : memref<80x128xi32, #tpu.memory_space<vmem>> -> memref<1x128xi32, #tpu.memory_space<vmem>>
        %dma_start3A_51 = tpu.memref_squeeze %dma_start3A_50 : memref<1x128xi32, #tpu.memory_space<vmem>> -> memref<128xi32, #tpu.memory_space<vmem>>
        %dma_start3A_52 = arith.constant 0 : i32
        %dma_start3A_53 = arith.constant 0 : i32
        %dma_start3A_54 = tpu.memref_slice %arg11[%dma_start3A_52, %dma_start3A_53] : memref<10240x128xf32, #tpu.memory_space<vmem_shared>> -> memref<10240x128xf32, #tpu.memory_space<vmem_shared>>
        tpu.enqueue_indirect_dma source(%arg10 : memref<128x128xf32, #tpu.memory_space<vmem>>) target(%dma_start3A_54 : memref<10240x128xf32, #tpu.memory_space<vmem_shared>>) offsets(%dma_start3A_51 : memref<128xi32, #tpu.memory_space<vmem>>) semaphore(%run_scoped3A : memref<!tpu.dma_semaphore, #tpu.memory_space<semaphore_mem>>) {add = true}
        %dma_wait3A_55 = arith.constant 0 : i32
        %dma_wait3A_56 = tpu.memref_slice %arg7[%scan3A_29, %dma_wait3A_55] : memref<80x128xi32, #tpu.memory_space<vmem>> -> memref<1x128xi32, #tpu.memory_space<vmem>>
        %dma_wait3A_57 = tpu.memref_squeeze %dma_wait3A_56 : memref<1x128xi32, #tpu.memory_space<vmem>> -> memref<128xi32, #tpu.memory_space<vmem>>
        %dma_wait3A_58 = arith.constant 0 : i32
        %dma_wait3A_59 = arith.constant 0 : i32
        %dma_wait3A_60 = tpu.memref_slice %arg11[%dma_wait3A_58, %dma_wait3A_59] : memref<10240x128xf32, #tpu.memory_space<vmem_shared>> -> memref<10240x128xf32, #tpu.memory_space<vmem_shared>>
        tpu.wait_indirect_dma semaphore(%run_scoped3A : memref<!tpu.dma_semaphore, #tpu.memory_space<semaphore_mem>>) src(%arg10 : memref<128x128xf32, #tpu.memory_space<vmem>>) dst(%dma_wait3A_60 : memref<10240x128xf32, #tpu.memory_space<vmem_shared>>)
        tpu.yield
      }) : () -> ()
      %scan3A_48 = arith.constant 0 : i32
      scf.yield %scan3A_48 : i32
    }
    %scan3A_20 = arith.constant 80 : i32
    %barrier3A_21 = arith.constant 0 : index
    tpu.barrier barrier_id(%barrier3A_21)
    %scan3A_22 = arith.constant 0 : i32
    %scan3A_23 = arith.constant 0 : i32
    %scan3A_24 = arith.constant 5 : i32
    %scan3A_25 = arith.addi %scan3A_23, %scan3A_24 : i32
    %scan3A_26 = arith.constant 1 : i32
    %scan3A_27 = scf.for %scan3A_29 = %scan3A_23 to %scan3A_25 step %scan3A_26 iter_args(%scan3A_30 = %scan3A_22) -> (i32)  : i32 {
      %mul3A_31 = arith.constant 640 : i32
      %mul3A_32 = arith.muli %arg1, %mul3A_31 : i32
      %mul3A_33 = arith.constant 128 : i32
      %mul3A_34 = arith.muli %scan3A_29, %mul3A_33 : i32
      %add3A_35 = arith.addi %mul3A_32, %mul3A_34 : i32
      "tpu.region"() ({
        %run_scoped3A = tpu.sem_alloc : memref<!tpu.dma_semaphore, #tpu.memory_space<semaphore_mem>>
        %dma_start3A = arith.constant 0 : i32
        %dma_start3A_37 = arith.constant 0 : i32
        %dma_start3A_38 = tpu.memref_slice %arg10[%dma_start3A, %dma_start3A_37] : memref<128x128xf32, #tpu.memory_space<vmem>> -> memref<128x128xf32, #tpu.memory_space<vmem>>
        %dma_start3A_39 = arith.constant 0 : i32
        %dma_start3A_40 = tpu.memref_slice %arg11[%add3A_35, %dma_start3A_39] : memref<10240x128xf32, #tpu.memory_space<vmem_shared>> -> memref<128x128xf32, #tpu.memory_space<vmem_shared>>
        %dma_start3A_41 = arith.constant 0 : i32
        %dma_start3A_42 = arith.constant 0 : i32
        %dma_start3A_43 = tpu.memref_slice %arg10[%dma_start3A_41, %dma_start3A_42] : memref<128x128xf32, #tpu.memory_space<vmem>> -> memref<128x128xf32, #tpu.memory_space<vmem>>
        %dma_start3A_44 = arith.constant 0 : i32
        %dma_start3A_45 = tpu.memref_slice %arg11[%add3A_35, %dma_start3A_44] : memref<10240x128xf32, #tpu.memory_space<vmem_shared>> -> memref<128x128xf32, #tpu.memory_space<vmem_shared>>
        tpu.enqueue_dma source(%dma_start3A_45 : memref<128x128xf32, #tpu.memory_space<vmem_shared>>) target(%dma_start3A_43 : memref<128x128xf32, #tpu.memory_space<vmem>>) target_semaphore(%run_scoped3A : memref<!tpu.dma_semaphore, #tpu.memory_space<semaphore_mem>>)
        %dma_wait3A = arith.constant 0 : i32
        %dma_wait3A_46 = arith.constant 0 : i32
        %dma_wait3A_47 = tpu.memref_slice %arg10[%dma_wait3A, %dma_wait3A_46] : memref<128x128xf32, #tpu.memory_space<vmem>> -> memref<128x128xf32, #tpu.memory_space<vmem>>
        %dma_wait3A_48 = arith.constant 0 : i32
        %dma_wait3A_49 = tpu.memref_slice %arg11[%add3A_35, %dma_wait3A_48] : memref<10240x128xf32, #tpu.memory_space<vmem_shared>> -> memref<128x128xf32, #tpu.memory_space<vmem_shared>>
        %dma_wait3A_50 = arith.constant 0 : i32
        %dma_wait3A_51 = arith.constant 0 : i32
        %dma_wait3A_52 = tpu.memref_slice %arg10[%dma_wait3A_50, %dma_wait3A_51] : memref<128x128xf32, #tpu.memory_space<vmem>> -> memref<128x128xf32, #tpu.memory_space<vmem>>
        %dma_wait3A_53 = arith.constant 0 : i32
        %dma_wait3A_54 = tpu.memref_slice %arg11[%add3A_35, %dma_wait3A_53] : memref<10240x128xf32, #tpu.memory_space<vmem_shared>> -> memref<128x128xf32, #tpu.memory_space<vmem_shared>>
        tpu.wait_dma2 semaphore(%run_scoped3A : memref<!tpu.dma_semaphore, #tpu.memory_space<semaphore_mem>>) src(%dma_wait3A_54 : memref<128x128xf32, #tpu.memory_space<vmem_shared>>) dst(%dma_wait3A_52 : memref<128x128xf32, #tpu.memory_space<vmem>>)
        tpu.yield
      }) : () -> ()
      "tpu.region"() ({
        %run_scoped3A = tpu.sem_alloc : memref<!tpu.dma_semaphore, #tpu.memory_space<semaphore_mem>>
        %dma_start3A = arith.constant 0 : i32
        %dma_start3A_37 = arith.constant 0 : i32
        %dma_start3A_38 = tpu.memref_slice %arg10[%dma_start3A, %dma_start3A_37] : memref<128x128xf32, #tpu.memory_space<vmem>> -> memref<128x128xf32, #tpu.memory_space<vmem>>
        %dma_start3A_39 = arith.constant 0 : i32
        %dma_start3A_40 = tpu.memref_slice %arg6[%arg0, %add3A_35, %dma_start3A_39] : memref<2x10240x128xf32, #tpu.memory_space<hbm>> -> memref<1x128x128xf32, #tpu.memory_space<hbm>>
        %dma_start3A_41 = tpu.memref_squeeze %dma_start3A_40 : memref<1x128x128xf32, #tpu.memory_space<hbm>> -> memref<128x128xf32, #tpu.memory_space<hbm>>
        %dma_start3A_42 = arith.constant 0 : i32
        %dma_start3A_43 = tpu.memref_slice %arg6[%arg0, %add3A_35, %dma_start3A_42] : memref<2x10240x128xf32, #tpu.memory_space<hbm>> -> memref<1x128x128xf32, #tpu.memory_space<hbm>>
        %dma_start3A_44 = tpu.memref_squeeze %dma_start3A_43 : memref<1x128x128xf32, #tpu.memory_space<hbm>> -> memref<128x128xf32, #tpu.memory_space<hbm>>
        %dma_start3A_45 = arith.constant 0 : i32
        %dma_start3A_46 = arith.constant 0 : i32
        %dma_start3A_47 = tpu.memref_slice %arg10[%dma_start3A_45, %dma_start3A_46] : memref<128x128xf32, #tpu.memory_space<vmem>> -> memref<128x128xf32, #tpu.memory_space<vmem>>
        tpu.enqueue_dma source(%dma_start3A_47 : memref<128x128xf32, #tpu.memory_space<vmem>>) target(%dma_start3A_44 : memref<128x128xf32, #tpu.memory_space<hbm>>) target_semaphore(%run_scoped3A : memref<!tpu.dma_semaphore, #tpu.memory_space<semaphore_mem>>)
        %dma_wait3A = arith.constant 0 : i32
        %dma_wait3A_48 = arith.constant 0 : i32
        %dma_wait3A_49 = tpu.memref_slice %arg10[%dma_wait3A, %dma_wait3A_48] : memref<128x128xf32, #tpu.memory_space<vmem>> -> memref<128x128xf32, #tpu.memory_space<vmem>>
        %dma_wait3A_50 = arith.constant 0 : i32
        %dma_wait3A_51 = tpu.memref_slice %arg6[%arg0, %add3A_35, %dma_wait3A_50] : memref<2x10240x128xf32, #tpu.memory_space<hbm>> -> memref<1x128x128xf32, #tpu.memory_space<hbm>>
        %dma_wait3A_52 = tpu.memref_squeeze %dma_wait3A_51 : memref<1x128x128xf32, #tpu.memory_space<hbm>> -> memref<128x128xf32, #tpu.memory_space<hbm>>
        %dma_wait3A_53 = arith.constant 0 : i32
        %dma_wait3A_54 = tpu.memref_slice %arg6[%arg0, %add3A_35, %dma_wait3A_53] : memref<2x10240x128xf32, #tpu.memory_space<hbm>> -> memref<1x128x128xf32, #tpu.memory_space<hbm>>
        %dma_wait3A_55 = tpu.memref_squeeze %dma_wait3A_54 : memref<1x128x128xf32, #tpu.memory_space<hbm>> -> memref<128x128xf32, #tpu.memory_space<hbm>>
        %dma_wait3A_56 = arith.constant 0 : i32
        %dma_wait3A_57 = arith.constant 0 : i32
        %dma_wait3A_58 = tpu.memref_slice %arg10[%dma_wait3A_56, %dma_wait3A_57] : memref<128x128xf32, #tpu.memory_space<vmem>> -> memref<128x128xf32, #tpu.memory_space<vmem>>
        tpu.wait_dma2 semaphore(%run_scoped3A : memref<!tpu.dma_semaphore, #tpu.memory_space<semaphore_mem>>) src(%dma_wait3A_58 : memref<128x128xf32, #tpu.memory_space<vmem>>) dst(%dma_wait3A_55 : memref<128x128xf32, #tpu.memory_space<hbm>>)
        tpu.yield
      }) : () -> ()
      %scan3A_36 = arith.constant 0 : i32
      scf.yield %scan3A_36 : i32
    }
    %scan3A_28 = arith.constant 5 : i32
    return
  }
}

module attributes {stable_mosaic.version = 14 : i64} {
  func.func @_tc1_body(%arg0: i32, %arg1: memref<1000x128xf32, #tpu.memory_space<vmem>>, %arg2: memref<128x128xf32, #tpu.memory_space<vmem>>, %arg3: memref<128x2xf32, #tpu.memory_space<vmem>>, %arg4: memref<1000x128xf32, #tpu.memory_space<vmem>>, %arg5: memref<1000x2xf32, #tpu.memory_space<vmem>>) attributes {dimension_semantics = [#tpu.dimension_semantics<arbitrary>], iteration_bounds = array<i64: 10>, scalar_prefetch = 0 : i64, scratch_operands = 0 : i64, tpu.core_type = #tpu.core_type<tc>, window_params = [{transform_indices = @transform_0, window_bounds = array<i64: 1000, 128>}, {pipeline_mode = #tpu.pipeline_mode<synchronous>, transform_indices = @transform_1, window_bounds = array<i64: 128, 128>}, {pipeline_mode = #tpu.pipeline_mode<synchronous>, transform_indices = @transform_2, window_bounds = array<i64: 128, 2>}, {transform_indices = @transform_3, window_bounds = array<i64: 1000, 128>}, {transform_indices = @transform_4, window_bounds = array<i64: 1000, 2>}]} {
    %get3A = arith.constant 0 : index
    %get3A_0 = arith.constant 0 : index
    %get3A_1 = vector.load %arg1[%get3A, %get3A_0] : memref<1000x128xf32, #tpu.memory_space<vmem>>, vector<1000x128xf32>
    %get3A_2 = arith.constant 0 : index
    %get3A_3 = arith.constant 0 : index
    %get3A_4 = vector.load %arg2[%get3A_2, %get3A_3] : memref<128x128xf32, #tpu.memory_space<vmem>>, vector<128x128xf32>
    %dot_general3A = arith.constant dense<0.000000e+00> : vector<1000x128xf32>
    %dot_general3A_5 = tpu.matmul %get3A_1, %get3A_4, %dot_general3A {dimension_numbers = #tpu.dot_dimension_numbers<[1], [0], [0], [1], [0, 0, 1, 1], [], []>, transpose_lhs_hint = false} : vector<1000x128xf32>, vector<128x128xf32>, vector<1000x128xf32> -> vector<1000x128xf32>
    %swap3A = arith.constant 0 : index
    %swap3A_6 = arith.constant 0 : index
    %swap3A_7 = vector.load %arg4[%swap3A, %swap3A_6] : memref<1000x128xf32, #tpu.memory_space<vmem>>, vector<1000x128xf32>
    tpu.vector_store %arg4[%swap3A, %swap3A_6], %dot_general3A_5 {strides = array<i32>} : memref<1000x128xf32, #tpu.memory_space<vmem>>, vector<1000x128xf32>,
    %get3A_8 = arith.constant 0 : index
    %get3A_9 = arith.constant 0 : index
    %get3A_10 = vector.load %arg3[%get3A_8, %get3A_9] : memref<128x2xf32, #tpu.memory_space<vmem>>, vector<128x2xf32>
    %dot_general3A_11 = arith.constant dense<0.000000e+00> : vector<1000x2xf32>
    %dot_general3A_12 = tpu.matmul %dot_general3A_5, %get3A_10, %dot_general3A_11 {dimension_numbers = #tpu.dot_dimension_numbers<[1], [0], [0], [1], [0, 0, 1, 1], [], []>, transpose_lhs_hint = false} : vector<1000x128xf32>, vector<128x2xf32>, vector<1000x2xf32> -> vector<1000x2xf32>
    %swap3A_13 = arith.constant 0 : index
    %swap3A_14 = arith.constant 0 : index
    %swap3A_15 = vector.load %arg5[%swap3A_13, %swap3A_14] : memref<1000x2xf32, #tpu.memory_space<vmem>>, vector<1000x2xf32>
    tpu.vector_store %arg5[%swap3A_13, %swap3A_14], %dot_general3A_12 {strides = array<i32>} : memref<1000x2xf32, #tpu.memory_space<vmem>>, vector<1000x2xf32>,
    return
  }
  func.func @transform_0(%arg0: i32) -> (i32, i32) {
    %c0_i32 = arith.constant 0 : i32
    %c0_i32_0 = arith.constant 0 : i32
    return %arg0, %c0_i32 : i32, i32
  }
  func.func @transform_1(%arg0: i32) -> (i32, i32) {
    %c0_i32 = arith.constant 0 : i32
    %c0_i32_0 = arith.constant 0 : i32
    %c0_i32_1 = arith.constant 0 : i32
    return %c0_i32, %c0_i32_0 : i32, i32
  }
  func.func @transform_2(%arg0: i32) -> (i32, i32) {
    %c0_i32 = arith.constant 0 : i32
    %c0_i32_0 = arith.constant 0 : i32
    %c0_i32_1 = arith.constant 0 : i32
    return %c0_i32, %c0_i32_0 : i32, i32
  }
  func.func @transform_3(%arg0: i32) -> (i32, i32) {
    %c0_i32 = arith.constant 0 : i32
    %c0_i32_0 = arith.constant 0 : i32
    return %arg0, %c0_i32 : i32, i32
  }
  func.func @transform_4(%arg0: i32) -> (i32, i32) {
    %c0_i32 = arith.constant 0 : i32
    %c0_i32_0 = arith.constant 0 : i32
    return %arg0, %c0_i32 : i32, i32
  }
}

module attributes {stable_mosaic.version = 14 : i64} {
  func.func @_tc2_body(%arg0: i32, %arg1: memref<2x1000x128xf32, #tpu.memory_space<vmem>>, %arg2: memref<128x128xf32, #tpu.memory_space<vmem>>, %arg3: memref<1000x128xf32, #tpu.memory_space<vmem>>) attributes {dimension_semantics = [#tpu.dimension_semantics<arbitrary>], iteration_bounds = array<i64: 10>, scalar_prefetch = 0 : i64, scratch_operands = 0 : i64, tpu.core_type = #tpu.core_type<tc>, window_params = [{transform_indices = @transform_0, window_bounds = array<i64: 2, 1000, 128>}, {pipeline_mode = #tpu.pipeline_mode<synchronous>, transform_indices = @transform_1, window_bounds = array<i64: 128, 128>}, {transform_indices = @transform_2, window_bounds = array<i64: 1000, 128>}]} {
    %get3A = arith.constant 0 : index
    %get3A_0 = arith.constant 0 : index
    %get3A_1 = arith.constant 0 : index
    %get3A_2 = vector.load %arg1[%get3A, %get3A_0, %get3A_1] : memref<2x1000x128xf32, #tpu.memory_space<vmem>>, vector<1x1000x128xf32>
    %get3A_3 = vector.shape_cast %get3A_2 : vector<1x1000x128xf32> to vector<1000x128xf32>
    %get3A_4 = arith.constant 1 : index
    %get3A_5 = arith.constant 0 : index
    %get3A_6 = arith.constant 0 : index
    %get3A_7 = vector.load %arg1[%get3A_4, %get3A_5, %get3A_6] : memref<2x1000x128xf32, #tpu.memory_space<vmem>>, vector<1x1000x128xf32>
    %get3A_8 = vector.shape_cast %get3A_7 : vector<1x1000x128xf32> to vector<1000x128xf32>
    %add3A = arith.addf %get3A_3, %get3A_8 : vector<1000x128xf32>
    %max3A = arith.constant 0.000000e+00 : f32
    %max3A_9 = vector.broadcast %max3A : f32 to vector<1000x128xf32>
    %max3A_10 = arith.maximumf %add3A, %max3A_9 : vector<1000x128xf32>
    %get3A_11 = arith.constant 0 : index
    %get3A_12 = arith.constant 0 : index
    %get3A_13 = vector.load %arg2[%get3A_11, %get3A_12] : memref<128x128xf32, #tpu.memory_space<vmem>>, vector<128x128xf32>
    %dot_general3A = arith.constant dense<0.000000e+00> : vector<1000x128xf32>
    %dot_general3A_14 = tpu.matmul %max3A_10, %get3A_13, %dot_general3A {dimension_numbers = #tpu.dot_dimension_numbers<[1], [0], [0], [1], [0, 0, 1, 1], [], []>, transpose_lhs_hint = false} : vector<1000x128xf32>, vector<128x128xf32>, vector<1000x128xf32> -> vector<1000x128xf32>
    %swap3A = arith.constant 0 : index
    %swap3A_15 = arith.constant 0 : index
    %swap3A_16 = vector.load %arg3[%swap3A, %swap3A_15] : memref<1000x128xf32, #tpu.memory_space<vmem>>, vector<1000x128xf32>
    tpu.vector_store %arg3[%swap3A, %swap3A_15], %dot_general3A_14 {strides = array<i32>} : memref<1000x128xf32, #tpu.memory_space<vmem>>, vector<1000x128xf32>,
    return
  }
  func.func @transform_0(%arg0: i32) -> (i32, i32, i32) {
    %c0_i32 = arith.constant 0 : i32
    %c0_i32_0 = arith.constant 0 : i32
    %c0_i32_1 = arith.constant 0 : i32
    return %c0_i32, %arg0, %c0_i32_0 : i32, i32, i32
  }
  func.func @transform_1(%arg0: i32) -> (i32, i32) {
    %c0_i32 = arith.constant 0 : i32
    %c0_i32_0 = arith.constant 0 : i32
    %c0_i32_1 = arith.constant 0 : i32
    return %c0_i32, %c0_i32_0 : i32, i32
  }
  func.func @transform_2(%arg0: i32) -> (i32, i32) {
    %c0_i32 = arith.constant 0 : i32
    %c0_i32_0 = arith.constant 0 : i32
    return %arg0, %c0_i32 : i32, i32
  }
}

module attributes {stable_mosaic.version = 14 : i64} {
  func.func @_tc3_body(%arg0: i32, %arg1: memref<2x1000x128xf32, #tpu.memory_space<vmem>>, %arg2: memref<1000x128xf32, #tpu.memory_space<vmem>>, %arg3: memref<1x128xf32, #tpu.memory_space<vmem>>, %arg4: memref<1x128xf32, #tpu.memory_space<vmem>>, %arg5: memref<1000x128xf32, #tpu.memory_space<vmem>>) attributes {dimension_semantics = [#tpu.dimension_semantics<arbitrary>], iteration_bounds = array<i64: 10>, scalar_prefetch = 0 : i64, scratch_operands = 0 : i64, tpu.core_type = #tpu.core_type<tc>, window_params = [{transform_indices = @transform_0, window_bounds = array<i64: 2, 1000, 128>}, {transform_indices = @transform_1, window_bounds = array<i64: 1000, 128>}, {pipeline_mode = #tpu.pipeline_mode<synchronous>, transform_indices = @transform_2, window_bounds = array<i64: 1, 128>}, {pipeline_mode = #tpu.pipeline_mode<synchronous>, transform_indices = @transform_3, window_bounds = array<i64: 1, 128>}, {transform_indices = @transform_4, window_bounds = array<i64: 1000, 128>}]} {
    %get3A = arith.constant 0 : index
    %get3A_0 = arith.constant 0 : index
    %get3A_1 = arith.constant 0 : index
    %get3A_2 = vector.load %arg1[%get3A, %get3A_0, %get3A_1] : memref<2x1000x128xf32, #tpu.memory_space<vmem>>, vector<1x1000x128xf32>
    %get3A_3 = vector.shape_cast %get3A_2 : vector<1x1000x128xf32> to vector<1000x128xf32>
    %get3A_4 = arith.constant 1 : index
    %get3A_5 = arith.constant 0 : index
    %get3A_6 = arith.constant 0 : index
    %get3A_7 = vector.load %arg1[%get3A_4, %get3A_5, %get3A_6] : memref<2x1000x128xf32, #tpu.memory_space<vmem>>, vector<1x1000x128xf32>
    %get3A_8 = vector.shape_cast %get3A_7 : vector<1x1000x128xf32> to vector<1000x128xf32>
    %add3A = arith.addf %get3A_3, %get3A_8 : vector<1000x128xf32>
    %max3A = arith.constant 0.000000e+00 : f32
    %max3A_9 = vector.broadcast %max3A : f32 to vector<1000x128xf32>
    %max3A_10 = arith.maximumf %add3A, %max3A_9 : vector<1000x128xf32>
    %get3A_11 = arith.constant 0 : index
    %get3A_12 = arith.constant 0 : index
    %get3A_13 = vector.load %arg2[%get3A_11, %get3A_12] : memref<1000x128xf32, #tpu.memory_space<vmem>>, vector<1000x128xf32>
    %add3A_14 = arith.addf %max3A_10, %get3A_13 : vector<1000x128xf32>
    %reduce_sum3A = arith.constant dense<0.000000e+00> : vector<1000xf32>
    %reduce_sum3A_15 = vector.multi_reduction <add>, %add3A_14, %reduce_sum3A [1] : vector<1000x128xf32> to vector<1000xf32>
    %broadcast_in_dim3A = vector.shape_cast %reduce_sum3A_15 : vector<1000xf32> to vector<1000x1xf32>
    %div3A = arith.constant 1.280000e+02 : f32
    %div3A_16 = vector.broadcast %div3A : f32 to vector<1000x1xf32>
    %div3A_17 = arith.divf %broadcast_in_dim3A, %div3A_16 : vector<1000x1xf32>
    %sub3A = vector.broadcast %div3A_17 : vector<1000x1xf32> to vector<1000x128xf32>
    %sub3A_18 = arith.subf %add3A_14, %sub3A : vector<1000x128xf32>
    %mul3A = arith.mulf %sub3A_18, %sub3A_18 : vector<1000x128xf32>
    %reduce_sum3A_19 = arith.constant dense<0.000000e+00> : vector<1000xf32>
    %reduce_sum3A_20 = vector.multi_reduction <add>, %mul3A, %reduce_sum3A_19 [1] : vector<1000x128xf32> to vector<1000xf32>
    %broadcast_in_dim3A_21 = vector.shape_cast %reduce_sum3A_20 : vector<1000xf32> to vector<1000x1xf32>
    %div3A_22 = arith.constant 1.280000e+02 : f32
    %div3A_23 = vector.broadcast %div3A_22 : f32 to vector<1000x1xf32>
    %div3A_24 = arith.divf %broadcast_in_dim3A_21, %div3A_23 : vector<1000x1xf32>
    %add3A_25 = arith.constant 9.99999974E-6 : f32
    %add3A_26 = vector.broadcast %add3A_25 : f32 to vector<1000x1xf32>
    %add3A_27 = arith.addf %div3A_24, %add3A_26 : vector<1000x1xf32>
    %rsqrt3A = math.rsqrt %add3A_27 : vector<1000x1xf32>
    %mul3A_28 = vector.broadcast %rsqrt3A : vector<1000x1xf32> to vector<1000x128xf32>
    %mul3A_29 = arith.mulf %sub3A_18, %mul3A_28 : vector<1000x128xf32>
    %get3A_30 = arith.constant 0 : index
    %get3A_31 = arith.constant 0 : index
    %get3A_32 = vector.load %arg3[%get3A_30, %get3A_31] : memref<1x128xf32, #tpu.memory_space<vmem>>, vector<1x128xf32>
    %mul3A_33 = vector.broadcast %get3A_32 : vector<1x128xf32> to vector<1000x128xf32>
    %mul3A_34 = arith.mulf %mul3A_29, %mul3A_33 : vector<1000x128xf32>
    %get3A_35 = arith.constant 0 : index
    %get3A_36 = arith.constant 0 : index
    %get3A_37 = vector.load %arg4[%get3A_35, %get3A_36] : memref<1x128xf32, #tpu.memory_space<vmem>>, vector<1x128xf32>
    %add3A_38 = vector.broadcast %get3A_37 : vector<1x128xf32> to vector<1000x128xf32>
    %add3A_39 = arith.addf %mul3A_34, %add3A_38 : vector<1000x128xf32>
    %swap3A = arith.constant 0 : index
    %swap3A_40 = arith.constant 0 : index
    %swap3A_41 = vector.load %arg5[%swap3A, %swap3A_40] : memref<1000x128xf32, #tpu.memory_space<vmem>>, vector<1000x128xf32>
    tpu.vector_store %arg5[%swap3A, %swap3A_40], %add3A_39 {strides = array<i32>} : memref<1000x128xf32, #tpu.memory_space<vmem>>, vector<1000x128xf32>,
    return
  }
  func.func @transform_0(%arg0: i32) -> (i32, i32, i32) {
    %c0_i32 = arith.constant 0 : i32
    %c0_i32_0 = arith.constant 0 : i32
    %c0_i32_1 = arith.constant 0 : i32
    return %c0_i32, %arg0, %c0_i32_0 : i32, i32, i32
  }
  func.func @transform_1(%arg0: i32) -> (i32, i32) {
    %c0_i32 = arith.constant 0 : i32
    %c0_i32_0 = arith.constant 0 : i32
    return %arg0, %c0_i32 : i32, i32
  }
  func.func @transform_2(%arg0: i32) -> (i32, i32) {
    %c0_i32 = arith.constant 0 : i32
    %c0_i32_0 = arith.constant 0 : i32
    %c0_i32_1 = arith.constant 0 : i32
    return %c0_i32, %c0_i32_0 : i32, i32
  }
  func.func @transform_3(%arg0: i32) -> (i32, i32) {
    %c0_i32 = arith.constant 0 : i32
    %c0_i32_0 = arith.constant 0 : i32
    %c0_i32_1 = arith.constant 0 : i32
    return %c0_i32, %c0_i32_0 : i32, i32
  }
  func.func @transform_4(%arg0: i32) -> (i32, i32) {
    %c0_i32 = arith.constant 0 : i32
    %c0_i32_0 = arith.constant 0 : i32
    return %arg0, %c0_i32 : i32, i32
  }
}

</mosaic_0001>

<sc_bundles>
// kernel: kernel.11.cloned.1.call-start
scs
__scs_entry_jumppad:
0x0: {  	(pc) =	sbr.rel $0x88, $3  }
0x1: {  	(tag) =	ssettag $0x0;
	lr =	simm.s32 $0x1  }
0x2: {  	[smem:$0x3F99] =	sst lr;
	_ =	strace $0xD0000000  }
0x3: {  	_ = 	snop  }
0x4: {  	_ = 	snop  }
0x5: {  	_ = 	snop  }
0x6: {  	_ = 	snop  }
0x7: {  	_ = 	snop  }
__scs_overlays_trampoline_lowered:
0x8: {  	[smem:$0x3FA8] =	sst s0  }
0x9: {  	[smem:$0x3FA9] =	sst s1  }
0xa: {  	[smem:$0x3FAA] =	sst s2  }
0xb: {  	[smem:$0x3FAB] =	sst s3  }
0xc: {  	[smem:$0x3FAC] =	sst s4  }
0xd: {  	[smem:$0x3FAD] =	sst s5  }
0xe: {  	[smem:$0x3FAE] =	sst s6  }
0xf: {  	[smem:$0x3FAF] =	sst s7  }
0x10: {  	[smem:$0x3FB0] =	sst s8  }
0x11: {  	[smem:$0x3FB1] =	sst s9;
	s0 =	simm.s32 @!p0 $0x0  }
0x12: {  	s1 =	sld [smem:$0x3F97];
	s0 =	simm.s32 @p0 $0x1  }
0x13: {  	[smem:$0x3FB2] =	sst s0;
	s0 =	simm.s32 @!p1 $0x0  }
0x14: {  	s2 =	sld [smem:$0x3F96];
	s0 =	simm.s32 @p1 $0x1  }
0x15: {  	[smem:$0x3FB3] =	sst s0;
	s0 =	simm.s32 @!p2 $0x0  }
0x16: {  	s3 =	sld [smem:$0x3FDB];
	s0 =	simm.s32 @p2 $0x1  }
0x17: {  	s4 =	simm.s32 $0x1BF5;
	[smem:$0x3FB5] =	sst s0  }
0x18: {  	s0 =	sld [smem:$0x3F98];
	_ =	swait.ge [sflag:s4], $0x0  }
0x19: {  	s7 =	sld [smem:$0x3F99]  }
0x1a: {  	s8 =	sadd.s32 $0xFFFFE003, lr  }
0x1b: {  	s9 =	sadd.s32 $0xFFFFFEF7, lr;
	s5 =	simm.s32 $0xFFFFFFFF;
	p2 =	slt.u32 s8, $0xFFFFF086  }
0x1c: {  	p1 =	slt.u32 s9, $0xF7A;
	s5 =	simm.s32 @!p2 $0x0  }
0x1d: {  	s5 =	simm.s32 @p1 $0x1;
	p0 =	seq.s32 s7, s2  }
0x1e: {  	s7 =	smul.u32 @!p0 $0xF7A, s2;
	p2 =	seq.s32 @!p0 s5, $0x0  }
0x1f: {  	s9 =	smul.u32 $0xF7A, s1;
	s8 =	simm.s32 @!p0 $0x1BF5;
	p2 =	por !p2, p0  }
0x20: {  	[sflag:s8] =	ssyncset.s32 @!p0 $0xFFFFF086;
	s6 =	sadd.s32 @!p0 s3, s7;
	s7 =	simm.s32 @!p0 $0x108  }
0x21: {  	s3 =	sadd.s32 s3, s9;
	s6 =	sadd.s32 @!p0 $0x88, s6;
	s7 =	simm.s32 @p2 $0x1082  }
0x22: {  	[simem:s7], [sflag:s8] =	dma.local @!p0 [hbm:s6], $0xF7A  }
0x23: {  	s9 =	sor.u32 $0xD0000000, s2;
	s6 =	simm.s32 $0x108;
	_ =	swait.ge @!p0 [sflag:s8], $0x0  }
0x24: {  	s3 =	sadd.s32 $0x88, s3;
	s6 =	simm.s32 @!p1 $0x1082;
	[sflag:s4] =	ssyncset.s32 $0xFFFFF086  }
0x25: {  	[simem:s6], [sflag:s4] =	dma.local [hbm:s3], $0xF7A  }
0x26: {  	[smem:$0x3F99] =	sst s1;
	(tag) =	ssettag s2;
	_ =	strace s9  }
0x27: {  	s1 =	sld [smem:$0x3FA9]  }
0x28: {  	s2 =	sld [smem:$0x3FAA]  }
0x29: {  	s4 =	sld [smem:$0x3FAC]  }
0x2a: {  	p0 =	seq.s32 s5, $0x0;
	s5 =	sld [smem:$0x3FAD]  }
0x2b: {  	s6 =	sld [smem:$0x3FAE]  }
0x2c: {  	s7 =	sld [smem:$0x3FAF]  }
0x2d: {  	s3 =	simm.s32 $0x108;
	s8 =	sld [smem:$0x3FB0]  }
0x2e: {  	s3 =	simm.s32 @!p0 $0x1082;
	s9 =	sld [smem:$0x3FB1]  }
0x2f: {  	lr =	sadd.s32 s0, s3;
	s0 =	sld [smem:$0x3FA8]  }
0x30: {  	s3 =	sld [smem:$0x3FAB]  }
0x31: {  	[smem:$0x3FB4] =	sst s10  }
0x32: {  	s10 =	sld [smem:$0x3FB2];
	_ =	sdelay $0x3  }
0x33: {  	p0 =	seq.s32 s10, $0x1;
	s10 =	sld [smem:$0x3FB4];
	_ =	sdelay $0x3  }
0x34: {  	[smem:$0x3FB4] =	sst s10  }
0x35: {  	s10 =	sld [smem:$0x3FB3];
	_ =	sdelay $0x3  }
0x36: {  	p1 =	seq.s32 s10, $0x1;
	s10 =	sld [smem:$0x3FB4];
	_ =	sdelay $0x3  }
0x37: {  	[smem:$0x3FB4] =	sst s10  }
0x38: {  	s10 =	sld [smem:$0x3FB5]  }
0x39: {  	_ = 	snop;
	(pc) =	sbr.ind lr, $3  }
0x3a: {  	_ = 	snop  }
0x3b: {  	_ = 	snop  }
0x3c: {  	p2 =	seq.s32 s10, $0x1;
	s10 =	sld [smem:$0x3FB4]  }
0x3d: {  	_ =	shalt  }
0x3e: {  	_ =	shalt  }
0x3f: {  	_ =	shalt  }
0x40: {  	_ =	shalt  }
0x41: {  	_ =	shalt  }
0x42: {  	_ =	shalt  }
0x43: {  	_ =	shalt  }
0x44: {  	_ =	shalt  }
0x45: {  	_ =	shalt  }
0x46: {  	_ =	shalt  }
0x47: {  	_ =	shalt  }
0x48: {  	_ =	shalt  }
0x49: {  	_ =	shalt  }
0x4a: {  	_ =	shalt  }
0x4b: {  	_ =	shalt  }
0x4c: {  	_ =	shalt  }
0x4d: {  	_ =	shalt  }
0x4e: {  	_ =	shalt  }
0x4f: {  	_ =	shalt  }
0x50: {  	_ =	shalt  }
0x51: {  	_ =	shalt  }
0x52: {  	_ =	shalt  }
0x53: {  	_ =	shalt  }
0x54: {  	_ =	shalt  }
0x55: {  	_ =	shalt  }
0x56: {  	_ =	shalt  }
0x57: {  	_ =	shalt  }
0x58: {  	_ =	shalt  }
0x59: {  	_ =	shalt  }
0x5a: {  	_ =	shalt  }
0x5b: {  	_ =	shalt  }
0x5c: {  	_ =	shalt  }
0x5d: {  	_ =	shalt  }
0x5e: {  	_ =	shalt  }
0x5f: {  	_ =	shalt  }
0x60: {  	_ =	shalt  }
0x61: {  	_ =	shalt  }
0x62: {  	_ =	shalt  }
0x63: {  	_ =	shalt  }
0x64: {  	_ =	shalt  }
0x65: {  	_ =	shalt  }
0x66: {  	_ =	shalt  }
0x67: {  	_ =	shalt  }
0x68: {  	_ =	shalt  }
0x69: {  	_ =	shalt  }
0x6a: {  	_ =	shalt  }
0x6b: {  	_ =	shalt  }
0x6c: {  	_ =	shalt  }
0x6d: {  	_ =	shalt  }
0x6e: {  	_ =	shalt  }
0x6f: {  	_ =	shalt  }
0x70: {  	_ =	shalt  }
0x71: {  	_ =	shalt  }
0x72: {  	_ =	shalt  }
0x73: {  	_ =	shalt  }
0x74: {  	_ =	shalt  }
0x75: {  	_ =	shalt  }
0x76: {  	_ =	shalt  }
0x77: {  	_ =	shalt  }
0x78: {  	_ =	shalt  }
0x79: {  	_ =	shalt  }
0x7a: {  	_ =	shalt  }
0x7b: {  	_ =	shalt  }
0x7c: {  	_ =	shalt  }
0x7d: {  	_ =	shalt  }
0x7e: {  	_ =	shalt  }
0x7f: {  	_ =	shalt  }
0x80: {  	_ =	shalt  }
0x81: {  	_ =	shalt  }
0x82: {  	_ =	shalt  }
0x83: {  	_ =	shalt  }
0x84: {  	_ =	shalt  }
0x85: {  	_ =	shalt  }
0x86: {  	_ =	shalt  }
0x87: {  	_ =	shalt  }
.Lfunc_end0:
.L_simem_size_0:
called_computation.1_lowered:
.L_overlay_start_0:
0x88: {  	s2 =	sld [smem:$0x3FD9]  }
0x89: {  	s3 =	sld [smem:$0x3FFE];
	_ =	sdelay $0x1  }
0x8a: {  	s1 =	srdreg.scid  }
0x8b: {  	s0 =	sand.u32 $0x1, s1  }
0x8c: {  	s17 =	sshll.u32 s0, $0xA;
	s2 =	sadd.s32 s3, s2  }
0x8d: {  	s2 =	sadd.s32 s2, s17  }
0x8e: {  	[smem:$0x3FC0] =	sst s2  }
0x8f: {  	_ = 	snop  }
0x90: {  	s2 =	sld [smem:$0x3FD0];
	(tm) =	ssettm $0x1  }
0x91: {  	s18 =	sld [smem:$0x3FFB];
	_ =	sdelay $0x3  }
0x92: {  	_ =	strace s18  }
0x93: {  	s3 =	sld [smem:$0x3FFC];
	_ =	sdelay $0x3  }
0x94: {  	_ =	strace s3  }
0x95: {  	s3 =	sld [smem:$0x3FFD];
	_ =	sdelay $0x3  }
0x96: {  	_ =	strace s3  }
0x97: {  	_ =	strace $0x8FFFFFFF  }
0x98: {  	s19 =	sld [smem:$0x3FDB];
	_ =	sdelay $0x1  }
0x99: {  	s4 =	simm.s32 $_scs_section_size  }
0x9a: {  	s5 =	simm.s32 $_size__tile_overlayer_lowered;
	s6 =	simm.s32 $_tile_overlayer_lowered  }
0x9b: {  	s22 =	simm.s32 $0x1BFF;
	s21 =	sshll.u32 s6, $0x1;
	s3 =	sadd.s32 s4, s19  }
0x9c: {  	s7 =	simm.s32 $0x0;
	s20 =	sshll.u32 s5, $0x1;
	s5 =	sadd.s32 s21, s3  }
0x9d: {  	[timem:s7], [sflag:s22] =	dma.local [hbm:s5], s20  }
0x9e: {  	_ =	swait.ge [sflag:s22], s20  }
0x9f: {  	s4 =	ssub.s32 $0x0, s20;
	[sflag:s22] =	ssyncset.done $0x0  }
0xa0: {  	[sflag:s22] =	ssyncadd.s32 s4;
	_ =	sdelay $0x1  }
0xa1: {  	s23 =	simm.s32 $0x1B8B  }
0xa2: {  	_ =	swait.ge [sflag:s23], $0x1  }
0xa3: {  	[sflag:s23] =	ssyncset.done $0x0  }
0xa4: {  	s25 =	simm.s32 $0x1B8E;
	s24 =	sld [smem:$0x3FFE];
	[sflag:s23] =	ssyncadd.s32 $0xFFFFFFFF  }
0xa5: {  	s26 =	simm.s32 $execute0_lowered;
	[smem:$0x3FD2] =	sst s25  }
0xa6: {  	s5 =	sshll.u32 s26, $0x1;
	_ =	strace $0x80000049;
	[dreg:$0x1] =	wrdreg $0xFFFFFFFF  }
0xa7: {  	s28 =	simm.s32 $_size_execute0_lowered;
	s3 =	sadd.s32 s3, s5;
	[dreg:$0x0] =	wrdreg $0x0  }
0xa8: {  	s5 =	sshll.u32 s28, $0x1;
	[dreg:$0x2] =	wrdreg s3  }
0xa9: {  	[dreg:$0x3] =	wrdreg s5  }
0xaa: {  	[dreg:$0x4] =	wrdreg $0xC0  }
0xab: {  	_ =	task [dreg:s7], $0x5FFFF  }
0xac: {  	[dreg:$0x1] =	wrdreg $0xFFFFFFFF  }
0xad: {  	[dreg:$0x0] =	wrdreg $0x60  }
0xae: {  	[dreg:$0x2] =	wrdreg s2  }
0xaf: {  	[dreg:$0x3] =	wrdreg s24  }
0xb0: {  	[dreg:$0x4] =	wrdreg $0xB8000  }
0xb1: {  	[dreg:$0x5] =	wrdreg $0x9  }
0xb2: {  	_ =	task.clear_ibuf [dreg:s7], $0x6FFFF;
	_ =	strace $0x90000049  }
0xb3: {  	s29 =	simm.s32 $0x9;
	_ =	strace $0x8000004B  }
0xb4: {  	_ =	swait.ge [sflag:s29], $0x1  }
0xb5: {  	[sflag:s29] =	ssyncadd.s32 $0xFFFFFFFF  }
0xb6: {  	_ =	strace $0x9000004B  }
0xb7: {  	_ =	sfence  }
0xb8: {  	s30 =	sld [smem:$0x0];
	_ =	sdelay $0x2  }
0xb9: {  	s31 =	sshll.u32 s1, $0xD;
	s1 =	sshrl.u32 s1, $0x2  }
0xba: {  	s3 =	sand.u32 $0x4000, s31;
	s1 =	sadd.s32 s1, s30  }
0xbb: {  	s0 =	sor.u32 s3, s0;
	s1 =	sshll.u32 s1, $0x11  }
0xbc: {  	s0 =	sor.u32 s1, s0  }
0xbd: {  	s0 =	sadd.s32 $0x8F2B, s0  }
0xbe: {  	[sflag:s0] =	ssyncadd.remote.s32 $0x1  }
0xbf: {  	_ =	sfence.sel $0xFFFF  }
0xc0: {  	[dreg:$0x0] =	wrdreg $0xFFFFFFFF;
	(pc) =	sbr.abs _section_cstart, $3  }
0xc1: {  	[dreg:$0x1] =	wrdreg $0xFFFFFFFF  }
0xc2: {  	_ =	task.clear_ibuf [dreg:s7], $0x2FFFF;
	_ =	strace $0x9FFFFFFF  }
0xc3: {  	(tm) =	ssettm $0x7FFFFFFF  }
tec
execute0_lowered:
.L_overlay_start_1:
0x0: {  	(tag) =	ssettag $0x1  }
0x1: {  	s0 =	rddreg [dreg:$0x0]  }
0x2: {  	s1 =	srdreg.scid;
	s2 =	rddreg [dreg:$0x1]  }
0x3: {  	s3 =	rddreg [dreg:$0x2];
	s11 =	stileid.u32  }
0x4: {  	s4 =	simm.s32 $0x0;
	s23 =	simm.s32 $0x2;
	s25 =	simm.s32 $0x5000  }
0x5: {  	s26 =	simm.s32 $0x7800;
	s28 =	simm.s32 $0x80;
	s29 =	simm.s32 $0x1  }
0x6: {  	s30 =	simm.s32 $0x0;
	s1 =	sand.u32 $0x1, s1;
	s8 =	smul.u32 $0x50000, s11  }
0x7: {  	[smem:$0x7FF] =	sst s4;
	s18 =	smul.u32 $0x14000, s11;
	s5 =	sshll.u32 s1, $0x4  }
0x8: {  	s6 =	ssub.s32 $0x2, s1;
	_ =	strace $0x8000004A;
	s1 =	smul.u32 $0x140000, s1  }
0x9: {  	s5 =	sor.u32 s11, s5;
	s7 =	sshrl.u32 s6, $0x1;
	s31 =	sshrl.u32 s8, $0x2  }
0xa: {  	s15 =	sadd.s32 $0x4000, s18;
	s19 =	sadd.s32 $0x8000, s18;
	s20 =	sadd.s32 $0xC000, s18  }
0xb: {  	s22 =	sadd.s32 $0x10000, s18;
	s5 =	smul.u32 $0x500, s5;
	s10 =	ssub.s32 s6, s7  }
0xc: {  	s7 =	sadd.s32 s31, s3;
	s13 =	sadd.s32 s1, s18;
	s16 =	sadd.s32 s1, s15  }
0xd: {  	s15 =	sadd.s32 s15, s3;
	s17 =	sadd.s32 s19, s3;
	s19 =	sadd.s32 s1, s19  }
0xe: {  	s21 =	sadd.s32 s1, s20;
	s1 =	sadd.s32 s1, s22;
	s11 =	sadd.s32 $0x8000, s7  }
0xf: {  	s12 =	sadd.s32 $0xC000, s7;
	s14 =	sshrl.u32 s13, $0x3;
	s13 =	sadd.s32 $0x10000, s7  }
0x10: {  	s16 =	sshrl.u32 s16, $0x3;
	s19 =	sshrl.u32 s19, $0x3;
	s21 =	sshrl.u32 s21, $0x3  }
0x11: {  	s1 =	sshrl.u32 s1, $0x3;
	s9 =	sadd.s32 s5, s2;
	s2 =	sadd.s32 $0x2A400, s2  }
0x12: {  	s5 =	sadd.s32 $0xB800, s9;
	s6 =	sadd.s32 $0x1800, s9;
	s8 =	sadd.s32 $0x20400, s9  }
0x13: {  	s9 =	smax.u32 s10, $0x1;
	s10 =	sadd.s32 $0x4000, s7;
	s14 =	sadd.s32 s2, s14  }
0x14: {  	s16 =	sadd.s32 s2, s16;
	s18 =	sadd.s32 s2, s19;
	s19 =	sadd.s32 s20, s3  }
0x15: {  	v0 =	vimm.f32 $0.0e+00;
	s20 =	sadd.s32 s2, s21;
	s21 =	sadd.s32 s22, s3;
	s22 =	sadd.s32 s2, s1  }
.LBB2_1:
0x16: {  	[tilespmem:s4], [sflag:$0x2] =	stream.linear.gather [hbm4b:s5+s4], $0x2800, $0x38;
	[tilespmem:$0x1F800] =	vst v63  }
0x17: {  	_ =	swait.ge [sflag:s23], $0x2800  }
0x18: {  	[sflag:s23] =	ssyncset.done $0x0  }
0x19: {  	s1 =	simm.s32 $0x2800;
	[sflag:s23] =	ssyncadd.s32 $0xFFFFD800  }
0x1a: {  	[tilespmem:s1], [sflag:$0x2] =	stream.linear.gather [hbm4b:s6+s4], $0x2800, $0x38;
	[tilespmem:$0x1F800] =	vst v63  }
0x1b: {  	_ =	swait.ge [sflag:s23], $0x2800  }
0x1c: {  	[sflag:s23] =	ssyncset.done $0x0  }
0x1d: {  	s31 =	sand.u32 $0xFE00, s4;
	[sflag:s23] =	ssyncadd.s32 $0xFFFFD800  }
0x1e: {  	[tilespmem:s25], [sflag:$0x2] =	stream.linear.gather [hbm4b:s8+s4], $0x2800, $0x38;
	[tilespmem:$0x1F800] =	vst v63  }
0x1f: {  	s2 =	sand.u32 $0x70, s4;
	s24 =	sshrl.u32 s31, $0x2;
	_ =	swait.ge [sflag:s23], $0x2800  }
0x20: {  	s24 =	sor.u32 s2, s24;
	[sflag:s23] =	ssyncset.done $0x0  }
0x21: {  	s2 =	simm.s32 $0x0;
	s1 =	simm.s32 $0x40;
	[sflag:s23] =	ssyncadd.s32 $0xFFFFD800  }
.LBB2_2:
0x22: {  	p0 =	sne.s32 s1, $0xFFC0  }
0x23: {  	[tilespmem:s24+$0x7800] =	vst v0;
	s2 =	sadd.s32 $0x10, s2;
	s24 =	smov.u32 s1;
	s1 =	sadd.s32 $0x40, s1  }
.Ltmp0:
0x24: {  	(pc) =	sbr.rel @p0 .LBB2_2-.Ltmp0, $4  }
0x25: {  	_ = 	snop  }
0x26: {  	s24 =	sand.u32 $0xFE00, s24  }
0x27: {  	s31 =	sand.u32 $0x70, s2;
	s24 =	sshrl.u32 s24, $0x2  }
0x28: {  	s24 =	sor.u32 s31, s24  }
0x29: {  	[tilespmem:s24+$0x7800] =	vst v0  }
0x2a: {  	[spmem:s7] =	stream.linear.scatter [tilespmem:s26], [sflag:$0x2], $0x4000, $0x38;
	[tilespmem:$0x1F800] =	vst v63  }
0x2b: {  	_ =	swait.ge [sflag:s23], $0x4000  }
0x2c: {  	[sflag:s23] =	ssyncset.done $0x0  }
0x2d: {  	[sflag:s23] =	ssyncadd.s32 $0xFFFFC000  }
0x2e: {  	[spmem:s10] =	stream.linear.scatter [tilespmem:s26], [sflag:$0x2], $0x4000, $0x38;
	[tilespmem:$0x1F800] =	vst v63  }
0x2f: {  	_ =	swait.ge [sflag:s23], $0x4000  }
0x30: {  	[sflag:s23] =	ssyncset.done $0x0  }
0x31: {  	[sflag:s23] =	ssyncadd.s32 $0xFFFFC000  }
0x32: {  	[spmem:s11] =	stream.linear.scatter [tilespmem:s26], [sflag:$0x2], $0x4000, $0x38;
	[tilespmem:$0x1F800] =	vst v63  }
0x33: {  	_ =	swait.ge [sflag:s23], $0x4000  }
0x34: {  	[sflag:s23] =	ssyncset.done $0x0  }
0x35: {  	[sflag:s23] =	ssyncadd.s32 $0xFFFFC000  }
0x36: {  	[spmem:s12] =	stream.linear.scatter [tilespmem:s26], [sflag:$0x2], $0x4000, $0x38;
	[tilespmem:$0x1F800] =	vst v63  }
0x37: {  	_ =	swait.ge [sflag:s23], $0x4000  }
0x38: {  	[sflag:s23] =	ssyncset.done $0x0  }
0x39: {  	[sflag:s23] =	ssyncadd.s32 $0xFFFFC000  }
0x3a: {  	[spmem:s13] =	stream.linear.scatter [tilespmem:s26], [sflag:$0x2], $0x4000, $0x38;
	[tilespmem:$0x1F800] =	vst v63  }
0x3b: {  	_ =	swait.ge [sflag:s23], $0x4000  }
0x3c: {  	[sflag:s23] =	ssyncset.done $0x0  }
0x3d: {  	[sflag:s23] =	ssyncadd.s32 $0xFFFFC000  }
0x3e: {  	s31 =	simm.s32 $0x0;
	[bflag:$0x0] =	sbarrier.arrive $0xFFFF  }
.LBB2_4:
0x3f: {  	s1 =	sshll.u32 s31, $0x7  }
0x40: {  	s2 =	sadd.s32 $0x2800, s1;
	s24 =	sadd.s32 $0x5000, s1  }
0x41: {  	[tilespmem:s26], [sflag:$0x1] =	stream.indirect.gather [hbm4b:s0+s28], $0x80, s2, s28, $0xb8;
	[tilespmem:$0x1F800] =	vst v63  }
0x42: {  	v1 =	vmov s24;
	_ =	swait.ge [sflag:s29], $0x4000  }
0x43: {  	[sflag:s29] =	ssyncset.done $0x0  }
0x44: {  	s2 =	simm.s32 $0x0;
	[sflag:s29] =	ssyncadd.s32 $0xFFFFC000  }
.LBB2_5:
0x45: {  	s24 =	sshll.u32 s2, $0x4  }
0x46: {  	s24 =	sand.u32 $0x3FFFFFF0, s24  }
0x47: {  	v2 =	vld.idx.msk [tilespmem:v1+s24+$0x0 ss:$0x1], $0xffff;
	s24 =	sshll.u32 s2, $0xB  }
0x48: {  	s24 =	sand.u32 $0x3FFFF800, s24  }
0x49: {  	v3 =	vld [tilespmem:s24+$0x7800]  }
0x4a: {  	v4 =	vld [tilespmem:s24+$0x7810]  }
0x4b: {  	v5 =	vld [tilespmem:s24+$0x7820]  }
0x4c: {  	v7 =	vld [tilespmem:s24+$0x7830];
	v6 =	vbroadcast v2, $0x0  }
0x4d: {  	v8 =	vld [tilespmem:s24+$0x7840]  }
0x4e: {  	v9 =	vld [tilespmem:s24+$0x7850];
	v3 =	vmul.f32 v6, v3  }
0x4f: {  	v10 =	vld [tilespmem:s24+$0x7860];
	v4 =	vmul.f32 v4, v6  }
0x50: {  	v24 =	vld [tilespmem:s24+$0x7870];
	[tilespmem:s24+$0x7800] =	vst v3;
	v3 =	vmul.f32 v5, v6  }
0x51: {  	v26 =	vld [tilespmem:s24+$0x7880];
	v25 =	vmul.f32 v7, v6;
	[tilespmem:s24+$0x7810] =	vst v4  }
0x52: {  	v27 =	vld [tilespmem:s24+$0x7890];
	[tilespmem:s24+$0x7820] =	vst v3;
	v3 =	vmul.f32 v8, v6  }
0x53: {  	v29 =	vld [tilespmem:s24+$0x78A0];
	v28 =	vmul.f32 v9, v6;
	[tilespmem:s24+$0x7830] =	vst v25  }
0x54: {  	v11 =	vld [tilespmem:s24+$0x78B0];
	v30 =	vbroadcast v2, $0x1;
	[tilespmem:s24+$0x7840] =	vst v3;
	v3 =	vmul.f32 v10, v6  }
0x55: {  	v32 =	vld [tilespmem:s24+$0x78C0];
	v31 =	vmul.f32 v24, v6;
	[tilespmem:s24+$0x7850] =	vst v28  }
0x56: {  	v33 =	vld [tilespmem:s24+$0x78D0];
	[tilespmem:s24+$0x7860] =	vst v3;
	v3 =	vmul.f32 v26, v30  }
0x57: {  	v35 =	vld [tilespmem:s24+$0x78E0];
	v34 =	vmul.f32 v27, v30;
	[tilespmem:s24+$0x7870] =	vst v31  }
0x58: {  	v36 =	vld [tilespmem:s24+$0x78F0];
	[tilespmem:s24+$0x7880] =	vst v3;
	v3 =	vmul.f32 v29, v30  }
0x59: {  	v38 =	vld [tilespmem:s24+$0x7900];
	v37 =	vmul.f32 v11, v30;
	[tilespmem:s24+$0x7890] =	vst v34  }
0x5a: {  	v39 =	vld [tilespmem:s24+$0x7910];
	[tilespmem:s24+$0x78A0] =	vst v3;
	v3 =	vmul.f32 v32, v30  }
0x5b: {  	v41 =	vld [tilespmem:s24+$0x7920];
	v40 =	vmul.f32 v33, v30;
	[tilespmem:s24+$0x78B0] =	vst v37  }
0x5c: {  	v43 =	vld [tilespmem:s24+$0x7930];
	v42 =	vbroadcast v2, $0x2;
	[tilespmem:s24+$0x78C0] =	vst v3;
	v3 =	vmul.f32 v35, v30  }
0x5d: {  	v45 =	vld [tilespmem:s24+$0x7940];
	v44 =	vmul.f32 v36, v30;
	[tilespmem:s24+$0x78D0] =	vst v40  }
0x5e: {  	v46 =	vld [tilespmem:s24+$0x7950];
	[tilespmem:s24+$0x78E0] =	vst v3;
	v3 =	vmul.f32 v38, v42  }
0x5f: {  	v48 =	vld [tilespmem:s24+$0x7960];
	v47 =	vmul.f32 v39, v42;
	[tilespmem:s24+$0x78F0] =	vst v44  }
0x60: {  	v49 =	vld [tilespmem:s24+$0x7970];
	[tilespmem:s24+$0x7900] =	vst v3;
	v3 =	vmul.f32 v41, v42  }
0x61: {  	v51 =	vld [tilespmem:s24+$0x7980];
	v50 =	vmul.f32 v43, v42;
	[tilespmem:s24+$0x7910] =	vst v47  }
0x62: {  	v52 =	vld [tilespmem:s24+$0x7990];
	[tilespmem:s24+$0x7920] =	vst v3;
	v3 =	vmul.f32 v45, v42  }
0x63: {  	v54 =	vld [tilespmem:s24+$0x79A0];
	v53 =	vmul.f32 v46, v42;
	[tilespmem:s24+$0x7930] =	vst v50  }
0x64: {  	v56 =	vld [tilespmem:s24+$0x79B0];
	v55 =	vbroadcast v2, $0x3;
	[tilespmem:s24+$0x7940] =	vst v3;
	v3 =	vmul.f32 v48, v42  }
0x65: {  	v58 =	vld [tilespmem:s24+$0x79C0];
	v57 =	vmul.f32 v49, v42;
	[tilespmem:s24+$0x7950] =	vst v53  }
0x66: {  	v59 =	vld [tilespmem:s24+$0x79D0];
	[tilespmem:s24+$0x7960] =	vst v3;
	v3 =	vmul.f32 v51, v55  }
0x67: {  	v61 =	vld [tilespmem:s24+$0x79E0];
	v60 =	vmul.f32 v52, v55;
	[tilespmem:s24+$0x7970] =	vst v57  }
0x68: {  	v62 =	vld [tilespmem:s24+$0x79F0];
	[tilespmem:s24+$0x7980] =	vst v3;
	v3 =	vmul.f32 v54, v55  }
0x69: {  	v12 =	vld [tilespmem:s24+$0x7A00];
	v63 =	vmul.f32 v56, v55;
	[tilespmem:s24+$0x7990] =	vst v60  }
0x6a: {  	v13 =	vld [tilespmem:s24+$0x7A10];
	[tilespmem:s24+$0x79A0] =	vst v3;
	v3 =	vmul.f32 v58, v55  }
0x6b: {  	v15 =	vld [tilespmem:s24+$0x7A20];
	v14 =	vmul.f32 v59, v55;
	[tilespmem:s24+$0x79B0] =	vst v63  }
0x6c: {  	v17 =	vld [tilespmem:s24+$0x7A30];
	v16 =	vbroadcast v2, $0x4;
	[tilespmem:s24+$0x79C0] =	vst v3;
	v3 =	vmul.f32 v61, v55  }
0x6d: {  	v19 =	vld [tilespmem:s24+$0x7A40];
	v18 =	vmul.f32 v62, v55;
	[tilespmem:s24+$0x79D0] =	vst v14  }
0x6e: {  	v20 =	vld [tilespmem:s24+$0x7A50];
	[tilespmem:s24+$0x79E0] =	vst v3;
	v3 =	vmul.f32 v12, v16  }
0x6f: {  	v22 =	vld [tilespmem:s24+$0x7A60];
	v21 =	vmul.f32 v13, v16;
	[tilespmem:s24+$0x79F0] =	vst v18  }
0x70: {  	v23 =	vld [tilespmem:s24+$0x7A70];
	[tilespmem:s24+$0x7A00] =	vst v3;
	v3 =	vmul.f32 v15, v16  }
0x71: {  	v24 =	vmul.f32 v17, v16;
	[tilespmem:s24+$0x7A10] =	vst v21;
	v25 =	vld [tilespmem:s24+$0x7A80]  }
0x72: {  	v33 =	vld [tilespmem:s24+$0x7AD0];
	[tilespmem:s24+$0x7A20] =	vst v3;
	v3 =	vmul.f32 v19, v16  }
0x73: {  	v27 =	vmul.f32 v20, v16;
	[tilespmem:s24+$0x7A30] =	vst v24;
	v28 =	vld [tilespmem:s24+$0x7AA0]  }
0x74: {  	v36 =	vld [tilespmem:s24+$0x7AF0];
	v29 =	vbroadcast v2, $0x5;
	[tilespmem:s24+$0x7A40] =	vst v3;
	v3 =	vmul.f32 v22, v16  }
0x75: {  	[tilespmem:s24+$0x7A50] =	vst v27;
	v31 =	vmul.f32 v23, v16;
	v32 =	vld [tilespmem:s24+$0x7AC0]  }
0x76: {  	v26 =	vld [tilespmem:s24+$0x7A90];
	[tilespmem:s24+$0x7A60] =	vst v3;
	v3 =	vmul.f32 v25, v29  }
0x77: {  	[tilespmem:s24+$0x7A70] =	vst v31;
	v40 =	vmul.f32 v33, v29;
	v35 =	vld [tilespmem:s24+$0x7AE0]  }
0x78: {  	v30 =	vld [tilespmem:s24+$0x7AB0];
	[tilespmem:s24+$0x7A80] =	vst v3;
	v3 =	vmul.f32 v28, v29  }
0x79: {  	v44 =	vmul.f32 v36, v29;
	[tilespmem:s24+$0x7AD0] =	vst v40;
	v38 =	vld [tilespmem:s24+$0x7B00]  }
0x7a: {  	v39 =	vld [tilespmem:s24+$0x7B10];
	[tilespmem:s24+$0x7AA0] =	vst v3;
	v3 =	vmul.f32 v32, v29  }
0x7b: {  	v34 =	vmul.f32 v26, v29;
	[tilespmem:s24+$0x7AF0] =	vst v44;
	v41 =	vld [tilespmem:s24+$0x7B20]  }
0x7c: {  	v43 =	vld [tilespmem:s24+$0x7B30];
	v42 =	vbroadcast v2, $0x6;
	[tilespmem:s24+$0x7AC0] =	vst v3;
	v3 =	vmul.f32 v35, v29  }
0x7d: {  	[tilespmem:s24+$0x7A90] =	vst v34;
	v37 =	vmul.f32 v30, v29;
	v45 =	vld [tilespmem:s24+$0x7B40]  }
0x7e: {  	v46 =	vld [tilespmem:s24+$0x7B50];
	[tilespmem:s24+$0x7AE0] =	vst v3;
	v3 =	vmul.f32 v38, v42  }
0x7f: {  	[tilespmem:s24+$0x7AB0] =	vst v37;
	v48 =	vld [tilespmem:s24+$0x7B60];
	v47 =	vmul.f32 v39, v42  }
0x80: {  	v49 =	vld [tilespmem:s24+$0x7B70];
	[tilespmem:s24+$0x7B00] =	vst v3;
	v3 =	vmul.f32 v41, v42  }
0x81: {  	v50 =	vmul.f32 v43, v42;
	v51 =	vld [tilespmem:s24+$0x7B80];
	[tilespmem:s24+$0x7B10] =	vst v47  }
0x82: {  	v52 =	vld [tilespmem:s24+$0x7B90];
	[tilespmem:s24+$0x7B20] =	vst v3;
	v3 =	vmul.f32 v45, v42  }
0x83: {  	v53 =	vmul.f32 v46, v42;
	[tilespmem:s24+$0x7B30] =	vst v50;
	v54 =	vld [tilespmem:s24+$0x7BA0]  }
0x84: {  	v56 =	vld [tilespmem:s24+$0x7BB0];
	v55 =	vbroadcast v2, $0x7;
	[tilespmem:s24+$0x7B40] =	vst v3;
	v3 =	vmul.f32 v48, v42  }
0x85: {  	v57 =	vmul.f32 v49, v42;
	[tilespmem:s24+$0x7B50] =	vst v53;
	v58 =	vld [tilespmem:s24+$0x7BC0]  }
0x86: {  	v59 =	vld [tilespmem:s24+$0x7BD0];
	[tilespmem:s24+$0x7B60] =	vst v3;
	v3 =	vmul.f32 v51, v55  }
0x87: {  	[tilespmem:s24+$0x7B70] =	vst v57;
	v61 =	vld [tilespmem:s24+$0x7BE0];
	v60 =	vmul.f32 v52, v55  }
0x88: {  	v62 =	vld [tilespmem:s24+$0x7BF0];
	[tilespmem:s24+$0x7B80] =	vst v3;
	v3 =	vmul.f32 v54, v55  }
0x89: {  	v63 =	vmul.f32 v56, v55;
	v12 =	vld [tilespmem:s24+$0x7C00];
	[tilespmem:s24+$0x7B90] =	vst v60  }
0x8a: {  	v13 =	vld [tilespmem:s24+$0x7C10];
	[tilespmem:s24+$0x7BA0] =	vst v3;
	v3 =	vmul.f32 v58, v55  }
0x8b: {  	v14 =	vmul.f32 v59, v55;
	[tilespmem:s24+$0x7BB0] =	vst v63;
	v15 =	vld [tilespmem:s24+$0x7C20]  }
0x8c: {  	v17 =	vld [tilespmem:s24+$0x7C30];
	v16 =	vbroadcast v2, $0x8;
	[tilespmem:s24+$0x7BC0] =	vst v3;
	v3 =	vmul.f32 v61, v55  }
0x8d: {  	v18 =	vmul.f32 v62, v55;
	[tilespmem:s24+$0x7BD0] =	vst v14;
	v19 =	vld [tilespmem:s24+$0x7C40]  }
0x8e: {  	v20 =	vld [tilespmem:s24+$0x7C50];
	[tilespmem:s24+$0x7BE0] =	vst v3;
	v3 =	vmul.f32 v12, v16  }
0x8f: {  	[tilespmem:s24+$0x7BF0] =	vst v18;
	v22 =	vld [tilespmem:s24+$0x7C60];
	v21 =	vmul.f32 v13, v16  }
0x90: {  	v23 =	vld [tilespmem:s24+$0x7C70];
	[tilespmem:s24+$0x7C00] =	vst v3;
	v3 =	vmul.f32 v15, v16  }
0x91: {  	v24 =	vmul.f32 v17, v16;
	v25 =	vld [tilespmem:s24+$0x7C80];
	[tilespmem:s24+$0x7C10] =	vst v21  }
0x92: {  	v26 =	vld [tilespmem:s24+$0x7C90];
	[tilespmem:s24+$0x7C20] =	vst v3;
	v3 =	vmul.f32 v19, v16  }
0x93: {  	v27 =	vmul.f32 v20, v16;
	[tilespmem:s24+$0x7C30] =	vst v24;
	v28 =	vld [tilespmem:s24+$0x7CA0]  }
0x94: {  	v30 =	vld [tilespmem:s24+$0x7CB0];
	v29 =	vbroadcast v2, $0x9;
	[tilespmem:s24+$0x7C40] =	vst v3;
	v3 =	vmul.f32 v22, v16  }
0x95: {  	v31 =	vmul.f32 v23, v16;
	[tilespmem:s24+$0x7C50] =	vst v27;
	v32 =	vld [tilespmem:s24+$0x7CC0]  }
0x96: {  	v33 =	vld [tilespmem:s24+$0x7CD0];
	[tilespmem:s24+$0x7C60] =	vst v3;
	v3 =	vmul.f32 v25, v29  }
0x97: {  	[tilespmem:s24+$0x7C70] =	vst v31;
	v35 =	vld [tilespmem:s24+$0x7CE0];
	v34 =	vmul.f32 v26, v29  }
0x98: {  	v36 =	vld [tilespmem:s24+$0x7CF0];
	[tilespmem:s24+$0x7C80] =	vst v3;
	v3 =	vmul.f32 v28, v29  }
0x99: {  	v37 =	vmul.f32 v30, v29;
	v38 =	vld [tilespmem:s24+$0x7D00];
	[tilespmem:s24+$0x7C90] =	vst v34  }
0x9a: {  	v39 =	vld [tilespmem:s24+$0x7D10];
	[tilespmem:s24+$0x7CA0] =	vst v3;
	v3 =	vmul.f32 v32, v29  }
0x9b: {  	v40 =	vmul.f32 v33, v29;
	[tilespmem:s24+$0x7CB0] =	vst v37;
	v41 =	vld [tilespmem:s24+$0x7D20]  }
0x9c: {  	v43 =	vld [tilespmem:s24+$0x7D30];
	v42 =	vbroadcast v2, $0xA;
	[tilespmem:s24+$0x7CC0] =	vst v3;
	v3 =	vmul.f32 v35, v29  }
0x9d: {  	v44 =	vmul.f32 v36, v29;
	[tilespmem:s24+$0x7CD0] =	vst v40;
	v45 =	vld [tilespmem:s24+$0x7D40]  }
0x9e: {  	v46 =	vld [tilespmem:s24+$0x7D50];
	[tilespmem:s24+$0x7CE0] =	vst v3;
	v3 =	vmul.f32 v38, v42  }
0x9f: {  	[tilespmem:s24+$0x7CF0] =	vst v44;
	v48 =	vld [tilespmem:s24+$0x7D60];
	v47 =	vmul.f32 v39, v42  }
0xa0: {  	v49 =	vld [tilespmem:s24+$0x7D70];
	[tilespmem:s24+$0x7D00] =	vst v3;
	v3 =	vmul.f32 v41, v42  }
0xa1: {  	v50 =	vmul.f32 v43, v42;
	v51 =	vld [tilespmem:s24+$0x7D80];
	[tilespmem:s24+$0x7D10] =	vst v47  }
0xa2: {  	v52 =	vld [tilespmem:s24+$0x7D90];
	[tilespmem:s24+$0x7D20] =	vst v3;
	v3 =	vmul.f32 v45, v42  }
0xa3: {  	v53 =	vmul.f32 v46, v42;
	[tilespmem:s24+$0x7D30] =	vst v50;
	v54 =	vld [tilespmem:s24+$0x7DA0]  }
0xa4: {  	v56 =	vld [tilespmem:s24+$0x7DB0];
	v55 =	vbroadcast v2, $0xB;
	[tilespmem:s24+$0x7D40] =	vst v3;
	v3 =	vmul.f32 v48, v42  }
0xa5: {  	v57 =	vmul.f32 v49, v42;
	[tilespmem:s24+$0x7D50] =	vst v53;
	v58 =	vld [tilespmem:s24+$0x7DC0]  }
0xa6: {  	v59 =	vld [tilespmem:s24+$0x7DD0];
	[tilespmem:s24+$0x7D60] =	vst v3;
	v3 =	vmul.f32 v51, v55  }
0xa7: {  	[tilespmem:s24+$0x7D70] =	vst v57;
	v61 =	vld [tilespmem:s24+$0x7DE0];
	v60 =	vmul.f32 v52, v55  }
0xa8: {  	v62 =	vld [tilespmem:s24+$0x7DF0];
	[tilespmem:s24+$0x7D80] =	vst v3;
	v3 =	vmul.f32 v54, v55  }
0xa9: {  	v63 =	vmul.f32 v56, v55;
	v12 =	vld [tilespmem:s24+$0x7E00];
	[tilespmem:s24+$0x7D90] =	vst v60  }
0xaa: {  	v13 =	vld [tilespmem:s24+$0x7E10];
	[tilespmem:s24+$0x7DA0] =	vst v3;
	v3 =	vmul.f32 v58, v55  }
0xab: {  	v14 =	vmul.f32 v59, v55;
	[tilespmem:s24+$0x7DB0] =	vst v63;
	v15 =	vld [tilespmem:s24+$0x7E20]  }
0xac: {  	v17 =	vld [tilespmem:s24+$0x7E30];
	v16 =	vbroadcast v2, $0xC;
	[tilespmem:s24+$0x7DC0] =	vst v3;
	v3 =	vmul.f32 v61, v55  }
0xad: {  	v18 =	vmul.f32 v62, v55;
	[tilespmem:s24+$0x7DD0] =	vst v14;
	v19 =	vld [tilespmem:s24+$0x7E40]  }
0xae: {  	v20 =	vld [tilespmem:s24+$0x7E50];
	[tilespmem:s24+$0x7DE0] =	vst v3;
	v3 =	vmul.f32 v12, v16  }
0xaf: {  	[tilespmem:s24+$0x7DF0] =	vst v18;
	v22 =	vld [tilespmem:s24+$0x7E60];
	v21 =	vmul.f32 v13, v16  }
0xb0: {  	v23 =	vld [tilespmem:s24+$0x7E70];
	[tilespmem:s24+$0x7E00] =	vst v3;
	v3 =	vmul.f32 v15, v16  }
0xb1: {  	v24 =	vmul.f32 v17, v16;
	v25 =	vld [tilespmem:s24+$0x7E80];
	[tilespmem:s24+$0x7E10] =	vst v21  }
0xb2: {  	v26 =	vld [tilespmem:s24+$0x7E90];
	[tilespmem:s24+$0x7E20] =	vst v3;
	v3 =	vmul.f32 v19, v16  }
0xb3: {  	v27 =	vmul.f32 v20, v16;
	[tilespmem:s24+$0x7E30] =	vst v24;
	v28 =	vld [tilespmem:s24+$0x7EA0]  }
0xb4: {  	v30 =	vld [tilespmem:s24+$0x7EB0];
	v29 =	vbroadcast v2, $0xD;
	[tilespmem:s24+$0x7E40] =	vst v3;
	v3 =	vmul.f32 v22, v16  }
0xb5: {  	v31 =	vmul.f32 v23, v16;
	[tilespmem:s24+$0x7E50] =	vst v27;
	v32 =	vld [tilespmem:s24+$0x7EC0]  }
0xb6: {  	v33 =	vld [tilespmem:s24+$0x7ED0];
	[tilespmem:s24+$0x7E60] =	vst v3;
	v3 =	vmul.f32 v25, v29  }
0xb7: {  	[tilespmem:s24+$0x7E70] =	vst v31;
	v35 =	vld [tilespmem:s24+$0x7EE0];
	v34 =	vmul.f32 v26, v29  }
0xb8: {  	v36 =	vld [tilespmem:s24+$0x7EF0];
	[tilespmem:s24+$0x7E80] =	vst v3;
	v3 =	vmul.f32 v28, v29  }
0xb9: {  	v37 =	vmul.f32 v30, v29;
	v38 =	vld [tilespmem:s24+$0x7F00];
	[tilespmem:s24+$0x7E90] =	vst v34  }
0xba: {  	v39 =	vld [tilespmem:s24+$0x7F10];
	[tilespmem:s24+$0x7EA0] =	vst v3;
	v3 =	vmul.f32 v32, v29  }
0xbb: {  	v40 =	vmul.f32 v33, v29;
	[tilespmem:s24+$0x7EB0] =	vst v37;
	v41 =	vld [tilespmem:s24+$0x7F20]  }
0xbc: {  	v43 =	vld [tilespmem:s24+$0x7F30];
	v42 =	vbroadcast v2, $0xE;
	[tilespmem:s24+$0x7EC0] =	vst v3;
	v3 =	vmul.f32 v35, v29  }
0xbd: {  	v44 =	vmul.f32 v36, v29;
	[tilespmem:s24+$0x7ED0] =	vst v40;
	v45 =	vld [tilespmem:s24+$0x7F40]  }
0xbe: {  	v46 =	vld [tilespmem:s24+$0x7F50];
	[tilespmem:s24+$0x7EE0] =	vst v3;
	v3 =	vmul.f32 v38, v42  }
0xbf: {  	[tilespmem:s24+$0x7EF0] =	vst v44;
	v48 =	vld [tilespmem:s24+$0x7F60];
	v47 =	vmul.f32 v39, v42  }
0xc0: {  	v49 =	vld [tilespmem:s24+$0x7F70];
	[tilespmem:s24+$0x7F00] =	vst v3;
	v3 =	vmul.f32 v41, v42  }
0xc1: {  	v50 =	vmul.f32 v43, v42;
	v51 =	vld [tilespmem:s24+$0x7F80];
	[tilespmem:s24+$0x7F10] =	vst v47  }
0xc2: {  	v52 =	vld [tilespmem:s24+$0x7F90];
	[tilespmem:s24+$0x7F20] =	vst v3;
	v3 =	vmul.f32 v45, v42  }
0xc3: {  	v53 =	vmul.f32 v46, v42;
	[tilespmem:s24+$0x7F30] =	vst v50;
	v54 =	vld [tilespmem:s24+$0x7FA0]  }
0xc4: {  	v2 =	vbroadcast v2, $0xF;
	v58 =	vld [tilespmem:s24+$0x7FD0];
	[tilespmem:s24+$0x7F40] =	vst v3;
	v3 =	vmul.f32 v48, v42  }
0xc5: {  	v57 =	vld [tilespmem:s24+$0x7FC0];
	v56 =	vmul.f32 v49, v42;
	[tilespmem:s24+$0x7F50] =	vst v53  }
0xc6: {  	v55 =	vld [tilespmem:s24+$0x7FB0];
	[tilespmem:s24+$0x7F60] =	vst v3;
	v3 =	vmul.f32 v51, v2  }
0xc7: {  	v60 =	vld [tilespmem:s24+$0x7FE0];
	v59 =	vmul.f32 v52, v2;
	[tilespmem:s24+$0x7F70] =	vst v56  }
0xc8: {  	v61 =	vld [tilespmem:s24+$0x7FF0];
	[tilespmem:s24+$0x7F80] =	vst v3;
	v3 =	vmul.f32 v54, v2  }
0xc9: {  	[tilespmem:s24+$0x7F90] =	vst v59;
	v63 =	vmul.f32 v58, v2  }
0xca: {  	p0 =	sne.s32 s2, $0x7;
	[tilespmem:s24+$0x7FA0] =	vst v3;
	v3 =	vmul.f32 v57, v2  }
.Ltmp1:
0xcb: {  	v62 =	vmul.f32 v55, v2;
	[tilespmem:s24+$0x7FD0] =	vst v63;
	(pc) =	sbr.rel @p0 .LBB2_5-.Ltmp1, $4  }
0xcc: {  	[tilespmem:s24+$0x7FC0] =	vst v3;
	v3 =	vmul.f32 v60, v2  }
0xcd: {  	[tilespmem:s24+$0x7FB0] =	vst v62;
	v2 =	vmul.f32 v61, v2  }
0xce: {  	[tilespmem:s24+$0x7FE0] =	vst v3  }
0xcf: {  	s2 =	sadd.s32 $0x1, s2;
	[tilespmem:s24+$0x7FF0] =	vst v2  }
0xd0: {  	s31 =	sadd.s32 $0x1, s31  }
0xd1: {  	p0 =	sne.s32 s31, $0x50  }
.Ltmp2:
0xd2: {  	_ = 	snop;
	(pc) =	sbr.rel @p0 .LBB2_4-.Ltmp2, $4  }
0xd3: {  	[spmem:s3] =	stream.indirect.scatter.add.f32 [tilespmem:s26], [sflag:$0x2], $0x80, s1, s28, $0xb8;
	[tilespmem:$0x1F800] =	vst v63  }
0xd4: {  	_ =	swait.ge [sflag:s23], $0x4000  }
0xd5: {  	[sflag:s23] =	ssyncset.done $0x0  }
0xd6: {  	[sflag:s23] =	ssyncadd.s32 $0xFFFFC000  }
0xd7: {  	[bflag:$0x0] =	sbarrier.arrive $0xFFFF  }
0xd8: {  	[tilespmem:s26], [sflag:$0x2] =	stream.linear.gather [spmem:s7], $0x4000, $0x38;
	[tilespmem:$0x1F800] =	vst v63  }
0xd9: {  	_ =	swait.ge [sflag:s23], $0x4000  }
0xda: {  	[sflag:s23] =	ssyncset.done $0x0  }
0xdb: {  	[sflag:s23] =	ssyncadd.s32 $0xFFFFC000  }
0xdc: {  	[hbm4b:s14+s4] =	stream.linear.scatter [tilespmem:s26], [sflag:$0x2], $0x4000, $0x38;
	[tilespmem:$0x1F800] =	vst v63  }
0xdd: {  	_ =	swait.ge [sflag:s23], $0x4000  }
0xde: {  	[sflag:s23] =	ssyncset.done $0x0  }
0xdf: {  	[sflag:s23] =	ssyncadd.s32 $0xFFFFC000  }
0xe0: {  	[tilespmem:s26], [sflag:$0x2] =	stream.linear.gather [spmem:s15], $0x4000, $0x38;
	[tilespmem:$0x1F800] =	vst v63  }
0xe1: {  	_ =	swait.ge [sflag:s23], $0x4000  }
0xe2: {  	[sflag:s23] =	ssyncset.done $0x0  }
0xe3: {  	[sflag:s23] =	ssyncadd.s32 $0xFFFFC000  }
0xe4: {  	[hbm4b:s16+s4] =	stream.linear.scatter [tilespmem:s26], [sflag:$0x2], $0x4000, $0x38;
	[tilespmem:$0x1F800] =	vst v63  }
0xe5: {  	_ =	swait.ge [sflag:s23], $0x4000  }
0xe6: {  	[sflag:s23] =	ssyncset.done $0x0  }
0xe7: {  	[sflag:s23] =	ssyncadd.s32 $0xFFFFC000  }
0xe8: {  	[tilespmem:s26], [sflag:$0x2] =	stream.linear.gather [spmem:s17], $0x4000, $0x38;
	[tilespmem:$0x1F800] =	vst v63  }
0xe9: {  	_ =	swait.ge [sflag:s23], $0x4000  }
0xea: {  	[sflag:s23] =	ssyncset.done $0x0  }
0xeb: {  	[sflag:s23] =	ssyncadd.s32 $0xFFFFC000  }
0xec: {  	[hbm4b:s18+s4] =	stream.linear.scatter [tilespmem:s26], [sflag:$0x2], $0x4000, $0x38;
	[tilespmem:$0x1F800] =	vst v63  }
0xed: {  	_ =	swait.ge [sflag:s23], $0x4000  }
0xee: {  	[sflag:s23] =	ssyncset.done $0x0  }
0xef: {  	[sflag:s23] =	ssyncadd.s32 $0xFFFFC000  }
0xf0: {  	[tilespmem:s26], [sflag:$0x2] =	stream.linear.gather [spmem:s19], $0x4000, $0x38;
	[tilespmem:$0x1F800] =	vst v63  }
0xf1: {  	_ =	swait.ge [sflag:s23], $0x4000  }
0xf2: {  	[sflag:s23] =	ssyncset.done $0x0  }
0xf3: {  	[sflag:s23] =	ssyncadd.s32 $0xFFFFC000  }
0xf4: {  	[hbm4b:s20+s4] =	stream.linear.scatter [tilespmem:s26], [sflag:$0x2], $0x4000, $0x38;
	[tilespmem:$0x1F800] =	vst v63  }
0xf5: {  	_ =	swait.ge [sflag:s23], $0x4000  }
0xf6: {  	[sflag:s23] =	ssyncset.done $0x0  }
0xf7: {  	[sflag:s23] =	ssyncadd.s32 $0xFFFFC000  }
0xf8: {  	[tilespmem:s26], [sflag:$0x2] =	stream.linear.gather [spmem:s21], $0x4000, $0x38;
	[tilespmem:$0x1F800] =	vst v63  }
0xf9: {  	s30 =	sadd.s32 $0x1, s30;
	_ =	swait.ge [sflag:s23], $0x4000  }
0xfa: {  	p0 =	sne.s32 s30, s9;
	[sflag:s23] =	ssyncset.done $0x0  }
.Ltmp3:
0xfb: {  	[sflag:s23] =	ssyncadd.s32 $0xFFFFC000;
	(pc) =	sbr.rel @p0 .LBB2_1-.Ltmp3, $4  }
0xfc: {  	[hbm4b:s22+s4] =	stream.linear.scatter [tilespmem:s26], [sflag:$0x2], $0x4000, $0x38;
	[tilespmem:$0x1F800] =	vst v63  }
0xfd: {  	_ =	swait.ge [sflag:s23], $0x4000  }
0xfe: {  	[sflag:s23] =	ssyncset.done $0x0  }
0xff: {  	[sflag:s23] =	ssyncadd.s32 $0xFFFFC000  }
0x100: {  	_ =	sfence.sel $0x180000  }
0x101: {  	[bflag:$0x0] =	sbarrier.arrive $0xFFFF  }
0x102: {  	_ =	strace $0x9000004A  }
0x103: {  	s0 =	stileid.u32;
	[bflag:$0x2] =	sbarrier.arrive $0xFFFF  }
0x104: {  	p0 =	sne.s32 s0, $0x0;
	s0 =	rddreg [dreg:$0x3]  }
0x105: {  	s0 =	sadd.s32 @!p0 $0x100000, s0  }
0x106: {  	[sflag:s0] =	ssyncadd.tile.s32 @!p0 $0x1;
	_ =	shalt  }
.Lfunc_end2:
_tile_overlayer_lowered:
.L_overlay_start_2:
0x107: {  	(tag) =	ssettag $0x2  }
0x108: {  	s0 =	rddreg [dreg:$0x0];
	s2 =	stileid.u32  }
0x109: {  	s1 =	rddreg [dreg:$0x1];
	p0 =	sne.s32 s2, $0x0  }
0x10a: {  	s3 =	rddreg [dreg:$0x2];
	[bflag:$0x3] =	sbarrier.arrive $0xFFFF;
	s2 =	simm.s32 @!p0 $0x1C02  }
0x10b: {  	[timem:s3], [sflag:s2] =	dma.local @!p0 [hbm:s0], s1  }
0x10c: {  	s0 =	simm.s32 @!p0 $0x2  }
0x10d: {  	_ =	swait.ge @!p0 [sflag:s0], s1  }
0x10e: {  	s1 =	ssub.s32 @!p0 $0x0, s1;
	[sflag:s0] =	ssyncset.done @!p0 $0x0  }
0x10f: {  	[sflag:s0] =	ssyncadd.s32 @!p0 s1  }
0x110: {  	[bflag:$0x3] =	sbarrier.arrive $0xFFFF  }
0x111: {  	_ =	shalt  }

// kernel: kernel.14.cloned.1.call-start
scs
__scs_entry_jumppad:
0x0: {  	(pc) =	sbr.rel $0x88, $3  }
0x1: {  	(tag) =	ssettag $0x0;
	lr =	simm.s32 $0x1  }
0x2: {  	[smem:$0x3F99] =	sst lr;
	_ =	strace $0xD0000000  }
0x3: {  	_ = 	snop  }
0x4: {  	_ = 	snop  }
0x5: {  	_ = 	snop  }
0x6: {  	_ = 	snop  }
0x7: {  	_ = 	snop  }
__scs_overlays_trampoline_lowered:
0x8: {  	[smem:$0x3FA8] =	sst s0  }
0x9: {  	[smem:$0x3FA9] =	sst s1  }
0xa: {  	[smem:$0x3FAA] =	sst s2  }
0xb: {  	[smem:$0x3FAB] =	sst s3  }
0xc: {  	[smem:$0x3FAC] =	sst s4  }
0xd: {  	[smem:$0x3FAD] =	sst s5  }
0xe: {  	[smem:$0x3FAE] =	sst s6  }
0xf: {  	[smem:$0x3FAF] =	sst s7  }
0x10: {  	[smem:$0x3FB0] =	sst s8  }
0x11: {  	[smem:$0x3FB1] =	sst s9;
	s0 =	simm.s32 @!p0 $0x0  }
0x12: {  	s1 =	sld [smem:$0x3F97];
	s0 =	simm.s32 @p0 $0x1  }
0x13: {  	[smem:$0x3FB2] =	sst s0;
	s0 =	simm.s32 @!p1 $0x0  }
0x14: {  	s2 =	sld [smem:$0x3F96];
	s0 =	simm.s32 @p1 $0x1  }
0x15: {  	[smem:$0x3FB3] =	sst s0;
	s0 =	simm.s32 @!p2 $0x0  }
0x16: {  	s3 =	sld [smem:$0x3FDB];
	s0 =	simm.s32 @p2 $0x1  }
0x17: {  	s4 =	simm.s32 $0x1BF5;
	[smem:$0x3FB5] =	sst s0  }
0x18: {  	s0 =	sld [smem:$0x3F98];
	_ =	swait.ge [sflag:s4], $0x0  }
0x19: {  	s7 =	sld [smem:$0x3F99]  }
0x1a: {  	s8 =	sadd.s32 $0xFFFFE003, lr  }
0x1b: {  	s9 =	sadd.s32 $0xFFFFFEF7, lr;
	s5 =	simm.s32 $0xFFFFFFFF;
	p2 =	slt.u32 s8, $0xFFFFF086  }
0x1c: {  	p1 =	slt.u32 s9, $0xF7A;
	s5 =	simm.s32 @!p2 $0x0  }
0x1d: {  	s5 =	simm.s32 @p1 $0x1;
	p0 =	seq.s32 s7, s2  }
0x1e: {  	s7 =	smul.u32 @!p0 $0xF7A, s2;
	p2 =	seq.s32 @!p0 s5, $0x0  }
0x1f: {  	s9 =	smul.u32 $0xF7A, s1;
	s8 =	simm.s32 @!p0 $0x1BF5;
	p2 =	por !p2, p0  }
0x20: {  	[sflag:s8] =	ssyncset.s32 @!p0 $0xFFFFF086;
	s6 =	sadd.s32 @!p0 s3, s7;
	s7 =	simm.s32 @!p0 $0x108  }
0x21: {  	s3 =	sadd.s32 s3, s9;
	s6 =	sadd.s32 @!p0 $0x88, s6;
	s7 =	simm.s32 @p2 $0x1082  }
0x22: {  	[simem:s7], [sflag:s8] =	dma.local @!p0 [hbm:s6], $0xF7A  }
0x23: {  	s9 =	sor.u32 $0xD0000000, s2;
	s6 =	simm.s32 $0x108;
	_ =	swait.ge @!p0 [sflag:s8], $0x0  }
0x24: {  	s3 =	sadd.s32 $0x88, s3;
	s6 =	simm.s32 @!p1 $0x1082;
	[sflag:s4] =	ssyncset.s32 $0xFFFFF086  }
0x25: {  	[simem:s6], [sflag:s4] =	dma.local [hbm:s3], $0xF7A  }
0x26: {  	[smem:$0x3F99] =	sst s1;
	(tag) =	ssettag s2;
	_ =	strace s9  }
0x27: {  	s1 =	sld [smem:$0x3FA9]  }
0x28: {  	s2 =	sld [smem:$0x3FAA]  }
0x29: {  	s4 =	sld [smem:$0x3FAC]  }
0x2a: {  	p0 =	seq.s32 s5, $0x0;
	s5 =	sld [smem:$0x3FAD]  }
0x2b: {  	s6 =	sld [smem:$0x3FAE]  }
0x2c: {  	s7 =	sld [smem:$0x3FAF]  }
0x2d: {  	s3 =	simm.s32 $0x108;
	s8 =	sld [smem:$0x3FB0]  }
0x2e: {  	s3 =	simm.s32 @!p0 $0x1082;
	s9 =	sld [smem:$0x3FB1]  }
0x2f: {  	lr =	sadd.s32 s0, s3;
	s0 =	sld [smem:$0x3FA8]  }
0x30: {  	s3 =	sld [smem:$0x3FAB]  }
0x31: {  	[smem:$0x3FB4] =	sst s10  }
0x32: {  	s10 =	sld [smem:$0x3FB2];
	_ =	sdelay $0x3  }
0x33: {  	p0 =	seq.s32 s10, $0x1;
	s10 =	sld [smem:$0x3FB4];
	_ =	sdelay $0x3  }
0x34: {  	[smem:$0x3FB4] =	sst s10  }
0x35: {  	s10 =	sld [smem:$0x3FB3];
	_ =	sdelay $0x3  }
0x36: {  	p1 =	seq.s32 s10, $0x1;
	s10 =	sld [smem:$0x3FB4];
	_ =	sdelay $0x3  }
0x37: {  	[smem:$0x3FB4] =	sst s10  }
0x38: {  	s10 =	sld [smem:$0x3FB5]  }
0x39: {  	_ = 	snop;
	(pc) =	sbr.ind lr, $3  }
0x3a: {  	_ = 	snop  }
0x3b: {  	_ = 	snop  }
0x3c: {  	p2 =	seq.s32 s10, $0x1;
	s10 =	sld [smem:$0x3FB4]  }
0x3d: {  	_ =	shalt  }
0x3e: {  	_ =	shalt  }
0x3f: {  	_ =	shalt  }
0x40: {  	_ =	shalt  }
0x41: {  	_ =	shalt  }
0x42: {  	_ =	shalt  }
0x43: {  	_ =	shalt  }
0x44: {  	_ =	shalt  }
0x45: {  	_ =	shalt  }
0x46: {  	_ =	shalt  }
0x47: {  	_ =	shalt  }
0x48: {  	_ =	shalt  }
0x49: {  	_ =	shalt  }
0x4a: {  	_ =	shalt  }
0x4b: {  	_ =	shalt  }
0x4c: {  	_ =	shalt  }
0x4d: {  	_ =	shalt  }
0x4e: {  	_ =	shalt  }
0x4f: {  	_ =	shalt  }
0x50: {  	_ =	shalt  }
0x51: {  	_ =	shalt  }
0x52: {  	_ =	shalt  }
0x53: {  	_ =	shalt  }
0x54: {  	_ =	shalt  }
0x55: {  	_ =	shalt  }
0x56: {  	_ =	shalt  }
0x57: {  	_ =	shalt  }
0x58: {  	_ =	shalt  }
0x59: {  	_ =	shalt  }
0x5a: {  	_ =	shalt  }
0x5b: {  	_ =	shalt  }
0x5c: {  	_ =	shalt  }
0x5d: {  	_ =	shalt  }
0x5e: {  	_ =	shalt  }
0x5f: {  	_ =	shalt  }
0x60: {  	_ =	shalt  }
0x61: {  	_ =	shalt  }
0x62: {  	_ =	shalt  }
0x63: {  	_ =	shalt  }
0x64: {  	_ =	shalt  }
0x65: {  	_ =	shalt  }
0x66: {  	_ =	shalt  }
0x67: {  	_ =	shalt  }
0x68: {  	_ =	shalt  }
0x69: {  	_ =	shalt  }
0x6a: {  	_ =	shalt  }
0x6b: {  	_ =	shalt  }
0x6c: {  	_ =	shalt  }
0x6d: {  	_ =	shalt  }
0x6e: {  	_ =	shalt  }
0x6f: {  	_ =	shalt  }
0x70: {  	_ =	shalt  }
0x71: {  	_ =	shalt  }
0x72: {  	_ =	shalt  }
0x73: {  	_ =	shalt  }
0x74: {  	_ =	shalt  }
0x75: {  	_ =	shalt  }
0x76: {  	_ =	shalt  }
0x77: {  	_ =	shalt  }
0x78: {  	_ =	shalt  }
0x79: {  	_ =	shalt  }
0x7a: {  	_ =	shalt  }
0x7b: {  	_ =	shalt  }
0x7c: {  	_ =	shalt  }
0x7d: {  	_ =	shalt  }
0x7e: {  	_ =	shalt  }
0x7f: {  	_ =	shalt  }
0x80: {  	_ =	shalt  }
0x81: {  	_ =	shalt  }
0x82: {  	_ =	shalt  }
0x83: {  	_ =	shalt  }
0x84: {  	_ =	shalt  }
0x85: {  	_ =	shalt  }
0x86: {  	_ =	shalt  }
0x87: {  	_ =	shalt  }
.Lfunc_end0:
.L_simem_size_0:
called_computation.2_lowered:
.L_overlay_start_0:
0x88: {  	s2 =	sld [smem:$0x3FD9]  }
0x89: {  	s3 =	sld [smem:$0x3FFE];
	_ =	sdelay $0x1  }
0x8a: {  	s1 =	srdreg.scid  }
0x8b: {  	s0 =	sand.u32 $0x1, s1  }
0x8c: {  	s17 =	sshll.u32 s0, $0xA;
	s2 =	sadd.s32 s3, s2  }
0x8d: {  	s2 =	sadd.s32 s2, s17  }
0x8e: {  	[smem:$0x3FC0] =	sst s2  }
0x8f: {  	_ = 	snop  }
0x90: {  	s2 =	sld [smem:$0x3FD0];
	(tm) =	ssettm $0x1  }
0x91: {  	s18 =	sld [smem:$0x3FFB];
	_ =	sdelay $0x3  }
0x92: {  	_ =	strace s18  }
0x93: {  	s3 =	sld [smem:$0x3FFC];
	_ =	sdelay $0x3  }
0x94: {  	_ =	strace s3  }
0x95: {  	s3 =	sld [smem:$0x3FFD];
	_ =	sdelay $0x3  }
0x96: {  	_ =	strace s3  }
0x97: {  	_ =	strace $0x8FFFFFFF  }
0x98: {  	s19 =	sld [smem:$0x3FDB];
	_ =	sdelay $0x1  }
0x99: {  	s4 =	simm.s32 $_scs_section_size  }
0x9a: {  	s5 =	simm.s32 $_size__tile_overlayer_lowered;
	s6 =	simm.s32 $_tile_overlayer_lowered  }
0x9b: {  	s22 =	simm.s32 $0x1BFF;
	s21 =	sshll.u32 s6, $0x1;
	s3 =	sadd.s32 s4, s19  }
0x9c: {  	s7 =	simm.s32 $0x0;
	s20 =	sshll.u32 s5, $0x1;
	s5 =	sadd.s32 s21, s3  }
0x9d: {  	[timem:s7], [sflag:s22] =	dma.local [hbm:s5], s20  }
0x9e: {  	_ =	swait.ge [sflag:s22], s20  }
0x9f: {  	s4 =	ssub.s32 $0x0, s20;
	[sflag:s22] =	ssyncset.done $0x0  }
0xa0: {  	[sflag:s22] =	ssyncadd.s32 s4;
	_ =	sdelay $0x1  }
0xa1: {  	s23 =	simm.s32 $0x1B8B  }
0xa2: {  	_ =	swait.ge [sflag:s23], $0x1  }
0xa3: {  	[sflag:s23] =	ssyncset.done $0x0  }
0xa4: {  	s25 =	simm.s32 $0x1B8E;
	s24 =	sld [smem:$0x3FFE];
	[sflag:s23] =	ssyncadd.s32 $0xFFFFFFFF  }
0xa5: {  	s26 =	simm.s32 $execute0_lowered;
	[smem:$0x3FD2] =	sst s25  }
0xa6: {  	s5 =	sshll.u32 s26, $0x1;
	_ =	strace $0x8000004C;
	[dreg:$0x1] =	wrdreg $0xFFFFFFFF  }
0xa7: {  	s28 =	simm.s32 $_size_execute0_lowered;
	s3 =	sadd.s32 s3, s5;
	[dreg:$0x0] =	wrdreg $0x0  }
0xa8: {  	s5 =	sshll.u32 s28, $0x1;
	[dreg:$0x2] =	wrdreg s3  }
0xa9: {  	[dreg:$0x3] =	wrdreg s5  }
0xaa: {  	[dreg:$0x4] =	wrdreg $0xC0  }
0xab: {  	_ =	task [dreg:s7], $0x5FFFF  }
0xac: {  	[dreg:$0x1] =	wrdreg $0xFFFFFFFF  }
0xad: {  	[dreg:$0x0] =	wrdreg $0x60  }
0xae: {  	[dreg:$0x2] =	wrdreg s2  }
0xaf: {  	[dreg:$0x3] =	wrdreg s24  }
0xb0: {  	[dreg:$0x4] =	wrdreg $0xB8000  }
0xb1: {  	[dreg:$0x5] =	wrdreg $0x9  }
0xb2: {  	_ =	task.clear_ibuf [dreg:s7], $0x6FFFF;
	_ =	strace $0x9000004C  }
0xb3: {  	s29 =	simm.s32 $0x9;
	_ =	strace $0x8000004E  }
0xb4: {  	_ =	swait.ge [sflag:s29], $0x1  }
0xb5: {  	[sflag:s29] =	ssyncadd.s32 $0xFFFFFFFF  }
0xb6: {  	_ =	strace $0x9000004E  }
0xb7: {  	_ =	sfence  }
0xb8: {  	s30 =	sld [smem:$0x0];
	_ =	sdelay $0x2  }
0xb9: {  	s31 =	sshll.u32 s1, $0xD;
	s1 =	sshrl.u32 s1, $0x2  }
0xba: {  	s3 =	sand.u32 $0x4000, s31;
	s1 =	sadd.s32 s1, s30  }
0xbb: {  	s0 =	sor.u32 s3, s0;
	s1 =	sshll.u32 s1, $0x11  }
0xbc: {  	s0 =	sor.u32 s1, s0  }
0xbd: {  	s0 =	sadd.s32 $0x8F2B, s0  }
0xbe: {  	[sflag:s0] =	ssyncadd.remote.s32 $0x1  }
0xbf: {  	_ =	sfence.sel $0xFFFF  }
0xc0: {  	[dreg:$0x0] =	wrdreg $0xFFFFFFFF;
	(pc) =	sbr.abs _section_cstart, $3  }
0xc1: {  	[dreg:$0x1] =	wrdreg $0xFFFFFFFF  }
0xc2: {  	_ =	task.clear_ibuf [dreg:s7], $0x2FFFF;
	_ =	strace $0x9FFFFFFF  }
0xc3: {  	(tm) =	ssettm $0x7FFFFFFF  }
tec
execute0_lowered:
.L_overlay_start_1:
0x0: {  	(tag) =	ssettag $0x1  }
0x1: {  	s0 =	rddreg [dreg:$0x0]  }
0x2: {  	s1 =	srdreg.scid;
	s2 =	rddreg [dreg:$0x1]  }
0x3: {  	s3 =	rddreg [dreg:$0x2];
	s11 =	stileid.u32  }
0x4: {  	s4 =	simm.s32 $0x0;
	s23 =	simm.s32 $0x2;
	s25 =	simm.s32 $0x5000  }
0x5: {  	s26 =	simm.s32 $0x7800;
	s28 =	simm.s32 $0x80;
	s29 =	simm.s32 $0x1  }
0x6: {  	s30 =	simm.s32 $0x0;
	s1 =	sand.u32 $0x1, s1;
	s8 =	smul.u32 $0x50000, s11  }
0x7: {  	[smem:$0x7FF] =	sst s4;
	s18 =	smul.u32 $0x14000, s11;
	s5 =	sshll.u32 s1, $0x4  }
0x8: {  	s6 =	ssub.s32 $0x2, s1;
	_ =	strace $0x8000004D;
	s1 =	smul.u32 $0x140000, s1  }
0x9: {  	s5 =	sor.u32 s11, s5;
	s7 =	sshrl.u32 s6, $0x1;
	s31 =	sshrl.u32 s8, $0x2  }
0xa: {  	s15 =	sadd.s32 $0x4000, s18;
	s19 =	sadd.s32 $0x8000, s18;
	s20 =	sadd.s32 $0xC000, s18  }
0xb: {  	s22 =	sadd.s32 $0x10000, s18;
	s5 =	smul.u32 $0x500, s5;
	s10 =	ssub.s32 s6, s7  }
0xc: {  	s7 =	sadd.s32 s31, s3;
	s13 =	sadd.s32 s1, s18;
	s16 =	sadd.s32 s1, s15  }
0xd: {  	s15 =	sadd.s32 s15, s3;
	s17 =	sadd.s32 s19, s3;
	s19 =	sadd.s32 s1, s19  }
0xe: {  	s21 =	sadd.s32 s1, s20;
	s1 =	sadd.s32 s1, s22;
	s11 =	sadd.s32 $0x8000, s7  }
0xf: {  	s12 =	sadd.s32 $0xC000, s7;
	s14 =	sshrl.u32 s13, $0x3;
	s13 =	sadd.s32 $0x10000, s7  }
0x10: {  	s16 =	sshrl.u32 s16, $0x3;
	s19 =	sshrl.u32 s19, $0x3;
	s21 =	sshrl.u32 s21, $0x3  }
0x11: {  	s1 =	sshrl.u32 s1, $0x3;
	s9 =	sadd.s32 s5, s2;
	s2 =	sadd.s32 $0x2A400, s2  }
0x12: {  	s5 =	sadd.s32 $0xB800, s9;
	s6 =	sadd.s32 $0x1800, s9;
	s8 =	sadd.s32 $0x20400, s9  }
0x13: {  	s9 =	smax.u32 s10, $0x1;
	s10 =	sadd.s32 $0x4000, s7;
	s14 =	sadd.s32 s2, s14  }
0x14: {  	s16 =	sadd.s32 s2, s16;
	s18 =	sadd.s32 s2, s19;
	s19 =	sadd.s32 s20, s3  }
0x15: {  	v0 =	vimm.f32 $0.0e+00;
	s20 =	sadd.s32 s2, s21;
	s21 =	sadd.s32 s22, s3;
	s22 =	sadd.s32 s2, s1  }
.LBB2_1:
0x16: {  	[tilespmem:s4], [sflag:$0x2] =	stream.linear.gather [hbm4b:s5+s4], $0x2800, $0x38;
	[tilespmem:$0x1F800] =	vst v63  }
0x17: {  	_ =	swait.ge [sflag:s23], $0x2800  }
0x18: {  	[sflag:s23] =	ssyncset.done $0x0  }
0x19: {  	s1 =	simm.s32 $0x2800;
	[sflag:s23] =	ssyncadd.s32 $0xFFFFD800  }
0x1a: {  	[tilespmem:s1], [sflag:$0x2] =	stream.linear.gather [hbm4b:s6+s4], $0x2800, $0x38;
	[tilespmem:$0x1F800] =	vst v63  }
0x1b: {  	_ =	swait.ge [sflag:s23], $0x2800  }
0x1c: {  	[sflag:s23] =	ssyncset.done $0x0  }
0x1d: {  	s31 =	sand.u32 $0xFE00, s4;
	[sflag:s23] =	ssyncadd.s32 $0xFFFFD800  }
0x1e: {  	[tilespmem:s25], [sflag:$0x2] =	stream.linear.gather [hbm4b:s8+s4], $0x2800, $0x38;
	[tilespmem:$0x1F800] =	vst v63  }
0x1f: {  	s2 =	sand.u32 $0x70, s4;
	s24 =	sshrl.u32 s31, $0x2;
	_ =	swait.ge [sflag:s23], $0x2800  }
0x20: {  	s24 =	sor.u32 s2, s24;
	[sflag:s23] =	ssyncset.done $0x0  }
0x21: {  	s2 =	simm.s32 $0x0;
	s1 =	simm.s32 $0x40;
	[sflag:s23] =	ssyncadd.s32 $0xFFFFD800  }
.LBB2_2:
0x22: {  	p0 =	sne.s32 s1, $0xFFC0  }
0x23: {  	[tilespmem:s24+$0x7800] =	vst v0;
	s2 =	sadd.s32 $0x10, s2;
	s24 =	smov.u32 s1;
	s1 =	sadd.s32 $0x40, s1  }
.Ltmp0:
0x24: {  	(pc) =	sbr.rel @p0 .LBB2_2-.Ltmp0, $4  }
0x25: {  	_ = 	snop  }
0x26: {  	s24 =	sand.u32 $0xFE00, s24  }
0x27: {  	s31 =	sand.u32 $0x70, s2;
	s24 =	sshrl.u32 s24, $0x2  }
0x28: {  	s24 =	sor.u32 s31, s24  }
0x29: {  	[tilespmem:s24+$0x7800] =	vst v0  }
0x2a: {  	[spmem:s7] =	stream.linear.scatter [tilespmem:s26], [sflag:$0x2], $0x4000, $0x38;
	[tilespmem:$0x1F800] =	vst v63  }
0x2b: {  	_ =	swait.ge [sflag:s23], $0x4000  }
0x2c: {  	[sflag:s23] =	ssyncset.done $0x0  }
0x2d: {  	[sflag:s23] =	ssyncadd.s32 $0xFFFFC000  }
0x2e: {  	[spmem:s10] =	stream.linear.scatter [tilespmem:s26], [sflag:$0x2], $0x4000, $0x38;
	[tilespmem:$0x1F800] =	vst v63  }
0x2f: {  	_ =	swait.ge [sflag:s23], $0x4000  }
0x30: {  	[sflag:s23] =	ssyncset.done $0x0  }
0x31: {  	[sflag:s23] =	ssyncadd.s32 $0xFFFFC000  }
0x32: {  	[spmem:s11] =	stream.linear.scatter [tilespmem:s26], [sflag:$0x2], $0x4000, $0x38;
	[tilespmem:$0x1F800] =	vst v63  }
0x33: {  	_ =	swait.ge [sflag:s23], $0x4000  }
0x34: {  	[sflag:s23] =	ssyncset.done $0x0  }
0x35: {  	[sflag:s23] =	ssyncadd.s32 $0xFFFFC000  }
0x36: {  	[spmem:s12] =	stream.linear.scatter [tilespmem:s26], [sflag:$0x2], $0x4000, $0x38;
	[tilespmem:$0x1F800] =	vst v63  }
0x37: {  	_ =	swait.ge [sflag:s23], $0x4000  }
0x38: {  	[sflag:s23] =	ssyncset.done $0x0  }
0x39: {  	[sflag:s23] =	ssyncadd.s32 $0xFFFFC000  }
0x3a: {  	[spmem:s13] =	stream.linear.scatter [tilespmem:s26], [sflag:$0x2], $0x4000, $0x38;
	[tilespmem:$0x1F800] =	vst v63  }
0x3b: {  	_ =	swait.ge [sflag:s23], $0x4000  }
0x3c: {  	[sflag:s23] =	ssyncset.done $0x0  }
0x3d: {  	[sflag:s23] =	ssyncadd.s32 $0xFFFFC000  }
0x3e: {  	s31 =	simm.s32 $0x0;
	[bflag:$0x0] =	sbarrier.arrive $0xFFFF  }
.LBB2_4:
0x3f: {  	s1 =	sshll.u32 s31, $0x7  }
0x40: {  	s2 =	sadd.s32 $0x2800, s1;
	s24 =	sadd.s32 $0x5000, s1  }
0x41: {  	[tilespmem:s26], [sflag:$0x1] =	stream.indirect.gather [hbm4b:s0+s28], $0x80, s2, s28, $0xb8;
	[tilespmem:$0x1F800] =	vst v63  }
0x42: {  	v1 =	vmov s24;
	_ =	swait.ge [sflag:s29], $0x4000  }
0x43: {  	[sflag:s29] =	ssyncset.done $0x0  }
0x44: {  	s2 =	simm.s32 $0x0;
	[sflag:s29] =	ssyncadd.s32 $0xFFFFC000  }
.LBB2_5:
0x45: {  	s24 =	sshll.u32 s2, $0x4  }
0x46: {  	s24 =	sand.u32 $0x3FFFFFF0, s24  }
0x47: {  	v2 =	vld.idx.msk [tilespmem:v1+s24+$0x0 ss:$0x1], $0xffff;
	s24 =	sshll.u32 s2, $0xB  }
0x48: {  	s24 =	sand.u32 $0x3FFFF800, s24  }
0x49: {  	v3 =	vld [tilespmem:s24+$0x7800]  }
0x4a: {  	v4 =	vld [tilespmem:s24+$0x7810]  }
0x4b: {  	v5 =	vld [tilespmem:s24+$0x7820]  }
0x4c: {  	v7 =	vld [tilespmem:s24+$0x7830];
	v6 =	vbroadcast v2, $0x0  }
0x4d: {  	v8 =	vld [tilespmem:s24+$0x7840]  }
0x4e: {  	v9 =	vld [tilespmem:s24+$0x7850];
	v3 =	vmul.f32 v6, v3  }
0x4f: {  	v10 =	vld [tilespmem:s24+$0x7860];
	v4 =	vmul.f32 v4, v6  }
0x50: {  	v24 =	vld [tilespmem:s24+$0x7870];
	[tilespmem:s24+$0x7800] =	vst v3;
	v3 =	vmul.f32 v5, v6  }
0x51: {  	v26 =	vld [tilespmem:s24+$0x7880];
	v25 =	vmul.f32 v7, v6;
	[tilespmem:s24+$0x7810] =	vst v4  }
0x52: {  	v27 =	vld [tilespmem:s24+$0x7890];
	[tilespmem:s24+$0x7820] =	vst v3;
	v3 =	vmul.f32 v8, v6  }
0x53: {  	v29 =	vld [tilespmem:s24+$0x78A0];
	v28 =	vmul.f32 v9, v6;
	[tilespmem:s24+$0x7830] =	vst v25  }
0x54: {  	v11 =	vld [tilespmem:s24+$0x78B0];
	v30 =	vbroadcast v2, $0x1;
	[tilespmem:s24+$0x7840] =	vst v3;
	v3 =	vmul.f32 v10, v6  }
0x55: {  	v32 =	vld [tilespmem:s24+$0x78C0];
	v31 =	vmul.f32 v24, v6;
	[tilespmem:s24+$0x7850] =	vst v28  }
0x56: {  	v33 =	vld [tilespmem:s24+$0x78D0];
	[tilespmem:s24+$0x7860] =	vst v3;
	v3 =	vmul.f32 v26, v30  }
0x57: {  	v35 =	vld [tilespmem:s24+$0x78E0];
	v34 =	vmul.f32 v27, v30;
	[tilespmem:s24+$0x7870] =	vst v31  }
0x58: {  	v36 =	vld [tilespmem:s24+$0x78F0];
	[tilespmem:s24+$0x7880] =	vst v3;
	v3 =	vmul.f32 v29, v30  }
0x59: {  	v38 =	vld [tilespmem:s24+$0x7900];
	v37 =	vmul.f32 v11, v30;
	[tilespmem:s24+$0x7890] =	vst v34  }
0x5a: {  	v39 =	vld [tilespmem:s24+$0x7910];
	[tilespmem:s24+$0x78A0] =	vst v3;
	v3 =	vmul.f32 v32, v30  }
0x5b: {  	v41 =	vld [tilespmem:s24+$0x7920];
	v40 =	vmul.f32 v33, v30;
	[tilespmem:s24+$0x78B0] =	vst v37  }
0x5c: {  	v43 =	vld [tilespmem:s24+$0x7930];
	v42 =	vbroadcast v2, $0x2;
	[tilespmem:s24+$0x78C0] =	vst v3;
	v3 =	vmul.f32 v35, v30  }
0x5d: {  	v45 =	vld [tilespmem:s24+$0x7940];
	v44 =	vmul.f32 v36, v30;
	[tilespmem:s24+$0x78D0] =	vst v40  }
0x5e: {  	v46 =	vld [tilespmem:s24+$0x7950];
	[tilespmem:s24+$0x78E0] =	vst v3;
	v3 =	vmul.f32 v38, v42  }
0x5f: {  	v48 =	vld [tilespmem:s24+$0x7960];
	v47 =	vmul.f32 v39, v42;
	[tilespmem:s24+$0x78F0] =	vst v44  }
0x60: {  	v49 =	vld [tilespmem:s24+$0x7970];
	[tilespmem:s24+$0x7900] =	vst v3;
	v3 =	vmul.f32 v41, v42  }
0x61: {  	v51 =	vld [tilespmem:s24+$0x7980];
	v50 =	vmul.f32 v43, v42;
	[tilespmem:s24+$0x7910] =	vst v47  }
0x62: {  	v52 =	vld [tilespmem:s24+$0x7990];
	[tilespmem:s24+$0x7920] =	vst v3;
	v3 =	vmul.f32 v45, v42  }
0x63: {  	v54 =	vld [tilespmem:s24+$0x79A0];
	v53 =	vmul.f32 v46, v42;
	[tilespmem:s24+$0x7930] =	vst v50  }
0x64: {  	v56 =	vld [tilespmem:s24+$0x79B0];
	v55 =	vbroadcast v2, $0x3;
	[tilespmem:s24+$0x7940] =	vst v3;
	v3 =	vmul.f32 v48, v42  }
0x65: {  	v58 =	vld [tilespmem:s24+$0x79C0];
	v57 =	vmul.f32 v49, v42;
	[tilespmem:s24+$0x7950] =	vst v53  }
0x66: {  	v59 =	vld [tilespmem:s24+$0x79D0];
	[tilespmem:s24+$0x7960] =	vst v3;
	v3 =	vmul.f32 v51, v55  }
0x67: {  	v61 =	vld [tilespmem:s24+$0x79E0];
	v60 =	vmul.f32 v52, v55;
	[tilespmem:s24+$0x7970] =	vst v57  }
0x68: {  	v62 =	vld [tilespmem:s24+$0x79F0];
	[tilespmem:s24+$0x7980] =	vst v3;
	v3 =	vmul.f32 v54, v55  }
0x69: {  	v12 =	vld [tilespmem:s24+$0x7A00];
	v63 =	vmul.f32 v56, v55;
	[tilespmem:s24+$0x7990] =	vst v60  }
0x6a: {  	v13 =	vld [tilespmem:s24+$0x7A10];
	[tilespmem:s24+$0x79A0] =	vst v3;
	v3 =	vmul.f32 v58, v55  }
0x6b: {  	v15 =	vld [tilespmem:s24+$0x7A20];
	v14 =	vmul.f32 v59, v55;
	[tilespmem:s24+$0x79B0] =	vst v63  }
0x6c: {  	v17 =	vld [tilespmem:s24+$0x7A30];
	v16 =	vbroadcast v2, $0x4;
	[tilespmem:s24+$0x79C0] =	vst v3;
	v3 =	vmul.f32 v61, v55  }
0x6d: {  	v19 =	vld [tilespmem:s24+$0x7A40];
	v18 =	vmul.f32 v62, v55;
	[tilespmem:s24+$0x79D0] =	vst v14  }
0x6e: {  	v20 =	vld [tilespmem:s24+$0x7A50];
	[tilespmem:s24+$0x79E0] =	vst v3;
	v3 =	vmul.f32 v12, v16  }
0x6f: {  	v22 =	vld [tilespmem:s24+$0x7A60];
	v21 =	vmul.f32 v13, v16;
	[tilespmem:s24+$0x79F0] =	vst v18  }
0x70: {  	v23 =	vld [tilespmem:s24+$0x7A70];
	[tilespmem:s24+$0x7A00] =	vst v3;
	v3 =	vmul.f32 v15, v16  }
0x71: {  	v24 =	vmul.f32 v17, v16;
	[tilespmem:s24+$0x7A10] =	vst v21;
	v25 =	vld [tilespmem:s24+$0x7A80]  }
0x72: {  	v33 =	vld [tilespmem:s24+$0x7AD0];
	[tilespmem:s24+$0x7A20] =	vst v3;
	v3 =	vmul.f32 v19, v16  }
0x73: {  	v27 =	vmul.f32 v20, v16;
	[tilespmem:s24+$0x7A30] =	vst v24;
	v28 =	vld [tilespmem:s24+$0x7AA0]  }
0x74: {  	v36 =	vld [tilespmem:s24+$0x7AF0];
	v29 =	vbroadcast v2, $0x5;
	[tilespmem:s24+$0x7A40] =	vst v3;
	v3 =	vmul.f32 v22, v16  }
0x75: {  	[tilespmem:s24+$0x7A50] =	vst v27;
	v31 =	vmul.f32 v23, v16;
	v32 =	vld [tilespmem:s24+$0x7AC0]  }
0x76: {  	v26 =	vld [tilespmem:s24+$0x7A90];
	[tilespmem:s24+$0x7A60] =	vst v3;
	v3 =	vmul.f32 v25, v29  }
0x77: {  	[tilespmem:s24+$0x7A70] =	vst v31;
	v40 =	vmul.f32 v33, v29;
	v35 =	vld [tilespmem:s24+$0x7AE0]  }
0x78: {  	v30 =	vld [tilespmem:s24+$0x7AB0];
	[tilespmem:s24+$0x7A80] =	vst v3;
	v3 =	vmul.f32 v28, v29  }
0x79: {  	v44 =	vmul.f32 v36, v29;
	[tilespmem:s24+$0x7AD0] =	vst v40;
	v38 =	vld [tilespmem:s24+$0x7B00]  }
0x7a: {  	v39 =	vld [tilespmem:s24+$0x7B10];
	[tilespmem:s24+$0x7AA0] =	vst v3;
	v3 =	vmul.f32 v32, v29  }
0x7b: {  	v34 =	vmul.f32 v26, v29;
	[tilespmem:s24+$0x7AF0] =	vst v44;
	v41 =	vld [tilespmem:s24+$0x7B20]  }
0x7c: {  	v43 =	vld [tilespmem:s24+$0x7B30];
	v42 =	vbroadcast v2, $0x6;
	[tilespmem:s24+$0x7AC0] =	vst v3;
	v3 =	vmul.f32 v35, v29  }
0x7d: {  	[tilespmem:s24+$0x7A90] =	vst v34;
	v37 =	vmul.f32 v30, v29;
	v45 =	vld [tilespmem:s24+$0x7B40]  }
0x7e: {  	v46 =	vld [tilespmem:s24+$0x7B50];
	[tilespmem:s24+$0x7AE0] =	vst v3;
	v3 =	vmul.f32 v38, v42  }
0x7f: {  	[tilespmem:s24+$0x7AB0] =	vst v37;
	v48 =	vld [tilespmem:s24+$0x7B60];
	v47 =	vmul.f32 v39, v42  }
0x80: {  	v49 =	vld [tilespmem:s24+$0x7B70];
	[tilespmem:s24+$0x7B00] =	vst v3;
	v3 =	vmul.f32 v41, v42  }
0x81: {  	v50 =	vmul.f32 v43, v42;
	v51 =	vld [tilespmem:s24+$0x7B80];
	[tilespmem:s24+$0x7B10] =	vst v47  }
0x82: {  	v52 =	vld [tilespmem:s24+$0x7B90];
	[tilespmem:s24+$0x7B20] =	vst v3;
	v3 =	vmul.f32 v45, v42  }
0x83: {  	v53 =	vmul.f32 v46, v42;
	[tilespmem:s24+$0x7B30] =	vst v50;
	v54 =	vld [tilespmem:s24+$0x7BA0]  }
0x84: {  	v56 =	vld [tilespmem:s24+$0x7BB0];
	v55 =	vbroadcast v2, $0x7;
	[tilespmem:s24+$0x7B40] =	vst v3;
	v3 =	vmul.f32 v48, v42  }
0x85: {  	v57 =	vmul.f32 v49, v42;
	[tilespmem:s24+$0x7B50] =	vst v53;
	v58 =	vld [tilespmem:s24+$0x7BC0]  }
0x86: {  	v59 =	vld [tilespmem:s24+$0x7BD0];
	[tilespmem:s24+$0x7B60] =	vst v3;
	v3 =	vmul.f32 v51, v55  }
0x87: {  	[tilespmem:s24+$0x7B70] =	vst v57;
	v61 =	vld [tilespmem:s24+$0x7BE0];
	v60 =	vmul.f32 v52, v55  }
0x88: {  	v62 =	vld [tilespmem:s24+$0x7BF0];
	[tilespmem:s24+$0x7B80] =	vst v3;
	v3 =	vmul.f32 v54, v55  }
0x89: {  	v63 =	vmul.f32 v56, v55;
	v12 =	vld [tilespmem:s24+$0x7C00];
	[tilespmem:s24+$0x7B90] =	vst v60  }
0x8a: {  	v13 =	vld [tilespmem:s24+$0x7C10];
	[tilespmem:s24+$0x7BA0] =	vst v3;
	v3 =	vmul.f32 v58, v55  }
0x8b: {  	v14 =	vmul.f32 v59, v55;
	[tilespmem:s24+$0x7BB0] =	vst v63;
	v15 =	vld [tilespmem:s24+$0x7C20]  }
0x8c: {  	v17 =	vld [tilespmem:s24+$0x7C30];
	v16 =	vbroadcast v2, $0x8;
	[tilespmem:s24+$0x7BC0] =	vst v3;
	v3 =	vmul.f32 v61, v55  }
0x8d: {  	v18 =	vmul.f32 v62, v55;
	[tilespmem:s24+$0x7BD0] =	vst v14;
	v19 =	vld [tilespmem:s24+$0x7C40]  }
0x8e: {  	v20 =	vld [tilespmem:s24+$0x7C50];
	[tilespmem:s24+$0x7BE0] =	vst v3;
	v3 =	vmul.f32 v12, v16  }
0x8f: {  	[tilespmem:s24+$0x7BF0] =	vst v18;
	v22 =	vld [tilespmem:s24+$0x7C60];
	v21 =	vmul.f32 v13, v16  }
0x90: {  	v23 =	vld [tilespmem:s24+$0x7C70];
	[tilespmem:s24+$0x7C00] =	vst v3;
	v3 =	vmul.f32 v15, v16  }
0x91: {  	v24 =	vmul.f32 v17, v16;
	v25 =	vld [tilespmem:s24+$0x7C80];
	[tilespmem:s24+$0x7C10] =	vst v21  }
0x92: {  	v26 =	vld [tilespmem:s24+$0x7C90];
	[tilespmem:s24+$0x7C20] =	vst v3;
	v3 =	vmul.f32 v19, v16  }
0x93: {  	v27 =	vmul.f32 v20, v16;
	[tilespmem:s24+$0x7C30] =	vst v24;
	v28 =	vld [tilespmem:s24+$0x7CA0]  }
0x94: {  	v30 =	vld [tilespmem:s24+$0x7CB0];
	v29 =	vbroadcast v2, $0x9;
	[tilespmem:s24+$0x7C40] =	vst v3;
	v3 =	vmul.f32 v22, v16  }
0x95: {  	v31 =	vmul.f32 v23, v16;
	[tilespmem:s24+$0x7C50] =	vst v27;
	v32 =	vld [tilespmem:s24+$0x7CC0]  }
0x96: {  	v33 =	vld [tilespmem:s24+$0x7CD0];
	[tilespmem:s24+$0x7C60] =	vst v3;
	v3 =	vmul.f32 v25, v29  }
0x97: {  	[tilespmem:s24+$0x7C70] =	vst v31;
	v35 =	vld [tilespmem:s24+$0x7CE0];
	v34 =	vmul.f32 v26, v29  }
0x98: {  	v36 =	vld [tilespmem:s24+$0x7CF0];
	[tilespmem:s24+$0x7C80] =	vst v3;
	v3 =	vmul.f32 v28, v29  }
0x99: {  	v37 =	vmul.f32 v30, v29;
	v38 =	vld [tilespmem:s24+$0x7D00];
	[tilespmem:s24+$0x7C90] =	vst v34  }
0x9a: {  	v39 =	vld [tilespmem:s24+$0x7D10];
	[tilespmem:s24+$0x7CA0] =	vst v3;
	v3 =	vmul.f32 v32, v29  }
0x9b: {  	v40 =	vmul.f32 v33, v29;
	[tilespmem:s24+$0x7CB0] =	vst v37;
	v41 =	vld [tilespmem:s24+$0x7D20]  }
0x9c: {  	v43 =	vld [tilespmem:s24+$0x7D30];
	v42 =	vbroadcast v2, $0xA;
	[tilespmem:s24+$0x7CC0] =	vst v3;
	v3 =	vmul.f32 v35, v29  }
0x9d: {  	v44 =	vmul.f32 v36, v29;
	[tilespmem:s24+$0x7CD0] =	vst v40;
	v45 =	vld [tilespmem:s24+$0x7D40]  }
0x9e: {  	v46 =	vld [tilespmem:s24+$0x7D50];
	[tilespmem:s24+$0x7CE0] =	vst v3;
	v3 =	vmul.f32 v38, v42  }
0x9f: {  	[tilespmem:s24+$0x7CF0] =	vst v44;
	v48 =	vld [tilespmem:s24+$0x7D60];
	v47 =	vmul.f32 v39, v42  }
0xa0: {  	v49 =	vld [tilespmem:s24+$0x7D70];
	[tilespmem:s24+$0x7D00] =	vst v3;
	v3 =	vmul.f32 v41, v42  }
0xa1: {  	v50 =	vmul.f32 v43, v42;
	v51 =	vld [tilespmem:s24+$0x7D80];
	[tilespmem:s24+$0x7D10] =	vst v47  }
0xa2: {  	v52 =	vld [tilespmem:s24+$0x7D90];
	[tilespmem:s24+$0x7D20] =	vst v3;
	v3 =	vmul.f32 v45, v42  }
0xa3: {  	v53 =	vmul.f32 v46, v42;
	[tilespmem:s24+$0x7D30] =	vst v50;
	v54 =	vld [tilespmem:s24+$0x7DA0]  }
0xa4: {  	v56 =	vld [tilespmem:s24+$0x7DB0];
	v55 =	vbroadcast v2, $0xB;
	[tilespmem:s24+$0x7D40] =	vst v3;
	v3 =	vmul.f32 v48, v42  }
0xa5: {  	v57 =	vmul.f32 v49, v42;
	[tilespmem:s24+$0x7D50] =	vst v53;
	v58 =	vld [tilespmem:s24+$0x7DC0]  }
0xa6: {  	v59 =	vld [tilespmem:s24+$0x7DD0];
	[tilespmem:s24+$0x7D60] =	vst v3;
	v3 =	vmul.f32 v51, v55  }
0xa7: {  	[tilespmem:s24+$0x7D70] =	vst v57;
	v61 =	vld [tilespmem:s24+$0x7DE0];
	v60 =	vmul.f32 v52, v55  }
0xa8: {  	v62 =	vld [tilespmem:s24+$0x7DF0];
	[tilespmem:s24+$0x7D80] =	vst v3;
	v3 =	vmul.f32 v54, v55  }
0xa9: {  	v63 =	vmul.f32 v56, v55;
	v12 =	vld [tilespmem:s24+$0x7E00];
	[tilespmem:s24+$0x7D90] =	vst v60  }
0xaa: {  	v13 =	vld [tilespmem:s24+$0x7E10];
	[tilespmem:s24+$0x7DA0] =	vst v3;
	v3 =	vmul.f32 v58, v55  }
0xab: {  	v14 =	vmul.f32 v59, v55;
	[tilespmem:s24+$0x7DB0] =	vst v63;
	v15 =	vld [tilespmem:s24+$0x7E20]  }
0xac: {  	v17 =	vld [tilespmem:s24+$0x7E30];
	v16 =	vbroadcast v2, $0xC;
	[tilespmem:s24+$0x7DC0] =	vst v3;
	v3 =	vmul.f32 v61, v55  }
0xad: {  	v18 =	vmul.f32 v62, v55;
	[tilespmem:s24+$0x7DD0] =	vst v14;
	v19 =	vld [tilespmem:s24+$0x7E40]  }
0xae: {  	v20 =	vld [tilespmem:s24+$0x7E50];
	[tilespmem:s24+$0x7DE0] =	vst v3;
	v3 =	vmul.f32 v12, v16  }
0xaf: {  	[tilespmem:s24+$0x7DF0] =	vst v18;
	v22 =	vld [tilespmem:s24+$0x7E60];
	v21 =	vmul.f32 v13, v16  }
0xb0: {  	v23 =	vld [tilespmem:s24+$0x7E70];
	[tilespmem:s24+$0x7E00] =	vst v3;
	v3 =	vmul.f32 v15, v16  }
0xb1: {  	v24 =	vmul.f32 v17, v16;
	v25 =	vld [tilespmem:s24+$0x7E80];
	[tilespmem:s24+$0x7E10] =	vst v21  }
0xb2: {  	v26 =	vld [tilespmem:s24+$0x7E90];
	[tilespmem:s24+$0x7E20] =	vst v3;
	v3 =	vmul.f32 v19, v16  }
0xb3: {  	v27 =	vmul.f32 v20, v16;
	[tilespmem:s24+$0x7E30] =	vst v24;
	v28 =	vld [tilespmem:s24+$0x7EA0]  }
0xb4: {  	v30 =	vld [tilespmem:s24+$0x7EB0];
	v29 =	vbroadcast v2, $0xD;
	[tilespmem:s24+$0x7E40] =	vst v3;
	v3 =	vmul.f32 v22, v16  }
0xb5: {  	v31 =	vmul.f32 v23, v16;
	[tilespmem:s24+$0x7E50] =	vst v27;
	v32 =	vld [tilespmem:s24+$0x7EC0]  }
0xb6: {  	v33 =	vld [tilespmem:s24+$0x7ED0];
	[tilespmem:s24+$0x7E60] =	vst v3;
	v3 =	vmul.f32 v25, v29  }
0xb7: {  	[tilespmem:s24+$0x7E70] =	vst v31;
	v35 =	vld [tilespmem:s24+$0x7EE0];
	v34 =	vmul.f32 v26, v29  }
0xb8: {  	v36 =	vld [tilespmem:s24+$0x7EF0];
	[tilespmem:s24+$0x7E80] =	vst v3;
	v3 =	vmul.f32 v28, v29  }
0xb9: {  	v37 =	vmul.f32 v30, v29;
	v38 =	vld [tilespmem:s24+$0x7F00];
	[tilespmem:s24+$0x7E90] =	vst v34  }
0xba: {  	v39 =	vld [tilespmem:s24+$0x7F10];
	[tilespmem:s24+$0x7EA0] =	vst v3;
	v3 =	vmul.f32 v32, v29  }
0xbb: {  	v40 =	vmul.f32 v33, v29;
	[tilespmem:s24+$0x7EB0] =	vst v37;
	v41 =	vld [tilespmem:s24+$0x7F20]  }
0xbc: {  	v43 =	vld [tilespmem:s24+$0x7F30];
	v42 =	vbroadcast v2, $0xE;
	[tilespmem:s24+$0x7EC0] =	vst v3;
	v3 =	vmul.f32 v35, v29  }
0xbd: {  	v44 =	vmul.f32 v36, v29;
	[tilespmem:s24+$0x7ED0] =	vst v40;
	v45 =	vld [tilespmem:s24+$0x7F40]  }
0xbe: {  	v46 =	vld [tilespmem:s24+$0x7F50];
	[tilespmem:s24+$0x7EE0] =	vst v3;
	v3 =	vmul.f32 v38, v42  }
0xbf: {  	[tilespmem:s24+$0x7EF0] =	vst v44;
	v48 =	vld [tilespmem:s24+$0x7F60];
	v47 =	vmul.f32 v39, v42  }
0xc0: {  	v49 =	vld [tilespmem:s24+$0x7F70];
	[tilespmem:s24+$0x7F00] =	vst v3;
	v3 =	vmul.f32 v41, v42  }
0xc1: {  	v50 =	vmul.f32 v43, v42;
	v51 =	vld [tilespmem:s24+$0x7F80];
	[tilespmem:s24+$0x7F10] =	vst v47  }
0xc2: {  	v52 =	vld [tilespmem:s24+$0x7F90];
	[tilespmem:s24+$0x7F20] =	vst v3;
	v3 =	vmul.f32 v45, v42  }
0xc3: {  	v53 =	vmul.f32 v46, v42;
	[tilespmem:s24+$0x7F30] =	vst v50;
	v54 =	vld [tilespmem:s24+$0x7FA0]  }
0xc4: {  	v2 =	vbroadcast v2, $0xF;
	v58 =	vld [tilespmem:s24+$0x7FD0];
	[tilespmem:s24+$0x7F40] =	vst v3;
	v3 =	vmul.f32 v48, v42  }
0xc5: {  	v57 =	vld [tilespmem:s24+$0x7FC0];
	v56 =	vmul.f32 v49, v42;
	[tilespmem:s24+$0x7F50] =	vst v53  }
0xc6: {  	v55 =	vld [tilespmem:s24+$0x7FB0];
	[tilespmem:s24+$0x7F60] =	vst v3;
	v3 =	vmul.f32 v51, v2  }
0xc7: {  	v60 =	vld [tilespmem:s24+$0x7FE0];
	v59 =	vmul.f32 v52, v2;
	[tilespmem:s24+$0x7F70] =	vst v56  }
0xc8: {  	v61 =	vld [tilespmem:s24+$0x7FF0];
	[tilespmem:s24+$0x7F80] =	vst v3;
	v3 =	vmul.f32 v54, v2  }
0xc9: {  	[tilespmem:s24+$0x7F90] =	vst v59;
	v63 =	vmul.f32 v58, v2  }
0xca: {  	p0 =	sne.s32 s2, $0x7;
	[tilespmem:s24+$0x7FA0] =	vst v3;
	v3 =	vmul.f32 v57, v2  }
.Ltmp1:
0xcb: {  	v62 =	vmul.f32 v55, v2;
	[tilespmem:s24+$0x7FD0] =	vst v63;
	(pc) =	sbr.rel @p0 .LBB2_5-.Ltmp1, $4  }
0xcc: {  	[tilespmem:s24+$0x7FC0] =	vst v3;
	v3 =	vmul.f32 v60, v2  }
0xcd: {  	[tilespmem:s24+$0x7FB0] =	vst v62;
	v2 =	vmul.f32 v61, v2  }
0xce: {  	[tilespmem:s24+$0x7FE0] =	vst v3  }
0xcf: {  	s2 =	sadd.s32 $0x1, s2;
	[tilespmem:s24+$0x7FF0] =	vst v2  }
0xd0: {  	s31 =	sadd.s32 $0x1, s31  }
0xd1: {  	p0 =	sne.s32 s31, $0x50  }
.Ltmp2:
0xd2: {  	_ = 	snop;
	(pc) =	sbr.rel @p0 .LBB2_4-.Ltmp2, $4  }
0xd3: {  	[spmem:s3] =	stream.indirect.scatter.add.f32 [tilespmem:s26], [sflag:$0x2], $0x80, s1, s28, $0xb8;
	[tilespmem:$0x1F800] =	vst v63  }
0xd4: {  	_ =	swait.ge [sflag:s23], $0x4000  }
0xd5: {  	[sflag:s23] =	ssyncset.done $0x0  }
0xd6: {  	[sflag:s23] =	ssyncadd.s32 $0xFFFFC000  }
0xd7: {  	[bflag:$0x0] =	sbarrier.arrive $0xFFFF  }
0xd8: {  	[tilespmem:s26], [sflag:$0x2] =	stream.linear.gather [spmem:s7], $0x4000, $0x38;
	[tilespmem:$0x1F800] =	vst v63  }
0xd9: {  	_ =	swait.ge [sflag:s23], $0x4000  }
0xda: {  	[sflag:s23] =	ssyncset.done $0x0  }
0xdb: {  	[sflag:s23] =	ssyncadd.s32 $0xFFFFC000  }
0xdc: {  	[hbm4b:s14+s4] =	stream.linear.scatter [tilespmem:s26], [sflag:$0x2], $0x4000, $0x38;
	[tilespmem:$0x1F800] =	vst v63  }
0xdd: {  	_ =	swait.ge [sflag:s23], $0x4000  }
0xde: {  	[sflag:s23] =	ssyncset.done $0x0  }
0xdf: {  	[sflag:s23] =	ssyncadd.s32 $0xFFFFC000  }
0xe0: {  	[tilespmem:s26], [sflag:$0x2] =	stream.linear.gather [spmem:s15], $0x4000, $0x38;
	[tilespmem:$0x1F800] =	vst v63  }
0xe1: {  	_ =	swait.ge [sflag:s23], $0x4000  }
0xe2: {  	[sflag:s23] =	ssyncset.done $0x0  }
0xe3: {  	[sflag:s23] =	ssyncadd.s32 $0xFFFFC000  }
0xe4: {  	[hbm4b:s16+s4] =	stream.linear.scatter [tilespmem:s26], [sflag:$0x2], $0x4000, $0x38;
	[tilespmem:$0x1F800] =	vst v63  }
0xe5: {  	_ =	swait.ge [sflag:s23], $0x4000  }
0xe6: {  	[sflag:s23] =	ssyncset.done $0x0  }
0xe7: {  	[sflag:s23] =	ssyncadd.s32 $0xFFFFC000  }
0xe8: {  	[tilespmem:s26], [sflag:$0x2] =	stream.linear.gather [spmem:s17], $0x4000, $0x38;
	[tilespmem:$0x1F800] =	vst v63  }
0xe9: {  	_ =	swait.ge [sflag:s23], $0x4000  }
0xea: {  	[sflag:s23] =	ssyncset.done $0x0  }
0xeb: {  	[sflag:s23] =	ssyncadd.s32 $0xFFFFC000  }
0xec: {  	[hbm4b:s18+s4] =	stream.linear.scatter [tilespmem:s26], [sflag:$0x2], $0x4000, $0x38;
	[tilespmem:$0x1F800] =	vst v63  }
0xed: {  	_ =	swait.ge [sflag:s23], $0x4000  }
0xee: {  	[sflag:s23] =	ssyncset.done $0x0  }
0xef: {  	[sflag:s23] =	ssyncadd.s32 $0xFFFFC000  }
0xf0: {  	[tilespmem:s26], [sflag:$0x2] =	stream.linear.gather [spmem:s19], $0x4000, $0x38;
	[tilespmem:$0x1F800] =	vst v63  }
0xf1: {  	_ =	swait.ge [sflag:s23], $0x4000  }
0xf2: {  	[sflag:s23] =	ssyncset.done $0x0  }
0xf3: {  	[sflag:s23] =	ssyncadd.s32 $0xFFFFC000  }
0xf4: {  	[hbm4b:s20+s4] =	stream.linear.scatter [tilespmem:s26], [sflag:$0x2], $0x4000, $0x38;
	[tilespmem:$0x1F800] =	vst v63  }
0xf5: {  	_ =	swait.ge [sflag:s23], $0x4000  }
0xf6: {  	[sflag:s23] =	ssyncset.done $0x0  }
0xf7: {  	[sflag:s23] =	ssyncadd.s32 $0xFFFFC000  }
0xf8: {  	[tilespmem:s26], [sflag:$0x2] =	stream.linear.gather [spmem:s21], $0x4000, $0x38;
	[tilespmem:$0x1F800] =	vst v63  }
0xf9: {  	s30 =	sadd.s32 $0x1, s30;
	_ =	swait.ge [sflag:s23], $0x4000  }
0xfa: {  	p0 =	sne.s32 s30, s9;
	[sflag:s23] =	ssyncset.done $0x0  }
.Ltmp3:
0xfb: {  	[sflag:s23] =	ssyncadd.s32 $0xFFFFC000;
	(pc) =	sbr.rel @p0 .LBB2_1-.Ltmp3, $4  }
0xfc: {  	[hbm4b:s22+s4] =	stream.linear.scatter [tilespmem:s26], [sflag:$0x2], $0x4000, $0x38;
	[tilespmem:$0x1F800] =	vst v63  }
0xfd: {  	_ =	swait.ge [sflag:s23], $0x4000  }
0xfe: {  	[sflag:s23] =	ssyncset.done $0x0  }
0xff: {  	[sflag:s23] =	ssyncadd.s32 $0xFFFFC000  }
0x100: {  	_ =	sfence.sel $0x180000  }
0x101: {  	[bflag:$0x0] =	sbarrier.arrive $0xFFFF  }
0x102: {  	_ =	strace $0x9000004D  }
0x103: {  	s0 =	stileid.u32;
	[bflag:$0x2] =	sbarrier.arrive $0xFFFF  }
0x104: {  	p0 =	sne.s32 s0, $0x0;
	s0 =	rddreg [dreg:$0x3]  }
0x105: {  	s0 =	sadd.s32 @!p0 $0x100000, s0  }
0x106: {  	[sflag:s0] =	ssyncadd.tile.s32 @!p0 $0x1;
	_ =	shalt  }
.Lfunc_end2:
_tile_overlayer_lowered:
.L_overlay_start_2:
0x107: {  	(tag) =	ssettag $0x2  }
0x108: {  	s0 =	rddreg [dreg:$0x0];
	s2 =	stileid.u32  }
0x109: {  	s1 =	rddreg [dreg:$0x1];
	p0 =	sne.s32 s2, $0x0  }
0x10a: {  	s3 =	rddreg [dreg:$0x2];
	[bflag:$0x3] =	sbarrier.arrive $0xFFFF;
	s2 =	simm.s32 @!p0 $0x1C02  }
0x10b: {  	[timem:s3], [sflag:s2] =	dma.local @!p0 [hbm:s0], s1  }
0x10c: {  	s0 =	simm.s32 @!p0 $0x2  }
0x10d: {  	_ =	swait.ge @!p0 [sflag:s0], s1  }
0x10e: {  	s1 =	ssub.s32 @!p0 $0x0, s1;
	[sflag:s0] =	ssyncset.done @!p0 $0x0  }
0x10f: {  	[sflag:s0] =	ssyncadd.s32 @!p0 s1  }
0x110: {  	[bflag:$0x3] =	sbarrier.arrive $0xFFFF  }
0x111: {  	_ =	shalt  }

// kernel: kernel.8.cloned.1.call-start
scs
__scs_entry_jumppad:
0x0: {  	(pc) =	sbr.rel $0x88, $3  }
0x1: {  	(tag) =	ssettag $0x0;
	lr =	simm.s32 $0x1  }
0x2: {  	[smem:$0x3F99] =	sst lr;
	_ =	strace $0xD0000000  }
0x3: {  	_ = 	snop  }
0x4: {  	_ = 	snop  }
0x5: {  	_ = 	snop  }
0x6: {  	_ = 	snop  }
0x7: {  	_ = 	snop  }
__scs_overlays_trampoline_lowered:
0x8: {  	[smem:$0x3FA8] =	sst s0  }
0x9: {  	[smem:$0x3FA9] =	sst s1  }
0xa: {  	[smem:$0x3FAA] =	sst s2  }
0xb: {  	[smem:$0x3FAB] =	sst s3  }
0xc: {  	[smem:$0x3FAC] =	sst s4  }
0xd: {  	[smem:$0x3FAD] =	sst s5  }
0xe: {  	[smem:$0x3FAE] =	sst s6  }
0xf: {  	[smem:$0x3FAF] =	sst s7  }
0x10: {  	[smem:$0x3FB0] =	sst s8  }
0x11: {  	[smem:$0x3FB1] =	sst s9;
	s0 =	simm.s32 @!p0 $0x0  }
0x12: {  	s1 =	sld [smem:$0x3F97];
	s0 =	simm.s32 @p0 $0x1  }
0x13: {  	[smem:$0x3FB2] =	sst s0;
	s0 =	simm.s32 @!p1 $0x0  }
0x14: {  	s2 =	sld [smem:$0x3F96];
	s0 =	simm.s32 @p1 $0x1  }
0x15: {  	[smem:$0x3FB3] =	sst s0;
	s0 =	simm.s32 @!p2 $0x0  }
0x16: {  	s3 =	sld [smem:$0x3FDB];
	s0 =	simm.s32 @p2 $0x1  }
0x17: {  	s4 =	simm.s32 $0x1BF5;
	[smem:$0x3FB5] =	sst s0  }
0x18: {  	s0 =	sld [smem:$0x3F98];
	_ =	swait.ge [sflag:s4], $0x0  }
0x19: {  	s7 =	sld [smem:$0x3F99]  }
0x1a: {  	s8 =	sadd.s32 $0xFFFFE003, lr  }
0x1b: {  	s9 =	sadd.s32 $0xFFFFFEF7, lr;
	s5 =	simm.s32 $0xFFFFFFFF;
	p2 =	slt.u32 s8, $0xFFFFF086  }
0x1c: {  	p1 =	slt.u32 s9, $0xF7A;
	s5 =	simm.s32 @!p2 $0x0  }
0x1d: {  	s5 =	simm.s32 @p1 $0x1;
	p0 =	seq.s32 s7, s2  }
0x1e: {  	s7 =	smul.u32 @!p0 $0xF7A, s2;
	p2 =	seq.s32 @!p0 s5, $0x0  }
0x1f: {  	s9 =	smul.u32 $0xF7A, s1;
	s8 =	simm.s32 @!p0 $0x1BF5;
	p2 =	por !p2, p0  }
0x20: {  	[sflag:s8] =	ssyncset.s32 @!p0 $0xFFFFF086;
	s6 =	sadd.s32 @!p0 s3, s7;
	s7 =	simm.s32 @!p0 $0x108  }
0x21: {  	s3 =	sadd.s32 s3, s9;
	s6 =	sadd.s32 @!p0 $0x88, s6;
	s7 =	simm.s32 @p2 $0x1082  }
0x22: {  	[simem:s7], [sflag:s8] =	dma.local @!p0 [hbm:s6], $0xF7A  }
0x23: {  	s9 =	sor.u32 $0xD0000000, s2;
	s6 =	simm.s32 $0x108;
	_ =	swait.ge @!p0 [sflag:s8], $0x0  }
0x24: {  	s3 =	sadd.s32 $0x88, s3;
	s6 =	simm.s32 @!p1 $0x1082;
	[sflag:s4] =	ssyncset.s32 $0xFFFFF086  }
0x25: {  	[simem:s6], [sflag:s4] =	dma.local [hbm:s3], $0xF7A  }
0x26: {  	[smem:$0x3F99] =	sst s1;
	(tag) =	ssettag s2;
	_ =	strace s9  }
0x27: {  	s1 =	sld [smem:$0x3FA9]  }
0x28: {  	s2 =	sld [smem:$0x3FAA]  }
0x29: {  	s4 =	sld [smem:$0x3FAC]  }
0x2a: {  	p0 =	seq.s32 s5, $0x0;
	s5 =	sld [smem:$0x3FAD]  }
0x2b: {  	s6 =	sld [smem:$0x3FAE]  }
0x2c: {  	s7 =	sld [smem:$0x3FAF]  }
0x2d: {  	s3 =	simm.s32 $0x108;
	s8 =	sld [smem:$0x3FB0]  }
0x2e: {  	s3 =	simm.s32 @!p0 $0x1082;
	s9 =	sld [smem:$0x3FB1]  }
0x2f: {  	lr =	sadd.s32 s0, s3;
	s0 =	sld [smem:$0x3FA8]  }
0x30: {  	s3 =	sld [smem:$0x3FAB]  }
0x31: {  	[smem:$0x3FB4] =	sst s10  }
0x32: {  	s10 =	sld [smem:$0x3FB2];
	_ =	sdelay $0x3  }
0x33: {  	p0 =	seq.s32 s10, $0x1;
	s10 =	sld [smem:$0x3FB4];
	_ =	sdelay $0x3  }
0x34: {  	[smem:$0x3FB4] =	sst s10  }
0x35: {  	s10 =	sld [smem:$0x3FB3];
	_ =	sdelay $0x3  }
0x36: {  	p1 =	seq.s32 s10, $0x1;
	s10 =	sld [smem:$0x3FB4];
	_ =	sdelay $0x3  }
0x37: {  	[smem:$0x3FB4] =	sst s10  }
0x38: {  	s10 =	sld [smem:$0x3FB5]  }
0x39: {  	_ = 	snop;
	(pc) =	sbr.ind lr, $3  }
0x3a: {  	_ = 	snop  }
0x3b: {  	_ = 	snop  }
0x3c: {  	p2 =	seq.s32 s10, $0x1;
	s10 =	sld [smem:$0x3FB4]  }
0x3d: {  	_ =	shalt  }
0x3e: {  	_ =	shalt  }
0x3f: {  	_ =	shalt  }
0x40: {  	_ =	shalt  }
0x41: {  	_ =	shalt  }
0x42: {  	_ =	shalt  }
0x43: {  	_ =	shalt  }
0x44: {  	_ =	shalt  }
0x45: {  	_ =	shalt  }
0x46: {  	_ =	shalt  }
0x47: {  	_ =	shalt  }
0x48: {  	_ =	shalt  }
0x49: {  	_ =	shalt  }
0x4a: {  	_ =	shalt  }
0x4b: {  	_ =	shalt  }
0x4c: {  	_ =	shalt  }
0x4d: {  	_ =	shalt  }
0x4e: {  	_ =	shalt  }
0x4f: {  	_ =	shalt  }
0x50: {  	_ =	shalt  }
0x51: {  	_ =	shalt  }
0x52: {  	_ =	shalt  }
0x53: {  	_ =	shalt  }
0x54: {  	_ =	shalt  }
0x55: {  	_ =	shalt  }
0x56: {  	_ =	shalt  }
0x57: {  	_ =	shalt  }
0x58: {  	_ =	shalt  }
0x59: {  	_ =	shalt  }
0x5a: {  	_ =	shalt  }
0x5b: {  	_ =	shalt  }
0x5c: {  	_ =	shalt  }
0x5d: {  	_ =	shalt  }
0x5e: {  	_ =	shalt  }
0x5f: {  	_ =	shalt  }
0x60: {  	_ =	shalt  }
0x61: {  	_ =	shalt  }
0x62: {  	_ =	shalt  }
0x63: {  	_ =	shalt  }
0x64: {  	_ =	shalt  }
0x65: {  	_ =	shalt  }
0x66: {  	_ =	shalt  }
0x67: {  	_ =	shalt  }
0x68: {  	_ =	shalt  }
0x69: {  	_ =	shalt  }
0x6a: {  	_ =	shalt  }
0x6b: {  	_ =	shalt  }
0x6c: {  	_ =	shalt  }
0x6d: {  	_ =	shalt  }
0x6e: {  	_ =	shalt  }
0x6f: {  	_ =	shalt  }
0x70: {  	_ =	shalt  }
0x71: {  	_ =	shalt  }
0x72: {  	_ =	shalt  }
0x73: {  	_ =	shalt  }
0x74: {  	_ =	shalt  }
0x75: {  	_ =	shalt  }
0x76: {  	_ =	shalt  }
0x77: {  	_ =	shalt  }
0x78: {  	_ =	shalt  }
0x79: {  	_ =	shalt  }
0x7a: {  	_ =	shalt  }
0x7b: {  	_ =	shalt  }
0x7c: {  	_ =	shalt  }
0x7d: {  	_ =	shalt  }
0x7e: {  	_ =	shalt  }
0x7f: {  	_ =	shalt  }
0x80: {  	_ =	shalt  }
0x81: {  	_ =	shalt  }
0x82: {  	_ =	shalt  }
0x83: {  	_ =	shalt  }
0x84: {  	_ =	shalt  }
0x85: {  	_ =	shalt  }
0x86: {  	_ =	shalt  }
0x87: {  	_ =	shalt  }
.Lfunc_end0:
.L_simem_size_0:
called_computation_lowered:
.L_overlay_start_0:
0x88: {  	s2 =	sld [smem:$0x3FD9]  }
0x89: {  	s3 =	sld [smem:$0x3FFE];
	_ =	sdelay $0x1  }
0x8a: {  	s1 =	srdreg.scid  }
0x8b: {  	s0 =	sand.u32 $0x1, s1  }
0x8c: {  	s16 =	sshll.u32 s0, $0xA;
	s2 =	sadd.s32 s3, s2  }
0x8d: {  	s2 =	sadd.s32 s2, s16  }
0x8e: {  	[smem:$0x3FC0] =	sst s2  }
0x8f: {  	_ = 	snop  }
0x90: {  	(tm) =	ssettm $0x1  }
0x91: {  	s17 =	sld [smem:$0x3FFB];
	_ =	sdelay $0x3  }
0x92: {  	_ =	strace s17  }
0x93: {  	s2 =	sld [smem:$0x3FFC];
	_ =	sdelay $0x3  }
0x94: {  	_ =	strace s2  }
0x95: {  	s2 =	sld [smem:$0x3FFD];
	_ =	sdelay $0x3  }
0x96: {  	_ =	strace s2  }
0x97: {  	_ =	strace $0x8FFFFFFF  }
0x98: {  	s18 =	sld [smem:$0x3FDB];
	_ =	sdelay $0x1  }
0x99: {  	s19 =	simm.s32 $_scs_section_size  }
0x9a: {  	s4 =	simm.s32 $_size__tile_overlayer_lowered;
	s5 =	simm.s32 $_tile_overlayer_lowered  }
0x9b: {  	s22 =	simm.s32 $0x1BFF;
	s21 =	sshll.u32 s5, $0x1;
	s2 =	sadd.s32 s19, s18  }
0x9c: {  	s6 =	simm.s32 $0x0;
	s20 =	sshll.u32 s4, $0x1;
	s4 =	sadd.s32 s21, s2  }
0x9d: {  	[timem:s6], [sflag:s22] =	dma.local [hbm:s4], s20  }
0x9e: {  	_ =	swait.ge [sflag:s22], s20  }
0x9f: {  	s3 =	ssub.s32 $0x0, s20;
	[sflag:s22] =	ssyncset.done $0x0  }
0xa0: {  	[sflag:s22] =	ssyncadd.s32 s3;
	_ =	sdelay $0x1  }
0xa1: {  	s23 =	simm.s32 $0x1B8B  }
0xa2: {  	_ =	swait.ge [sflag:s23], $0x1  }
0xa3: {  	[sflag:s23] =	ssyncset.done $0x0  }
0xa4: {  	s25 =	simm.s32 $0x1B8E;
	s24 =	sld [smem:$0x3FFE];
	[sflag:s23] =	ssyncadd.s32 $0xFFFFFFFF  }
0xa5: {  	s26 =	simm.s32 $execute0_lowered;
	[smem:$0x3FD2] =	sst s25  }
0xa6: {  	s4 =	sshll.u32 s26, $0x1;
	_ =	strace $0x80000046;
	[dreg:$0x1] =	wrdreg $0xFFFFFFFF  }
0xa7: {  	s28 =	simm.s32 $_size_execute0_lowered;
	s2 =	sadd.s32 s2, s4;
	[dreg:$0x0] =	wrdreg $0x0  }
0xa8: {  	s4 =	sshll.u32 s28, $0x1;
	[dreg:$0x2] =	wrdreg s2  }
0xa9: {  	[dreg:$0x3] =	wrdreg s4  }
0xaa: {  	[dreg:$0x4] =	wrdreg $0xC0  }
0xab: {  	_ =	task [dreg:s6], $0x5FFFF  }
0xac: {  	[dreg:$0x1] =	wrdreg $0xFFFFFFFF  }
0xad: {  	[dreg:$0x0] =	wrdreg $0x60  }
0xae: {  	[dreg:$0x2] =	wrdreg s24  }
0xaf: {  	[dreg:$0x3] =	wrdreg $0x9  }
0xb0: {  	_ =	task.clear_ibuf [dreg:s6], $0x4FFFF;
	_ =	strace $0x90000046  }
0xb1: {  	s29 =	simm.s32 $0x9;
	_ =	strace $0x80000048  }
0xb2: {  	_ =	swait.ge [sflag:s29], $0x1  }
0xb3: {  	[sflag:s29] =	ssyncadd.s32 $0xFFFFFFFF  }
0xb4: {  	_ =	strace $0x90000048  }
0xb5: {  	_ =	sfence  }
0xb6: {  	s30 =	sld [smem:$0x0];
	_ =	sdelay $0x2  }
0xb7: {  	s31 =	sshll.u32 s1, $0xD;
	s1 =	sshrl.u32 s1, $0x2  }
0xb8: {  	s3 =	sand.u32 $0x4000, s31;
	s1 =	sadd.s32 s1, s30  }
0xb9: {  	s0 =	sor.u32 s3, s0;
	s1 =	sshll.u32 s1, $0x11  }
0xba: {  	s0 =	sor.u32 s1, s0  }
0xbb: {  	s0 =	sadd.s32 $0x8F2B, s0  }
0xbc: {  	[sflag:s0] =	ssyncadd.remote.s32 $0x1  }
0xbd: {  	_ =	sfence.sel $0xFFFF  }
0xbe: {  	[dreg:$0x0] =	wrdreg $0xFFFFFFFF;
	(pc) =	sbr.abs _section_cstart, $3  }
0xbf: {  	[dreg:$0x1] =	wrdreg $0xFFFFFFFF  }
0xc0: {  	_ =	task.clear_ibuf [dreg:s6], $0x2FFFF;
	_ =	strace $0x9FFFFFFF  }
0xc1: {  	(tm) =	ssettm $0x7FFFFFFF  }
tec
execute0_lowered:
.L_overlay_start_1:
0x0: {  	(tag) =	ssettag $0x1  }
0x1: {  	s0 =	srdreg.scid;
	s5 =	rddreg [dreg:$0x0]  }
0x2: {  	s1 =	stileid.u32;
	s2 =	simm.s32 $0x0;
	s11 =	simm.s32 $0x2800  }
0x3: {  	s12 =	simm.s32 $0x5000;
	s13 =	simm.s32 $0xA000;
	s3 =	sand.u32 $0x1, s0  }
0x4: {  	s14 =	simm.s32 $0xC780;
	s15 =	simm.s32 $0x7800;
	s4 =	sshll.u32 s3, $0x4  }
0x5: {  	s16 =	simm.s32 $0x0;
	s0 =	rddreg [dreg:$0x1];
	s4 =	sor.u32 s1, s4  }
0x6: {  	[smem:$0x7FF] =	sst s2;
	s7 =	ssub.s32 $0x2, s3;
	s6 =	smul.u32 $0x500, s4  }
0x7: {  	_ =	strace $0x80000047;
	s3 =	sadd.s32 $0x15E00, s5;
	s8 =	sshrl.u32 s7, $0x1  }
0x8: {  	s4 =	sadd.s32 $0x15800, s5;
	s10 =	ssub.s32 s7, s8;
	s9 =	sadd.s32 s6, s5  }
0x9: {  	s5 =	sadd.s32 $0xB800, s9;
	s6 =	sadd.s32 $0x1800, s9;
	s7 =	sadd.s32 $0x16400, s9  }
0xa: {  	s8 =	sadd.s32 $0x20400, s9;
	s9 =	smax.u32 s10, $0x1;
	s10 =	simm.s32 $0x1  }
.LBB2_1:
0xb: {  	[tilespmem:s2], [sflag:$0x1] =	stream.linear.gather [hbm4b:s5+s2], $0x2800, $0x38;
	[tilespmem:$0xEF00] =	vst v63  }
0xc: {  	_ =	swait.ge [sflag:s10], $0x2800  }
0xd: {  	[sflag:s10] =	ssyncset.done $0x0  }
0xe: {  	[sflag:s10] =	ssyncadd.s32 $0xFFFFD800  }
0xf: {  	[tilespmem:s11], [sflag:$0x1] =	stream.linear.gather [hbm4b:s6+s2], $0x2800, $0x38;
	[tilespmem:$0xEF00] =	vst v63  }
0x10: {  	_ =	swait.ge [sflag:s10], $0x2800  }
0x11: {  	[sflag:s10] =	ssyncset.done $0x0  }
0x12: {  	[sflag:s10] =	ssyncadd.s32 $0xFFFFD800  }
0x13: {  	[tilespmem:s12], [sflag:$0x1] =	stream.linear.gather [hbm4b:s7+s2], $0x2800, $0x38;
	[tilespmem:$0xEF00] =	vst v63  }
0x14: {  	_ =	swait.ge [sflag:s10], $0x2800  }
0x15: {  	[sflag:s10] =	ssyncset.done $0x0  }
0x16: {  	[sflag:s10] =	ssyncadd.s32 $0xFFFFD800  }
0x17: {  	[tilespmem:s13], [sflag:$0x1] =	stream.linear.gather [hbm4b:s3+s2], $0x2780, $0x38;
	[tilespmem:$0xEF00] =	vst v63  }
0x18: {  	_ =	swait.ge [sflag:s10], $0x2780  }
0x19: {  	[sflag:s10] =	ssyncset.done $0x0  }
0x1a: {  	[sflag:s10] =	ssyncadd.s32 $0xFFFFD880  }
0x1b: {  	[tilespmem:s14], [sflag:$0x1] =	stream.linear.gather [hbm4b:s4+s2], $0x2780, $0x38;
	[tilespmem:$0xEF00] =	vst v63  }
0x1c: {  	_ =	swait.ge [sflag:s10], $0x2780  }
0x1d: {  	[sflag:s10] =	ssyncset.done $0x0  }
0x1e: {  	s17 =	simm.s32 $0x0;
	[sflag:s10] =	ssyncadd.s32 $0xFFFFD880  }
0x1f: {  	v0 =	vld [tilespmem:s17+$0x2800]  }
0x20: {  	v1 =	vld [tilespmem:s17+$0x0];
	_ =	sdelay $0x6  }
0x21: {  	v0 =	vld.idx.msk [tilespmem:v0+s14+$0x0], $0xffff  }
0x22: {  	v1 =	vld.idx.msk [tilespmem:v1+s13+$0x0], $0xffff;
	_ =	sdelay $0x4  }
0x23: {  	v0 =	vadd.f32 v0, v1;
	_ =	sdelay $0x1  }
0x24: {  	v1 =	vmul.f32 $2.000000030e-01, v0  }
0x25: {  	vm0 =	vge.f32 v0, $0.0e+00  }
0x26: {  	v0 =	vsel vm0, v0, v1  }
0x27: {  	v0 =	vsub.f32 $0.0e+00, v0;
	_ =	sdelay $0x1  }
0x28: {  	v0 =	vmul.f32 $1.442695020e+00, v0;
	_ =	sdelay $0x1  }
0x29: {  	(erf) = vpow2.f32 v0;
	_ =	sdelay $0x8  }
0x2a: {  	v0 =	vpop (erf)  }
0x2b: {  	v0 =	vadd.f32 $1.000000000e+00, v0;
	_ =	sdelay $0x1  }
0x2c: {  	(erf) = vrcp.f32 v0;
	_ =	sdelay $0x3  }
0x2d: {  	s19 =	simm.s32 $0x10;
	v1 =	vld [tilespmem:s17+$0x5000]  }
0x2e: {  	s18 =	simm.s32 $0x80;
	v0 =	vld [tilespmem:s19+$0x2800]  }
.LBB2_2:
0x2f: {  	p0 =	sne.s32 s18, $0x9FC0;
	v2 =	vld [tilespmem:s19+$0x0];
	_ =	sdelay $0x2  }
0x30: {  	v3 =	vpop (erf)  }
0x31: {  	v1 =	vmul.f32 v3, v1;
	_ =	sdelay $0x1  }
0x32: {  	[tilespmem:s17+$0x7800] =	vst v1;
	s17 =	smov.u32 s19  }
0x33: {  	v0 =	vld.idx.msk [tilespmem:v0+s14+$0x0], $0xffff  }
0x34: {  	v1 =	vld.idx.msk [tilespmem:v2+s13+$0x0], $0xffff;
	_ =	sdelay $0x5  }
0x35: {  	v0 =	vadd.f32 v0, v1;
	_ =	sdelay $0x1  }
0x36: {  	v1 =	vmul.f32 $2.000000030e-01, v0  }
0x37: {  	vm0 =	vge.f32 v0, $0.0e+00  }
0x38: {  	v0 =	vsel vm0, v0, v1  }
0x39: {  	v0 =	vsub.f32 $0.0e+00, v0;
	_ =	sdelay $0x1  }
0x3a: {  	v0 =	vmul.f32 $1.442695020e+00, v0;
	_ =	sdelay $0x1  }
0x3b: {  	(erf) = vpow2.f32 v0;
	_ =	sdelay $0x8  }
0x3c: {  	v0 =	vpop (erf)  }
0x3d: {  	v0 =	vadd.f32 $1.000000000e+00, v0;
	_ =	sdelay $0x1  }
0x3e: {  	(erf) = vrcp.f32 v0  }
.Ltmp0:
0x3f: {  	(pc) =	sbr.rel @p0 .LBB2_2-.Ltmp0, $3  }
0x40: {  	_ =	sdelay $0x1  }
0x41: {  	s19 =	sshra.s32 s18, $0x2;
	v1 =	vld [tilespmem:s17+$0x5000]  }
0x42: {  	s18 =	sadd.s32 $0x40, s18;
	v0 =	vld [tilespmem:s19+$0x2800]  }
0x43: {  	_ = 	snop  }
0x44: {  	v2 =	vld [tilespmem:s19+$0x0];
	_ =	sdelay $0x2  }
0x45: {  	v3 =	vpop (erf)  }
0x46: {  	v1 =	vmul.f32 v3, v1;
	_ =	sdelay $0x1  }
0x47: {  	[tilespmem:s17+$0x7800] =	vst v1  }
0x48: {  	v0 =	vld.idx.msk [tilespmem:v0+s14+$0x0], $0xffff  }
0x49: {  	v1 =	vld.idx.msk [tilespmem:v2+s13+$0x0], $0xffff;
	_ =	sdelay $0x4  }
0x4a: {  	v0 =	vadd.f32 v0, v1;
	_ =	sdelay $0x1  }
0x4b: {  	v1 =	vmul.f32 $2.000000030e-01, v0  }
0x4c: {  	vm0 =	vge.f32 v0, $0.0e+00  }
0x4d: {  	v0 =	vsel vm0, v0, v1  }
0x4e: {  	v0 =	vsub.f32 $0.0e+00, v0;
	_ =	sdelay $0x1  }
0x4f: {  	v0 =	vmul.f32 $1.442695020e+00, v0;
	_ =	sdelay $0x1  }
0x50: {  	(erf) = vpow2.f32 v0;
	_ =	sdelay $0x8  }
0x51: {  	v0 =	vpop (erf)  }
0x52: {  	v0 =	vadd.f32 $1.000000000e+00, v0;
	_ =	sdelay $0x1  }
0x53: {  	(erf) = vrcp.f32 v0;
	_ =	sdelay $0x4  }
0x54: {  	v62 =	vld [tilespmem:s19+$0x5000];
	_ =	sdelay $0x3  }
0x55: {  	v63 =	vpop (erf)  }
0x56: {  	s16 =	sadd.s32 $0x1, s16;
	v0 =	vmul.f32 v63, v62  }
0x57: {  	p0 =	sne.s32 s16, s9  }
.Ltmp1:
0x58: {  	[tilespmem:s19+$0x7800] =	vst v0;
	(pc) =	sbr.rel @p0 .LBB2_1-.Ltmp1, $4  }
0x59: {  	[hbm4b:s8+s2] =	stream.linear.scatter [tilespmem:s15], [sflag:$0x1], $0x2800, $0x38;
	[tilespmem:$0xEF00] =	vst v63  }
0x5a: {  	_ =	swait.ge [sflag:s10], $0x2800  }
0x5b: {  	[sflag:s10] =	ssyncset.done $0x0  }
0x5c: {  	[sflag:s10] =	ssyncadd.s32 $0xFFFFD800  }
0x5d: {  	_ =	sfence.sel $0x180000  }
0x5e: {  	[bflag:$0x0] =	sbarrier.arrive $0xFFFF  }
0x5f: {  	p0 =	sne.s32 s1, $0x0;
	_ =	strace $0x90000047  }
0x60: {  	s0 =	sadd.s32 @!p0 $0x100000, s0;
	[bflag:$0x2] =	sbarrier.arrive $0xFFFF  }
0x61: {  	[sflag:s0] =	ssyncadd.tile.s32 @!p0 $0x1;
	_ =	shalt  }
.Lfunc_end2:
_tile_overlayer_lowered:
.L_overlay_start_2:
0x62: {  	(tag) =	ssettag $0x2  }
0x63: {  	s0 =	rddreg [dreg:$0x0];
	s2 =	stileid.u32  }
0x64: {  	s1 =	rddreg [dreg:$0x1];
	p0 =	sne.s32 s2, $0x0  }
0x65: {  	s3 =	rddreg [dreg:$0x2];
	[bflag:$0x3] =	sbarrier.arrive $0xFFFF;
	s2 =	simm.s32 @!p0 $0x1C01  }
0x66: {  	[timem:s3], [sflag:s2] =	dma.local @!p0 [hbm:s0], s1  }
0x67: {  	s0 =	simm.s32 @!p0 $0x1  }
0x68: {  	_ =	swait.ge @!p0 [sflag:s0], s1  }
0x69: {  	s1 =	ssub.s32 @!p0 $0x0, s1;
	[sflag:s0] =	ssyncset.done @!p0 $0x0  }
0x6a: {  	[sflag:s0] =	ssyncadd.s32 @!p0 s1  }
0x6b: {  	[bflag:$0x3] =	sbarrier.arrive $0xFFFF  }
0x6c: {  	_ =	shalt  }

</sc_bundles>
